<compile_context>
chip_gen: v7x
topology: tpu7x:2x2x1
jax: 0.10.2.dev20260603
libtpu: 0.0.44.dev20260713+nightly
codegen_flags: <defaults>
</compile_context>

<pallas_src>
import functools

import jax
import jax.numpy as jnp
from jax import lax
from jax.experimental import pallas as pl
from jax.experimental.pallas import tpu as pltpu
from jax.experimental.pallas import tpu_sc as plsc

VOCAB = 1000000
EMB = 64
B = 16384
L = 20

NC = 2
NS = 16
NW = NC * NS
BW = B // NW
C = 32
NCH = BW // C
PAIRS = C * L
IDXW = 128
VROWS = BW // IDXW
UROWS = PAIRS // IDXW
ECH = EMB // 16

_mesh = plsc.VectorSubcoreMesh(core_axis_name="c", subcore_axis_name="s")


@functools.partial(
    pl.kernel,
    mesh=_mesh,
    out_type=jax.ShapeDtypeStruct((B * L,), jnp.float32),
    scratch_types=[
        pltpu.VMEM((VROWS, IDXW), jnp.int32),
        pltpu.VMEM((UROWS, IDXW), jnp.int32),
        pltpu.VMEM((BW, EMB), jnp.float32),
        pltpu.VMEM((PAIRS, EMB), jnp.float32),
        pltpu.VMEM((BW * L,), jnp.float32),
        pltpu.VMEM((80 * 16,), jnp.float32),
        pltpu.SemaphoreType.DMA,
    ],
    compiler_params=pltpu.CompilerParams(
        needs_layout_passes=False, use_tc_tiling_on_sc=False),
)
def _sc_kernel(cidx_hbm, uidx_hbm, v_hbm, u_hbm, out_hbm,
               vi_v, ui_v, v_rows, u_rows, out_v, psum, sem):
    wid = lax.axis_index("s") * NC + lax.axis_index("c")

    for j in range(VROWS):
        pltpu.sync_copy(cidx_hbm.at[pl.ds(wid * BW + j * IDXW, IDXW)],
                        vi_v.at[j])
    vcps = [
        pltpu.async_copy(v_hbm.at[vi_v.at[j]],
                         v_rows.at[pl.ds(j * IDXW, IDXW)], sem)
        for j in range(VROWS)
    ]
    for cp in vcps:
        cp.wait()

    def chunk_body(ch, carry):
        base = (wid * NCH + ch) * PAIRS
        for j in range(UROWS):
            pltpu.sync_copy(uidx_hbm.at[pl.ds(base + j * IDXW, IDXW)],
                            ui_v.at[j])
        ucps = [
            pltpu.async_copy(u_hbm.at[ui_v.at[j]],
                             u_rows.at[pl.ds(j * IDXW, IDXW)], sem)
            for j in range(UROWS)
        ]
        for cp in ucps:
            cp.wait()

        lane = lax.iota(jnp.int32, 16)

        def group_body(g, carry2):
            for bb in range(4):
                cb = ch * C + g * 4 + bb
                vv = [v_rows[cb, pl.ds(e * 16, 16)] for e in range(ECH)]
                for l in range(L):
                    pf = bb * L + l
                    p = g * 80 + pf
                    acc = u_rows[p, pl.ds(0, 16)] * vv[0]
                    for e in range(1, ECH):
                        acc = acc + u_rows[p, pl.ds(e * 16, 16)] * vv[e]
                    psum[pl.ds(pf * 16, 16)] = acc
            out_base = ch * PAIRS + g * 80
            for gg in range(5):
                rows = (lane + gg * 16) * 16
                r = plsc.load_gather(psum, [rows])
                for j in range(1, 16):
                    r = r + plsc.load_gather(psum, [rows + j])
                out_v[pl.ds(out_base + gg * 16, 16)] = r
            return carry2

        lax.fori_loop(0, C // 4, group_body, 0)
        return carry

    lax.fori_loop(0, NCH, chunk_body, 0)
    pltpu.sync_copy(out_v, out_hbm.at[pl.ds(wid * BW * L, BW * L)])


def kernel(center, contexts_and_negatives, embed_v, embed_u):
    cidx = center.reshape(B)
    uidx = contexts_and_negatives.reshape(B * L)
    out = _sc_kernel(cidx, uidx, embed_v, embed_u)
    return out.reshape(B, 1, L)

# --- scband reference (transcript-rebuilt; emitter-appended) ---
"""Pipeline reference for scband-skip-gram-81681688035943 (READ-ONLY COPY).

The authoritative reference and input builder live on the scoring server;
editing this copy changes nothing except your own understanding.
"""

import jax, jax.numpy as jnp
import numpy as np

VOCAB = 1000000
EMB = 64
B = 16384
L = 20

def setup_inputs(seed: int = 0) -> dict:
    key = jax.random.key(seed)
    k1, k2, k3, k4 = jax.random.split(key, 4)
    center = jax.random.randint(k1, (B, 1), 0, VOCAB, dtype=jnp.int64 if jax.config.read('jax_enable_x64') else jnp.int32).astype(jnp.int32)
    contexts_and_negatives = jax.random.randint(k2, (B, L), 0, VOCAB).astype(jnp.int32)
    embed_v = jax.random.normal(k3, (VOCAB, EMB), dtype=jnp.float32)
    embed_u = jax.random.normal(k4, (VOCAB, EMB), dtype=jnp.float32)
    return {"center": center, "contexts_and_negatives": contexts_and_negatives, "embed_v": embed_v, "embed_u": embed_u}

def reference(center, contexts_and_negatives, embed_v, embed_u):
    # v: [B, 1, EMB] gather from center-word table
    v = jnp.take(embed_v, center, axis=0)
    # u: [B, L, EMB] gather from context-word table
    u = jnp.take(embed_u, contexts_and_negatives, axis=0)
    # pred = bmm(v, u^T): [B, 1, L]
    pred = jnp.einsum('bik,bjk->bij', v, u)
    return pred

if __name__ == "__main__":
    import jax
    _d = setup_inputs()
    print(jax.jit(kernel)(*tuple(_d.values())))

</pallas_src>

<mosaic_0001>
#map = affine_map<(d0, d1) -> (0)>
#map1 = affine_map<(d0, d1) -> (0, 0)>
module attributes {stable_mosaic.version = 14 : i64} {
  func.func @_sc_kernel(%arg0: i32, %arg1: i32, %arg2: memref<16384xi32, #tpu.memory_space<hbm>>, %arg3: memref<327680xi32, #tpu.memory_space<hbm>>, %arg4: memref<1000000x64xf32, #tpu.memory_space<hbm>>, %arg5: memref<1000000x64xf32, #tpu.memory_space<hbm>>, %arg6: memref<327680xf32, #tpu.memory_space<hbm>>, %arg7: memref<4x128xi32, #tpu.memory_space<vmem>>, %arg8: memref<5x128xi32, #tpu.memory_space<vmem>>, %arg9: memref<512x64xf32, #tpu.memory_space<vmem>>, %arg10: memref<640x64xf32, #tpu.memory_space<vmem>>, %arg11: memref<10240xf32, #tpu.memory_space<vmem>>, %arg12: memref<1280xf32, #tpu.memory_space<vmem>>, %arg13: memref<!tpu.dma_semaphore, #tpu.memory_space<semaphore_mem>>) attributes {dimension_semantics = [#tpu.dimension_semantics<core_parallel>, #tpu.dimension_semantics<subcore_parallel>], iteration_bounds = array<i64: 2, 16>, scalar_prefetch = 0 : i64, scratch_operands = 7 : i64, tpu.core_type = #tpu.core_type<sc_vector_subcore>, window_params = [{transform_indices = #map}, {transform_indices = #map}, {transform_indices = #map1}, {transform_indices = #map1}, {transform_indices = #map}]} {
    %mul3A = arith.constant 2 : i32
    %mul3A_0 = arith.muli %arg1, %mul3A : i32
    %add3A = arith.addi %mul3A_0, %arg0 : i32
    %mul3A_1 = arith.constant 512 : i32
    %mul3A_2 = arith.muli %add3A, %mul3A_1 : i32
    %add3A_3 = arith.constant 0 : i32
    %add3A_4 = arith.addi %mul3A_2, %add3A_3 : i32
    %run_scoped3A = arith.constant 0 : i32
    "tpu.region"() ({
      %run_scoped3A_107 = tpu.sem_alloc : memref<!tpu.dma_semaphore, #tpu.memory_space<semaphore_mem>>
      %dma_start3A_108 = arith.constant 0 : i32
      %dma_start3A_109 = tpu.memref_slice %arg7[%run_scoped3A, %dma_start3A_108] : memref<4x128xi32, #tpu.memory_space<vmem>> -> memref<1x128xi32, #tpu.memory_space<vmem>>
      %dma_start3A_110 = tpu.memref_squeeze %dma_start3A_109 : memref<1x128xi32, #tpu.memory_space<vmem>> -> memref<128xi32, #tpu.memory_space<vmem>>
      %dma_start3A_111 = tpu.memref_slice %arg2[%add3A_4] : memref<16384xi32, #tpu.memory_space<hbm>> -> memref<128xi32, #tpu.memory_space<hbm>>
      %dma_start3A_112 = arith.constant 0 : i32
      %dma_start3A_113 = tpu.memref_slice %arg7[%run_scoped3A, %dma_start3A_112] : memref<4x128xi32, #tpu.memory_space<vmem>> -> memref<1x128xi32, #tpu.memory_space<vmem>>
      %dma_start3A_114 = tpu.memref_squeeze %dma_start3A_113 : memref<1x128xi32, #tpu.memory_space<vmem>> -> memref<128xi32, #tpu.memory_space<vmem>>
      %dma_start3A_115 = tpu.memref_slice %arg2[%add3A_4] : memref<16384xi32, #tpu.memory_space<hbm>> -> memref<128xi32, #tpu.memory_space<hbm>>
      tpu.enqueue_dma source(%dma_start3A_115 : memref<128xi32, #tpu.memory_space<hbm>>) target(%dma_start3A_114 : memref<128xi32, #tpu.memory_space<vmem>>) target_semaphore(%run_scoped3A_107 : memref<!tpu.dma_semaphore, #tpu.memory_space<semaphore_mem>>)
      %dma_wait3A_116 = arith.constant 0 : i32
      %dma_wait3A_117 = tpu.memref_slice %arg7[%run_scoped3A, %dma_wait3A_116] : memref<4x128xi32, #tpu.memory_space<vmem>> -> memref<1x128xi32, #tpu.memory_space<vmem>>
      %dma_wait3A_118 = tpu.memref_squeeze %dma_wait3A_117 : memref<1x128xi32, #tpu.memory_space<vmem>> -> memref<128xi32, #tpu.memory_space<vmem>>
      %dma_wait3A_119 = tpu.memref_slice %arg2[%add3A_4] : memref<16384xi32, #tpu.memory_space<hbm>> -> memref<128xi32, #tpu.memory_space<hbm>>
      %dma_wait3A_120 = arith.constant 0 : i32
      %dma_wait3A_121 = tpu.memref_slice %arg7[%run_scoped3A, %dma_wait3A_120] : memref<4x128xi32, #tpu.memory_space<vmem>> -> memref<1x128xi32, #tpu.memory_space<vmem>>
      %dma_wait3A_122 = tpu.memref_squeeze %dma_wait3A_121 : memref<1x128xi32, #tpu.memory_space<vmem>> -> memref<128xi32, #tpu.memory_space<vmem>>
      %dma_wait3A_123 = tpu.memref_slice %arg2[%add3A_4] : memref<16384xi32, #tpu.memory_space<hbm>> -> memref<128xi32, #tpu.memory_space<hbm>>
      tpu.wait_dma2 semaphore(%run_scoped3A_107 : memref<!tpu.dma_semaphore, #tpu.memory_space<semaphore_mem>>) src(%dma_wait3A_123 : memref<128xi32, #tpu.memory_space<hbm>>) dst(%dma_wait3A_122 : memref<128xi32, #tpu.memory_space<vmem>>)
      tpu.yield
    }) : () -> ()
    %mul3A_5 = arith.constant 512 : i32
    %mul3A_6 = arith.muli %add3A, %mul3A_5 : i32
    %add3A_7 = arith.constant 128 : i32
    %add3A_8 = arith.addi %mul3A_6, %add3A_7 : i32
    %run_scoped3A_9 = arith.constant 1 : i32
    "tpu.region"() ({
      %run_scoped3A_107 = tpu.sem_alloc : memref<!tpu.dma_semaphore, #tpu.memory_space<semaphore_mem>>
      %dma_start3A_108 = arith.constant 0 : i32
      %dma_start3A_109 = tpu.memref_slice %arg7[%run_scoped3A_9, %dma_start3A_108] : memref<4x128xi32, #tpu.memory_space<vmem>> -> memref<1x128xi32, #tpu.memory_space<vmem>>
      %dma_start3A_110 = tpu.memref_squeeze %dma_start3A_109 : memref<1x128xi32, #tpu.memory_space<vmem>> -> memref<128xi32, #tpu.memory_space<vmem>>
      %dma_start3A_111 = tpu.memref_slice %arg2[%add3A_8] : memref<16384xi32, #tpu.memory_space<hbm>> -> memref<128xi32, #tpu.memory_space<hbm>>
      %dma_start3A_112 = arith.constant 0 : i32
      %dma_start3A_113 = tpu.memref_slice %arg7[%run_scoped3A_9, %dma_start3A_112] : memref<4x128xi32, #tpu.memory_space<vmem>> -> memref<1x128xi32, #tpu.memory_space<vmem>>
      %dma_start3A_114 = tpu.memref_squeeze %dma_start3A_113 : memref<1x128xi32, #tpu.memory_space<vmem>> -> memref<128xi32, #tpu.memory_space<vmem>>
      %dma_start3A_115 = tpu.memref_slice %arg2[%add3A_8] : memref<16384xi32, #tpu.memory_space<hbm>> -> memref<128xi32, #tpu.memory_space<hbm>>
      tpu.enqueue_dma source(%dma_start3A_115 : memref<128xi32, #tpu.memory_space<hbm>>) target(%dma_start3A_114 : memref<128xi32, #tpu.memory_space<vmem>>) target_semaphore(%run_scoped3A_107 : memref<!tpu.dma_semaphore, #tpu.memory_space<semaphore_mem>>)
      %dma_wait3A_116 = arith.constant 0 : i32
      %dma_wait3A_117 = tpu.memref_slice %arg7[%run_scoped3A_9, %dma_wait3A_116] : memref<4x128xi32, #tpu.memory_space<vmem>> -> memref<1x128xi32, #tpu.memory_space<vmem>>
      %dma_wait3A_118 = tpu.memref_squeeze %dma_wait3A_117 : memref<1x128xi32, #tpu.memory_space<vmem>> -> memref<128xi32, #tpu.memory_space<vmem>>
      %dma_wait3A_119 = tpu.memref_slice %arg2[%add3A_8] : memref<16384xi32, #tpu.memory_space<hbm>> -> memref<128xi32, #tpu.memory_space<hbm>>
      %dma_wait3A_120 = arith.constant 0 : i32
      %dma_wait3A_121 = tpu.memref_slice %arg7[%run_scoped3A_9, %dma_wait3A_120] : memref<4x128xi32, #tpu.memory_space<vmem>> -> memref<1x128xi32, #tpu.memory_space<vmem>>
      %dma_wait3A_122 = tpu.memref_squeeze %dma_wait3A_121 : memref<1x128xi32, #tpu.memory_space<vmem>> -> memref<128xi32, #tpu.memory_space<vmem>>
      %dma_wait3A_123 = tpu.memref_slice %arg2[%add3A_8] : memref<16384xi32, #tpu.memory_space<hbm>> -> memref<128xi32, #tpu.memory_space<hbm>>
      tpu.wait_dma2 semaphore(%run_scoped3A_107 : memref<!tpu.dma_semaphore, #tpu.memory_space<semaphore_mem>>) src(%dma_wait3A_123 : memref<128xi32, #tpu.memory_space<hbm>>) dst(%dma_wait3A_122 : memref<128xi32, #tpu.memory_space<vmem>>)
      tpu.yield
    }) : () -> ()
    %mul3A_10 = arith.constant 512 : i32
    %mul3A_11 = arith.muli %add3A, %mul3A_10 : i32
    %add3A_12 = arith.constant 256 : i32
    %add3A_13 = arith.addi %mul3A_11, %add3A_12 : i32
    %run_scoped3A_14 = arith.constant 2 : i32
    "tpu.region"() ({
      %run_scoped3A_107 = tpu.sem_alloc : memref<!tpu.dma_semaphore, #tpu.memory_space<semaphore_mem>>
      %dma_start3A_108 = arith.constant 0 : i32
      %dma_start3A_109 = tpu.memref_slice %arg7[%run_scoped3A_14, %dma_start3A_108] : memref<4x128xi32, #tpu.memory_space<vmem>> -> memref<1x128xi32, #tpu.memory_space<vmem>>
      %dma_start3A_110 = tpu.memref_squeeze %dma_start3A_109 : memref<1x128xi32, #tpu.memory_space<vmem>> -> memref<128xi32, #tpu.memory_space<vmem>>
      %dma_start3A_111 = tpu.memref_slice %arg2[%add3A_13] : memref<16384xi32, #tpu.memory_space<hbm>> -> memref<128xi32, #tpu.memory_space<hbm>>
      %dma_start3A_112 = arith.constant 0 : i32
      %dma_start3A_113 = tpu.memref_slice %arg7[%run_scoped3A_14, %dma_start3A_112] : memref<4x128xi32, #tpu.memory_space<vmem>> -> memref<1x128xi32, #tpu.memory_space<vmem>>
      %dma_start3A_114 = tpu.memref_squeeze %dma_start3A_113 : memref<1x128xi32, #tpu.memory_space<vmem>> -> memref<128xi32, #tpu.memory_space<vmem>>
      %dma_start3A_115 = tpu.memref_slice %arg2[%add3A_13] : memref<16384xi32, #tpu.memory_space<hbm>> -> memref<128xi32, #tpu.memory_space<hbm>>
      tpu.enqueue_dma source(%dma_start3A_115 : memref<128xi32, #tpu.memory_space<hbm>>) target(%dma_start3A_114 : memref<128xi32, #tpu.memory_space<vmem>>) target_semaphore(%run_scoped3A_107 : memref<!tpu.dma_semaphore, #tpu.memory_space<semaphore_mem>>)
      %dma_wait3A_116 = arith.constant 0 : i32
      %dma_wait3A_117 = tpu.memref_slice %arg7[%run_scoped3A_14, %dma_wait3A_116] : memref<4x128xi32, #tpu.memory_space<vmem>> -> memref<1x128xi32, #tpu.memory_space<vmem>>
      %dma_wait3A_118 = tpu.memref_squeeze %dma_wait3A_117 : memref<1x128xi32, #tpu.memory_space<vmem>> -> memref<128xi32, #tpu.memory_space<vmem>>
      %dma_wait3A_119 = tpu.memref_slice %arg2[%add3A_13] : memref<16384xi32, #tpu.memory_space<hbm>> -> memref<128xi32, #tpu.memory_space<hbm>>
      %dma_wait3A_120 = arith.constant 0 : i32
      %dma_wait3A_121 = tpu.memref_slice %arg7[%run_scoped3A_14, %dma_wait3A_120] : memref<4x128xi32, #tpu.memory_space<vmem>> -> memref<1x128xi32, #tpu.memory_space<vmem>>
      %dma_wait3A_122 = tpu.memref_squeeze %dma_wait3A_121 : memref<1x128xi32, #tpu.memory_space<vmem>> -> memref<128xi32, #tpu.memory_space<vmem>>
      %dma_wait3A_123 = tpu.memref_slice %arg2[%add3A_13] : memref<16384xi32, #tpu.memory_space<hbm>> -> memref<128xi32, #tpu.memory_space<hbm>>
      tpu.wait_dma2 semaphore(%run_scoped3A_107 : memref<!tpu.dma_semaphore, #tpu.memory_space<semaphore_mem>>) src(%dma_wait3A_123 : memref<128xi32, #tpu.memory_space<hbm>>) dst(%dma_wait3A_122 : memref<128xi32, #tpu.memory_space<vmem>>)
      tpu.yield
    }) : () -> ()
    %mul3A_15 = arith.constant 512 : i32
    %mul3A_16 = arith.muli %add3A, %mul3A_15 : i32
    %add3A_17 = arith.constant 384 : i32
    %add3A_18 = arith.addi %mul3A_16, %add3A_17 : i32
    %run_scoped3A_19 = arith.constant 3 : i32
    "tpu.region"() ({
      %run_scoped3A_107 = tpu.sem_alloc : memref<!tpu.dma_semaphore, #tpu.memory_space<semaphore_mem>>
      %dma_start3A_108 = arith.constant 0 : i32
      %dma_start3A_109 = tpu.memref_slice %arg7[%run_scoped3A_19, %dma_start3A_108] : memref<4x128xi32, #tpu.memory_space<vmem>> -> memref<1x128xi32, #tpu.memory_space<vmem>>
      %dma_start3A_110 = tpu.memref_squeeze %dma_start3A_109 : memref<1x128xi32, #tpu.memory_space<vmem>> -> memref<128xi32, #tpu.memory_space<vmem>>
      %dma_start3A_111 = tpu.memref_slice %arg2[%add3A_18] : memref<16384xi32, #tpu.memory_space<hbm>> -> memref<128xi32, #tpu.memory_space<hbm>>
      %dma_start3A_112 = arith.constant 0 : i32
      %dma_start3A_113 = tpu.memref_slice %arg7[%run_scoped3A_19, %dma_start3A_112] : memref<4x128xi32, #tpu.memory_space<vmem>> -> memref<1x128xi32, #tpu.memory_space<vmem>>
      %dma_start3A_114 = tpu.memref_squeeze %dma_start3A_113 : memref<1x128xi32, #tpu.memory_space<vmem>> -> memref<128xi32, #tpu.memory_space<vmem>>
      %dma_start3A_115 = tpu.memref_slice %arg2[%add3A_18] : memref<16384xi32, #tpu.memory_space<hbm>> -> memref<128xi32, #tpu.memory_space<hbm>>
      tpu.enqueue_dma source(%dma_start3A_115 : memref<128xi32, #tpu.memory_space<hbm>>) target(%dma_start3A_114 : memref<128xi32, #tpu.memory_space<vmem>>) target_semaphore(%run_scoped3A_107 : memref<!tpu.dma_semaphore, #tpu.memory_space<semaphore_mem>>)
      %dma_wait3A_116 = arith.constant 0 : i32
      %dma_wait3A_117 = tpu.memref_slice %arg7[%run_scoped3A_19, %dma_wait3A_116] : memref<4x128xi32, #tpu.memory_space<vmem>> -> memref<1x128xi32, #tpu.memory_space<vmem>>
      %dma_wait3A_118 = tpu.memref_squeeze %dma_wait3A_117 : memref<1x128xi32, #tpu.memory_space<vmem>> -> memref<128xi32, #tpu.memory_space<vmem>>
      %dma_wait3A_119 = tpu.memref_slice %arg2[%add3A_18] : memref<16384xi32, #tpu.memory_space<hbm>> -> memref<128xi32, #tpu.memory_space<hbm>>
      %dma_wait3A_120 = arith.constant 0 : i32
      %dma_wait3A_121 = tpu.memref_slice %arg7[%run_scoped3A_19, %dma_wait3A_120] : memref<4x128xi32, #tpu.memory_space<vmem>> -> memref<1x128xi32, #tpu.memory_space<vmem>>
      %dma_wait3A_122 = tpu.memref_squeeze %dma_wait3A_121 : memref<1x128xi32, #tpu.memory_space<vmem>> -> memref<128xi32, #tpu.memory_space<vmem>>
      %dma_wait3A_123 = tpu.memref_slice %arg2[%add3A_18] : memref<16384xi32, #tpu.memory_space<hbm>> -> memref<128xi32, #tpu.memory_space<hbm>>
      tpu.wait_dma2 semaphore(%run_scoped3A_107 : memref<!tpu.dma_semaphore, #tpu.memory_space<semaphore_mem>>) src(%dma_wait3A_123 : memref<128xi32, #tpu.memory_space<hbm>>) dst(%dma_wait3A_122 : memref<128xi32, #tpu.memory_space<vmem>>)
      tpu.yield
    }) : () -> ()
    %dma_start3A = arith.constant 0 : i32
    %dma_start3A_20 = arith.constant 0 : i32
    %dma_start3A_21 = arith.constant 0 : i32
    %dma_start3A_22 = tpu.memref_slice %arg9[%dma_start3A_20, %dma_start3A_21] : memref<512x64xf32, #tpu.memory_space<vmem>> -> memref<128x64xf32, #tpu.memory_space<vmem>>
    %dma_start3A_23 = arith.constant 0 : i32
    %dma_start3A_24 = tpu.memref_slice %arg7[%dma_start3A, %dma_start3A_23] : memref<4x128xi32, #tpu.memory_space<vmem>> -> memref<1x128xi32, #tpu.memory_space<vmem>>
    %dma_start3A_25 = tpu.memref_squeeze %dma_start3A_24 : memref<1x128xi32, #tpu.memory_space<vmem>> -> memref<128xi32, #tpu.memory_space<vmem>>
    %dma_start3A_26 = arith.constant 0 : i32
    %dma_start3A_27 = arith.constant 0 : i32
    %dma_start3A_28 = tpu.memref_slice %arg4[%dma_start3A_26, %dma_start3A_27] : memref<1000000x64xf32, #tpu.memory_space<hbm>> -> memref<1000000x64xf32, #tpu.memory_space<hbm>>
    tpu.enqueue_indirect_dma source(%dma_start3A_28 : memref<1000000x64xf32, #tpu.memory_space<hbm>>) target(%dma_start3A_22 : memref<128x64xf32, #tpu.memory_space<vmem>>) offsets(%dma_start3A_25 : memref<128xi32, #tpu.memory_space<vmem>>) semaphore(%arg13 : memref<!tpu.dma_semaphore, #tpu.memory_space<semaphore_mem>>)
    %dma_start3A_29 = arith.constant 1 : i32
    %dma_start3A_30 = arith.constant 128 : i32
    %dma_start3A_31 = arith.constant 0 : i32
    %dma_start3A_32 = tpu.memref_slice %arg9[%dma_start3A_30, %dma_start3A_31] : memref<512x64xf32, #tpu.memory_space<vmem>> -> memref<128x64xf32, #tpu.memory_space<vmem>>
    %dma_start3A_33 = arith.constant 0 : i32
    %dma_start3A_34 = tpu.memref_slice %arg7[%dma_start3A_29, %dma_start3A_33] : memref<4x128xi32, #tpu.memory_space<vmem>> -> memref<1x128xi32, #tpu.memory_space<vmem>>
    %dma_start3A_35 = tpu.memref_squeeze %dma_start3A_34 : memref<1x128xi32, #tpu.memory_space<vmem>> -> memref<128xi32, #tpu.memory_space<vmem>>
    %dma_start3A_36 = arith.constant 0 : i32
    %dma_start3A_37 = arith.constant 0 : i32
    %dma_start3A_38 = tpu.memref_slice %arg4[%dma_start3A_36, %dma_start3A_37] : memref<1000000x64xf32, #tpu.memory_space<hbm>> -> memref<1000000x64xf32, #tpu.memory_space<hbm>>
    tpu.enqueue_indirect_dma source(%dma_start3A_38 : memref<1000000x64xf32, #tpu.memory_space<hbm>>) target(%dma_start3A_32 : memref<128x64xf32, #tpu.memory_space<vmem>>) offsets(%dma_start3A_35 : memref<128xi32, #tpu.memory_space<vmem>>) semaphore(%arg13 : memref<!tpu.dma_semaphore, #tpu.memory_space<semaphore_mem>>)
    %dma_start3A_39 = arith.constant 2 : i32
    %dma_start3A_40 = arith.constant 256 : i32
    %dma_start3A_41 = arith.constant 0 : i32
    %dma_start3A_42 = tpu.memref_slice %arg9[%dma_start3A_40, %dma_start3A_41] : memref<512x64xf32, #tpu.memory_space<vmem>> -> memref<128x64xf32, #tpu.memory_space<vmem>>
    %dma_start3A_43 = arith.constant 0 : i32
    %dma_start3A_44 = tpu.memref_slice %arg7[%dma_start3A_39, %dma_start3A_43] : memref<4x128xi32, #tpu.memory_space<vmem>> -> memref<1x128xi32, #tpu.memory_space<vmem>>
    %dma_start3A_45 = tpu.memref_squeeze %dma_start3A_44 : memref<1x128xi32, #tpu.memory_space<vmem>> -> memref<128xi32, #tpu.memory_space<vmem>>
    %dma_start3A_46 = arith.constant 0 : i32
    %dma_start3A_47 = arith.constant 0 : i32
    %dma_start3A_48 = tpu.memref_slice %arg4[%dma_start3A_46, %dma_start3A_47] : memref<1000000x64xf32, #tpu.memory_space<hbm>> -> memref<1000000x64xf32, #tpu.memory_space<hbm>>
    tpu.enqueue_indirect_dma source(%dma_start3A_48 : memref<1000000x64xf32, #tpu.memory_space<hbm>>) target(%dma_start3A_42 : memref<128x64xf32, #tpu.memory_space<vmem>>) offsets(%dma_start3A_45 : memref<128xi32, #tpu.memory_space<vmem>>) semaphore(%arg13 : memref<!tpu.dma_semaphore, #tpu.memory_space<semaphore_mem>>)
    %dma_start3A_49 = arith.constant 3 : i32
    %dma_start3A_50 = arith.constant 384 : i32
    %dma_start3A_51 = arith.constant 0 : i32
    %dma_start3A_52 = tpu.memref_slice %arg9[%dma_start3A_50, %dma_start3A_51] : memref<512x64xf32, #tpu.memory_space<vmem>> -> memref<128x64xf32, #tpu.memory_space<vmem>>
    %dma_start3A_53 = arith.constant 0 : i32
    %dma_start3A_54 = tpu.memref_slice %arg7[%dma_start3A_49, %dma_start3A_53] : memref<4x128xi32, #tpu.memory_space<vmem>> -> memref<1x128xi32, #tpu.memory_space<vmem>>
    %dma_start3A_55 = tpu.memref_squeeze %dma_start3A_54 : memref<1x128xi32, #tpu.memory_space<vmem>> -> memref<128xi32, #tpu.memory_space<vmem>>
    %dma_start3A_56 = arith.constant 0 : i32
    %dma_start3A_57 = arith.constant 0 : i32
    %dma_start3A_58 = tpu.memref_slice %arg4[%dma_start3A_56, %dma_start3A_57] : memref<1000000x64xf32, #tpu.memory_space<hbm>> -> memref<1000000x64xf32, #tpu.memory_space<hbm>>
    tpu.enqueue_indirect_dma source(%dma_start3A_58 : memref<1000000x64xf32, #tpu.memory_space<hbm>>) target(%dma_start3A_52 : memref<128x64xf32, #tpu.memory_space<vmem>>) offsets(%dma_start3A_55 : memref<128xi32, #tpu.memory_space<vmem>>) semaphore(%arg13 : memref<!tpu.dma_semaphore, #tpu.memory_space<semaphore_mem>>)
    %dma_wait3A = arith.constant 0 : i32
    %dma_wait3A_59 = arith.constant 0 : i32
    %dma_wait3A_60 = arith.constant 0 : i32
    %dma_wait3A_61 = tpu.memref_slice %arg9[%dma_wait3A_59, %dma_wait3A_60] : memref<512x64xf32, #tpu.memory_space<vmem>> -> memref<128x64xf32, #tpu.memory_space<vmem>>
    %dma_wait3A_62 = arith.constant 0 : i32
    %dma_wait3A_63 = tpu.memref_slice %arg7[%dma_wait3A, %dma_wait3A_62] : memref<4x128xi32, #tpu.memory_space<vmem>> -> memref<1x128xi32, #tpu.memory_space<vmem>>
    %dma_wait3A_64 = tpu.memref_squeeze %dma_wait3A_63 : memref<1x128xi32, #tpu.memory_space<vmem>> -> memref<128xi32, #tpu.memory_space<vmem>>
    %dma_wait3A_65 = arith.constant 0 : i32
    %dma_wait3A_66 = arith.constant 0 : i32
    %dma_wait3A_67 = tpu.memref_slice %arg4[%dma_wait3A_65, %dma_wait3A_66] : memref<1000000x64xf32, #tpu.memory_space<hbm>> -> memref<1000000x64xf32, #tpu.memory_space<hbm>>
    tpu.wait_indirect_dma semaphore(%arg13 : memref<!tpu.dma_semaphore, #tpu.memory_space<semaphore_mem>>) src(%dma_wait3A_67 : memref<1000000x64xf32, #tpu.memory_space<hbm>>) dst(%dma_wait3A_61 : memref<128x64xf32, #tpu.memory_space<vmem>>)
    %dma_wait3A_68 = arith.constant 1 : i32
    %dma_wait3A_69 = arith.constant 128 : i32
    %dma_wait3A_70 = arith.constant 0 : i32
    %dma_wait3A_71 = tpu.memref_slice %arg9[%dma_wait3A_69, %dma_wait3A_70] : memref<512x64xf32, #tpu.memory_space<vmem>> -> memref<128x64xf32, #tpu.memory_space<vmem>>
    %dma_wait3A_72 = arith.constant 0 : i32
    %dma_wait3A_73 = tpu.memref_slice %arg7[%dma_wait3A_68, %dma_wait3A_72] : memref<4x128xi32, #tpu.memory_space<vmem>> -> memref<1x128xi32, #tpu.memory_space<vmem>>
    %dma_wait3A_74 = tpu.memref_squeeze %dma_wait3A_73 : memref<1x128xi32, #tpu.memory_space<vmem>> -> memref<128xi32, #tpu.memory_space<vmem>>
    %dma_wait3A_75 = arith.constant 0 : i32
    %dma_wait3A_76 = arith.constant 0 : i32
    %dma_wait3A_77 = tpu.memref_slice %arg4[%dma_wait3A_75, %dma_wait3A_76] : memref<1000000x64xf32, #tpu.memory_space<hbm>> -> memref<1000000x64xf32, #tpu.memory_space<hbm>>
    tpu.wait_indirect_dma semaphore(%arg13 : memref<!tpu.dma_semaphore, #tpu.memory_space<semaphore_mem>>) src(%dma_wait3A_77 : memref<1000000x64xf32, #tpu.memory_space<hbm>>) dst(%dma_wait3A_71 : memref<128x64xf32, #tpu.memory_space<vmem>>)
    %dma_wait3A_78 = arith.constant 2 : i32
    %dma_wait3A_79 = arith.constant 256 : i32
    %dma_wait3A_80 = arith.constant 0 : i32
    %dma_wait3A_81 = tpu.memref_slice %arg9[%dma_wait3A_79, %dma_wait3A_80] : memref<512x64xf32, #tpu.memory_space<vmem>> -> memref<128x64xf32, #tpu.memory_space<vmem>>
    %dma_wait3A_82 = arith.constant 0 : i32
    %dma_wait3A_83 = tpu.memref_slice %arg7[%dma_wait3A_78, %dma_wait3A_82] : memref<4x128xi32, #tpu.memory_space<vmem>> -> memref<1x128xi32, #tpu.memory_space<vmem>>
    %dma_wait3A_84 = tpu.memref_squeeze %dma_wait3A_83 : memref<1x128xi32, #tpu.memory_space<vmem>> -> memref<128xi32, #tpu.memory_space<vmem>>
    %dma_wait3A_85 = arith.constant 0 : i32
    %dma_wait3A_86 = arith.constant 0 : i32
    %dma_wait3A_87 = tpu.memref_slice %arg4[%dma_wait3A_85, %dma_wait3A_86] : memref<1000000x64xf32, #tpu.memory_space<hbm>> -> memref<1000000x64xf32, #tpu.memory_space<hbm>>
    tpu.wait_indirect_dma semaphore(%arg13 : memref<!tpu.dma_semaphore, #tpu.memory_space<semaphore_mem>>) src(%dma_wait3A_87 : memref<1000000x64xf32, #tpu.memory_space<hbm>>) dst(%dma_wait3A_81 : memref<128x64xf32, #tpu.memory_space<vmem>>)
    %dma_wait3A_88 = arith.constant 3 : i32
    %dma_wait3A_89 = arith.constant 384 : i32
    %dma_wait3A_90 = arith.constant 0 : i32
    %dma_wait3A_91 = tpu.memref_slice %arg9[%dma_wait3A_89, %dma_wait3A_90] : memref<512x64xf32, #tpu.memory_space<vmem>> -> memref<128x64xf32, #tpu.memory_space<vmem>>
    %dma_wait3A_92 = arith.constant 0 : i32
    %dma_wait3A_93 = tpu.memref_slice %arg7[%dma_wait3A_88, %dma_wait3A_92] : memref<4x128xi32, #tpu.memory_space<vmem>> -> memref<1x128xi32, #tpu.memory_space<vmem>>
    %dma_wait3A_94 = tpu.memref_squeeze %dma_wait3A_93 : memref<1x128xi32, #tpu.memory_space<vmem>> -> memref<128xi32, #tpu.memory_space<vmem>>
    %dma_wait3A_95 = arith.constant 0 : i32
    %dma_wait3A_96 = arith.constant 0 : i32
    %dma_wait3A_97 = tpu.memref_slice %arg4[%dma_wait3A_95, %dma_wait3A_96] : memref<1000000x64xf32, #tpu.memory_space<hbm>> -> memref<1000000x64xf32, #tpu.memory_space<hbm>>
    tpu.wait_indirect_dma semaphore(%arg13 : memref<!tpu.dma_semaphore, #tpu.memory_space<semaphore_mem>>) src(%dma_wait3A_97 : memref<1000000x64xf32, #tpu.memory_space<hbm>>) dst(%dma_wait3A_91 : memref<128x64xf32, #tpu.memory_space<vmem>>)
    %scan3A = arith.constant 0 : i32
    %scan3A_98 = arith.constant 0 : i32
    %scan3A_99 = arith.constant 16 : i32
    %scan3A_100 = arith.addi %scan3A_98, %scan3A_99 : i32
    %scan3A_101 = arith.constant 1 : i32
    scf.for %scan3A_107 = %scan3A_98 to %scan3A_100 step %scan3A_101  : i32 {
      %mul3A_108 = arith.constant 16 : i32
      %mul3A_109 = arith.muli %add3A, %mul3A_108 : i32
      %add3A_110 = arith.addi %mul3A_109, %scan3A_107 : i32
      %mul3A_111 = arith.constant 640 : i32
      %mul3A_112 = arith.muli %add3A_110, %mul3A_111 : i32
      %add3A_113 = arith.constant 0 : i32
      %add3A_114 = arith.addi %mul3A_112, %add3A_113 : i32
      %run_scoped3A_115 = arith.constant 0 : i32
      "tpu.region"() ({
        %run_scoped3A_234 = tpu.sem_alloc : memref<!tpu.dma_semaphore, #tpu.memory_space<semaphore_mem>>
        %dma_start3A_235 = arith.constant 0 : i32
        %dma_start3A_236 = tpu.memref_slice %arg8[%run_scoped3A_115, %dma_start3A_235] : memref<5x128xi32, #tpu.memory_space<vmem>> -> memref<1x128xi32, #tpu.memory_space<vmem>>
        %dma_start3A_237 = tpu.memref_squeeze %dma_start3A_236 : memref<1x128xi32, #tpu.memory_space<vmem>> -> memref<128xi32, #tpu.memory_space<vmem>>
        %dma_start3A_238 = tpu.memref_slice %arg3[%add3A_114] : memref<327680xi32, #tpu.memory_space<hbm>> -> memref<128xi32, #tpu.memory_space<hbm>>
        %dma_start3A_239 = arith.constant 0 : i32
        %dma_start3A_240 = tpu.memref_slice %arg8[%run_scoped3A_115, %dma_start3A_239] : memref<5x128xi32, #tpu.memory_space<vmem>> -> memref<1x128xi32, #tpu.memory_space<vmem>>
        %dma_start3A_241 = tpu.memref_squeeze %dma_start3A_240 : memref<1x128xi32, #tpu.memory_space<vmem>> -> memref<128xi32, #tpu.memory_space<vmem>>
        %dma_start3A_242 = tpu.memref_slice %arg3[%add3A_114] : memref<327680xi32, #tpu.memory_space<hbm>> -> memref<128xi32, #tpu.memory_space<hbm>>
        tpu.enqueue_dma source(%dma_start3A_242 : memref<128xi32, #tpu.memory_space<hbm>>) target(%dma_start3A_241 : memref<128xi32, #tpu.memory_space<vmem>>) target_semaphore(%run_scoped3A_234 : memref<!tpu.dma_semaphore, #tpu.memory_space<semaphore_mem>>)
        %dma_wait3A_243 = arith.constant 0 : i32
        %dma_wait3A_244 = tpu.memref_slice %arg8[%run_scoped3A_115, %dma_wait3A_243] : memref<5x128xi32, #tpu.memory_space<vmem>> -> memref<1x128xi32, #tpu.memory_space<vmem>>
        %dma_wait3A_245 = tpu.memref_squeeze %dma_wait3A_244 : memref<1x128xi32, #tpu.memory_space<vmem>> -> memref<128xi32, #tpu.memory_space<vmem>>
        %dma_wait3A_246 = tpu.memref_slice %arg3[%add3A_114] : memref<327680xi32, #tpu.memory_space<hbm>> -> memref<128xi32, #tpu.memory_space<hbm>>
        %dma_wait3A_247 = arith.constant 0 : i32
        %dma_wait3A_248 = tpu.memref_slice %arg8[%run_scoped3A_115, %dma_wait3A_247] : memref<5x128xi32, #tpu.memory_space<vmem>> -> memref<1x128xi32, #tpu.memory_space<vmem>>
        %dma_wait3A_249 = tpu.memref_squeeze %dma_wait3A_248 : memref<1x128xi32, #tpu.memory_space<vmem>> -> memref<128xi32, #tpu.memory_space<vmem>>
        %dma_wait3A_250 = tpu.memref_slice %arg3[%add3A_114] : memref<327680xi32, #tpu.memory_space<hbm>> -> memref<128xi32, #tpu.memory_space<hbm>>
        tpu.wait_dma2 semaphore(%run_scoped3A_234 : memref<!tpu.dma_semaphore, #tpu.memory_space<semaphore_mem>>) src(%dma_wait3A_250 : memref<128xi32, #tpu.memory_space<hbm>>) dst(%dma_wait3A_249 : memref<128xi32, #tpu.memory_space<vmem>>)
        tpu.yield
      }) : () -> ()
      %add3A_116 = arith.constant 128 : i32
      %add3A_117 = arith.addi %mul3A_112, %add3A_116 : i32
      %run_scoped3A_118 = arith.constant 1 : i32
      "tpu.region"() ({
        %run_scoped3A_234 = tpu.sem_alloc : memref<!tpu.dma_semaphore, #tpu.memory_space<semaphore_mem>>
        %dma_start3A_235 = arith.constant 0 : i32
        %dma_start3A_236 = tpu.memref_slice %arg8[%run_scoped3A_118, %dma_start3A_235] : memref<5x128xi32, #tpu.memory_space<vmem>> -> memref<1x128xi32, #tpu.memory_space<vmem>>
        %dma_start3A_237 = tpu.memref_squeeze %dma_start3A_236 : memref<1x128xi32, #tpu.memory_space<vmem>> -> memref<128xi32, #tpu.memory_space<vmem>>
        %dma_start3A_238 = tpu.memref_slice %arg3[%add3A_117] : memref<327680xi32, #tpu.memory_space<hbm>> -> memref<128xi32, #tpu.memory_space<hbm>>
        %dma_start3A_239 = arith.constant 0 : i32
        %dma_start3A_240 = tpu.memref_slice %arg8[%run_scoped3A_118, %dma_start3A_239] : memref<5x128xi32, #tpu.memory_space<vmem>> -> memref<1x128xi32, #tpu.memory_space<vmem>>
        %dma_start3A_241 = tpu.memref_squeeze %dma_start3A_240 : memref<1x128xi32, #tpu.memory_space<vmem>> -> memref<128xi32, #tpu.memory_space<vmem>>
        %dma_start3A_242 = tpu.memref_slice %arg3[%add3A_117] : memref<327680xi32, #tpu.memory_space<hbm>> -> memref<128xi32, #tpu.memory_space<hbm>>
        tpu.enqueue_dma source(%dma_start3A_242 : memref<128xi32, #tpu.memory_space<hbm>>) target(%dma_start3A_241 : memref<128xi32, #tpu.memory_space<vmem>>) target_semaphore(%run_scoped3A_234 : memref<!tpu.dma_semaphore, #tpu.memory_space<semaphore_mem>>)
        %dma_wait3A_243 = arith.constant 0 : i32
        %dma_wait3A_244 = tpu.memref_slice %arg8[%run_scoped3A_118, %dma_wait3A_243] : memref<5x128xi32, #tpu.memory_space<vmem>> -> memref<1x128xi32, #tpu.memory_space<vmem>>
        %dma_wait3A_245 = tpu.memref_squeeze %dma_wait3A_244 : memref<1x128xi32, #tpu.memory_space<vmem>> -> memref<128xi32, #tpu.memory_space<vmem>>
        %dma_wait3A_246 = tpu.memref_slice %arg3[%add3A_117] : memref<327680xi32, #tpu.memory_space<hbm>> -> memref<128xi32, #tpu.memory_space<hbm>>
        %dma_wait3A_247 = arith.constant 0 : i32
        %dma_wait3A_248 = tpu.memref_slice %arg8[%run_scoped3A_118, %dma_wait3A_247] : memref<5x128xi32, #tpu.memory_space<vmem>> -> memref<1x128xi32, #tpu.memory_space<vmem>>
        %dma_wait3A_249 = tpu.memref_squeeze %dma_wait3A_248 : memref<1x128xi32, #tpu.memory_space<vmem>> -> memref<128xi32, #tpu.memory_space<vmem>>
        %dma_wait3A_250 = tpu.memref_slice %arg3[%add3A_117] : memref<327680xi32, #tpu.memory_space<hbm>> -> memref<128xi32, #tpu.memory_space<hbm>>
        tpu.wait_dma2 semaphore(%run_scoped3A_234 : memref<!tpu.dma_semaphore, #tpu.memory_space<semaphore_mem>>) src(%dma_wait3A_250 : memref<128xi32, #tpu.memory_space<hbm>>) dst(%dma_wait3A_249 : memref<128xi32, #tpu.memory_space<vmem>>)
        tpu.yield
      }) : () -> ()
      %add3A_119 = arith.constant 256 : i32
      %add3A_120 = arith.addi %mul3A_112, %add3A_119 : i32
      %run_scoped3A_121 = arith.constant 2 : i32
      "tpu.region"() ({
        %run_scoped3A_234 = tpu.sem_alloc : memref<!tpu.dma_semaphore, #tpu.memory_space<semaphore_mem>>
        %dma_start3A_235 = arith.constant 0 : i32
        %dma_start3A_236 = tpu.memref_slice %arg8[%run_scoped3A_121, %dma_start3A_235] : memref<5x128xi32, #tpu.memory_space<vmem>> -> memref<1x128xi32, #tpu.memory_space<vmem>>
        %dma_start3A_237 = tpu.memref_squeeze %dma_start3A_236 : memref<1x128xi32, #tpu.memory_space<vmem>> -> memref<128xi32, #tpu.memory_space<vmem>>
        %dma_start3A_238 = tpu.memref_slice %arg3[%add3A_120] : memref<327680xi32, #tpu.memory_space<hbm>> -> memref<128xi32, #tpu.memory_space<hbm>>
        %dma_start3A_239 = arith.constant 0 : i32
        %dma_start3A_240 = tpu.memref_slice %arg8[%run_scoped3A_121, %dma_start3A_239] : memref<5x128xi32, #tpu.memory_space<vmem>> -> memref<1x128xi32, #tpu.memory_space<vmem>>
        %dma_start3A_241 = tpu.memref_squeeze %dma_start3A_240 : memref<1x128xi32, #tpu.memory_space<vmem>> -> memref<128xi32, #tpu.memory_space<vmem>>
        %dma_start3A_242 = tpu.memref_slice %arg3[%add3A_120] : memref<327680xi32, #tpu.memory_space<hbm>> -> memref<128xi32, #tpu.memory_space<hbm>>
        tpu.enqueue_dma source(%dma_start3A_242 : memref<128xi32, #tpu.memory_space<hbm>>) target(%dma_start3A_241 : memref<128xi32, #tpu.memory_space<vmem>>) target_semaphore(%run_scoped3A_234 : memref<!tpu.dma_semaphore, #tpu.memory_space<semaphore_mem>>)
        %dma_wait3A_243 = arith.constant 0 : i32
        %dma_wait3A_244 = tpu.memref_slice %arg8[%run_scoped3A_121, %dma_wait3A_243] : memref<5x128xi32, #tpu.memory_space<vmem>> -> memref<1x128xi32, #tpu.memory_space<vmem>>
        %dma_wait3A_245 = tpu.memref_squeeze %dma_wait3A_244 : memref<1x128xi32, #tpu.memory_space<vmem>> -> memref<128xi32, #tpu.memory_space<vmem>>
        %dma_wait3A_246 = tpu.memref_slice %arg3[%add3A_120] : memref<327680xi32, #tpu.memory_space<hbm>> -> memref<128xi32, #tpu.memory_space<hbm>>
        %dma_wait3A_247 = arith.constant 0 : i32
        %dma_wait3A_248 = tpu.memref_slice %arg8[%run_scoped3A_121, %dma_wait3A_247] : memref<5x128xi32, #tpu.memory_space<vmem>> -> memref<1x128xi32, #tpu.memory_space<vmem>>
        %dma_wait3A_249 = tpu.memref_squeeze %dma_wait3A_248 : memref<1x128xi32, #tpu.memory_space<vmem>> -> memref<128xi32, #tpu.memory_space<vmem>>
        %dma_wait3A_250 = tpu.memref_slice %arg3[%add3A_120] : memref<327680xi32, #tpu.memory_space<hbm>> -> memref<128xi32, #tpu.memory_space<hbm>>
        tpu.wait_dma2 semaphore(%run_scoped3A_234 : memref<!tpu.dma_semaphore, #tpu.memory_space<semaphore_mem>>) src(%dma_wait3A_250 : memref<128xi32, #tpu.memory_space<hbm>>) dst(%dma_wait3A_249 : memref<128xi32, #tpu.memory_space<vmem>>)
        tpu.yield
      }) : () -> ()
      %add3A_122 = arith.constant 384 : i32
      %add3A_123 = arith.addi %mul3A_112, %add3A_122 : i32
      %run_scoped3A_124 = arith.constant 3 : i32
      "tpu.region"() ({
        %run_scoped3A_234 = tpu.sem_alloc : memref<!tpu.dma_semaphore, #tpu.memory_space<semaphore_mem>>
        %dma_start3A_235 = arith.constant 0 : i32
        %dma_start3A_236 = tpu.memref_slice %arg8[%run_scoped3A_124, %dma_start3A_235] : memref<5x128xi32, #tpu.memory_space<vmem>> -> memref<1x128xi32, #tpu.memory_space<vmem>>
        %dma_start3A_237 = tpu.memref_squeeze %dma_start3A_236 : memref<1x128xi32, #tpu.memory_space<vmem>> -> memref<128xi32, #tpu.memory_space<vmem>>
        %dma_start3A_238 = tpu.memref_slice %arg3[%add3A_123] : memref<327680xi32, #tpu.memory_space<hbm>> -> memref<128xi32, #tpu.memory_space<hbm>>
        %dma_start3A_239 = arith.constant 0 : i32
        %dma_start3A_240 = tpu.memref_slice %arg8[%run_scoped3A_124, %dma_start3A_239] : memref<5x128xi32, #tpu.memory_space<vmem>> -> memref<1x128xi32, #tpu.memory_space<vmem>>
        %dma_start3A_241 = tpu.memref_squeeze %dma_start3A_240 : memref<1x128xi32, #tpu.memory_space<vmem>> -> memref<128xi32, #tpu.memory_space<vmem>>
        %dma_start3A_242 = tpu.memref_slice %arg3[%add3A_123] : memref<327680xi32, #tpu.memory_space<hbm>> -> memref<128xi32, #tpu.memory_space<hbm>>
        tpu.enqueue_dma source(%dma_start3A_242 : memref<128xi32, #tpu.memory_space<hbm>>) target(%dma_start3A_241 : memref<128xi32, #tpu.memory_space<vmem>>) target_semaphore(%run_scoped3A_234 : memref<!tpu.dma_semaphore, #tpu.memory_space<semaphore_mem>>)
        %dma_wait3A_243 = arith.constant 0 : i32
        %dma_wait3A_244 = tpu.memref_slice %arg8[%run_scoped3A_124, %dma_wait3A_243] : memref<5x128xi32, #tpu.memory_space<vmem>> -> memref<1x128xi32, #tpu.memory_space<vmem>>
        %dma_wait3A_245 = tpu.memref_squeeze %dma_wait3A_244 : memref<1x128xi32, #tpu.memory_space<vmem>> -> memref<128xi32, #tpu.memory_space<vmem>>
        %dma_wait3A_246 = tpu.memref_slice %arg3[%add3A_123] : memref<327680xi32, #tpu.memory_space<hbm>> -> memref<128xi32, #tpu.memory_space<hbm>>
        %dma_wait3A_247 = arith.constant 0 : i32
        %dma_wait3A_248 = tpu.memref_slice %arg8[%run_scoped3A_124, %dma_wait3A_247] : memref<5x128xi32, #tpu.memory_space<vmem>> -> memref<1x128xi32, #tpu.memory_space<vmem>>
        %dma_wait3A_249 = tpu.memref_squeeze %dma_wait3A_248 : memref<1x128xi32, #tpu.memory_space<vmem>> -> memref<128xi32, #tpu.memory_space<vmem>>
        %dma_wait3A_250 = tpu.memref_slice %arg3[%add3A_123] : memref<327680xi32, #tpu.memory_space<hbm>> -> memref<128xi32, #tpu.memory_space<hbm>>
        tpu.wait_dma2 semaphore(%run_scoped3A_234 : memref<!tpu.dma_semaphore, #tpu.memory_space<semaphore_mem>>) src(%dma_wait3A_250 : memref<128xi32, #tpu.memory_space<hbm>>) dst(%dma_wait3A_249 : memref<128xi32, #tpu.memory_space<vmem>>)
        tpu.yield
      }) : () -> ()
      %add3A_125 = arith.constant 512 : i32
      %add3A_126 = arith.addi %mul3A_112, %add3A_125 : i32
      %run_scoped3A_127 = arith.constant 4 : i32
      "tpu.region"() ({
        %run_scoped3A_234 = tpu.sem_alloc : memref<!tpu.dma_semaphore, #tpu.memory_space<semaphore_mem>>
        %dma_start3A_235 = arith.constant 0 : i32
        %dma_start3A_236 = tpu.memref_slice %arg8[%run_scoped3A_127, %dma_start3A_235] : memref<5x128xi32, #tpu.memory_space<vmem>> -> memref<1x128xi32, #tpu.memory_space<vmem>>
        %dma_start3A_237 = tpu.memref_squeeze %dma_start3A_236 : memref<1x128xi32, #tpu.memory_space<vmem>> -> memref<128xi32, #tpu.memory_space<vmem>>
        %dma_start3A_238 = tpu.memref_slice %arg3[%add3A_126] : memref<327680xi32, #tpu.memory_space<hbm>> -> memref<128xi32, #tpu.memory_space<hbm>>
        %dma_start3A_239 = arith.constant 0 : i32
        %dma_start3A_240 = tpu.memref_slice %arg8[%run_scoped3A_127, %dma_start3A_239] : memref<5x128xi32, #tpu.memory_space<vmem>> -> memref<1x128xi32, #tpu.memory_space<vmem>>
        %dma_start3A_241 = tpu.memref_squeeze %dma_start3A_240 : memref<1x128xi32, #tpu.memory_space<vmem>> -> memref<128xi32, #tpu.memory_space<vmem>>
        %dma_start3A_242 = tpu.memref_slice %arg3[%add3A_126] : memref<327680xi32, #tpu.memory_space<hbm>> -> memref<128xi32, #tpu.memory_space<hbm>>
        tpu.enqueue_dma source(%dma_start3A_242 : memref<128xi32, #tpu.memory_space<hbm>>) target(%dma_start3A_241 : memref<128xi32, #tpu.memory_space<vmem>>) target_semaphore(%run_scoped3A_234 : memref<!tpu.dma_semaphore, #tpu.memory_space<semaphore_mem>>)
        %dma_wait3A_243 = arith.constant 0 : i32
        %dma_wait3A_244 = tpu.memref_slice %arg8[%run_scoped3A_127, %dma_wait3A_243] : memref<5x128xi32, #tpu.memory_space<vmem>> -> memref<1x128xi32, #tpu.memory_space<vmem>>
        %dma_wait3A_245 = tpu.memref_squeeze %dma_wait3A_244 : memref<1x128xi32, #tpu.memory_space<vmem>> -> memref<128xi32, #tpu.memory_space<vmem>>
        %dma_wait3A_246 = tpu.memref_slice %arg3[%add3A_126] : memref<327680xi32, #tpu.memory_space<hbm>> -> memref<128xi32, #tpu.memory_space<hbm>>
        %dma_wait3A_247 = arith.constant 0 : i32
        %dma_wait3A_248 = tpu.memref_slice %arg8[%run_scoped3A_127, %dma_wait3A_247] : memref<5x128xi32, #tpu.memory_space<vmem>> -> memref<1x128xi32, #tpu.memory_space<vmem>>
        %dma_wait3A_249 = tpu.memref_squeeze %dma_wait3A_248 : memref<1x128xi32, #tpu.memory_space<vmem>> -> memref<128xi32, #tpu.memory_space<vmem>>
        %dma_wait3A_250 = tpu.memref_slice %arg3[%add3A_126] : memref<327680xi32, #tpu.memory_space<hbm>> -> memref<128xi32, #tpu.memory_space<hbm>>
        tpu.wait_dma2 semaphore(%run_scoped3A_234 : memref<!tpu.dma_semaphore, #tpu.memory_space<semaphore_mem>>) src(%dma_wait3A_250 : memref<128xi32, #tpu.memory_space<hbm>>) dst(%dma_wait3A_249 : memref<128xi32, #tpu.memory_space<vmem>>)
        tpu.yield
      }) : () -> ()
      %dma_start3A_128 = arith.constant 0 : i32
      %dma_start3A_129 = arith.constant 0 : i32
      %dma_start3A_130 = arith.constant 0 : i32
      %dma_start3A_131 = tpu.memref_slice %arg10[%dma_start3A_129, %dma_start3A_130] : memref<640x64xf32, #tpu.memory_space<vmem>> -> memref<128x64xf32, #tpu.memory_space<vmem>>
      %dma_start3A_132 = arith.constant 0 : i32
      %dma_start3A_133 = tpu.memref_slice %arg8[%dma_start3A_128, %dma_start3A_132] : memref<5x128xi32, #tpu.memory_space<vmem>> -> memref<1x128xi32, #tpu.memory_space<vmem>>
      %dma_start3A_134 = tpu.memref_squeeze %dma_start3A_133 : memref<1x128xi32, #tpu.memory_space<vmem>> -> memref<128xi32, #tpu.memory_space<vmem>>
      %dma_start3A_135 = arith.constant 0 : i32
      %dma_start3A_136 = arith.constant 0 : i32
      %dma_start3A_137 = tpu.memref_slice %arg5[%dma_start3A_135, %dma_start3A_136] : memref<1000000x64xf32, #tpu.memory_space<hbm>> -> memref<1000000x64xf32, #tpu.memory_space<hbm>>
      tpu.enqueue_indirect_dma source(%dma_start3A_137 : memref<1000000x64xf32, #tpu.memory_space<hbm>>) target(%dma_start3A_131 : memref<128x64xf32, #tpu.memory_space<vmem>>) offsets(%dma_start3A_134 : memref<128xi32, #tpu.memory_space<vmem>>) semaphore(%arg13 : memref<!tpu.dma_semaphore, #tpu.memory_space<semaphore_mem>>)
      %dma_start3A_138 = arith.constant 1 : i32
      %dma_start3A_139 = arith.constant 128 : i32
      %dma_start3A_140 = arith.constant 0 : i32
      %dma_start3A_141 = tpu.memref_slice %arg10[%dma_start3A_139, %dma_start3A_140] : memref<640x64xf32, #tpu.memory_space<vmem>> -> memref<128x64xf32, #tpu.memory_space<vmem>>
      %dma_start3A_142 = arith.constant 0 : i32
      %dma_start3A_143 = tpu.memref_slice %arg8[%dma_start3A_138, %dma_start3A_142] : memref<5x128xi32, #tpu.memory_space<vmem>> -> memref<1x128xi32, #tpu.memory_space<vmem>>
      %dma_start3A_144 = tpu.memref_squeeze %dma_start3A_143 : memref<1x128xi32, #tpu.memory_space<vmem>> -> memref<128xi32, #tpu.memory_space<vmem>>
      %dma_start3A_145 = arith.constant 0 : i32
      %dma_start3A_146 = arith.constant 0 : i32
      %dma_start3A_147 = tpu.memref_slice %arg5[%dma_start3A_145, %dma_start3A_146] : memref<1000000x64xf32, #tpu.memory_space<hbm>> -> memref<1000000x64xf32, #tpu.memory_space<hbm>>
      tpu.enqueue_indirect_dma source(%dma_start3A_147 : memref<1000000x64xf32, #tpu.memory_space<hbm>>) target(%dma_start3A_141 : memref<128x64xf32, #tpu.memory_space<vmem>>) offsets(%dma_start3A_144 : memref<128xi32, #tpu.memory_space<vmem>>) semaphore(%arg13 : memref<!tpu.dma_semaphore, #tpu.memory_space<semaphore_mem>>)
      %dma_start3A_148 = arith.constant 2 : i32
      %dma_start3A_149 = arith.constant 256 : i32
      %dma_start3A_150 = arith.constant 0 : i32
      %dma_start3A_151 = tpu.memref_slice %arg10[%dma_start3A_149, %dma_start3A_150] : memref<640x64xf32, #tpu.memory_space<vmem>> -> memref<128x64xf32, #tpu.memory_space<vmem>>
      %dma_start3A_152 = arith.constant 0 : i32
      %dma_start3A_153 = tpu.memref_slice %arg8[%dma_start3A_148, %dma_start3A_152] : memref<5x128xi32, #tpu.memory_space<vmem>> -> memref<1x128xi32, #tpu.memory_space<vmem>>
      %dma_start3A_154 = tpu.memref_squeeze %dma_start3A_153 : memref<1x128xi32, #tpu.memory_space<vmem>> -> memref<128xi32, #tpu.memory_space<vmem>>
      %dma_start3A_155 = arith.constant 0 : i32
      %dma_start3A_156 = arith.constant 0 : i32
      %dma_start3A_157 = tpu.memref_slice %arg5[%dma_start3A_155, %dma_start3A_156] : memref<1000000x64xf32, #tpu.memory_space<hbm>> -> memref<1000000x64xf32, #tpu.memory_space<hbm>>
      tpu.enqueue_indirect_dma source(%dma_start3A_157 : memref<1000000x64xf32, #tpu.memory_space<hbm>>) target(%dma_start3A_151 : memref<128x64xf32, #tpu.memory_space<vmem>>) offsets(%dma_start3A_154 : memref<128xi32, #tpu.memory_space<vmem>>) semaphore(%arg13 : memref<!tpu.dma_semaphore, #tpu.memory_space<semaphore_mem>>)
      %dma_start3A_158 = arith.constant 3 : i32
      %dma_start3A_159 = arith.constant 384 : i32
      %dma_start3A_160 = arith.constant 0 : i32
      %dma_start3A_161 = tpu.memref_slice %arg10[%dma_start3A_159, %dma_start3A_160] : memref<640x64xf32, #tpu.memory_space<vmem>> -> memref<128x64xf32, #tpu.memory_space<vmem>>
      %dma_start3A_162 = arith.constant 0 : i32
      %dma_start3A_163 = tpu.memref_slice %arg8[%dma_start3A_158, %dma_start3A_162] : memref<5x128xi32, #tpu.memory_space<vmem>> -> memref<1x128xi32, #tpu.memory_space<vmem>>
      %dma_start3A_164 = tpu.memref_squeeze %dma_start3A_163 : memref<1x128xi32, #tpu.memory_space<vmem>> -> memref<128xi32, #tpu.memory_space<vmem>>
      %dma_start3A_165 = arith.constant 0 : i32
      %dma_start3A_166 = arith.constant 0 : i32
      %dma_start3A_167 = tpu.memref_slice %arg5[%dma_start3A_165, %dma_start3A_166] : memref<1000000x64xf32, #tpu.memory_space<hbm>> -> memref<1000000x64xf32, #tpu.memory_space<hbm>>
      tpu.enqueue_indirect_dma source(%dma_start3A_167 : memref<1000000x64xf32, #tpu.memory_space<hbm>>) target(%dma_start3A_161 : memref<128x64xf32, #tpu.memory_space<vmem>>) offsets(%dma_start3A_164 : memref<128xi32, #tpu.memory_space<vmem>>) semaphore(%arg13 : memref<!tpu.dma_semaphore, #tpu.memory_space<semaphore_mem>>)
      %dma_start3A_168 = arith.constant 4 : i32
      %dma_start3A_169 = arith.constant 512 : i32
      %dma_start3A_170 = arith.constant 0 : i32
      %dma_start3A_171 = tpu.memref_slice %arg10[%dma_start3A_169, %dma_start3A_170] : memref<640x64xf32, #tpu.memory_space<vmem>> -> memref<128x64xf32, #tpu.memory_space<vmem>>
      %dma_start3A_172 = arith.constant 0 : i32
      %dma_start3A_173 = tpu.memref_slice %arg8[%dma_start3A_168, %dma_start3A_172] : memref<5x128xi32, #tpu.memory_space<vmem>> -> memref<1x128xi32, #tpu.memory_space<vmem>>
      %dma_start3A_174 = tpu.memref_squeeze %dma_start3A_173 : memref<1x128xi32, #tpu.memory_space<vmem>> -> memref<128xi32, #tpu.memory_space<vmem>>
      %dma_start3A_175 = arith.constant 0 : i32
      %dma_start3A_176 = arith.constant 0 : i32
      %dma_start3A_177 = tpu.memref_slice %arg5[%dma_start3A_175, %dma_start3A_176] : memref<1000000x64xf32, #tpu.memory_space<hbm>> -> memref<1000000x64xf32, #tpu.memory_space<hbm>>
      tpu.enqueue_indirect_dma source(%dma_start3A_177 : memref<1000000x64xf32, #tpu.memory_space<hbm>>) target(%dma_start3A_171 : memref<128x64xf32, #tpu.memory_space<vmem>>) offsets(%dma_start3A_174 : memref<128xi32, #tpu.memory_space<vmem>>) semaphore(%arg13 : memref<!tpu.dma_semaphore, #tpu.memory_space<semaphore_mem>>)
      %dma_wait3A_178 = arith.constant 0 : i32
      %dma_wait3A_179 = arith.constant 0 : i32
      %dma_wait3A_180 = arith.constant 0 : i32
      %dma_wait3A_181 = tpu.memref_slice %arg10[%dma_wait3A_179, %dma_wait3A_180] : memref<640x64xf32, #tpu.memory_space<vmem>> -> memref<128x64xf32, #tpu.memory_space<vmem>>
      %dma_wait3A_182 = arith.constant 0 : i32
      %dma_wait3A_183 = tpu.memref_slice %arg8[%dma_wait3A_178, %dma_wait3A_182] : memref<5x128xi32, #tpu.memory_space<vmem>> -> memref<1x128xi32, #tpu.memory_space<vmem>>
      %dma_wait3A_184 = tpu.memref_squeeze %dma_wait3A_183 : memref<1x128xi32, #tpu.memory_space<vmem>> -> memref<128xi32, #tpu.memory_space<vmem>>
      %dma_wait3A_185 = arith.constant 0 : i32
      %dma_wait3A_186 = arith.constant 0 : i32
      %dma_wait3A_187 = tpu.memref_slice %arg5[%dma_wait3A_185, %dma_wait3A_186] : memref<1000000x64xf32, #tpu.memory_space<hbm>> -> memref<1000000x64xf32, #tpu.memory_space<hbm>>
      tpu.wait_indirect_dma semaphore(%arg13 : memref<!tpu.dma_semaphore, #tpu.memory_space<semaphore_mem>>) src(%dma_wait3A_187 : memref<1000000x64xf32, #tpu.memory_space<hbm>>) dst(%dma_wait3A_181 : memref<128x64xf32, #tpu.memory_space<vmem>>)
      %dma_wait3A_188 = arith.constant 1 : i32
      %dma_wait3A_189 = arith.constant 128 : i32
      %dma_wait3A_190 = arith.constant 0 : i32
      %dma_wait3A_191 = tpu.memref_slice %arg10[%dma_wait3A_189, %dma_wait3A_190] : memref<640x64xf32, #tpu.memory_space<vmem>> -> memref<128x64xf32, #tpu.memory_space<vmem>>
      %dma_wait3A_192 = arith.constant 0 : i32
      %dma_wait3A_193 = tpu.memref_slice %arg8[%dma_wait3A_188, %dma_wait3A_192] : memref<5x128xi32, #tpu.memory_space<vmem>> -> memref<1x128xi32, #tpu.memory_space<vmem>>
      %dma_wait3A_194 = tpu.memref_squeeze %dma_wait3A_193 : memref<1x128xi32, #tpu.memory_space<vmem>> -> memref<128xi32, #tpu.memory_space<vmem>>
      %dma_wait3A_195 = arith.constant 0 : i32
      %dma_wait3A_196 = arith.constant 0 : i32
      %dma_wait3A_197 = tpu.memref_slice %arg5[%dma_wait3A_195, %dma_wait3A_196] : memref<1000000x64xf32, #tpu.memory_space<hbm>> -> memref<1000000x64xf32, #tpu.memory_space<hbm>>
      tpu.wait_indirect_dma semaphore(%arg13 : memref<!tpu.dma_semaphore, #tpu.memory_space<semaphore_mem>>) src(%dma_wait3A_197 : memref<1000000x64xf32, #tpu.memory_space<hbm>>) dst(%dma_wait3A_191 : memref<128x64xf32, #tpu.memory_space<vmem>>)
      %dma_wait3A_198 = arith.constant 2 : i32
      %dma_wait3A_199 = arith.constant 256 : i32
      %dma_wait3A_200 = arith.constant 0 : i32
      %dma_wait3A_201 = tpu.memref_slice %arg10[%dma_wait3A_199, %dma_wait3A_200] : memref<640x64xf32, #tpu.memory_space<vmem>> -> memref<128x64xf32, #tpu.memory_space<vmem>>
      %dma_wait3A_202 = arith.constant 0 : i32
      %dma_wait3A_203 = tpu.memref_slice %arg8[%dma_wait3A_198, %dma_wait3A_202] : memref<5x128xi32, #tpu.memory_space<vmem>> -> memref<1x128xi32, #tpu.memory_space<vmem>>
      %dma_wait3A_204 = tpu.memref_squeeze %dma_wait3A_203 : memref<1x128xi32, #tpu.memory_space<vmem>> -> memref<128xi32, #tpu.memory_space<vmem>>
      %dma_wait3A_205 = arith.constant 0 : i32
      %dma_wait3A_206 = arith.constant 0 : i32
      %dma_wait3A_207 = tpu.memref_slice %arg5[%dma_wait3A_205, %dma_wait3A_206] : memref<1000000x64xf32, #tpu.memory_space<hbm>> -> memref<1000000x64xf32, #tpu.memory_space<hbm>>
      tpu.wait_indirect_dma semaphore(%arg13 : memref<!tpu.dma_semaphore, #tpu.memory_space<semaphore_mem>>) src(%dma_wait3A_207 : memref<1000000x64xf32, #tpu.memory_space<hbm>>) dst(%dma_wait3A_201 : memref<128x64xf32, #tpu.memory_space<vmem>>)
      %dma_wait3A_208 = arith.constant 3 : i32
      %dma_wait3A_209 = arith.constant 384 : i32
      %dma_wait3A_210 = arith.constant 0 : i32
      %dma_wait3A_211 = tpu.memref_slice %arg10[%dma_wait3A_209, %dma_wait3A_210] : memref<640x64xf32, #tpu.memory_space<vmem>> -> memref<128x64xf32, #tpu.memory_space<vmem>>
      %dma_wait3A_212 = arith.constant 0 : i32
      %dma_wait3A_213 = tpu.memref_slice %arg8[%dma_wait3A_208, %dma_wait3A_212] : memref<5x128xi32, #tpu.memory_space<vmem>> -> memref<1x128xi32, #tpu.memory_space<vmem>>
      %dma_wait3A_214 = tpu.memref_squeeze %dma_wait3A_213 : memref<1x128xi32, #tpu.memory_space<vmem>> -> memref<128xi32, #tpu.memory_space<vmem>>
      %dma_wait3A_215 = arith.constant 0 : i32
      %dma_wait3A_216 = arith.constant 0 : i32
      %dma_wait3A_217 = tpu.memref_slice %arg5[%dma_wait3A_215, %dma_wait3A_216] : memref<1000000x64xf32, #tpu.memory_space<hbm>> -> memref<1000000x64xf32, #tpu.memory_space<hbm>>
      tpu.wait_indirect_dma semaphore(%arg13 : memref<!tpu.dma_semaphore, #tpu.memory_space<semaphore_mem>>) src(%dma_wait3A_217 : memref<1000000x64xf32, #tpu.memory_space<hbm>>) dst(%dma_wait3A_211 : memref<128x64xf32, #tpu.memory_space<vmem>>)
      %dma_wait3A_218 = arith.constant 4 : i32
      %dma_wait3A_219 = arith.constant 512 : i32
      %dma_wait3A_220 = arith.constant 0 : i32
      %dma_wait3A_221 = tpu.memref_slice %arg10[%dma_wait3A_219, %dma_wait3A_220] : memref<640x64xf32, #tpu.memory_space<vmem>> -> memref<128x64xf32, #tpu.memory_space<vmem>>
      %dma_wait3A_222 = arith.constant 0 : i32
      %dma_wait3A_223 = tpu.memref_slice %arg8[%dma_wait3A_218, %dma_wait3A_222] : memref<5x128xi32, #tpu.memory_space<vmem>> -> memref<1x128xi32, #tpu.memory_space<vmem>>
      %dma_wait3A_224 = tpu.memref_squeeze %dma_wait3A_223 : memref<1x128xi32, #tpu.memory_space<vmem>> -> memref<128xi32, #tpu.memory_space<vmem>>
      %dma_wait3A_225 = arith.constant 0 : i32
      %dma_wait3A_226 = arith.constant 0 : i32
      %dma_wait3A_227 = tpu.memref_slice %arg5[%dma_wait3A_225, %dma_wait3A_226] : memref<1000000x64xf32, #tpu.memory_space<hbm>> -> memref<1000000x64xf32, #tpu.memory_space<hbm>>
      tpu.wait_indirect_dma semaphore(%arg13 : memref<!tpu.dma_semaphore, #tpu.memory_space<semaphore_mem>>) src(%dma_wait3A_227 : memref<1000000x64xf32, #tpu.memory_space<hbm>>) dst(%dma_wait3A_221 : memref<128x64xf32, #tpu.memory_space<vmem>>)
      %iota3A = tpu.iota {dimensions = array<i32: 0>} : vector<16xi32>
      %scan3A_228 = arith.constant 0 : i32
      %scan3A_229 = arith.constant 0 : i32
      %scan3A_230 = arith.constant 8 : i32
      %scan3A_231 = arith.addi %scan3A_229, %scan3A_230 : i32
      %scan3A_232 = arith.constant 1 : i32
      scf.for %scan3A_234 = %scan3A_229 to %scan3A_231 step %scan3A_232  : i32 {
        %mul3A_235 = arith.constant 32 : i32
        %mul3A_236 = arith.muli %scan3A_107, %mul3A_235 : i32
        %mul3A_237 = arith.constant 4 : i32
        %mul3A_238 = arith.muli %scan3A_234, %mul3A_237 : i32
        %add3A_239 = arith.addi %mul3A_236, %mul3A_238 : i32
        %add3A_240 = arith.constant 0 : i32
        %add3A_241 = arith.addi %add3A_239, %add3A_240 : i32
        %get3A = arith.index_cast %add3A_241 : i32 to index
        %get3A_242 = arith.constant 0 : index
        %get3A_243 = tpu.vector_load %arg9[%get3A, %get3A_242] {strides = array<i32>} : memref<512x64xf32, #tpu.memory_space<vmem>>, vector<16xf32>,
        %get3A_244 = arith.index_cast %add3A_241 : i32 to index
        %get3A_245 = arith.constant 16 : index
        %get3A_246 = tpu.vector_load %arg9[%get3A_244, %get3A_245] {strides = array<i32>} : memref<512x64xf32, #tpu.memory_space<vmem>>, vector<16xf32>,
        %get3A_247 = arith.index_cast %add3A_241 : i32 to index
        %get3A_248 = arith.constant 32 : index
        %get3A_249 = tpu.vector_load %arg9[%get3A_247, %get3A_248] {strides = array<i32>} : memref<512x64xf32, #tpu.memory_space<vmem>>, vector<16xf32>,
        %get3A_250 = arith.index_cast %add3A_241 : i32 to index
        %get3A_251 = arith.constant 48 : index
        %get3A_252 = tpu.vector_load %arg9[%get3A_250, %get3A_251] {strides = array<i32>} : memref<512x64xf32, #tpu.memory_space<vmem>>, vector<16xf32>,
        %mul3A_253 = arith.constant 80 : i32
        %mul3A_254 = arith.muli %scan3A_234, %mul3A_253 : i32
        %add3A_255 = arith.constant 0 : i32
        %add3A_256 = arith.addi %mul3A_254, %add3A_255 : i32
        %get3A_257 = arith.index_cast %add3A_256 : i32 to index
        %get3A_258 = arith.constant 0 : index
        %get3A_259 = tpu.vector_load %arg10[%get3A_257, %get3A_258] {strides = array<i32>} : memref<640x64xf32, #tpu.memory_space<vmem>>, vector<16xf32>,
        %mul3A_260 = arith.mulf %get3A_259, %get3A_243 : vector<16xf32>
        %get3A_261 = arith.index_cast %add3A_256 : i32 to index
        %get3A_262 = arith.constant 16 : index
        %get3A_263 = tpu.vector_load %arg10[%get3A_261, %get3A_262] {strides = array<i32>} : memref<640x64xf32, #tpu.memory_space<vmem>>, vector<16xf32>,
        %mul3A_264 = arith.mulf %get3A_263, %get3A_246 : vector<16xf32>
        %add3A_265 = arith.addf %mul3A_260, %mul3A_264 : vector<16xf32>
        %get3A_266 = arith.index_cast %add3A_256 : i32 to index
        %get3A_267 = arith.constant 32 : index
        %get3A_268 = tpu.vector_load %arg10[%get3A_266, %get3A_267] {strides = array<i32>} : memref<640x64xf32, #tpu.memory_space<vmem>>, vector<16xf32>,
        %mul3A_269 = arith.mulf %get3A_268, %get3A_249 : vector<16xf32>
        %add3A_270 = arith.addf %add3A_265, %mul3A_269 : vector<16xf32>
        %get3A_271 = arith.index_cast %add3A_256 : i32 to index
        %get3A_272 = arith.constant 48 : index
        %get3A_273 = tpu.vector_load %arg10[%get3A_271, %get3A_272] {strides = array<i32>} : memref<640x64xf32, #tpu.memory_space<vmem>>, vector<16xf32>,
        %mul3A_274 = arith.mulf %get3A_273, %get3A_252 : vector<16xf32>
        %add3A_275 = arith.addf %add3A_270, %mul3A_274 : vector<16xf32>
        %swap3A = arith.constant 0 : index
        %swap3A_276 = tpu.vector_load %arg12[%swap3A] {strides = array<i32>} : memref<1280xf32, #tpu.memory_space<vmem>>, vector<16xf32>,
        tpu.vector_store %arg12[%swap3A], %add3A_275 {strides = array<i32>} : memref<1280xf32, #tpu.memory_space<vmem>>, vector<16xf32>,
        %mul3A_277 = arith.constant 80 : i32
        %mul3A_278 = arith.muli %scan3A_234, %mul3A_277 : i32
        %add3A_279 = arith.constant 1 : i32
        %add3A_280 = arith.addi %mul3A_278, %add3A_279 : i32
        %get3A_281 = arith.index_cast %add3A_280 : i32 to index
        %get3A_282 = arith.constant 0 : index
        %get3A_283 = tpu.vector_load %arg10[%get3A_281, %get3A_282] {strides = array<i32>} : memref<640x64xf32, #tpu.memory_space<vmem>>, vector<16xf32>,
        %mul3A_284 = arith.mulf %get3A_283, %get3A_243 : vector<16xf32>
        %get3A_285 = arith.index_cast %add3A_280 : i32 to index
        %get3A_286 = arith.constant 16 : index
        %get3A_287 = tpu.vector_load %arg10[%get3A_285, %get3A_286] {strides = array<i32>} : memref<640x64xf32, #tpu.memory_space<vmem>>, vector<16xf32>,
        %mul3A_288 = arith.mulf %get3A_287, %get3A_246 : vector<16xf32>
        %add3A_289 = arith.addf %mul3A_284, %mul3A_288 : vector<16xf32>
        %get3A_290 = arith.index_cast %add3A_280 : i32 to index
        %get3A_291 = arith.constant 32 : index
        %get3A_292 = tpu.vector_load %arg10[%get3A_290, %get3A_291] {strides = array<i32>} : memref<640x64xf32, #tpu.memory_space<vmem>>, vector<16xf32>,
        %mul3A_293 = arith.mulf %get3A_292, %get3A_249 : vector<16xf32>
        %add3A_294 = arith.addf %add3A_289, %mul3A_293 : vector<16xf32>
        %get3A_295 = arith.index_cast %add3A_280 : i32 to index
        %get3A_296 = arith.constant 48 : index
        %get3A_297 = tpu.vector_load %arg10[%get3A_295, %get3A_296] {strides = array<i32>} : memref<640x64xf32, #tpu.memory_space<vmem>>, vector<16xf32>,
        %mul3A_298 = arith.mulf %get3A_297, %get3A_252 : vector<16xf32>
        %add3A_299 = arith.addf %add3A_294, %mul3A_298 : vector<16xf32>
        %swap3A_300 = arith.constant 16 : index
        %swap3A_301 = tpu.vector_load %arg12[%swap3A_300] {strides = array<i32>} : memref<1280xf32, #tpu.memory_space<vmem>>, vector<16xf32>,
        tpu.vector_store %arg12[%swap3A_300], %add3A_299 {strides = array<i32>} : memref<1280xf32, #tpu.memory_space<vmem>>, vector<16xf32>,
        %mul3A_302 = arith.constant 80 : i32
        %mul3A_303 = arith.muli %scan3A_234, %mul3A_302 : i32
        %add3A_304 = arith.constant 2 : i32
        %add3A_305 = arith.addi %mul3A_303, %add3A_304 : i32
        %get3A_306 = arith.index_cast %add3A_305 : i32 to index
        %get3A_307 = arith.constant 0 : index
        %get3A_308 = tpu.vector_load %arg10[%get3A_306, %get3A_307] {strides = array<i32>} : memref<640x64xf32, #tpu.memory_space<vmem>>, vector<16xf32>,
        %mul3A_309 = arith.mulf %get3A_308, %get3A_243 : vector<16xf32>
        %get3A_310 = arith.index_cast %add3A_305 : i32 to index
        %get3A_311 = arith.constant 16 : index
        %get3A_312 = tpu.vector_load %arg10[%get3A_310, %get3A_311] {strides = array<i32>} : memref<640x64xf32, #tpu.memory_space<vmem>>, vector<16xf32>,
        %mul3A_313 = arith.mulf %get3A_312, %get3A_246 : vector<16xf32>
        %add3A_314 = arith.addf %mul3A_309, %mul3A_313 : vector<16xf32>
        %get3A_315 = arith.index_cast %add3A_305 : i32 to index
        %get3A_316 = arith.constant 32 : index
        %get3A_317 = tpu.vector_load %arg10[%get3A_315, %get3A_316] {strides = array<i32>} : memref<640x64xf32, #tpu.memory_space<vmem>>, vector<16xf32>,
        %mul3A_318 = arith.mulf %get3A_317, %get3A_249 : vector<16xf32>
        %add3A_319 = arith.addf %add3A_314, %mul3A_318 : vector<16xf32>
        %get3A_320 = arith.index_cast %add3A_305 : i32 to index
        %get3A_321 = arith.constant 48 : index
        %get3A_322 = tpu.vector_load %arg10[%get3A_320, %get3A_321] {strides = array<i32>} : memref<640x64xf32, #tpu.memory_space<vmem>>, vector<16xf32>,
        %mul3A_323 = arith.mulf %get3A_322, %get3A_252 : vector<16xf32>
        %add3A_324 = arith.addf %add3A_319, %mul3A_323 : vector<16xf32>
        %swap3A_325 = arith.constant 32 : index
        %swap3A_326 = tpu.vector_load %arg12[%swap3A_325] {strides = array<i32>} : memref<1280xf32, #tpu.memory_space<vmem>>, vector<16xf32>,
        tpu.vector_store %arg12[%swap3A_325], %add3A_324 {strides = array<i32>} : memref<1280xf32, #tpu.memory_space<vmem>>, vector<16xf32>,
        %mul3A_327 = arith.constant 80 : i32
        %mul3A_328 = arith.muli %scan3A_234, %mul3A_327 : i32
        %add3A_329 = arith.constant 3 : i32
        %add3A_330 = arith.addi %mul3A_328, %add3A_329 : i32
        %get3A_331 = arith.index_cast %add3A_330 : i32 to index
        %get3A_332 = arith.constant 0 : index
        %get3A_333 = tpu.vector_load %arg10[%get3A_331, %get3A_332] {strides = array<i32>} : memref<640x64xf32, #tpu.memory_space<vmem>>, vector<16xf32>,
        %mul3A_334 = arith.mulf %get3A_333, %get3A_243 : vector<16xf32>
        %get3A_335 = arith.index_cast %add3A_330 : i32 to index
        %get3A_336 = arith.constant 16 : index
        %get3A_337 = tpu.vector_load %arg10[%get3A_335, %get3A_336] {strides = array<i32>} : memref<640x64xf32, #tpu.memory_space<vmem>>, vector<16xf32>,
        %mul3A_338 = arith.mulf %get3A_337, %get3A_246 : vector<16xf32>
        %add3A_339 = arith.addf %mul3A_334, %mul3A_338 : vector<16xf32>
        %get3A_340 = arith.index_cast %add3A_330 : i32 to index
        %get3A_341 = arith.constant 32 : index
        %get3A_342 = tpu.vector_load %arg10[%get3A_340, %get3A_341] {strides = array<i32>} : memref<640x64xf32, #tpu.memory_space<vmem>>, vector<16xf32>,
        %mul3A_343 = arith.mulf %get3A_342, %get3A_249 : vector<16xf32>
        %add3A_344 = arith.addf %add3A_339, %mul3A_343 : vector<16xf32>
        %get3A_345 = arith.index_cast %add3A_330 : i32 to index
        %get3A_346 = arith.constant 48 : index
        %get3A_347 = tpu.vector_load %arg10[%get3A_345, %get3A_346] {strides = array<i32>} : memref<640x64xf32, #tpu.memory_space<vmem>>, vector<16xf32>,
        %mul3A_348 = arith.mulf %get3A_347, %get3A_252 : vector<16xf32>
        %add3A_349 = arith.addf %add3A_344, %mul3A_348 : vector<16xf32>
        %swap3A_350 = arith.constant 48 : index
        %swap3A_351 = tpu.vector_load %arg12[%swap3A_350] {strides = array<i32>} : memref<1280xf32, #tpu.memory_space<vmem>>, vector<16xf32>,
        tpu.vector_store %arg12[%swap3A_350], %add3A_349 {strides = array<i32>} : memref<1280xf32, #tpu.memory_space<vmem>>, vector<16xf32>,
        %mul3A_352 = arith.constant 80 : i32
        %mul3A_353 = arith.muli %scan3A_234, %mul3A_352 : i32
        %add3A_354 = arith.constant 4 : i32
        %add3A_355 = arith.addi %mul3A_353, %add3A_354 : i32
        %get3A_356 = arith.index_cast %add3A_355 : i32 to index
        %get3A_357 = arith.constant 0 : index
        %get3A_358 = tpu.vector_load %arg10[%get3A_356, %get3A_357] {strides = array<i32>} : memref<640x64xf32, #tpu.memory_space<vmem>>, vector<16xf32>,
        %mul3A_359 = arith.mulf %get3A_358, %get3A_243 : vector<16xf32>
        %get3A_360 = arith.index_cast %add3A_355 : i32 to index
        %get3A_361 = arith.constant 16 : index
        %get3A_362 = tpu.vector_load %arg10[%get3A_360, %get3A_361] {strides = array<i32>} : memref<640x64xf32, #tpu.memory_space<vmem>>, vector<16xf32>,
        %mul3A_363 = arith.mulf %get3A_362, %get3A_246 : vector<16xf32>
        %add3A_364 = arith.addf %mul3A_359, %mul3A_363 : vector<16xf32>
        %get3A_365 = arith.index_cast %add3A_355 : i32 to index
        %get3A_366 = arith.constant 32 : index
        %get3A_367 = tpu.vector_load %arg10[%get3A_365, %get3A_366] {strides = array<i32>} : memref<640x64xf32, #tpu.memory_space<vmem>>, vector<16xf32>,
        %mul3A_368 = arith.mulf %get3A_367, %get3A_249 : vector<16xf32>
        %add3A_369 = arith.addf %add3A_364, %mul3A_368 : vector<16xf32>
        %get3A_370 = arith.index_cast %add3A_355 : i32 to index
        %get3A_371 = arith.constant 48 : index
        %get3A_372 = tpu.vector_load %arg10[%get3A_370, %get3A_371] {strides = array<i32>} : memref<640x64xf32, #tpu.memory_space<vmem>>, vector<16xf32>,
        %mul3A_373 = arith.mulf %get3A_372, %get3A_252 : vector<16xf32>
        %add3A_374 = arith.addf %add3A_369, %mul3A_373 : vector<16xf32>
        %swap3A_375 = arith.constant 64 : index
        %swap3A_376 = tpu.vector_load %arg12[%swap3A_375] {strides = array<i32>} : memref<1280xf32, #tpu.memory_space<vmem>>, vector<16xf32>,
        tpu.vector_store %arg12[%swap3A_375], %add3A_374 {strides = array<i32>} : memref<1280xf32, #tpu.memory_space<vmem>>, vector<16xf32>,
        %mul3A_377 = arith.constant 80 : i32
        %mul3A_378 = arith.muli %scan3A_234, %mul3A_377 : i32
        %add3A_379 = arith.constant 5 : i32
        %add3A_380 = arith.addi %mul3A_378, %add3A_379 : i32
        %get3A_381 = arith.index_cast %add3A_380 : i32 to index
        %get3A_382 = arith.constant 0 : index
        %get3A_383 = tpu.vector_load %arg10[%get3A_381, %get3A_382] {strides = array<i32>} : memref<640x64xf32, #tpu.memory_space<vmem>>, vector<16xf32>,
        %mul3A_384 = arith.mulf %get3A_383, %get3A_243 : vector<16xf32>
        %get3A_385 = arith.index_cast %add3A_380 : i32 to index
        %get3A_386 = arith.constant 16 : index
        %get3A_387 = tpu.vector_load %arg10[%get3A_385, %get3A_386] {strides = array<i32>} : memref<640x64xf32, #tpu.memory_space<vmem>>, vector<16xf32>,
        %mul3A_388 = arith.mulf %get3A_387, %get3A_246 : vector<16xf32>
        %add3A_389 = arith.addf %mul3A_384, %mul3A_388 : vector<16xf32>
        %get3A_390 = arith.index_cast %add3A_380 : i32 to index
        %get3A_391 = arith.constant 32 : index
        %get3A_392 = tpu.vector_load %arg10[%get3A_390, %get3A_391] {strides = array<i32>} : memref<640x64xf32, #tpu.memory_space<vmem>>, vector<16xf32>,
        %mul3A_393 = arith.mulf %get3A_392, %get3A_249 : vector<16xf32>
        %add3A_394 = arith.addf %add3A_389, %mul3A_393 : vector<16xf32>
        %get3A_395 = arith.index_cast %add3A_380 : i32 to index
        %get3A_396 = arith.constant 48 : index
        %get3A_397 = tpu.vector_load %arg10[%get3A_395, %get3A_396] {strides = array<i32>} : memref<640x64xf32, #tpu.memory_space<vmem>>, vector<16xf32>,
        %mul3A_398 = arith.mulf %get3A_397, %get3A_252 : vector<16xf32>
        %add3A_399 = arith.addf %add3A_394, %mul3A_398 : vector<16xf32>
        %swap3A_400 = arith.constant 80 : index
        %swap3A_401 = tpu.vector_load %arg12[%swap3A_400] {strides = array<i32>} : memref<1280xf32, #tpu.memory_space<vmem>>, vector<16xf32>,
        tpu.vector_store %arg12[%swap3A_400], %add3A_399 {strides = array<i32>} : memref<1280xf32, #tpu.memory_space<vmem>>, vector<16xf32>,
        %mul3A_402 = arith.constant 80 : i32
        %mul3A_403 = arith.muli %scan3A_234, %mul3A_402 : i32
        %add3A_404 = arith.constant 6 : i32
        %add3A_405 = arith.addi %mul3A_403, %add3A_404 : i32
        %get3A_406 = arith.index_cast %add3A_405 : i32 to index
        %get3A_407 = arith.constant 0 : index
        %get3A_408 = tpu.vector_load %arg10[%get3A_406, %get3A_407] {strides = array<i32>} : memref<640x64xf32, #tpu.memory_space<vmem>>, vector<16xf32>,
        %mul3A_409 = arith.mulf %get3A_408, %get3A_243 : vector<16xf32>
        %get3A_410 = arith.index_cast %add3A_405 : i32 to index
        %get3A_411 = arith.constant 16 : index
        %get3A_412 = tpu.vector_load %arg10[%get3A_410, %get3A_411] {strides = array<i32>} : memref<640x64xf32, #tpu.memory_space<vmem>>, vector<16xf32>,
        %mul3A_413 = arith.mulf %get3A_412, %get3A_246 : vector<16xf32>
        %add3A_414 = arith.addf %mul3A_409, %mul3A_413 : vector<16xf32>
        %get3A_415 = arith.index_cast %add3A_405 : i32 to index
        %get3A_416 = arith.constant 32 : index
        %get3A_417 = tpu.vector_load %arg10[%get3A_415, %get3A_416] {strides = array<i32>} : memref<640x64xf32, #tpu.memory_space<vmem>>, vector<16xf32>,
        %mul3A_418 = arith.mulf %get3A_417, %get3A_249 : vector<16xf32>
        %add3A_419 = arith.addf %add3A_414, %mul3A_418 : vector<16xf32>
        %get3A_420 = arith.index_cast %add3A_405 : i32 to index
        %get3A_421 = arith.constant 48 : index
        %get3A_422 = tpu.vector_load %arg10[%get3A_420, %get3A_421] {strides = array<i32>} : memref<640x64xf32, #tpu.memory_space<vmem>>, vector<16xf32>,
        %mul3A_423 = arith.mulf %get3A_422, %get3A_252 : vector<16xf32>
        %add3A_424 = arith.addf %add3A_419, %mul3A_423 : vector<16xf32>
        %swap3A_425 = arith.constant 96 : index
        %swap3A_426 = tpu.vector_load %arg12[%swap3A_425] {strides = array<i32>} : memref<1280xf32, #tpu.memory_space<vmem>>, vector<16xf32>,
        tpu.vector_store %arg12[%swap3A_425], %add3A_424 {strides = array<i32>} : memref<1280xf32, #tpu.memory_space<vmem>>, vector<16xf32>,
        %mul3A_427 = arith.constant 80 : i32
        %mul3A_428 = arith.muli %scan3A_234, %mul3A_427 : i32
        %add3A_429 = arith.constant 7 : i32
        %add3A_430 = arith.addi %mul3A_428, %add3A_429 : i32
        %get3A_431 = arith.index_cast %add3A_430 : i32 to index
        %get3A_432 = arith.constant 0 : index
        %get3A_433 = tpu.vector_load %arg10[%get3A_431, %get3A_432] {strides = array<i32>} : memref<640x64xf32, #tpu.memory_space<vmem>>, vector<16xf32>,
        %mul3A_434 = arith.mulf %get3A_433, %get3A_243 : vector<16xf32>
        %get3A_435 = arith.index_cast %add3A_430 : i32 to index
        %get3A_436 = arith.constant 16 : index
        %get3A_437 = tpu.vector_load %arg10[%get3A_435, %get3A_436] {strides = array<i32>} : memref<640x64xf32, #tpu.memory_space<vmem>>, vector<16xf32>,
        %mul3A_438 = arith.mulf %get3A_437, %get3A_246 : vector<16xf32>
        %add3A_439 = arith.addf %mul3A_434, %mul3A_438 : vector<16xf32>
        %get3A_440 = arith.index_cast %add3A_430 : i32 to index
        %get3A_441 = arith.constant 32 : index
        %get3A_442 = tpu.vector_load %arg10[%get3A_440, %get3A_441] {strides = array<i32>} : memref<640x64xf32, #tpu.memory_space<vmem>>, vector<16xf32>,
        %mul3A_443 = arith.mulf %get3A_442, %get3A_249 : vector<16xf32>
        %add3A_444 = arith.addf %add3A_439, %mul3A_443 : vector<16xf32>
        %get3A_445 = arith.index_cast %add3A_430 : i32 to index
        %get3A_446 = arith.constant 48 : index
        %get3A_447 = tpu.vector_load %arg10[%get3A_445, %get3A_446] {strides = array<i32>} : memref<640x64xf32, #tpu.memory_space<vmem>>, vector<16xf32>,
        %mul3A_448 = arith.mulf %get3A_447, %get3A_252 : vector<16xf32>
        %add3A_449 = arith.addf %add3A_444, %mul3A_448 : vector<16xf32>
        %swap3A_450 = arith.constant 112 : index
        %swap3A_451 = tpu.vector_load %arg12[%swap3A_450] {strides = array<i32>} : memref<1280xf32, #tpu.memory_space<vmem>>, vector<16xf32>,
        tpu.vector_store %arg12[%swap3A_450], %add3A_449 {strides = array<i32>} : memref<1280xf32, #tpu.memory_space<vmem>>, vector<16xf32>,
        %mul3A_452 = arith.constant 80 : i32
        %mul3A_453 = arith.muli %scan3A_234, %mul3A_452 : i32
        %add3A_454 = arith.constant 8 : i32
        %add3A_455 = arith.addi %mul3A_453, %add3A_454 : i32
        %get3A_456 = arith.index_cast %add3A_455 : i32 to index
        %get3A_457 = arith.constant 0 : index
        %get3A_458 = tpu.vector_load %arg10[%get3A_456, %get3A_457] {strides = array<i32>} : memref<640x64xf32, #tpu.memory_space<vmem>>, vector<16xf32>,
        %mul3A_459 = arith.mulf %get3A_458, %get3A_243 : vector<16xf32>
        %get3A_460 = arith.index_cast %add3A_455 : i32 to index
        %get3A_461 = arith.constant 16 : index
        %get3A_462 = tpu.vector_load %arg10[%get3A_460, %get3A_461] {strides = array<i32>} : memref<640x64xf32, #tpu.memory_space<vmem>>, vector<16xf32>,
        %mul3A_463 = arith.mulf %get3A_462, %get3A_246 : vector<16xf32>
        %add3A_464 = arith.addf %mul3A_459, %mul3A_463 : vector<16xf32>
        %get3A_465 = arith.index_cast %add3A_455 : i32 to index
        %get3A_466 = arith.constant 32 : index
        %get3A_467 = tpu.vector_load %arg10[%get3A_465, %get3A_466] {strides = array<i32>} : memref<640x64xf32, #tpu.memory_space<vmem>>, vector<16xf32>,
        %mul3A_468 = arith.mulf %get3A_467, %get3A_249 : vector<16xf32>
        %add3A_469 = arith.addf %add3A_464, %mul3A_468 : vector<16xf32>
        %get3A_470 = arith.index_cast %add3A_455 : i32 to index
        %get3A_471 = arith.constant 48 : index
        %get3A_472 = tpu.vector_load %arg10[%get3A_470, %get3A_471] {strides = array<i32>} : memref<640x64xf32, #tpu.memory_space<vmem>>, vector<16xf32>,
        %mul3A_473 = arith.mulf %get3A_472, %get3A_252 : vector<16xf32>
        %add3A_474 = arith.addf %add3A_469, %mul3A_473 : vector<16xf32>
        %swap3A_475 = arith.constant 128 : index
        %swap3A_476 = tpu.vector_load %arg12[%swap3A_475] {strides = array<i32>} : memref<1280xf32, #tpu.memory_space<vmem>>, vector<16xf32>,
        tpu.vector_store %arg12[%swap3A_475], %add3A_474 {strides = array<i32>} : memref<1280xf32, #tpu.memory_space<vmem>>, vector<16xf32>,
        %mul3A_477 = arith.constant 80 : i32
        %mul3A_478 = arith.muli %scan3A_234, %mul3A_477 : i32
        %add3A_479 = arith.constant 9 : i32
        %add3A_480 = arith.addi %mul3A_478, %add3A_479 : i32
        %get3A_481 = arith.index_cast %add3A_480 : i32 to index
        %get3A_482 = arith.constant 0 : index
        %get3A_483 = tpu.vector_load %arg10[%get3A_481, %get3A_482] {strides = array<i32>} : memref<640x64xf32, #tpu.memory_space<vmem>>, vector<16xf32>,
        %mul3A_484 = arith.mulf %get3A_483, %get3A_243 : vector<16xf32>
        %get3A_485 = arith.index_cast %add3A_480 : i32 to index
        %get3A_486 = arith.constant 16 : index
        %get3A_487 = tpu.vector_load %arg10[%get3A_485, %get3A_486] {strides = array<i32>} : memref<640x64xf32, #tpu.memory_space<vmem>>, vector<16xf32>,
        %mul3A_488 = arith.mulf %get3A_487, %get3A_246 : vector<16xf32>
        %add3A_489 = arith.addf %mul3A_484, %mul3A_488 : vector<16xf32>
        %get3A_490 = arith.index_cast %add3A_480 : i32 to index
        %get3A_491 = arith.constant 32 : index
        %get3A_492 = tpu.vector_load %arg10[%get3A_490, %get3A_491] {strides = array<i32>} : memref<640x64xf32, #tpu.memory_space<vmem>>, vector<16xf32>,
        %mul3A_493 = arith.mulf %get3A_492, %get3A_249 : vector<16xf32>
        %add3A_494 = arith.addf %add3A_489, %mul3A_493 : vector<16xf32>
        %get3A_495 = arith.index_cast %add3A_480 : i32 to index
        %get3A_496 = arith.constant 48 : index
        %get3A_497 = tpu.vector_load %arg10[%get3A_495, %get3A_496] {strides = array<i32>} : memref<640x64xf32, #tpu.memory_space<vmem>>, vector<16xf32>,
        %mul3A_498 = arith.mulf %get3A_497, %get3A_252 : vector<16xf32>
        %add3A_499 = arith.addf %add3A_494, %mul3A_498 : vector<16xf32>
        %swap3A_500 = arith.constant 144 : index
        %swap3A_501 = tpu.vector_load %arg12[%swap3A_500] {strides = array<i32>} : memref<1280xf32, #tpu.memory_space<vmem>>, vector<16xf32>,
        tpu.vector_store %arg12[%swap3A_500], %add3A_499 {strides = array<i32>} : memref<1280xf32, #tpu.memory_space<vmem>>, vector<16xf32>,
        %mul3A_502 = arith.constant 80 : i32
        %mul3A_503 = arith.muli %scan3A_234, %mul3A_502 : i32
        %add3A_504 = arith.constant 10 : i32
        %add3A_505 = arith.addi %mul3A_503, %add3A_504 : i32
        %get3A_506 = arith.index_cast %add3A_505 : i32 to index
        %get3A_507 = arith.constant 0 : index
        %get3A_508 = tpu.vector_load %arg10[%get3A_506, %get3A_507] {strides = array<i32>} : memref<640x64xf32, #tpu.memory_space<vmem>>, vector<16xf32>,
        %mul3A_509 = arith.mulf %get3A_508, %get3A_243 : vector<16xf32>
        %get3A_510 = arith.index_cast %add3A_505 : i32 to index
        %get3A_511 = arith.constant 16 : index
        %get3A_512 = tpu.vector_load %arg10[%get3A_510, %get3A_511] {strides = array<i32>} : memref<640x64xf32, #tpu.memory_space<vmem>>, vector<16xf32>,
        %mul3A_513 = arith.mulf %get3A_512, %get3A_246 : vector<16xf32>
        %add3A_514 = arith.addf %mul3A_509, %mul3A_513 : vector<16xf32>
        %get3A_515 = arith.index_cast %add3A_505 : i32 to index
        %get3A_516 = arith.constant 32 : index
        %get3A_517 = tpu.vector_load %arg10[%get3A_515, %get3A_516] {strides = array<i32>} : memref<640x64xf32, #tpu.memory_space<vmem>>, vector<16xf32>,
        %mul3A_518 = arith.mulf %get3A_517, %get3A_249 : vector<16xf32>
        %add3A_519 = arith.addf %add3A_514, %mul3A_518 : vector<16xf32>
        %get3A_520 = arith.index_cast %add3A_505 : i32 to index
        %get3A_521 = arith.constant 48 : index
        %get3A_522 = tpu.vector_load %arg10[%get3A_520, %get3A_521] {strides = array<i32>} : memref<640x64xf32, #tpu.memory_space<vmem>>, vector<16xf32>,
        %mul3A_523 = arith.mulf %get3A_522, %get3A_252 : vector<16xf32>
        %add3A_524 = arith.addf %add3A_519, %mul3A_523 : vector<16xf32>
        %swap3A_525 = arith.constant 160 : index
        %swap3A_526 = tpu.vector_load %arg12[%swap3A_525] {strides = array<i32>} : memref<1280xf32, #tpu.memory_space<vmem>>, vector<16xf32>,
        tpu.vector_store %arg12[%swap3A_525], %add3A_524 {strides = array<i32>} : memref<1280xf32, #tpu.memory_space<vmem>>, vector<16xf32>,
        %mul3A_527 = arith.constant 80 : i32
        %mul3A_528 = arith.muli %scan3A_234, %mul3A_527 : i32
        %add3A_529 = arith.constant 11 : i32
        %add3A_530 = arith.addi %mul3A_528, %add3A_529 : i32
        %get3A_531 = arith.index_cast %add3A_530 : i32 to index
        %get3A_532 = arith.constant 0 : index
        %get3A_533 = tpu.vector_load %arg10[%get3A_531, %get3A_532] {strides = array<i32>} : memref<640x64xf32, #tpu.memory_space<vmem>>, vector<16xf32>,
        %mul3A_534 = arith.mulf %get3A_533, %get3A_243 : vector<16xf32>
        %get3A_535 = arith.index_cast %add3A_530 : i32 to index
        %get3A_536 = arith.constant 16 : index
        %get3A_537 = tpu.vector_load %arg10[%get3A_535, %get3A_536] {strides = array<i32>} : memref<640x64xf32, #tpu.memory_space<vmem>>, vector<16xf32>,
        %mul3A_538 = arith.mulf %get3A_537, %get3A_246 : vector<16xf32>
        %add3A_539 = arith.addf %mul3A_534, %mul3A_538 : vector<16xf32>
        %get3A_540 = arith.index_cast %add3A_530 : i32 to index
        %get3A_541 = arith.constant 32 : index
        %get3A_542 = tpu.vector_load %arg10[%get3A_540, %get3A_541] {strides = array<i32>} : memref<640x64xf32, #tpu.memory_space<vmem>>, vector<16xf32>,
        %mul3A_543 = arith.mulf %get3A_542, %get3A_249 : vector<16xf32>
        %add3A_544 = arith.addf %add3A_539, %mul3A_543 : vector<16xf32>
        %get3A_545 = arith.index_cast %add3A_530 : i32 to index
        %get3A_546 = arith.constant 48 : index
        %get3A_547 = tpu.vector_load %arg10[%get3A_545, %get3A_546] {strides = array<i32>} : memref<640x64xf32, #tpu.memory_space<vmem>>, vector<16xf32>,
        %mul3A_548 = arith.mulf %get3A_547, %get3A_252 : vector<16xf32>
        %add3A_549 = arith.addf %add3A_544, %mul3A_548 : vector<16xf32>
        %swap3A_550 = arith.constant 176 : index
        %swap3A_551 = tpu.vector_load %arg12[%swap3A_550] {strides = array<i32>} : memref<1280xf32, #tpu.memory_space<vmem>>, vector<16xf32>,
        tpu.vector_store %arg12[%swap3A_550], %add3A_549 {strides = array<i32>} : memref<1280xf32, #tpu.memory_space<vmem>>, vector<16xf32>,
        %mul3A_552 = arith.constant 80 : i32
        %mul3A_553 = arith.muli %scan3A_234, %mul3A_552 : i32
        %add3A_554 = arith.constant 12 : i32
        %add3A_555 = arith.addi %mul3A_553, %add3A_554 : i32
        %get3A_556 = arith.index_cast %add3A_555 : i32 to index
        %get3A_557 = arith.constant 0 : index
        %get3A_558 = tpu.vector_load %arg10[%get3A_556, %get3A_557] {strides = array<i32>} : memref<640x64xf32, #tpu.memory_space<vmem>>, vector<16xf32>,
        %mul3A_559 = arith.mulf %get3A_558, %get3A_243 : vector<16xf32>
        %get3A_560 = arith.index_cast %add3A_555 : i32 to index
        %get3A_561 = arith.constant 16 : index
        %get3A_562 = tpu.vector_load %arg10[%get3A_560, %get3A_561] {strides = array<i32>} : memref<640x64xf32, #tpu.memory_space<vmem>>, vector<16xf32>,
        %mul3A_563 = arith.mulf %get3A_562, %get3A_246 : vector<16xf32>
        %add3A_564 = arith.addf %mul3A_559, %mul3A_563 : vector<16xf32>
        %get3A_565 = arith.index_cast %add3A_555 : i32 to index
        %get3A_566 = arith.constant 32 : index
        %get3A_567 = tpu.vector_load %arg10[%get3A_565, %get3A_566] {strides = array<i32>} : memref<640x64xf32, #tpu.memory_space<vmem>>, vector<16xf32>,
        %mul3A_568 = arith.mulf %get3A_567, %get3A_249 : vector<16xf32>
        %add3A_569 = arith.addf %add3A_564, %mul3A_568 : vector<16xf32>
        %get3A_570 = arith.index_cast %add3A_555 : i32 to index
        %get3A_571 = arith.constant 48 : index
        %get3A_572 = tpu.vector_load %arg10[%get3A_570, %get3A_571] {strides = array<i32>} : memref<640x64xf32, #tpu.memory_space<vmem>>, vector<16xf32>,
        %mul3A_573 = arith.mulf %get3A_572, %get3A_252 : vector<16xf32>
        %add3A_574 = arith.addf %add3A_569, %mul3A_573 : vector<16xf32>
        %swap3A_575 = arith.constant 192 : index
        %swap3A_576 = tpu.vector_load %arg12[%swap3A_575] {strides = array<i32>} : memref<1280xf32, #tpu.memory_space<vmem>>, vector<16xf32>,
        tpu.vector_store %arg12[%swap3A_575], %add3A_574 {strides = array<i32>} : memref<1280xf32, #tpu.memory_space<vmem>>, vector<16xf32>,
        %mul3A_577 = arith.constant 80 : i32
        %mul3A_578 = arith.muli %scan3A_234, %mul3A_577 : i32
        %add3A_579 = arith.constant 13 : i32
        %add3A_580 = arith.addi %mul3A_578, %add3A_579 : i32
        %get3A_581 = arith.index_cast %add3A_580 : i32 to index
        %get3A_582 = arith.constant 0 : index
        %get3A_583 = tpu.vector_load %arg10[%get3A_581, %get3A_582] {strides = array<i32>} : memref<640x64xf32, #tpu.memory_space<vmem>>, vector<16xf32>,
        %mul3A_584 = arith.mulf %get3A_583, %get3A_243 : vector<16xf32>
        %get3A_585 = arith.index_cast %add3A_580 : i32 to index
        %get3A_586 = arith.constant 16 : index
        %get3A_587 = tpu.vector_load %arg10[%get3A_585, %get3A_586] {strides = array<i32>} : memref<640x64xf32, #tpu.memory_space<vmem>>, vector<16xf32>,
        %mul3A_588 = arith.mulf %get3A_587, %get3A_246 : vector<16xf32>
        %add3A_589 = arith.addf %mul3A_584, %mul3A_588 : vector<16xf32>
        %get3A_590 = arith.index_cast %add3A_580 : i32 to index
        %get3A_591 = arith.constant 32 : index
        %get3A_592 = tpu.vector_load %arg10[%get3A_590, %get3A_591] {strides = array<i32>} : memref<640x64xf32, #tpu.memory_space<vmem>>, vector<16xf32>,
        %mul3A_593 = arith.mulf %get3A_592, %get3A_249 : vector<16xf32>
        %add3A_594 = arith.addf %add3A_589, %mul3A_593 : vector<16xf32>
        %get3A_595 = arith.index_cast %add3A_580 : i32 to index
        %get3A_596 = arith.constant 48 : index
        %get3A_597 = tpu.vector_load %arg10[%get3A_595, %get3A_596] {strides = array<i32>} : memref<640x64xf32, #tpu.memory_space<vmem>>, vector<16xf32>,
        %mul3A_598 = arith.mulf %get3A_597, %get3A_252 : vector<16xf32>
        %add3A_599 = arith.addf %add3A_594, %mul3A_598 : vector<16xf32>
        %swap3A_600 = arith.constant 208 : index
        %swap3A_601 = tpu.vector_load %arg12[%swap3A_600] {strides = array<i32>} : memref<1280xf32, #tpu.memory_space<vmem>>, vector<16xf32>,
        tpu.vector_store %arg12[%swap3A_600], %add3A_599 {strides = array<i32>} : memref<1280xf32, #tpu.memory_space<vmem>>, vector<16xf32>,
        %mul3A_602 = arith.constant 80 : i32
        %mul3A_603 = arith.muli %scan3A_234, %mul3A_602 : i32
        %add3A_604 = arith.constant 14 : i32
        %add3A_605 = arith.addi %mul3A_603, %add3A_604 : i32
        %get3A_606 = arith.index_cast %add3A_605 : i32 to index
        %get3A_607 = arith.constant 0 : index
        %get3A_608 = tpu.vector_load %arg10[%get3A_606, %get3A_607] {strides = array<i32>} : memref<640x64xf32, #tpu.memory_space<vmem>>, vector<16xf32>,
        %mul3A_609 = arith.mulf %get3A_608, %get3A_243 : vector<16xf32>
        %get3A_610 = arith.index_cast %add3A_605 : i32 to index
        %get3A_611 = arith.constant 16 : index
        %get3A_612 = tpu.vector_load %arg10[%get3A_610, %get3A_611] {strides = array<i32>} : memref<640x64xf32, #tpu.memory_space<vmem>>, vector<16xf32>,
        %mul3A_613 = arith.mulf %get3A_612, %get3A_246 : vector<16xf32>
        %add3A_614 = arith.addf %mul3A_609, %mul3A_613 : vector<16xf32>
        %get3A_615 = arith.index_cast %add3A_605 : i32 to index
        %get3A_616 = arith.constant 32 : index
        %get3A_617 = tpu.vector_load %arg10[%get3A_615, %get3A_616] {strides = array<i32>} : memref<640x64xf32, #tpu.memory_space<vmem>>, vector<16xf32>,
        %mul3A_618 = arith.mulf %get3A_617, %get3A_249 : vector<16xf32>
        %add3A_619 = arith.addf %add3A_614, %mul3A_618 : vector<16xf32>
        %get3A_620 = arith.index_cast %add3A_605 : i32 to index
        %get3A_621 = arith.constant 48 : index
        %get3A_622 = tpu.vector_load %arg10[%get3A_620, %get3A_621] {strides = array<i32>} : memref<640x64xf32, #tpu.memory_space<vmem>>, vector<16xf32>,
        %mul3A_623 = arith.mulf %get3A_622, %get3A_252 : vector<16xf32>
        %add3A_624 = arith.addf %add3A_619, %mul3A_623 : vector<16xf32>
        %swap3A_625 = arith.constant 224 : index
        %swap3A_626 = tpu.vector_load %arg12[%swap3A_625] {strides = array<i32>} : memref<1280xf32, #tpu.memory_space<vmem>>, vector<16xf32>,
        tpu.vector_store %arg12[%swap3A_625], %add3A_624 {strides = array<i32>} : memref<1280xf32, #tpu.memory_space<vmem>>, vector<16xf32>,
        %mul3A_627 = arith.constant 80 : i32
        %mul3A_628 = arith.muli %scan3A_234, %mul3A_627 : i32
        %add3A_629 = arith.constant 15 : i32
        %add3A_630 = arith.addi %mul3A_628, %add3A_629 : i32
        %get3A_631 = arith.index_cast %add3A_630 : i32 to index
        %get3A_632 = arith.constant 0 : index
        %get3A_633 = tpu.vector_load %arg10[%get3A_631, %get3A_632] {strides = array<i32>} : memref<640x64xf32, #tpu.memory_space<vmem>>, vector<16xf32>,
        %mul3A_634 = arith.mulf %get3A_633, %get3A_243 : vector<16xf32>
        %get3A_635 = arith.index_cast %add3A_630 : i32 to index
        %get3A_636 = arith.constant 16 : index
        %get3A_637 = tpu.vector_load %arg10[%get3A_635, %get3A_636] {strides = array<i32>} : memref<640x64xf32, #tpu.memory_space<vmem>>, vector<16xf32>,
        %mul3A_638 = arith.mulf %get3A_637, %get3A_246 : vector<16xf32>
        %add3A_639 = arith.addf %mul3A_634, %mul3A_638 : vector<16xf32>
        %get3A_640 = arith.index_cast %add3A_630 : i32 to index
        %get3A_641 = arith.constant 32 : index
        %get3A_642 = tpu.vector_load %arg10[%get3A_640, %get3A_641] {strides = array<i32>} : memref<640x64xf32, #tpu.memory_space<vmem>>, vector<16xf32>,
        %mul3A_643 = arith.mulf %get3A_642, %get3A_249 : vector<16xf32>
        %add3A_644 = arith.addf %add3A_639, %mul3A_643 : vector<16xf32>
        %get3A_645 = arith.index_cast %add3A_630 : i32 to index
        %get3A_646 = arith.constant 48 : index
        %get3A_647 = tpu.vector_load %arg10[%get3A_645, %get3A_646] {strides = array<i32>} : memref<640x64xf32, #tpu.memory_space<vmem>>, vector<16xf32>,
        %mul3A_648 = arith.mulf %get3A_647, %get3A_252 : vector<16xf32>
        %add3A_649 = arith.addf %add3A_644, %mul3A_648 : vector<16xf32>
        %swap3A_650 = arith.constant 240 : index
        %swap3A_651 = tpu.vector_load %arg12[%swap3A_650] {strides = array<i32>} : memref<1280xf32, #tpu.memory_space<vmem>>, vector<16xf32>,
        tpu.vector_store %arg12[%swap3A_650], %add3A_649 {strides = array<i32>} : memref<1280xf32, #tpu.memory_space<vmem>>, vector<16xf32>,
        %mul3A_652 = arith.constant 80 : i32
        %mul3A_653 = arith.muli %scan3A_234, %mul3A_652 : i32
        %add3A_654 = arith.constant 16 : i32
        %add3A_655 = arith.addi %mul3A_653, %add3A_654 : i32
        %get3A_656 = arith.index_cast %add3A_655 : i32 to index
        %get3A_657 = arith.constant 0 : index
        %get3A_658 = tpu.vector_load %arg10[%get3A_656, %get3A_657] {strides = array<i32>} : memref<640x64xf32, #tpu.memory_space<vmem>>, vector<16xf32>,
        %mul3A_659 = arith.mulf %get3A_658, %get3A_243 : vector<16xf32>
        %get3A_660 = arith.index_cast %add3A_655 : i32 to index
        %get3A_661 = arith.constant 16 : index
        %get3A_662 = tpu.vector_load %arg10[%get3A_660, %get3A_661] {strides = array<i32>} : memref<640x64xf32, #tpu.memory_space<vmem>>, vector<16xf32>,
        %mul3A_663 = arith.mulf %get3A_662, %get3A_246 : vector<16xf32>
        %add3A_664 = arith.addf %mul3A_659, %mul3A_663 : vector<16xf32>
        %get3A_665 = arith.index_cast %add3A_655 : i32 to index
        %get3A_666 = arith.constant 32 : index
        %get3A_667 = tpu.vector_load %arg10[%get3A_665, %get3A_666] {strides = array<i32>} : memref<640x64xf32, #tpu.memory_space<vmem>>, vector<16xf32>,
        %mul3A_668 = arith.mulf %get3A_667, %get3A_249 : vector<16xf32>
        %add3A_669 = arith.addf %add3A_664, %mul3A_668 : vector<16xf32>
        %get3A_670 = arith.index_cast %add3A_655 : i32 to index
        %get3A_671 = arith.constant 48 : index
        %get3A_672 = tpu.vector_load %arg10[%get3A_670, %get3A_671] {strides = array<i32>} : memref<640x64xf32, #tpu.memory_space<vmem>>, vector<16xf32>,
        %mul3A_673 = arith.mulf %get3A_672, %get3A_252 : vector<16xf32>
        %add3A_674 = arith.addf %add3A_669, %mul3A_673 : vector<16xf32>
        %swap3A_675 = arith.constant 256 : index
        %swap3A_676 = tpu.vector_load %arg12[%swap3A_675] {strides = array<i32>} : memref<1280xf32, #tpu.memory_space<vmem>>, vector<16xf32>,
        tpu.vector_store %arg12[%swap3A_675], %add3A_674 {strides = array<i32>} : memref<1280xf32, #tpu.memory_space<vmem>>, vector<16xf32>,
        %mul3A_677 = arith.constant 80 : i32
        %mul3A_678 = arith.muli %scan3A_234, %mul3A_677 : i32
        %add3A_679 = arith.constant 17 : i32
        %add3A_680 = arith.addi %mul3A_678, %add3A_679 : i32
        %get3A_681 = arith.index_cast %add3A_680 : i32 to index
        %get3A_682 = arith.constant 0 : index
        %get3A_683 = tpu.vector_load %arg10[%get3A_681, %get3A_682] {strides = array<i32>} : memref<640x64xf32, #tpu.memory_space<vmem>>, vector<16xf32>,
        %mul3A_684 = arith.mulf %get3A_683, %get3A_243 : vector<16xf32>
        %get3A_685 = arith.index_cast %add3A_680 : i32 to index
        %get3A_686 = arith.constant 16 : index
        %get3A_687 = tpu.vector_load %arg10[%get3A_685, %get3A_686] {strides = array<i32>} : memref<640x64xf32, #tpu.memory_space<vmem>>, vector<16xf32>,
        %mul3A_688 = arith.mulf %get3A_687, %get3A_246 : vector<16xf32>
        %add3A_689 = arith.addf %mul3A_684, %mul3A_688 : vector<16xf32>
        %get3A_690 = arith.index_cast %add3A_680 : i32 to index
        %get3A_691 = arith.constant 32 : index
        %get3A_692 = tpu.vector_load %arg10[%get3A_690, %get3A_691] {strides = array<i32>} : memref<640x64xf32, #tpu.memory_space<vmem>>, vector<16xf32>,
        %mul3A_693 = arith.mulf %get3A_692, %get3A_249 : vector<16xf32>
        %add3A_694 = arith.addf %add3A_689, %mul3A_693 : vector<16xf32>
        %get3A_695 = arith.index_cast %add3A_680 : i32 to index
        %get3A_696 = arith.constant 48 : index
        %get3A_697 = tpu.vector_load %arg10[%get3A_695, %get3A_696] {strides = array<i32>} : memref<640x64xf32, #tpu.memory_space<vmem>>, vector<16xf32>,
        %mul3A_698 = arith.mulf %get3A_697, %get3A_252 : vector<16xf32>
        %add3A_699 = arith.addf %add3A_694, %mul3A_698 : vector<16xf32>
        %swap3A_700 = arith.constant 272 : index
        %swap3A_701 = tpu.vector_load %arg12[%swap3A_700] {strides = array<i32>} : memref<1280xf32, #tpu.memory_space<vmem>>, vector<16xf32>,
        tpu.vector_store %arg12[%swap3A_700], %add3A_699 {strides = array<i32>} : memref<1280xf32, #tpu.memory_space<vmem>>, vector<16xf32>,
        %mul3A_702 = arith.constant 80 : i32
        %mul3A_703 = arith.muli %scan3A_234, %mul3A_702 : i32
        %add3A_704 = arith.constant 18 : i32
        %add3A_705 = arith.addi %mul3A_703, %add3A_704 : i32
        %get3A_706 = arith.index_cast %add3A_705 : i32 to index
        %get3A_707 = arith.constant 0 : index
        %get3A_708 = tpu.vector_load %arg10[%get3A_706, %get3A_707] {strides = array<i32>} : memref<640x64xf32, #tpu.memory_space<vmem>>, vector<16xf32>,
        %mul3A_709 = arith.mulf %get3A_708, %get3A_243 : vector<16xf32>
        %get3A_710 = arith.index_cast %add3A_705 : i32 to index
        %get3A_711 = arith.constant 16 : index
        %get3A_712 = tpu.vector_load %arg10[%get3A_710, %get3A_711] {strides = array<i32>} : memref<640x64xf32, #tpu.memory_space<vmem>>, vector<16xf32>,
        %mul3A_713 = arith.mulf %get3A_712, %get3A_246 : vector<16xf32>
        %add3A_714 = arith.addf %mul3A_709, %mul3A_713 : vector<16xf32>
        %get3A_715 = arith.index_cast %add3A_705 : i32 to index
        %get3A_716 = arith.constant 32 : index
        %get3A_717 = tpu.vector_load %arg10[%get3A_715, %get3A_716] {strides = array<i32>} : memref<640x64xf32, #tpu.memory_space<vmem>>, vector<16xf32>,
        %mul3A_718 = arith.mulf %get3A_717, %get3A_249 : vector<16xf32>
        %add3A_719 = arith.addf %add3A_714, %mul3A_718 : vector<16xf32>
        %get3A_720 = arith.index_cast %add3A_705 : i32 to index
        %get3A_721 = arith.constant 48 : index
        %get3A_722 = tpu.vector_load %arg10[%get3A_720, %get3A_721] {strides = array<i32>} : memref<640x64xf32, #tpu.memory_space<vmem>>, vector<16xf32>,
        %mul3A_723 = arith.mulf %get3A_722, %get3A_252 : vector<16xf32>
        %add3A_724 = arith.addf %add3A_719, %mul3A_723 : vector<16xf32>
        %swap3A_725 = arith.constant 288 : index
        %swap3A_726 = tpu.vector_load %arg12[%swap3A_725] {strides = array<i32>} : memref<1280xf32, #tpu.memory_space<vmem>>, vector<16xf32>,
        tpu.vector_store %arg12[%swap3A_725], %add3A_724 {strides = array<i32>} : memref<1280xf32, #tpu.memory_space<vmem>>, vector<16xf32>,
        %mul3A_727 = arith.constant 80 : i32
        %mul3A_728 = arith.muli %scan3A_234, %mul3A_727 : i32
        %add3A_729 = arith.constant 19 : i32
        %add3A_730 = arith.addi %mul3A_728, %add3A_729 : i32
        %get3A_731 = arith.index_cast %add3A_730 : i32 to index
        %get3A_732 = arith.constant 0 : index
        %get3A_733 = tpu.vector_load %arg10[%get3A_731, %get3A_732] {strides = array<i32>} : memref<640x64xf32, #tpu.memory_space<vmem>>, vector<16xf32>,
        %mul3A_734 = arith.mulf %get3A_733, %get3A_243 : vector<16xf32>
        %get3A_735 = arith.index_cast %add3A_730 : i32 to index
        %get3A_736 = arith.constant 16 : index
        %get3A_737 = tpu.vector_load %arg10[%get3A_735, %get3A_736] {strides = array<i32>} : memref<640x64xf32, #tpu.memory_space<vmem>>, vector<16xf32>,
        %mul3A_738 = arith.mulf %get3A_737, %get3A_246 : vector<16xf32>
        %add3A_739 = arith.addf %mul3A_734, %mul3A_738 : vector<16xf32>
        %get3A_740 = arith.index_cast %add3A_730 : i32 to index
        %get3A_741 = arith.constant 32 : index
        %get3A_742 = tpu.vector_load %arg10[%get3A_740, %get3A_741] {strides = array<i32>} : memref<640x64xf32, #tpu.memory_space<vmem>>, vector<16xf32>,
        %mul3A_743 = arith.mulf %get3A_742, %get3A_249 : vector<16xf32>
        %add3A_744 = arith.addf %add3A_739, %mul3A_743 : vector<16xf32>
        %get3A_745 = arith.index_cast %add3A_730 : i32 to index
        %get3A_746 = arith.constant 48 : index
        %get3A_747 = tpu.vector_load %arg10[%get3A_745, %get3A_746] {strides = array<i32>} : memref<640x64xf32, #tpu.memory_space<vmem>>, vector<16xf32>,
        %mul3A_748 = arith.mulf %get3A_747, %get3A_252 : vector<16xf32>
        %add3A_749 = arith.addf %add3A_744, %mul3A_748 : vector<16xf32>
        %swap3A_750 = arith.constant 304 : index
        %swap3A_751 = tpu.vector_load %arg12[%swap3A_750] {strides = array<i32>} : memref<1280xf32, #tpu.memory_space<vmem>>, vector<16xf32>,
        tpu.vector_store %arg12[%swap3A_750], %add3A_749 {strides = array<i32>} : memref<1280xf32, #tpu.memory_space<vmem>>, vector<16xf32>,
        %mul3A_752 = arith.constant 32 : i32
        %mul3A_753 = arith.muli %scan3A_107, %mul3A_752 : i32
        %mul3A_754 = arith.constant 4 : i32
        %mul3A_755 = arith.muli %scan3A_234, %mul3A_754 : i32
        %add3A_756 = arith.addi %mul3A_753, %mul3A_755 : i32
        %add3A_757 = arith.constant 1 : i32
        %add3A_758 = arith.addi %add3A_756, %add3A_757 : i32
        %get3A_759 = arith.index_cast %add3A_758 : i32 to index
        %get3A_760 = arith.constant 0 : index
        %get3A_761 = tpu.vector_load %arg9[%get3A_759, %get3A_760] {strides = array<i32>} : memref<512x64xf32, #tpu.memory_space<vmem>>, vector<16xf32>,
        %get3A_762 = arith.index_cast %add3A_758 : i32 to index
        %get3A_763 = arith.constant 16 : index
        %get3A_764 = tpu.vector_load %arg9[%get3A_762, %get3A_763] {strides = array<i32>} : memref<512x64xf32, #tpu.memory_space<vmem>>, vector<16xf32>,
        %get3A_765 = arith.index_cast %add3A_758 : i32 to index
        %get3A_766 = arith.constant 32 : index
        %get3A_767 = tpu.vector_load %arg9[%get3A_765, %get3A_766] {strides = array<i32>} : memref<512x64xf32, #tpu.memory_space<vmem>>, vector<16xf32>,
        %get3A_768 = arith.index_cast %add3A_758 : i32 to index
        %get3A_769 = arith.constant 48 : index
        %get3A_770 = tpu.vector_load %arg9[%get3A_768, %get3A_769] {strides = array<i32>} : memref<512x64xf32, #tpu.memory_space<vmem>>, vector<16xf32>,
        %mul3A_771 = arith.constant 80 : i32
        %mul3A_772 = arith.muli %scan3A_234, %mul3A_771 : i32
        %add3A_773 = arith.constant 20 : i32
        %add3A_774 = arith.addi %mul3A_772, %add3A_773 : i32
        %get3A_775 = arith.index_cast %add3A_774 : i32 to index
        %get3A_776 = arith.constant 0 : index
        %get3A_777 = tpu.vector_load %arg10[%get3A_775, %get3A_776] {strides = array<i32>} : memref<640x64xf32, #tpu.memory_space<vmem>>, vector<16xf32>,
        %mul3A_778 = arith.mulf %get3A_777, %get3A_761 : vector<16xf32>
        %get3A_779 = arith.index_cast %add3A_774 : i32 to index
        %get3A_780 = arith.constant 16 : index
        %get3A_781 = tpu.vector_load %arg10[%get3A_779, %get3A_780] {strides = array<i32>} : memref<640x64xf32, #tpu.memory_space<vmem>>, vector<16xf32>,
        %mul3A_782 = arith.mulf %get3A_781, %get3A_764 : vector<16xf32>
        %add3A_783 = arith.addf %mul3A_778, %mul3A_782 : vector<16xf32>
        %get3A_784 = arith.index_cast %add3A_774 : i32 to index
        %get3A_785 = arith.constant 32 : index
        %get3A_786 = tpu.vector_load %arg10[%get3A_784, %get3A_785] {strides = array<i32>} : memref<640x64xf32, #tpu.memory_space<vmem>>, vector<16xf32>,
        %mul3A_787 = arith.mulf %get3A_786, %get3A_767 : vector<16xf32>
        %add3A_788 = arith.addf %add3A_783, %mul3A_787 : vector<16xf32>
        %get3A_789 = arith.index_cast %add3A_774 : i32 to index
        %get3A_790 = arith.constant 48 : index
        %get3A_791 = tpu.vector_load %arg10[%get3A_789, %get3A_790] {strides = array<i32>} : memref<640x64xf32, #tpu.memory_space<vmem>>, vector<16xf32>,
        %mul3A_792 = arith.mulf %get3A_791, %get3A_770 : vector<16xf32>
        %add3A_793 = arith.addf %add3A_788, %mul3A_792 : vector<16xf32>
        %swap3A_794 = arith.constant 320 : index
        %swap3A_795 = tpu.vector_load %arg12[%swap3A_794] {strides = array<i32>} : memref<1280xf32, #tpu.memory_space<vmem>>, vector<16xf32>,
        tpu.vector_store %arg12[%swap3A_794], %add3A_793 {strides = array<i32>} : memref<1280xf32, #tpu.memory_space<vmem>>, vector<16xf32>,
        %mul3A_796 = arith.constant 80 : i32
        %mul3A_797 = arith.muli %scan3A_234, %mul3A_796 : i32
        %add3A_798 = arith.constant 21 : i32
        %add3A_799 = arith.addi %mul3A_797, %add3A_798 : i32
        %get3A_800 = arith.index_cast %add3A_799 : i32 to index
        %get3A_801 = arith.constant 0 : index
        %get3A_802 = tpu.vector_load %arg10[%get3A_800, %get3A_801] {strides = array<i32>} : memref<640x64xf32, #tpu.memory_space<vmem>>, vector<16xf32>,
        %mul3A_803 = arith.mulf %get3A_802, %get3A_761 : vector<16xf32>
        %get3A_804 = arith.index_cast %add3A_799 : i32 to index
        %get3A_805 = arith.constant 16 : index
        %get3A_806 = tpu.vector_load %arg10[%get3A_804, %get3A_805] {strides = array<i32>} : memref<640x64xf32, #tpu.memory_space<vmem>>, vector<16xf32>,
        %mul3A_807 = arith.mulf %get3A_806, %get3A_764 : vector<16xf32>
        %add3A_808 = arith.addf %mul3A_803, %mul3A_807 : vector<16xf32>
        %get3A_809 = arith.index_cast %add3A_799 : i32 to index
        %get3A_810 = arith.constant 32 : index
        %get3A_811 = tpu.vector_load %arg10[%get3A_809, %get3A_810] {strides = array<i32>} : memref<640x64xf32, #tpu.memory_space<vmem>>, vector<16xf32>,
        %mul3A_812 = arith.mulf %get3A_811, %get3A_767 : vector<16xf32>
        %add3A_813 = arith.addf %add3A_808, %mul3A_812 : vector<16xf32>
        %get3A_814 = arith.index_cast %add3A_799 : i32 to index
        %get3A_815 = arith.constant 48 : index
        %get3A_816 = tpu.vector_load %arg10[%get3A_814, %get3A_815] {strides = array<i32>} : memref<640x64xf32, #tpu.memory_space<vmem>>, vector<16xf32>,
        %mul3A_817 = arith.mulf %get3A_816, %get3A_770 : vector<16xf32>
        %add3A_818 = arith.addf %add3A_813, %mul3A_817 : vector<16xf32>
        %swap3A_819 = arith.constant 336 : index
        %swap3A_820 = tpu.vector_load %arg12[%swap3A_819] {strides = array<i32>} : memref<1280xf32, #tpu.memory_space<vmem>>, vector<16xf32>,
        tpu.vector_store %arg12[%swap3A_819], %add3A_818 {strides = array<i32>} : memref<1280xf32, #tpu.memory_space<vmem>>, vector<16xf32>,
        %mul3A_821 = arith.constant 80 : i32
        %mul3A_822 = arith.muli %scan3A_234, %mul3A_821 : i32
        %add3A_823 = arith.constant 22 : i32
        %add3A_824 = arith.addi %mul3A_822, %add3A_823 : i32
        %get3A_825 = arith.index_cast %add3A_824 : i32 to index
        %get3A_826 = arith.constant 0 : index
        %get3A_827 = tpu.vector_load %arg10[%get3A_825, %get3A_826] {strides = array<i32>} : memref<640x64xf32, #tpu.memory_space<vmem>>, vector<16xf32>,
        %mul3A_828 = arith.mulf %get3A_827, %get3A_761 : vector<16xf32>
        %get3A_829 = arith.index_cast %add3A_824 : i32 to index
        %get3A_830 = arith.constant 16 : index
        %get3A_831 = tpu.vector_load %arg10[%get3A_829, %get3A_830] {strides = array<i32>} : memref<640x64xf32, #tpu.memory_space<vmem>>, vector<16xf32>,
        %mul3A_832 = arith.mulf %get3A_831, %get3A_764 : vector<16xf32>
        %add3A_833 = arith.addf %mul3A_828, %mul3A_832 : vector<16xf32>
        %get3A_834 = arith.index_cast %add3A_824 : i32 to index
        %get3A_835 = arith.constant 32 : index
        %get3A_836 = tpu.vector_load %arg10[%get3A_834, %get3A_835] {strides = array<i32>} : memref<640x64xf32, #tpu.memory_space<vmem>>, vector<16xf32>,
        %mul3A_837 = arith.mulf %get3A_836, %get3A_767 : vector<16xf32>
        %add3A_838 = arith.addf %add3A_833, %mul3A_837 : vector<16xf32>
        %get3A_839 = arith.index_cast %add3A_824 : i32 to index
        %get3A_840 = arith.constant 48 : index
        %get3A_841 = tpu.vector_load %arg10[%get3A_839, %get3A_840] {strides = array<i32>} : memref<640x64xf32, #tpu.memory_space<vmem>>, vector<16xf32>,
        %mul3A_842 = arith.mulf %get3A_841, %get3A_770 : vector<16xf32>
        %add3A_843 = arith.addf %add3A_838, %mul3A_842 : vector<16xf32>
        %swap3A_844 = arith.constant 352 : index
        %swap3A_845 = tpu.vector_load %arg12[%swap3A_844] {strides = array<i32>} : memref<1280xf32, #tpu.memory_space<vmem>>, vector<16xf32>,
        tpu.vector_store %arg12[%swap3A_844], %add3A_843 {strides = array<i32>} : memref<1280xf32, #tpu.memory_space<vmem>>, vector<16xf32>,
        %mul3A_846 = arith.constant 80 : i32
        %mul3A_847 = arith.muli %scan3A_234, %mul3A_846 : i32
        %add3A_848 = arith.constant 23 : i32
        %add3A_849 = arith.addi %mul3A_847, %add3A_848 : i32
        %get3A_850 = arith.index_cast %add3A_849 : i32 to index
        %get3A_851 = arith.constant 0 : index
        %get3A_852 = tpu.vector_load %arg10[%get3A_850, %get3A_851] {strides = array<i32>} : memref<640x64xf32, #tpu.memory_space<vmem>>, vector<16xf32>,
        %mul3A_853 = arith.mulf %get3A_852, %get3A_761 : vector<16xf32>
        %get3A_854 = arith.index_cast %add3A_849 : i32 to index
        %get3A_855 = arith.constant 16 : index
        %get3A_856 = tpu.vector_load %arg10[%get3A_854, %get3A_855] {strides = array<i32>} : memref<640x64xf32, #tpu.memory_space<vmem>>, vector<16xf32>,
        %mul3A_857 = arith.mulf %get3A_856, %get3A_764 : vector<16xf32>
        %add3A_858 = arith.addf %mul3A_853, %mul3A_857 : vector<16xf32>
        %get3A_859 = arith.index_cast %add3A_849 : i32 to index
        %get3A_860 = arith.constant 32 : index
        %get3A_861 = tpu.vector_load %arg10[%get3A_859, %get3A_860] {strides = array<i32>} : memref<640x64xf32, #tpu.memory_space<vmem>>, vector<16xf32>,
        %mul3A_862 = arith.mulf %get3A_861, %get3A_767 : vector<16xf32>
        %add3A_863 = arith.addf %add3A_858, %mul3A_862 : vector<16xf32>
        %get3A_864 = arith.index_cast %add3A_849 : i32 to index
        %get3A_865 = arith.constant 48 : index
        %get3A_866 = tpu.vector_load %arg10[%get3A_864, %get3A_865] {strides = array<i32>} : memref<640x64xf32, #tpu.memory_space<vmem>>, vector<16xf32>,
        %mul3A_867 = arith.mulf %get3A_866, %get3A_770 : vector<16xf32>
        %add3A_868 = arith.addf %add3A_863, %mul3A_867 : vector<16xf32>
        %swap3A_869 = arith.constant 368 : index
        %swap3A_870 = tpu.vector_load %arg12[%swap3A_869] {strides = array<i32>} : memref<1280xf32, #tpu.memory_space<vmem>>, vector<16xf32>,
        tpu.vector_store %arg12[%swap3A_869], %add3A_868 {strides = array<i32>} : memref<1280xf32, #tpu.memory_space<vmem>>, vector<16xf32>,
        %mul3A_871 = arith.constant 80 : i32
        %mul3A_872 = arith.muli %scan3A_234, %mul3A_871 : i32
        %add3A_873 = arith.constant 24 : i32
        %add3A_874 = arith.addi %mul3A_872, %add3A_873 : i32
        %get3A_875 = arith.index_cast %add3A_874 : i32 to index
        %get3A_876 = arith.constant 0 : index
        %get3A_877 = tpu.vector_load %arg10[%get3A_875, %get3A_876] {strides = array<i32>} : memref<640x64xf32, #tpu.memory_space<vmem>>, vector<16xf32>,
        %mul3A_878 = arith.mulf %get3A_877, %get3A_761 : vector<16xf32>
        %get3A_879 = arith.index_cast %add3A_874 : i32 to index
        %get3A_880 = arith.constant 16 : index
        %get3A_881 = tpu.vector_load %arg10[%get3A_879, %get3A_880] {strides = array<i32>} : memref<640x64xf32, #tpu.memory_space<vmem>>, vector<16xf32>,
        %mul3A_882 = arith.mulf %get3A_881, %get3A_764 : vector<16xf32>
        %add3A_883 = arith.addf %mul3A_878, %mul3A_882 : vector<16xf32>
        %get3A_884 = arith.index_cast %add3A_874 : i32 to index
        %get3A_885 = arith.constant 32 : index
        %get3A_886 = tpu.vector_load %arg10[%get3A_884, %get3A_885] {strides = array<i32>} : memref<640x64xf32, #tpu.memory_space<vmem>>, vector<16xf32>,
        %mul3A_887 = arith.mulf %get3A_886, %get3A_767 : vector<16xf32>
        %add3A_888 = arith.addf %add3A_883, %mul3A_887 : vector<16xf32>
        %get3A_889 = arith.index_cast %add3A_874 : i32 to index
        %get3A_890 = arith.constant 48 : index
        %get3A_891 = tpu.vector_load %arg10[%get3A_889, %get3A_890] {strides = array<i32>} : memref<640x64xf32, #tpu.memory_space<vmem>>, vector<16xf32>,
        %mul3A_892 = arith.mulf %get3A_891, %get3A_770 : vector<16xf32>
        %add3A_893 = arith.addf %add3A_888, %mul3A_892 : vector<16xf32>
        %swap3A_894 = arith.constant 384 : index
        %swap3A_895 = tpu.vector_load %arg12[%swap3A_894] {strides = array<i32>} : memref<1280xf32, #tpu.memory_space<vmem>>, vector<16xf32>,
        tpu.vector_store %arg12[%swap3A_894], %add3A_893 {strides = array<i32>} : memref<1280xf32, #tpu.memory_space<vmem>>, vector<16xf32>,
        %mul3A_896 = arith.constant 80 : i32
        %mul3A_897 = arith.muli %scan3A_234, %mul3A_896 : i32
        %add3A_898 = arith.constant 25 : i32
        %add3A_899 = arith.addi %mul3A_897, %add3A_898 : i32
        %get3A_900 = arith.index_cast %add3A_899 : i32 to index
        %get3A_901 = arith.constant 0 : index
        %get3A_902 = tpu.vector_load %arg10[%get3A_900, %get3A_901] {strides = array<i32>} : memref<640x64xf32, #tpu.memory_space<vmem>>, vector<16xf32>,
        %mul3A_903 = arith.mulf %get3A_902, %get3A_761 : vector<16xf32>
        %get3A_904 = arith.index_cast %add3A_899 : i32 to index
        %get3A_905 = arith.constant 16 : index
        %get3A_906 = tpu.vector_load %arg10[%get3A_904, %get3A_905] {strides = array<i32>} : memref<640x64xf32, #tpu.memory_space<vmem>>, vector<16xf32>,
        %mul3A_907 = arith.mulf %get3A_906, %get3A_764 : vector<16xf32>
        %add3A_908 = arith.addf %mul3A_903, %mul3A_907 : vector<16xf32>
        %get3A_909 = arith.index_cast %add3A_899 : i32 to index
        %get3A_910 = arith.constant 32 : index
        %get3A_911 = tpu.vector_load %arg10[%get3A_909, %get3A_910] {strides = array<i32>} : memref<640x64xf32, #tpu.memory_space<vmem>>, vector<16xf32>,
        %mul3A_912 = arith.mulf %get3A_911, %get3A_767 : vector<16xf32>
        %add3A_913 = arith.addf %add3A_908, %mul3A_912 : vector<16xf32>
        %get3A_914 = arith.index_cast %add3A_899 : i32 to index
        %get3A_915 = arith.constant 48 : index
        %get3A_916 = tpu.vector_load %arg10[%get3A_914, %get3A_915] {strides = array<i32>} : memref<640x64xf32, #tpu.memory_space<vmem>>, vector<16xf32>,
        %mul3A_917 = arith.mulf %get3A_916, %get3A_770 : vector<16xf32>
        %add3A_918 = arith.addf %add3A_913, %mul3A_917 : vector<16xf32>
        %swap3A_919 = arith.constant 400 : index
        %swap3A_920 = tpu.vector_load %arg12[%swap3A_919] {strides = array<i32>} : memref<1280xf32, #tpu.memory_space<vmem>>, vector<16xf32>,
        tpu.vector_store %arg12[%swap3A_919], %add3A_918 {strides = array<i32>} : memref<1280xf32, #tpu.memory_space<vmem>>, vector<16xf32>,
        %mul3A_921 = arith.constant 80 : i32
        %mul3A_922 = arith.muli %scan3A_234, %mul3A_921 : i32
        %add3A_923 = arith.constant 26 : i32
        %add3A_924 = arith.addi %mul3A_922, %add3A_923 : i32
        %get3A_925 = arith.index_cast %add3A_924 : i32 to index
        %get3A_926 = arith.constant 0 : index
        %get3A_927 = tpu.vector_load %arg10[%get3A_925, %get3A_926] {strides = array<i32>} : memref<640x64xf32, #tpu.memory_space<vmem>>, vector<16xf32>,
        %mul3A_928 = arith.mulf %get3A_927, %get3A_761 : vector<16xf32>
        %get3A_929 = arith.index_cast %add3A_924 : i32 to index
        %get3A_930 = arith.constant 16 : index
        %get3A_931 = tpu.vector_load %arg10[%get3A_929, %get3A_930] {strides = array<i32>} : memref<640x64xf32, #tpu.memory_space<vmem>>, vector<16xf32>,
        %mul3A_932 = arith.mulf %get3A_931, %get3A_764 : vector<16xf32>
        %add3A_933 = arith.addf %mul3A_928, %mul3A_932 : vector<16xf32>
        %get3A_934 = arith.index_cast %add3A_924 : i32 to index
        %get3A_935 = arith.constant 32 : index
        %get3A_936 = tpu.vector_load %arg10[%get3A_934, %get3A_935] {strides = array<i32>} : memref<640x64xf32, #tpu.memory_space<vmem>>, vector<16xf32>,
        %mul3A_937 = arith.mulf %get3A_936, %get3A_767 : vector<16xf32>
        %add3A_938 = arith.addf %add3A_933, %mul3A_937 : vector<16xf32>
        %get3A_939 = arith.index_cast %add3A_924 : i32 to index
        %get3A_940 = arith.constant 48 : index
        %get3A_941 = tpu.vector_load %arg10[%get3A_939, %get3A_940] {strides = array<i32>} : memref<640x64xf32, #tpu.memory_space<vmem>>, vector<16xf32>,
        %mul3A_942 = arith.mulf %get3A_941, %get3A_770 : vector<16xf32>
        %add3A_943 = arith.addf %add3A_938, %mul3A_942 : vector<16xf32>
        %swap3A_944 = arith.constant 416 : index
        %swap3A_945 = tpu.vector_load %arg12[%swap3A_944] {strides = array<i32>} : memref<1280xf32, #tpu.memory_space<vmem>>, vector<16xf32>,
        tpu.vector_store %arg12[%swap3A_944], %add3A_943 {strides = array<i32>} : memref<1280xf32, #tpu.memory_space<vmem>>, vector<16xf32>,
        %mul3A_946 = arith.constant 80 : i32
        %mul3A_947 = arith.muli %scan3A_234, %mul3A_946 : i32
        %add3A_948 = arith.constant 27 : i32
        %add3A_949 = arith.addi %mul3A_947, %add3A_948 : i32
        %get3A_950 = arith.index_cast %add3A_949 : i32 to index
        %get3A_951 = arith.constant 0 : index
        %get3A_952 = tpu.vector_load %arg10[%get3A_950, %get3A_951] {strides = array<i32>} : memref<640x64xf32, #tpu.memory_space<vmem>>, vector<16xf32>,
        %mul3A_953 = arith.mulf %get3A_952, %get3A_761 : vector<16xf32>
        %get3A_954 = arith.index_cast %add3A_949 : i32 to index
        %get3A_955 = arith.constant 16 : index
        %get3A_956 = tpu.vector_load %arg10[%get3A_954, %get3A_955] {strides = array<i32>} : memref<640x64xf32, #tpu.memory_space<vmem>>, vector<16xf32>,
        %mul3A_957 = arith.mulf %get3A_956, %get3A_764 : vector<16xf32>
        %add3A_958 = arith.addf %mul3A_953, %mul3A_957 : vector<16xf32>
        %get3A_959 = arith.index_cast %add3A_949 : i32 to index
        %get3A_960 = arith.constant 32 : index
        %get3A_961 = tpu.vector_load %arg10[%get3A_959, %get3A_960] {strides = array<i32>} : memref<640x64xf32, #tpu.memory_space<vmem>>, vector<16xf32>,
        %mul3A_962 = arith.mulf %get3A_961, %get3A_767 : vector<16xf32>
        %add3A_963 = arith.addf %add3A_958, %mul3A_962 : vector<16xf32>
        %get3A_964 = arith.index_cast %add3A_949 : i32 to index
        %get3A_965 = arith.constant 48 : index
        %get3A_966 = tpu.vector_load %arg10[%get3A_964, %get3A_965] {strides = array<i32>} : memref<640x64xf32, #tpu.memory_space<vmem>>, vector<16xf32>,
        %mul3A_967 = arith.mulf %get3A_966, %get3A_770 : vector<16xf32>
        %add3A_968 = arith.addf %add3A_963, %mul3A_967 : vector<16xf32>
        %swap3A_969 = arith.constant 432 : index
        %swap3A_970 = tpu.vector_load %arg12[%swap3A_969] {strides = array<i32>} : memref<1280xf32, #tpu.memory_space<vmem>>, vector<16xf32>,
        tpu.vector_store %arg12[%swap3A_969], %add3A_968 {strides = array<i32>} : memref<1280xf32, #tpu.memory_space<vmem>>, vector<16xf32>,
        %mul3A_971 = arith.constant 80 : i32
        %mul3A_972 = arith.muli %scan3A_234, %mul3A_971 : i32
        %add3A_973 = arith.constant 28 : i32
        %add3A_974 = arith.addi %mul3A_972, %add3A_973 : i32
        %get3A_975 = arith.index_cast %add3A_974 : i32 to index
        %get3A_976 = arith.constant 0 : index
        %get3A_977 = tpu.vector_load %arg10[%get3A_975, %get3A_976] {strides = array<i32>} : memref<640x64xf32, #tpu.memory_space<vmem>>, vector<16xf32>,
        %mul3A_978 = arith.mulf %get3A_977, %get3A_761 : vector<16xf32>
        %get3A_979 = arith.index_cast %add3A_974 : i32 to index
        %get3A_980 = arith.constant 16 : index
        %get3A_981 = tpu.vector_load %arg10[%get3A_979, %get3A_980] {strides = array<i32>} : memref<640x64xf32, #tpu.memory_space<vmem>>, vector<16xf32>,
        %mul3A_982 = arith.mulf %get3A_981, %get3A_764 : vector<16xf32>
        %add3A_983 = arith.addf %mul3A_978, %mul3A_982 : vector<16xf32>
        %get3A_984 = arith.index_cast %add3A_974 : i32 to index
        %get3A_985 = arith.constant 32 : index
        %get3A_986 = tpu.vector_load %arg10[%get3A_984, %get3A_985] {strides = array<i32>} : memref<640x64xf32, #tpu.memory_space<vmem>>, vector<16xf32>,
        %mul3A_987 = arith.mulf %get3A_986, %get3A_767 : vector<16xf32>
        %add3A_988 = arith.addf %add3A_983, %mul3A_987 : vector<16xf32>
        %get3A_989 = arith.index_cast %add3A_974 : i32 to index
        %get3A_990 = arith.constant 48 : index
        %get3A_991 = tpu.vector_load %arg10[%get3A_989, %get3A_990] {strides = array<i32>} : memref<640x64xf32, #tpu.memory_space<vmem>>, vector<16xf32>,
        %mul3A_992 = arith.mulf %get3A_991, %get3A_770 : vector<16xf32>
        %add3A_993 = arith.addf %add3A_988, %mul3A_992 : vector<16xf32>
        %swap3A_994 = arith.constant 448 : index
        %swap3A_995 = tpu.vector_load %arg12[%swap3A_994] {strides = array<i32>} : memref<1280xf32, #tpu.memory_space<vmem>>, vector<16xf32>,
        tpu.vector_store %arg12[%swap3A_994], %add3A_993 {strides = array<i32>} : memref<1280xf32, #tpu.memory_space<vmem>>, vector<16xf32>,
        %mul3A_996 = arith.constant 80 : i32
        %mul3A_997 = arith.muli %scan3A_234, %mul3A_996 : i32
        %add3A_998 = arith.constant 29 : i32
        %add3A_999 = arith.addi %mul3A_997, %add3A_998 : i32
        %get3A_1000 = arith.index_cast %add3A_999 : i32 to index
        %get3A_1001 = arith.constant 0 : index
        %get3A_1002 = tpu.vector_load %arg10[%get3A_1000, %get3A_1001] {strides = array<i32>} : memref<640x64xf32, #tpu.memory_space<vmem>>, vector<16xf32>,
        %mul3A_1003 = arith.mulf %get3A_1002, %get3A_761 : vector<16xf32>
        %get3A_1004 = arith.index_cast %add3A_999 : i32 to index
        %get3A_1005 = arith.constant 16 : index
        %get3A_1006 = tpu.vector_load %arg10[%get3A_1004, %get3A_1005] {strides = array<i32>} : memref<640x64xf32, #tpu.memory_space<vmem>>, vector<16xf32>,
        %mul3A_1007 = arith.mulf %get3A_1006, %get3A_764 : vector<16xf32>
        %add3A_1008 = arith.addf %mul3A_1003, %mul3A_1007 : vector<16xf32>
        %get3A_1009 = arith.index_cast %add3A_999 : i32 to index
        %get3A_1010 = arith.constant 32 : index
        %get3A_1011 = tpu.vector_load %arg10[%get3A_1009, %get3A_1010] {strides = array<i32>} : memref<640x64xf32, #tpu.memory_space<vmem>>, vector<16xf32>,
        %mul3A_1012 = arith.mulf %get3A_1011, %get3A_767 : vector<16xf32>
        %add3A_1013 = arith.addf %add3A_1008, %mul3A_1012 : vector<16xf32>
        %get3A_1014 = arith.index_cast %add3A_999 : i32 to index
        %get3A_1015 = arith.constant 48 : index
        %get3A_1016 = tpu.vector_load %arg10[%get3A_1014, %get3A_1015] {strides = array<i32>} : memref<640x64xf32, #tpu.memory_space<vmem>>, vector<16xf32>,
        %mul3A_1017 = arith.mulf %get3A_1016, %get3A_770 : vector<16xf32>
        %add3A_1018 = arith.addf %add3A_1013, %mul3A_1017 : vector<16xf32>
        %swap3A_1019 = arith.constant 464 : index
        %swap3A_1020 = tpu.vector_load %arg12[%swap3A_1019] {strides = array<i32>} : memref<1280xf32, #tpu.memory_space<vmem>>, vector<16xf32>,
        tpu.vector_store %arg12[%swap3A_1019], %add3A_1018 {strides = array<i32>} : memref<1280xf32, #tpu.memory_space<vmem>>, vector<16xf32>,
        %mul3A_1021 = arith.constant 80 : i32
        %mul3A_1022 = arith.muli %scan3A_234, %mul3A_1021 : i32
        %add3A_1023 = arith.constant 30 : i32
        %add3A_1024 = arith.addi %mul3A_1022, %add3A_1023 : i32
        %get3A_1025 = arith.index_cast %add3A_1024 : i32 to index
        %get3A_1026 = arith.constant 0 : index
        %get3A_1027 = tpu.vector_load %arg10[%get3A_1025, %get3A_1026] {strides = array<i32>} : memref<640x64xf32, #tpu.memory_space<vmem>>, vector<16xf32>,
        %mul3A_1028 = arith.mulf %get3A_1027, %get3A_761 : vector<16xf32>
        %get3A_1029 = arith.index_cast %add3A_1024 : i32 to index
        %get3A_1030 = arith.constant 16 : index
        %get3A_1031 = tpu.vector_load %arg10[%get3A_1029, %get3A_1030] {strides = array<i32>} : memref<640x64xf32, #tpu.memory_space<vmem>>, vector<16xf32>,
        %mul3A_1032 = arith.mulf %get3A_1031, %get3A_764 : vector<16xf32>
        %add3A_1033 = arith.addf %mul3A_1028, %mul3A_1032 : vector<16xf32>
        %get3A_1034 = arith.index_cast %add3A_1024 : i32 to index
        %get3A_1035 = arith.constant 32 : index
        %get3A_1036 = tpu.vector_load %arg10[%get3A_1034, %get3A_1035] {strides = array<i32>} : memref<640x64xf32, #tpu.memory_space<vmem>>, vector<16xf32>,
        %mul3A_1037 = arith.mulf %get3A_1036, %get3A_767 : vector<16xf32>
        %add3A_1038 = arith.addf %add3A_1033, %mul3A_1037 : vector<16xf32>
        %get3A_1039 = arith.index_cast %add3A_1024 : i32 to index
        %get3A_1040 = arith.constant 48 : index
        %get3A_1041 = tpu.vector_load %arg10[%get3A_1039, %get3A_1040] {strides = array<i32>} : memref<640x64xf32, #tpu.memory_space<vmem>>, vector<16xf32>,
        %mul3A_1042 = arith.mulf %get3A_1041, %get3A_770 : vector<16xf32>
        %add3A_1043 = arith.addf %add3A_1038, %mul3A_1042 : vector<16xf32>
        %swap3A_1044 = arith.constant 480 : index
        %swap3A_1045 = tpu.vector_load %arg12[%swap3A_1044] {strides = array<i32>} : memref<1280xf32, #tpu.memory_space<vmem>>, vector<16xf32>,
        tpu.vector_store %arg12[%swap3A_1044], %add3A_1043 {strides = array<i32>} : memref<1280xf32, #tpu.memory_space<vmem>>, vector<16xf32>,
        %mul3A_1046 = arith.constant 80 : i32
        %mul3A_1047 = arith.muli %scan3A_234, %mul3A_1046 : i32
        %add3A_1048 = arith.constant 31 : i32
        %add3A_1049 = arith.addi %mul3A_1047, %add3A_1048 : i32
        %get3A_1050 = arith.index_cast %add3A_1049 : i32 to index
        %get3A_1051 = arith.constant 0 : index
        %get3A_1052 = tpu.vector_load %arg10[%get3A_1050, %get3A_1051] {strides = array<i32>} : memref<640x64xf32, #tpu.memory_space<vmem>>, vector<16xf32>,
        %mul3A_1053 = arith.mulf %get3A_1052, %get3A_761 : vector<16xf32>
        %get3A_1054 = arith.index_cast %add3A_1049 : i32 to index
        %get3A_1055 = arith.constant 16 : index
        %get3A_1056 = tpu.vector_load %arg10[%get3A_1054, %get3A_1055] {strides = array<i32>} : memref<640x64xf32, #tpu.memory_space<vmem>>, vector<16xf32>,
        %mul3A_1057 = arith.mulf %get3A_1056, %get3A_764 : vector<16xf32>
        %add3A_1058 = arith.addf %mul3A_1053, %mul3A_1057 : vector<16xf32>
        %get3A_1059 = arith.index_cast %add3A_1049 : i32 to index
        %get3A_1060 = arith.constant 32 : index
        %get3A_1061 = tpu.vector_load %arg10[%get3A_1059, %get3A_1060] {strides = array<i32>} : memref<640x64xf32, #tpu.memory_space<vmem>>, vector<16xf32>,
        %mul3A_1062 = arith.mulf %get3A_1061, %get3A_767 : vector<16xf32>
        %add3A_1063 = arith.addf %add3A_1058, %mul3A_1062 : vector<16xf32>
        %get3A_1064 = arith.index_cast %add3A_1049 : i32 to index
        %get3A_1065 = arith.constant 48 : index
        %get3A_1066 = tpu.vector_load %arg10[%get3A_1064, %get3A_1065] {strides = array<i32>} : memref<640x64xf32, #tpu.memory_space<vmem>>, vector<16xf32>,
        %mul3A_1067 = arith.mulf %get3A_1066, %get3A_770 : vector<16xf32>
        %add3A_1068 = arith.addf %add3A_1063, %mul3A_1067 : vector<16xf32>
        %swap3A_1069 = arith.constant 496 : index
        %swap3A_1070 = tpu.vector_load %arg12[%swap3A_1069] {strides = array<i32>} : memref<1280xf32, #tpu.memory_space<vmem>>, vector<16xf32>,
        tpu.vector_store %arg12[%swap3A_1069], %add3A_1068 {strides = array<i32>} : memref<1280xf32, #tpu.memory_space<vmem>>, vector<16xf32>,
        %mul3A_1071 = arith.constant 80 : i32
        %mul3A_1072 = arith.muli %scan3A_234, %mul3A_1071 : i32
        %add3A_1073 = arith.constant 32 : i32
        %add3A_1074 = arith.addi %mul3A_1072, %add3A_1073 : i32
        %get3A_1075 = arith.index_cast %add3A_1074 : i32 to index
        %get3A_1076 = arith.constant 0 : index
        %get3A_1077 = tpu.vector_load %arg10[%get3A_1075, %get3A_1076] {strides = array<i32>} : memref<640x64xf32, #tpu.memory_space<vmem>>, vector<16xf32>,
        %mul3A_1078 = arith.mulf %get3A_1077, %get3A_761 : vector<16xf32>
        %get3A_1079 = arith.index_cast %add3A_1074 : i32 to index
        %get3A_1080 = arith.constant 16 : index
        %get3A_1081 = tpu.vector_load %arg10[%get3A_1079, %get3A_1080] {strides = array<i32>} : memref<640x64xf32, #tpu.memory_space<vmem>>, vector<16xf32>,
        %mul3A_1082 = arith.mulf %get3A_1081, %get3A_764 : vector<16xf32>
        %add3A_1083 = arith.addf %mul3A_1078, %mul3A_1082 : vector<16xf32>
        %get3A_1084 = arith.index_cast %add3A_1074 : i32 to index
        %get3A_1085 = arith.constant 32 : index
        %get3A_1086 = tpu.vector_load %arg10[%get3A_1084, %get3A_1085] {strides = array<i32>} : memref<640x64xf32, #tpu.memory_space<vmem>>, vector<16xf32>,
        %mul3A_1087 = arith.mulf %get3A_1086, %get3A_767 : vector<16xf32>
        %add3A_1088 = arith.addf %add3A_1083, %mul3A_1087 : vector<16xf32>
        %get3A_1089 = arith.index_cast %add3A_1074 : i32 to index
        %get3A_1090 = arith.constant 48 : index
        %get3A_1091 = tpu.vector_load %arg10[%get3A_1089, %get3A_1090] {strides = array<i32>} : memref<640x64xf32, #tpu.memory_space<vmem>>, vector<16xf32>,
        %mul3A_1092 = arith.mulf %get3A_1091, %get3A_770 : vector<16xf32>
        %add3A_1093 = arith.addf %add3A_1088, %mul3A_1092 : vector<16xf32>
        %swap3A_1094 = arith.constant 512 : index
        %swap3A_1095 = tpu.vector_load %arg12[%swap3A_1094] {strides = array<i32>} : memref<1280xf32, #tpu.memory_space<vmem>>, vector<16xf32>,
        tpu.vector_store %arg12[%swap3A_1094], %add3A_1093 {strides = array<i32>} : memref<1280xf32, #tpu.memory_space<vmem>>, vector<16xf32>,
        %mul3A_1096 = arith.constant 80 : i32
        %mul3A_1097 = arith.muli %scan3A_234, %mul3A_1096 : i32
        %add3A_1098 = arith.constant 33 : i32
        %add3A_1099 = arith.addi %mul3A_1097, %add3A_1098 : i32
        %get3A_1100 = arith.index_cast %add3A_1099 : i32 to index
        %get3A_1101 = arith.constant 0 : index
        %get3A_1102 = tpu.vector_load %arg10[%get3A_1100, %get3A_1101] {strides = array<i32>} : memref<640x64xf32, #tpu.memory_space<vmem>>, vector<16xf32>,
        %mul3A_1103 = arith.mulf %get3A_1102, %get3A_761 : vector<16xf32>
        %get3A_1104 = arith.index_cast %add3A_1099 : i32 to index
        %get3A_1105 = arith.constant 16 : index
        %get3A_1106 = tpu.vector_load %arg10[%get3A_1104, %get3A_1105] {strides = array<i32>} : memref<640x64xf32, #tpu.memory_space<vmem>>, vector<16xf32>,
        %mul3A_1107 = arith.mulf %get3A_1106, %get3A_764 : vector<16xf32>
        %add3A_1108 = arith.addf %mul3A_1103, %mul3A_1107 : vector<16xf32>
        %get3A_1109 = arith.index_cast %add3A_1099 : i32 to index
        %get3A_1110 = arith.constant 32 : index
        %get3A_1111 = tpu.vector_load %arg10[%get3A_1109, %get3A_1110] {strides = array<i32>} : memref<640x64xf32, #tpu.memory_space<vmem>>, vector<16xf32>,
        %mul3A_1112 = arith.mulf %get3A_1111, %get3A_767 : vector<16xf32>
        %add3A_1113 = arith.addf %add3A_1108, %mul3A_1112 : vector<16xf32>
        %get3A_1114 = arith.index_cast %add3A_1099 : i32 to index
        %get3A_1115 = arith.constant 48 : index
        %get3A_1116 = tpu.vector_load %arg10[%get3A_1114, %get3A_1115] {strides = array<i32>} : memref<640x64xf32, #tpu.memory_space<vmem>>, vector<16xf32>,
        %mul3A_1117 = arith.mulf %get3A_1116, %get3A_770 : vector<16xf32>
        %add3A_1118 = arith.addf %add3A_1113, %mul3A_1117 : vector<16xf32>
        %swap3A_1119 = arith.constant 528 : index
        %swap3A_1120 = tpu.vector_load %arg12[%swap3A_1119] {strides = array<i32>} : memref<1280xf32, #tpu.memory_space<vmem>>, vector<16xf32>,
        tpu.vector_store %arg12[%swap3A_1119], %add3A_1118 {strides = array<i32>} : memref<1280xf32, #tpu.memory_space<vmem>>, vector<16xf32>,
        %mul3A_1121 = arith.constant 80 : i32
        %mul3A_1122 = arith.muli %scan3A_234, %mul3A_1121 : i32
        %add3A_1123 = arith.constant 34 : i32
        %add3A_1124 = arith.addi %mul3A_1122, %add3A_1123 : i32
        %get3A_1125 = arith.index_cast %add3A_1124 : i32 to index
        %get3A_1126 = arith.constant 0 : index
        %get3A_1127 = tpu.vector_load %arg10[%get3A_1125, %get3A_1126] {strides = array<i32>} : memref<640x64xf32, #tpu.memory_space<vmem>>, vector<16xf32>,
        %mul3A_1128 = arith.mulf %get3A_1127, %get3A_761 : vector<16xf32>
        %get3A_1129 = arith.index_cast %add3A_1124 : i32 to index
        %get3A_1130 = arith.constant 16 : index
        %get3A_1131 = tpu.vector_load %arg10[%get3A_1129, %get3A_1130] {strides = array<i32>} : memref<640x64xf32, #tpu.memory_space<vmem>>, vector<16xf32>,
        %mul3A_1132 = arith.mulf %get3A_1131, %get3A_764 : vector<16xf32>
        %add3A_1133 = arith.addf %mul3A_1128, %mul3A_1132 : vector<16xf32>
        %get3A_1134 = arith.index_cast %add3A_1124 : i32 to index
        %get3A_1135 = arith.constant 32 : index
        %get3A_1136 = tpu.vector_load %arg10[%get3A_1134, %get3A_1135] {strides = array<i32>} : memref<640x64xf32, #tpu.memory_space<vmem>>, vector<16xf32>,
        %mul3A_1137 = arith.mulf %get3A_1136, %get3A_767 : vector<16xf32>
        %add3A_1138 = arith.addf %add3A_1133, %mul3A_1137 : vector<16xf32>
        %get3A_1139 = arith.index_cast %add3A_1124 : i32 to index
        %get3A_1140 = arith.constant 48 : index
        %get3A_1141 = tpu.vector_load %arg10[%get3A_1139, %get3A_1140] {strides = array<i32>} : memref<640x64xf32, #tpu.memory_space<vmem>>, vector<16xf32>,
        %mul3A_1142 = arith.mulf %get3A_1141, %get3A_770 : vector<16xf32>
        %add3A_1143 = arith.addf %add3A_1138, %mul3A_1142 : vector<16xf32>
        %swap3A_1144 = arith.constant 544 : index
        %swap3A_1145 = tpu.vector_load %arg12[%swap3A_1144] {strides = array<i32>} : memref<1280xf32, #tpu.memory_space<vmem>>, vector<16xf32>,
        tpu.vector_store %arg12[%swap3A_1144], %add3A_1143 {strides = array<i32>} : memref<1280xf32, #tpu.memory_space<vmem>>, vector<16xf32>,
        %mul3A_1146 = arith.constant 80 : i32
        %mul3A_1147 = arith.muli %scan3A_234, %mul3A_1146 : i32
        %add3A_1148 = arith.constant 35 : i32
        %add3A_1149 = arith.addi %mul3A_1147, %add3A_1148 : i32
        %get3A_1150 = arith.index_cast %add3A_1149 : i32 to index
        %get3A_1151 = arith.constant 0 : index
        %get3A_1152 = tpu.vector_load %arg10[%get3A_1150, %get3A_1151] {strides = array<i32>} : memref<640x64xf32, #tpu.memory_space<vmem>>, vector<16xf32>,
        %mul3A_1153 = arith.mulf %get3A_1152, %get3A_761 : vector<16xf32>
        %get3A_1154 = arith.index_cast %add3A_1149 : i32 to index
        %get3A_1155 = arith.constant 16 : index
        %get3A_1156 = tpu.vector_load %arg10[%get3A_1154, %get3A_1155] {strides = array<i32>} : memref<640x64xf32, #tpu.memory_space<vmem>>, vector<16xf32>,
        %mul3A_1157 = arith.mulf %get3A_1156, %get3A_764 : vector<16xf32>
        %add3A_1158 = arith.addf %mul3A_1153, %mul3A_1157 : vector<16xf32>
        %get3A_1159 = arith.index_cast %add3A_1149 : i32 to index
        %get3A_1160 = arith.constant 32 : index
        %get3A_1161 = tpu.vector_load %arg10[%get3A_1159, %get3A_1160] {strides = array<i32>} : memref<640x64xf32, #tpu.memory_space<vmem>>, vector<16xf32>,
        %mul3A_1162 = arith.mulf %get3A_1161, %get3A_767 : vector<16xf32>
        %add3A_1163 = arith.addf %add3A_1158, %mul3A_1162 : vector<16xf32>
        %get3A_1164 = arith.index_cast %add3A_1149 : i32 to index
        %get3A_1165 = arith.constant 48 : index
        %get3A_1166 = tpu.vector_load %arg10[%get3A_1164, %get3A_1165] {strides = array<i32>} : memref<640x64xf32, #tpu.memory_space<vmem>>, vector<16xf32>,
        %mul3A_1167 = arith.mulf %get3A_1166, %get3A_770 : vector<16xf32>
        %add3A_1168 = arith.addf %add3A_1163, %mul3A_1167 : vector<16xf32>
        %swap3A_1169 = arith.constant 560 : index
        %swap3A_1170 = tpu.vector_load %arg12[%swap3A_1169] {strides = array<i32>} : memref<1280xf32, #tpu.memory_space<vmem>>, vector<16xf32>,
        tpu.vector_store %arg12[%swap3A_1169], %add3A_1168 {strides = array<i32>} : memref<1280xf32, #tpu.memory_space<vmem>>, vector<16xf32>,
        %mul3A_1171 = arith.constant 80 : i32
        %mul3A_1172 = arith.muli %scan3A_234, %mul3A_1171 : i32
        %add3A_1173 = arith.constant 36 : i32
        %add3A_1174 = arith.addi %mul3A_1172, %add3A_1173 : i32
        %get3A_1175 = arith.index_cast %add3A_1174 : i32 to index
        %get3A_1176 = arith.constant 0 : index
        %get3A_1177 = tpu.vector_load %arg10[%get3A_1175, %get3A_1176] {strides = array<i32>} : memref<640x64xf32, #tpu.memory_space<vmem>>, vector<16xf32>,
        %mul3A_1178 = arith.mulf %get3A_1177, %get3A_761 : vector<16xf32>
        %get3A_1179 = arith.index_cast %add3A_1174 : i32 to index
        %get3A_1180 = arith.constant 16 : index
        %get3A_1181 = tpu.vector_load %arg10[%get3A_1179, %get3A_1180] {strides = array<i32>} : memref<640x64xf32, #tpu.memory_space<vmem>>, vector<16xf32>,
        %mul3A_1182 = arith.mulf %get3A_1181, %get3A_764 : vector<16xf32>
        %add3A_1183 = arith.addf %mul3A_1178, %mul3A_1182 : vector<16xf32>
        %get3A_1184 = arith.index_cast %add3A_1174 : i32 to index
        %get3A_1185 = arith.constant 32 : index
        %get3A_1186 = tpu.vector_load %arg10[%get3A_1184, %get3A_1185] {strides = array<i32>} : memref<640x64xf32, #tpu.memory_space<vmem>>, vector<16xf32>,
        %mul3A_1187 = arith.mulf %get3A_1186, %get3A_767 : vector<16xf32>
        %add3A_1188 = arith.addf %add3A_1183, %mul3A_1187 : vector<16xf32>
        %get3A_1189 = arith.index_cast %add3A_1174 : i32 to index
        %get3A_1190 = arith.constant 48 : index
        %get3A_1191 = tpu.vector_load %arg10[%get3A_1189, %get3A_1190] {strides = array<i32>} : memref<640x64xf32, #tpu.memory_space<vmem>>, vector<16xf32>,
        %mul3A_1192 = arith.mulf %get3A_1191, %get3A_770 : vector<16xf32>
        %add3A_1193 = arith.addf %add3A_1188, %mul3A_1192 : vector<16xf32>
        %swap3A_1194 = arith.constant 576 : index
        %swap3A_1195 = tpu.vector_load %arg12[%swap3A_1194] {strides = array<i32>} : memref<1280xf32, #tpu.memory_space<vmem>>, vector<16xf32>,
        tpu.vector_store %arg12[%swap3A_1194], %add3A_1193 {strides = array<i32>} : memref<1280xf32, #tpu.memory_space<vmem>>, vector<16xf32>,
        %mul3A_1196 = arith.constant 80 : i32
        %mul3A_1197 = arith.muli %scan3A_234, %mul3A_1196 : i32
        %add3A_1198 = arith.constant 37 : i32
        %add3A_1199 = arith.addi %mul3A_1197, %add3A_1198 : i32
        %get3A_1200 = arith.index_cast %add3A_1199 : i32 to index
        %get3A_1201 = arith.constant 0 : index
        %get3A_1202 = tpu.vector_load %arg10[%get3A_1200, %get3A_1201] {strides = array<i32>} : memref<640x64xf32, #tpu.memory_space<vmem>>, vector<16xf32>,
        %mul3A_1203 = arith.mulf %get3A_1202, %get3A_761 : vector<16xf32>
        %get3A_1204 = arith.index_cast %add3A_1199 : i32 to index
        %get3A_1205 = arith.constant 16 : index
        %get3A_1206 = tpu.vector_load %arg10[%get3A_1204, %get3A_1205] {strides = array<i32>} : memref<640x64xf32, #tpu.memory_space<vmem>>, vector<16xf32>,
        %mul3A_1207 = arith.mulf %get3A_1206, %get3A_764 : vector<16xf32>
        %add3A_1208 = arith.addf %mul3A_1203, %mul3A_1207 : vector<16xf32>
        %get3A_1209 = arith.index_cast %add3A_1199 : i32 to index
        %get3A_1210 = arith.constant 32 : index
        %get3A_1211 = tpu.vector_load %arg10[%get3A_1209, %get3A_1210] {strides = array<i32>} : memref<640x64xf32, #tpu.memory_space<vmem>>, vector<16xf32>,
        %mul3A_1212 = arith.mulf %get3A_1211, %get3A_767 : vector<16xf32>
        %add3A_1213 = arith.addf %add3A_1208, %mul3A_1212 : vector<16xf32>
        %get3A_1214 = arith.index_cast %add3A_1199 : i32 to index
        %get3A_1215 = arith.constant 48 : index
        %get3A_1216 = tpu.vector_load %arg10[%get3A_1214, %get3A_1215] {strides = array<i32>} : memref<640x64xf32, #tpu.memory_space<vmem>>, vector<16xf32>,
        %mul3A_1217 = arith.mulf %get3A_1216, %get3A_770 : vector<16xf32>
        %add3A_1218 = arith.addf %add3A_1213, %mul3A_1217 : vector<16xf32>
        %swap3A_1219 = arith.constant 592 : index
        %swap3A_1220 = tpu.vector_load %arg12[%swap3A_1219] {strides = array<i32>} : memref<1280xf32, #tpu.memory_space<vmem>>, vector<16xf32>,
        tpu.vector_store %arg12[%swap3A_1219], %add3A_1218 {strides = array<i32>} : memref<1280xf32, #tpu.memory_space<vmem>>, vector<16xf32>,
        %mul3A_1221 = arith.constant 80 : i32
        %mul3A_1222 = arith.muli %scan3A_234, %mul3A_1221 : i32
        %add3A_1223 = arith.constant 38 : i32
        %add3A_1224 = arith.addi %mul3A_1222, %add3A_1223 : i32
        %get3A_1225 = arith.index_cast %add3A_1224 : i32 to index
        %get3A_1226 = arith.constant 0 : index
        %get3A_1227 = tpu.vector_load %arg10[%get3A_1225, %get3A_1226] {strides = array<i32>} : memref<640x64xf32, #tpu.memory_space<vmem>>, vector<16xf32>,
        %mul3A_1228 = arith.mulf %get3A_1227, %get3A_761 : vector<16xf32>
        %get3A_1229 = arith.index_cast %add3A_1224 : i32 to index
        %get3A_1230 = arith.constant 16 : index
        %get3A_1231 = tpu.vector_load %arg10[%get3A_1229, %get3A_1230] {strides = array<i32>} : memref<640x64xf32, #tpu.memory_space<vmem>>, vector<16xf32>,
        %mul3A_1232 = arith.mulf %get3A_1231, %get3A_764 : vector<16xf32>
        %add3A_1233 = arith.addf %mul3A_1228, %mul3A_1232 : vector<16xf32>
        %get3A_1234 = arith.index_cast %add3A_1224 : i32 to index
        %get3A_1235 = arith.constant 32 : index
        %get3A_1236 = tpu.vector_load %arg10[%get3A_1234, %get3A_1235] {strides = array<i32>} : memref<640x64xf32, #tpu.memory_space<vmem>>, vector<16xf32>,
        %mul3A_1237 = arith.mulf %get3A_1236, %get3A_767 : vector<16xf32>
        %add3A_1238 = arith.addf %add3A_1233, %mul3A_1237 : vector<16xf32>
        %get3A_1239 = arith.index_cast %add3A_1224 : i32 to index
        %get3A_1240 = arith.constant 48 : index
        %get3A_1241 = tpu.vector_load %arg10[%get3A_1239, %get3A_1240] {strides = array<i32>} : memref<640x64xf32, #tpu.memory_space<vmem>>, vector<16xf32>,
        %mul3A_1242 = arith.mulf %get3A_1241, %get3A_770 : vector<16xf32>
        %add3A_1243 = arith.addf %add3A_1238, %mul3A_1242 : vector<16xf32>
        %swap3A_1244 = arith.constant 608 : index
        %swap3A_1245 = tpu.vector_load %arg12[%swap3A_1244] {strides = array<i32>} : memref<1280xf32, #tpu.memory_space<vmem>>, vector<16xf32>,
        tpu.vector_store %arg12[%swap3A_1244], %add3A_1243 {strides = array<i32>} : memref<1280xf32, #tpu.memory_space<vmem>>, vector<16xf32>,
        %mul3A_1246 = arith.constant 80 : i32
        %mul3A_1247 = arith.muli %scan3A_234, %mul3A_1246 : i32
        %add3A_1248 = arith.constant 39 : i32
        %add3A_1249 = arith.addi %mul3A_1247, %add3A_1248 : i32
        %get3A_1250 = arith.index_cast %add3A_1249 : i32 to index
        %get3A_1251 = arith.constant 0 : index
        %get3A_1252 = tpu.vector_load %arg10[%get3A_1250, %get3A_1251] {strides = array<i32>} : memref<640x64xf32, #tpu.memory_space<vmem>>, vector<16xf32>,
        %mul3A_1253 = arith.mulf %get3A_1252, %get3A_761 : vector<16xf32>
        %get3A_1254 = arith.index_cast %add3A_1249 : i32 to index
        %get3A_1255 = arith.constant 16 : index
        %get3A_1256 = tpu.vector_load %arg10[%get3A_1254, %get3A_1255] {strides = array<i32>} : memref<640x64xf32, #tpu.memory_space<vmem>>, vector<16xf32>,
        %mul3A_1257 = arith.mulf %get3A_1256, %get3A_764 : vector<16xf32>
        %add3A_1258 = arith.addf %mul3A_1253, %mul3A_1257 : vector<16xf32>
        %get3A_1259 = arith.index_cast %add3A_1249 : i32 to index
        %get3A_1260 = arith.constant 32 : index
        %get3A_1261 = tpu.vector_load %arg10[%get3A_1259, %get3A_1260] {strides = array<i32>} : memref<640x64xf32, #tpu.memory_space<vmem>>, vector<16xf32>,
        %mul3A_1262 = arith.mulf %get3A_1261, %get3A_767 : vector<16xf32>
        %add3A_1263 = arith.addf %add3A_1258, %mul3A_1262 : vector<16xf32>
        %get3A_1264 = arith.index_cast %add3A_1249 : i32 to index
        %get3A_1265 = arith.constant 48 : index
        %get3A_1266 = tpu.vector_load %arg10[%get3A_1264, %get3A_1265] {strides = array<i32>} : memref<640x64xf32, #tpu.memory_space<vmem>>, vector<16xf32>,
        %mul3A_1267 = arith.mulf %get3A_1266, %get3A_770 : vector<16xf32>
        %add3A_1268 = arith.addf %add3A_1263, %mul3A_1267 : vector<16xf32>
        %swap3A_1269 = arith.constant 624 : index
        %swap3A_1270 = tpu.vector_load %arg12[%swap3A_1269] {strides = array<i32>} : memref<1280xf32, #tpu.memory_space<vmem>>, vector<16xf32>,
        tpu.vector_store %arg12[%swap3A_1269], %add3A_1268 {strides = array<i32>} : memref<1280xf32, #tpu.memory_space<vmem>>, vector<16xf32>,
        %mul3A_1271 = arith.constant 32 : i32
        %mul3A_1272 = arith.muli %scan3A_107, %mul3A_1271 : i32
        %mul3A_1273 = arith.constant 4 : i32
        %mul3A_1274 = arith.muli %scan3A_234, %mul3A_1273 : i32
        %add3A_1275 = arith.addi %mul3A_1272, %mul3A_1274 : i32
        %add3A_1276 = arith.constant 2 : i32
        %add3A_1277 = arith.addi %add3A_1275, %add3A_1276 : i32
        %get3A_1278 = arith.index_cast %add3A_1277 : i32 to index
        %get3A_1279 = arith.constant 0 : index
        %get3A_1280 = tpu.vector_load %arg9[%get3A_1278, %get3A_1279] {strides = array<i32>} : memref<512x64xf32, #tpu.memory_space<vmem>>, vector<16xf32>,
        %get3A_1281 = arith.index_cast %add3A_1277 : i32 to index
        %get3A_1282 = arith.constant 16 : index
        %get3A_1283 = tpu.vector_load %arg9[%get3A_1281, %get3A_1282] {strides = array<i32>} : memref<512x64xf32, #tpu.memory_space<vmem>>, vector<16xf32>,
        %get3A_1284 = arith.index_cast %add3A_1277 : i32 to index
        %get3A_1285 = arith.constant 32 : index
        %get3A_1286 = tpu.vector_load %arg9[%get3A_1284, %get3A_1285] {strides = array<i32>} : memref<512x64xf32, #tpu.memory_space<vmem>>, vector<16xf32>,
        %get3A_1287 = arith.index_cast %add3A_1277 : i32 to index
        %get3A_1288 = arith.constant 48 : index
        %get3A_1289 = tpu.vector_load %arg9[%get3A_1287, %get3A_1288] {strides = array<i32>} : memref<512x64xf32, #tpu.memory_space<vmem>>, vector<16xf32>,
        %mul3A_1290 = arith.constant 80 : i32
        %mul3A_1291 = arith.muli %scan3A_234, %mul3A_1290 : i32
        %add3A_1292 = arith.constant 40 : i32
        %add3A_1293 = arith.addi %mul3A_1291, %add3A_1292 : i32
        %get3A_1294 = arith.index_cast %add3A_1293 : i32 to index
        %get3A_1295 = arith.constant 0 : index
        %get3A_1296 = tpu.vector_load %arg10[%get3A_1294, %get3A_1295] {strides = array<i32>} : memref<640x64xf32, #tpu.memory_space<vmem>>, vector<16xf32>,
        %mul3A_1297 = arith.mulf %get3A_1296, %get3A_1280 : vector<16xf32>
        %get3A_1298 = arith.index_cast %add3A_1293 : i32 to index
        %get3A_1299 = arith.constant 16 : index
        %get3A_1300 = tpu.vector_load %arg10[%get3A_1298, %get3A_1299] {strides = array<i32>} : memref<640x64xf32, #tpu.memory_space<vmem>>, vector<16xf32>,
        %mul3A_1301 = arith.mulf %get3A_1300, %get3A_1283 : vector<16xf32>
        %add3A_1302 = arith.addf %mul3A_1297, %mul3A_1301 : vector<16xf32>
        %get3A_1303 = arith.index_cast %add3A_1293 : i32 to index
        %get3A_1304 = arith.constant 32 : index
        %get3A_1305 = tpu.vector_load %arg10[%get3A_1303, %get3A_1304] {strides = array<i32>} : memref<640x64xf32, #tpu.memory_space<vmem>>, vector<16xf32>,
        %mul3A_1306 = arith.mulf %get3A_1305, %get3A_1286 : vector<16xf32>
        %add3A_1307 = arith.addf %add3A_1302, %mul3A_1306 : vector<16xf32>
        %get3A_1308 = arith.index_cast %add3A_1293 : i32 to index
        %get3A_1309 = arith.constant 48 : index
        %get3A_1310 = tpu.vector_load %arg10[%get3A_1308, %get3A_1309] {strides = array<i32>} : memref<640x64xf32, #tpu.memory_space<vmem>>, vector<16xf32>,
        %mul3A_1311 = arith.mulf %get3A_1310, %get3A_1289 : vector<16xf32>
        %add3A_1312 = arith.addf %add3A_1307, %mul3A_1311 : vector<16xf32>
        %swap3A_1313 = arith.constant 640 : index
        %swap3A_1314 = tpu.vector_load %arg12[%swap3A_1313] {strides = array<i32>} : memref<1280xf32, #tpu.memory_space<vmem>>, vector<16xf32>,
        tpu.vector_store %arg12[%swap3A_1313], %add3A_1312 {strides = array<i32>} : memref<1280xf32, #tpu.memory_space<vmem>>, vector<16xf32>,
        %mul3A_1315 = arith.constant 80 : i32
        %mul3A_1316 = arith.muli %scan3A_234, %mul3A_1315 : i32
        %add3A_1317 = arith.constant 41 : i32
        %add3A_1318 = arith.addi %mul3A_1316, %add3A_1317 : i32
        %get3A_1319 = arith.index_cast %add3A_1318 : i32 to index
        %get3A_1320 = arith.constant 0 : index
        %get3A_1321 = tpu.vector_load %arg10[%get3A_1319, %get3A_1320] {strides = array<i32>} : memref<640x64xf32, #tpu.memory_space<vmem>>, vector<16xf32>,
        %mul3A_1322 = arith.mulf %get3A_1321, %get3A_1280 : vector<16xf32>
        %get3A_1323 = arith.index_cast %add3A_1318 : i32 to index
        %get3A_1324 = arith.constant 16 : index
        %get3A_1325 = tpu.vector_load %arg10[%get3A_1323, %get3A_1324] {strides = array<i32>} : memref<640x64xf32, #tpu.memory_space<vmem>>, vector<16xf32>,
        %mul3A_1326 = arith.mulf %get3A_1325, %get3A_1283 : vector<16xf32>
        %add3A_1327 = arith.addf %mul3A_1322, %mul3A_1326 : vector<16xf32>
        %get3A_1328 = arith.index_cast %add3A_1318 : i32 to index
        %get3A_1329 = arith.constant 32 : index
        %get3A_1330 = tpu.vector_load %arg10[%get3A_1328, %get3A_1329] {strides = array<i32>} : memref<640x64xf32, #tpu.memory_space<vmem>>, vector<16xf32>,
        %mul3A_1331 = arith.mulf %get3A_1330, %get3A_1286 : vector<16xf32>
        %add3A_1332 = arith.addf %add3A_1327, %mul3A_1331 : vector<16xf32>
        %get3A_1333 = arith.index_cast %add3A_1318 : i32 to index
        %get3A_1334 = arith.constant 48 : index
        %get3A_1335 = tpu.vector_load %arg10[%get3A_1333, %get3A_1334] {strides = array<i32>} : memref<640x64xf32, #tpu.memory_space<vmem>>, vector<16xf32>,
        %mul3A_1336 = arith.mulf %get3A_1335, %get3A_1289 : vector<16xf32>
        %add3A_1337 = arith.addf %add3A_1332, %mul3A_1336 : vector<16xf32>
        %swap3A_1338 = arith.constant 656 : index
        %swap3A_1339 = tpu.vector_load %arg12[%swap3A_1338] {strides = array<i32>} : memref<1280xf32, #tpu.memory_space<vmem>>, vector<16xf32>,
        tpu.vector_store %arg12[%swap3A_1338], %add3A_1337 {strides = array<i32>} : memref<1280xf32, #tpu.memory_space<vmem>>, vector<16xf32>,
        %mul3A_1340 = arith.constant 80 : i32
        %mul3A_1341 = arith.muli %scan3A_234, %mul3A_1340 : i32
        %add3A_1342 = arith.constant 42 : i32
        %add3A_1343 = arith.addi %mul3A_1341, %add3A_1342 : i32
        %get3A_1344 = arith.index_cast %add3A_1343 : i32 to index
        %get3A_1345 = arith.constant 0 : index
        %get3A_1346 = tpu.vector_load %arg10[%get3A_1344, %get3A_1345] {strides = array<i32>} : memref<640x64xf32, #tpu.memory_space<vmem>>, vector<16xf32>,
        %mul3A_1347 = arith.mulf %get3A_1346, %get3A_1280 : vector<16xf32>
        %get3A_1348 = arith.index_cast %add3A_1343 : i32 to index
        %get3A_1349 = arith.constant 16 : index
        %get3A_1350 = tpu.vector_load %arg10[%get3A_1348, %get3A_1349] {strides = array<i32>} : memref<640x64xf32, #tpu.memory_space<vmem>>, vector<16xf32>,
        %mul3A_1351 = arith.mulf %get3A_1350, %get3A_1283 : vector<16xf32>
        %add3A_1352 = arith.addf %mul3A_1347, %mul3A_1351 : vector<16xf32>
        %get3A_1353 = arith.index_cast %add3A_1343 : i32 to index
        %get3A_1354 = arith.constant 32 : index
        %get3A_1355 = tpu.vector_load %arg10[%get3A_1353, %get3A_1354] {strides = array<i32>} : memref<640x64xf32, #tpu.memory_space<vmem>>, vector<16xf32>,
        %mul3A_1356 = arith.mulf %get3A_1355, %get3A_1286 : vector<16xf32>
        %add3A_1357 = arith.addf %add3A_1352, %mul3A_1356 : vector<16xf32>
        %get3A_1358 = arith.index_cast %add3A_1343 : i32 to index
        %get3A_1359 = arith.constant 48 : index
        %get3A_1360 = tpu.vector_load %arg10[%get3A_1358, %get3A_1359] {strides = array<i32>} : memref<640x64xf32, #tpu.memory_space<vmem>>, vector<16xf32>,
        %mul3A_1361 = arith.mulf %get3A_1360, %get3A_1289 : vector<16xf32>
        %add3A_1362 = arith.addf %add3A_1357, %mul3A_1361 : vector<16xf32>
        %swap3A_1363 = arith.constant 672 : index
        %swap3A_1364 = tpu.vector_load %arg12[%swap3A_1363] {strides = array<i32>} : memref<1280xf32, #tpu.memory_space<vmem>>, vector<16xf32>,
        tpu.vector_store %arg12[%swap3A_1363], %add3A_1362 {strides = array<i32>} : memref<1280xf32, #tpu.memory_space<vmem>>, vector<16xf32>,
        %mul3A_1365 = arith.constant 80 : i32
        %mul3A_1366 = arith.muli %scan3A_234, %mul3A_1365 : i32
        %add3A_1367 = arith.constant 43 : i32
        %add3A_1368 = arith.addi %mul3A_1366, %add3A_1367 : i32
        %get3A_1369 = arith.index_cast %add3A_1368 : i32 to index
        %get3A_1370 = arith.constant 0 : index
        %get3A_1371 = tpu.vector_load %arg10[%get3A_1369, %get3A_1370] {strides = array<i32>} : memref<640x64xf32, #tpu.memory_space<vmem>>, vector<16xf32>,
        %mul3A_1372 = arith.mulf %get3A_1371, %get3A_1280 : vector<16xf32>
        %get3A_1373 = arith.index_cast %add3A_1368 : i32 to index
        %get3A_1374 = arith.constant 16 : index
        %get3A_1375 = tpu.vector_load %arg10[%get3A_1373, %get3A_1374] {strides = array<i32>} : memref<640x64xf32, #tpu.memory_space<vmem>>, vector<16xf32>,
        %mul3A_1376 = arith.mulf %get3A_1375, %get3A_1283 : vector<16xf32>
        %add3A_1377 = arith.addf %mul3A_1372, %mul3A_1376 : vector<16xf32>
        %get3A_1378 = arith.index_cast %add3A_1368 : i32 to index
        %get3A_1379 = arith.constant 32 : index
        %get3A_1380 = tpu.vector_load %arg10[%get3A_1378, %get3A_1379] {strides = array<i32>} : memref<640x64xf32, #tpu.memory_space<vmem>>, vector<16xf32>,
        %mul3A_1381 = arith.mulf %get3A_1380, %get3A_1286 : vector<16xf32>
        %add3A_1382 = arith.addf %add3A_1377, %mul3A_1381 : vector<16xf32>
        %get3A_1383 = arith.index_cast %add3A_1368 : i32 to index
        %get3A_1384 = arith.constant 48 : index
        %get3A_1385 = tpu.vector_load %arg10[%get3A_1383, %get3A_1384] {strides = array<i32>} : memref<640x64xf32, #tpu.memory_space<vmem>>, vector<16xf32>,
        %mul3A_1386 = arith.mulf %get3A_1385, %get3A_1289 : vector<16xf32>
        %add3A_1387 = arith.addf %add3A_1382, %mul3A_1386 : vector<16xf32>
        %swap3A_1388 = arith.constant 688 : index
        %swap3A_1389 = tpu.vector_load %arg12[%swap3A_1388] {strides = array<i32>} : memref<1280xf32, #tpu.memory_space<vmem>>, vector<16xf32>,
        tpu.vector_store %arg12[%swap3A_1388], %add3A_1387 {strides = array<i32>} : memref<1280xf32, #tpu.memory_space<vmem>>, vector<16xf32>,
        %mul3A_1390 = arith.constant 80 : i32
        %mul3A_1391 = arith.muli %scan3A_234, %mul3A_1390 : i32
        %add3A_1392 = arith.constant 44 : i32
        %add3A_1393 = arith.addi %mul3A_1391, %add3A_1392 : i32
        %get3A_1394 = arith.index_cast %add3A_1393 : i32 to index
        %get3A_1395 = arith.constant 0 : index
        %get3A_1396 = tpu.vector_load %arg10[%get3A_1394, %get3A_1395] {strides = array<i32>} : memref<640x64xf32, #tpu.memory_space<vmem>>, vector<16xf32>,
        %mul3A_1397 = arith.mulf %get3A_1396, %get3A_1280 : vector<16xf32>
        %get3A_1398 = arith.index_cast %add3A_1393 : i32 to index
        %get3A_1399 = arith.constant 16 : index
        %get3A_1400 = tpu.vector_load %arg10[%get3A_1398, %get3A_1399] {strides = array<i32>} : memref<640x64xf32, #tpu.memory_space<vmem>>, vector<16xf32>,
        %mul3A_1401 = arith.mulf %get3A_1400, %get3A_1283 : vector<16xf32>
        %add3A_1402 = arith.addf %mul3A_1397, %mul3A_1401 : vector<16xf32>
        %get3A_1403 = arith.index_cast %add3A_1393 : i32 to index
        %get3A_1404 = arith.constant 32 : index
        %get3A_1405 = tpu.vector_load %arg10[%get3A_1403, %get3A_1404] {strides = array<i32>} : memref<640x64xf32, #tpu.memory_space<vmem>>, vector<16xf32>,
        %mul3A_1406 = arith.mulf %get3A_1405, %get3A_1286 : vector<16xf32>
        %add3A_1407 = arith.addf %add3A_1402, %mul3A_1406 : vector<16xf32>
        %get3A_1408 = arith.index_cast %add3A_1393 : i32 to index
        %get3A_1409 = arith.constant 48 : index
        %get3A_1410 = tpu.vector_load %arg10[%get3A_1408, %get3A_1409] {strides = array<i32>} : memref<640x64xf32, #tpu.memory_space<vmem>>, vector<16xf32>,
        %mul3A_1411 = arith.mulf %get3A_1410, %get3A_1289 : vector<16xf32>
        %add3A_1412 = arith.addf %add3A_1407, %mul3A_1411 : vector<16xf32>
        %swap3A_1413 = arith.constant 704 : index
        %swap3A_1414 = tpu.vector_load %arg12[%swap3A_1413] {strides = array<i32>} : memref<1280xf32, #tpu.memory_space<vmem>>, vector<16xf32>,
        tpu.vector_store %arg12[%swap3A_1413], %add3A_1412 {strides = array<i32>} : memref<1280xf32, #tpu.memory_space<vmem>>, vector<16xf32>,
        %mul3A_1415 = arith.constant 80 : i32
        %mul3A_1416 = arith.muli %scan3A_234, %mul3A_1415 : i32
        %add3A_1417 = arith.constant 45 : i32
        %add3A_1418 = arith.addi %mul3A_1416, %add3A_1417 : i32
        %get3A_1419 = arith.index_cast %add3A_1418 : i32 to index
        %get3A_1420 = arith.constant 0 : index
        %get3A_1421 = tpu.vector_load %arg10[%get3A_1419, %get3A_1420] {strides = array<i32>} : memref<640x64xf32, #tpu.memory_space<vmem>>, vector<16xf32>,
        %mul3A_1422 = arith.mulf %get3A_1421, %get3A_1280 : vector<16xf32>
        %get3A_1423 = arith.index_cast %add3A_1418 : i32 to index
        %get3A_1424 = arith.constant 16 : index
        %get3A_1425 = tpu.vector_load %arg10[%get3A_1423, %get3A_1424] {strides = array<i32>} : memref<640x64xf32, #tpu.memory_space<vmem>>, vector<16xf32>,
        %mul3A_1426 = arith.mulf %get3A_1425, %get3A_1283 : vector<16xf32>
        %add3A_1427 = arith.addf %mul3A_1422, %mul3A_1426 : vector<16xf32>
        %get3A_1428 = arith.index_cast %add3A_1418 : i32 to index
        %get3A_1429 = arith.constant 32 : index
        %get3A_1430 = tpu.vector_load %arg10[%get3A_1428, %get3A_1429] {strides = array<i32>} : memref<640x64xf32, #tpu.memory_space<vmem>>, vector<16xf32>,
        %mul3A_1431 = arith.mulf %get3A_1430, %get3A_1286 : vector<16xf32>
        %add3A_1432 = arith.addf %add3A_1427, %mul3A_1431 : vector<16xf32>
        %get3A_1433 = arith.index_cast %add3A_1418 : i32 to index
        %get3A_1434 = arith.constant 48 : index
        %get3A_1435 = tpu.vector_load %arg10[%get3A_1433, %get3A_1434] {strides = array<i32>} : memref<640x64xf32, #tpu.memory_space<vmem>>, vector<16xf32>,
        %mul3A_1436 = arith.mulf %get3A_1435, %get3A_1289 : vector<16xf32>
        %add3A_1437 = arith.addf %add3A_1432, %mul3A_1436 : vector<16xf32>
        %swap3A_1438 = arith.constant 720 : index
        %swap3A_1439 = tpu.vector_load %arg12[%swap3A_1438] {strides = array<i32>} : memref<1280xf32, #tpu.memory_space<vmem>>, vector<16xf32>,
        tpu.vector_store %arg12[%swap3A_1438], %add3A_1437 {strides = array<i32>} : memref<1280xf32, #tpu.memory_space<vmem>>, vector<16xf32>,
        %mul3A_1440 = arith.constant 80 : i32
        %mul3A_1441 = arith.muli %scan3A_234, %mul3A_1440 : i32
        %add3A_1442 = arith.constant 46 : i32
        %add3A_1443 = arith.addi %mul3A_1441, %add3A_1442 : i32
        %get3A_1444 = arith.index_cast %add3A_1443 : i32 to index
        %get3A_1445 = arith.constant 0 : index
        %get3A_1446 = tpu.vector_load %arg10[%get3A_1444, %get3A_1445] {strides = array<i32>} : memref<640x64xf32, #tpu.memory_space<vmem>>, vector<16xf32>,
        %mul3A_1447 = arith.mulf %get3A_1446, %get3A_1280 : vector<16xf32>
        %get3A_1448 = arith.index_cast %add3A_1443 : i32 to index
        %get3A_1449 = arith.constant 16 : index
        %get3A_1450 = tpu.vector_load %arg10[%get3A_1448, %get3A_1449] {strides = array<i32>} : memref<640x64xf32, #tpu.memory_space<vmem>>, vector<16xf32>,
        %mul3A_1451 = arith.mulf %get3A_1450, %get3A_1283 : vector<16xf32>
        %add3A_1452 = arith.addf %mul3A_1447, %mul3A_1451 : vector<16xf32>
        %get3A_1453 = arith.index_cast %add3A_1443 : i32 to index
        %get3A_1454 = arith.constant 32 : index
        %get3A_1455 = tpu.vector_load %arg10[%get3A_1453, %get3A_1454] {strides = array<i32>} : memref<640x64xf32, #tpu.memory_space<vmem>>, vector<16xf32>,
        %mul3A_1456 = arith.mulf %get3A_1455, %get3A_1286 : vector<16xf32>
        %add3A_1457 = arith.addf %add3A_1452, %mul3A_1456 : vector<16xf32>
        %get3A_1458 = arith.index_cast %add3A_1443 : i32 to index
        %get3A_1459 = arith.constant 48 : index
        %get3A_1460 = tpu.vector_load %arg10[%get3A_1458, %get3A_1459] {strides = array<i32>} : memref<640x64xf32, #tpu.memory_space<vmem>>, vector<16xf32>,
        %mul3A_1461 = arith.mulf %get3A_1460, %get3A_1289 : vector<16xf32>
        %add3A_1462 = arith.addf %add3A_1457, %mul3A_1461 : vector<16xf32>
        %swap3A_1463 = arith.constant 736 : index
        %swap3A_1464 = tpu.vector_load %arg12[%swap3A_1463] {strides = array<i32>} : memref<1280xf32, #tpu.memory_space<vmem>>, vector<16xf32>,
        tpu.vector_store %arg12[%swap3A_1463], %add3A_1462 {strides = array<i32>} : memref<1280xf32, #tpu.memory_space<vmem>>, vector<16xf32>,
        %mul3A_1465 = arith.constant 80 : i32
        %mul3A_1466 = arith.muli %scan3A_234, %mul3A_1465 : i32
        %add3A_1467 = arith.constant 47 : i32
        %add3A_1468 = arith.addi %mul3A_1466, %add3A_1467 : i32
        %get3A_1469 = arith.index_cast %add3A_1468 : i32 to index
        %get3A_1470 = arith.constant 0 : index
        %get3A_1471 = tpu.vector_load %arg10[%get3A_1469, %get3A_1470] {strides = array<i32>} : memref<640x64xf32, #tpu.memory_space<vmem>>, vector<16xf32>,
        %mul3A_1472 = arith.mulf %get3A_1471, %get3A_1280 : vector<16xf32>
        %get3A_1473 = arith.index_cast %add3A_1468 : i32 to index
        %get3A_1474 = arith.constant 16 : index
        %get3A_1475 = tpu.vector_load %arg10[%get3A_1473, %get3A_1474] {strides = array<i32>} : memref<640x64xf32, #tpu.memory_space<vmem>>, vector<16xf32>,
        %mul3A_1476 = arith.mulf %get3A_1475, %get3A_1283 : vector<16xf32>
        %add3A_1477 = arith.addf %mul3A_1472, %mul3A_1476 : vector<16xf32>
        %get3A_1478 = arith.index_cast %add3A_1468 : i32 to index
        %get3A_1479 = arith.constant 32 : index
        %get3A_1480 = tpu.vector_load %arg10[%get3A_1478, %get3A_1479] {strides = array<i32>} : memref<640x64xf32, #tpu.memory_space<vmem>>, vector<16xf32>,
        %mul3A_1481 = arith.mulf %get3A_1480, %get3A_1286 : vector<16xf32>
        %add3A_1482 = arith.addf %add3A_1477, %mul3A_1481 : vector<16xf32>
        %get3A_1483 = arith.index_cast %add3A_1468 : i32 to index
        %get3A_1484 = arith.constant 48 : index
        %get3A_1485 = tpu.vector_load %arg10[%get3A_1483, %get3A_1484] {strides = array<i32>} : memref<640x64xf32, #tpu.memory_space<vmem>>, vector<16xf32>,
        %mul3A_1486 = arith.mulf %get3A_1485, %get3A_1289 : vector<16xf32>
        %add3A_1487 = arith.addf %add3A_1482, %mul3A_1486 : vector<16xf32>
        %swap3A_1488 = arith.constant 752 : index
        %swap3A_1489 = tpu.vector_load %arg12[%swap3A_1488] {strides = array<i32>} : memref<1280xf32, #tpu.memory_space<vmem>>, vector<16xf32>,
        tpu.vector_store %arg12[%swap3A_1488], %add3A_1487 {strides = array<i32>} : memref<1280xf32, #tpu.memory_space<vmem>>, vector<16xf32>,
        %mul3A_1490 = arith.constant 80 : i32
        %mul3A_1491 = arith.muli %scan3A_234, %mul3A_1490 : i32
        %add3A_1492 = arith.constant 48 : i32
        %add3A_1493 = arith.addi %mul3A_1491, %add3A_1492 : i32
        %get3A_1494 = arith.index_cast %add3A_1493 : i32 to index
        %get3A_1495 = arith.constant 0 : index
        %get3A_1496 = tpu.vector_load %arg10[%get3A_1494, %get3A_1495] {strides = array<i32>} : memref<640x64xf32, #tpu.memory_space<vmem>>, vector<16xf32>,
        %mul3A_1497 = arith.mulf %get3A_1496, %get3A_1280 : vector<16xf32>
        %get3A_1498 = arith.index_cast %add3A_1493 : i32 to index
        %get3A_1499 = arith.constant 16 : index
        %get3A_1500 = tpu.vector_load %arg10[%get3A_1498, %get3A_1499] {strides = array<i32>} : memref<640x64xf32, #tpu.memory_space<vmem>>, vector<16xf32>,
        %mul3A_1501 = arith.mulf %get3A_1500, %get3A_1283 : vector<16xf32>
        %add3A_1502 = arith.addf %mul3A_1497, %mul3A_1501 : vector<16xf32>
        %get3A_1503 = arith.index_cast %add3A_1493 : i32 to index
        %get3A_1504 = arith.constant 32 : index
        %get3A_1505 = tpu.vector_load %arg10[%get3A_1503, %get3A_1504] {strides = array<i32>} : memref<640x64xf32, #tpu.memory_space<vmem>>, vector<16xf32>,
        %mul3A_1506 = arith.mulf %get3A_1505, %get3A_1286 : vector<16xf32>
        %add3A_1507 = arith.addf %add3A_1502, %mul3A_1506 : vector<16xf32>
        %get3A_1508 = arith.index_cast %add3A_1493 : i32 to index
        %get3A_1509 = arith.constant 48 : index
        %get3A_1510 = tpu.vector_load %arg10[%get3A_1508, %get3A_1509] {strides = array<i32>} : memref<640x64xf32, #tpu.memory_space<vmem>>, vector<16xf32>,
        %mul3A_1511 = arith.mulf %get3A_1510, %get3A_1289 : vector<16xf32>
        %add3A_1512 = arith.addf %add3A_1507, %mul3A_1511 : vector<16xf32>
        %swap3A_1513 = arith.constant 768 : index
        %swap3A_1514 = tpu.vector_load %arg12[%swap3A_1513] {strides = array<i32>} : memref<1280xf32, #tpu.memory_space<vmem>>, vector<16xf32>,
        tpu.vector_store %arg12[%swap3A_1513], %add3A_1512 {strides = array<i32>} : memref<1280xf32, #tpu.memory_space<vmem>>, vector<16xf32>,
        %mul3A_1515 = arith.constant 80 : i32
        %mul3A_1516 = arith.muli %scan3A_234, %mul3A_1515 : i32
        %add3A_1517 = arith.constant 49 : i32
        %add3A_1518 = arith.addi %mul3A_1516, %add3A_1517 : i32
        %get3A_1519 = arith.index_cast %add3A_1518 : i32 to index
        %get3A_1520 = arith.constant 0 : index
        %get3A_1521 = tpu.vector_load %arg10[%get3A_1519, %get3A_1520] {strides = array<i32>} : memref<640x64xf32, #tpu.memory_space<vmem>>, vector<16xf32>,
        %mul3A_1522 = arith.mulf %get3A_1521, %get3A_1280 : vector<16xf32>
        %get3A_1523 = arith.index_cast %add3A_1518 : i32 to index
        %get3A_1524 = arith.constant 16 : index
        %get3A_1525 = tpu.vector_load %arg10[%get3A_1523, %get3A_1524] {strides = array<i32>} : memref<640x64xf32, #tpu.memory_space<vmem>>, vector<16xf32>,
        %mul3A_1526 = arith.mulf %get3A_1525, %get3A_1283 : vector<16xf32>
        %add3A_1527 = arith.addf %mul3A_1522, %mul3A_1526 : vector<16xf32>
        %get3A_1528 = arith.index_cast %add3A_1518 : i32 to index
        %get3A_1529 = arith.constant 32 : index
        %get3A_1530 = tpu.vector_load %arg10[%get3A_1528, %get3A_1529] {strides = array<i32>} : memref<640x64xf32, #tpu.memory_space<vmem>>, vector<16xf32>,
        %mul3A_1531 = arith.mulf %get3A_1530, %get3A_1286 : vector<16xf32>
        %add3A_1532 = arith.addf %add3A_1527, %mul3A_1531 : vector<16xf32>
        %get3A_1533 = arith.index_cast %add3A_1518 : i32 to index
        %get3A_1534 = arith.constant 48 : index
        %get3A_1535 = tpu.vector_load %arg10[%get3A_1533, %get3A_1534] {strides = array<i32>} : memref<640x64xf32, #tpu.memory_space<vmem>>, vector<16xf32>,
        %mul3A_1536 = arith.mulf %get3A_1535, %get3A_1289 : vector<16xf32>
        %add3A_1537 = arith.addf %add3A_1532, %mul3A_1536 : vector<16xf32>
        %swap3A_1538 = arith.constant 784 : index
        %swap3A_1539 = tpu.vector_load %arg12[%swap3A_1538] {strides = array<i32>} : memref<1280xf32, #tpu.memory_space<vmem>>, vector<16xf32>,
        tpu.vector_store %arg12[%swap3A_1538], %add3A_1537 {strides = array<i32>} : memref<1280xf32, #tpu.memory_space<vmem>>, vector<16xf32>,
        %mul3A_1540 = arith.constant 80 : i32
        %mul3A_1541 = arith.muli %scan3A_234, %mul3A_1540 : i32
        %add3A_1542 = arith.constant 50 : i32
        %add3A_1543 = arith.addi %mul3A_1541, %add3A_1542 : i32
        %get3A_1544 = arith.index_cast %add3A_1543 : i32 to index
        %get3A_1545 = arith.constant 0 : index
        %get3A_1546 = tpu.vector_load %arg10[%get3A_1544, %get3A_1545] {strides = array<i32>} : memref<640x64xf32, #tpu.memory_space<vmem>>, vector<16xf32>,
        %mul3A_1547 = arith.mulf %get3A_1546, %get3A_1280 : vector<16xf32>
        %get3A_1548 = arith.index_cast %add3A_1543 : i32 to index
        %get3A_1549 = arith.constant 16 : index
        %get3A_1550 = tpu.vector_load %arg10[%get3A_1548, %get3A_1549] {strides = array<i32>} : memref<640x64xf32, #tpu.memory_space<vmem>>, vector<16xf32>,
        %mul3A_1551 = arith.mulf %get3A_1550, %get3A_1283 : vector<16xf32>
        %add3A_1552 = arith.addf %mul3A_1547, %mul3A_1551 : vector<16xf32>
        %get3A_1553 = arith.index_cast %add3A_1543 : i32 to index
        %get3A_1554 = arith.constant 32 : index
        %get3A_1555 = tpu.vector_load %arg10[%get3A_1553, %get3A_1554] {strides = array<i32>} : memref<640x64xf32, #tpu.memory_space<vmem>>, vector<16xf32>,
        %mul3A_1556 = arith.mulf %get3A_1555, %get3A_1286 : vector<16xf32>
        %add3A_1557 = arith.addf %add3A_1552, %mul3A_1556 : vector<16xf32>
        %get3A_1558 = arith.index_cast %add3A_1543 : i32 to index
        %get3A_1559 = arith.constant 48 : index
        %get3A_1560 = tpu.vector_load %arg10[%get3A_1558, %get3A_1559] {strides = array<i32>} : memref<640x64xf32, #tpu.memory_space<vmem>>, vector<16xf32>,
        %mul3A_1561 = arith.mulf %get3A_1560, %get3A_1289 : vector<16xf32>
        %add3A_1562 = arith.addf %add3A_1557, %mul3A_1561 : vector<16xf32>
        %swap3A_1563 = arith.constant 800 : index
        %swap3A_1564 = tpu.vector_load %arg12[%swap3A_1563] {strides = array<i32>} : memref<1280xf32, #tpu.memory_space<vmem>>, vector<16xf32>,
        tpu.vector_store %arg12[%swap3A_1563], %add3A_1562 {strides = array<i32>} : memref<1280xf32, #tpu.memory_space<vmem>>, vector<16xf32>,
        %mul3A_1565 = arith.constant 80 : i32
        %mul3A_1566 = arith.muli %scan3A_234, %mul3A_1565 : i32
        %add3A_1567 = arith.constant 51 : i32
        %add3A_1568 = arith.addi %mul3A_1566, %add3A_1567 : i32
        %get3A_1569 = arith.index_cast %add3A_1568 : i32 to index
        %get3A_1570 = arith.constant 0 : index
        %get3A_1571 = tpu.vector_load %arg10[%get3A_1569, %get3A_1570] {strides = array<i32>} : memref<640x64xf32, #tpu.memory_space<vmem>>, vector<16xf32>,
        %mul3A_1572 = arith.mulf %get3A_1571, %get3A_1280 : vector<16xf32>
        %get3A_1573 = arith.index_cast %add3A_1568 : i32 to index
        %get3A_1574 = arith.constant 16 : index
        %get3A_1575 = tpu.vector_load %arg10[%get3A_1573, %get3A_1574] {strides = array<i32>} : memref<640x64xf32, #tpu.memory_space<vmem>>, vector<16xf32>,
        %mul3A_1576 = arith.mulf %get3A_1575, %get3A_1283 : vector<16xf32>
        %add3A_1577 = arith.addf %mul3A_1572, %mul3A_1576 : vector<16xf32>
        %get3A_1578 = arith.index_cast %add3A_1568 : i32 to index
        %get3A_1579 = arith.constant 32 : index
        %get3A_1580 = tpu.vector_load %arg10[%get3A_1578, %get3A_1579] {strides = array<i32>} : memref<640x64xf32, #tpu.memory_space<vmem>>, vector<16xf32>,
        %mul3A_1581 = arith.mulf %get3A_1580, %get3A_1286 : vector<16xf32>
        %add3A_1582 = arith.addf %add3A_1577, %mul3A_1581 : vector<16xf32>
        %get3A_1583 = arith.index_cast %add3A_1568 : i32 to index
        %get3A_1584 = arith.constant 48 : index
        %get3A_1585 = tpu.vector_load %arg10[%get3A_1583, %get3A_1584] {strides = array<i32>} : memref<640x64xf32, #tpu.memory_space<vmem>>, vector<16xf32>,
        %mul3A_1586 = arith.mulf %get3A_1585, %get3A_1289 : vector<16xf32>
        %add3A_1587 = arith.addf %add3A_1582, %mul3A_1586 : vector<16xf32>
        %swap3A_1588 = arith.constant 816 : index
        %swap3A_1589 = tpu.vector_load %arg12[%swap3A_1588] {strides = array<i32>} : memref<1280xf32, #tpu.memory_space<vmem>>, vector<16xf32>,
        tpu.vector_store %arg12[%swap3A_1588], %add3A_1587 {strides = array<i32>} : memref<1280xf32, #tpu.memory_space<vmem>>, vector<16xf32>,
        %mul3A_1590 = arith.constant 80 : i32
        %mul3A_1591 = arith.muli %scan3A_234, %mul3A_1590 : i32
        %add3A_1592 = arith.constant 52 : i32
        %add3A_1593 = arith.addi %mul3A_1591, %add3A_1592 : i32
        %get3A_1594 = arith.index_cast %add3A_1593 : i32 to index
        %get3A_1595 = arith.constant 0 : index
        %get3A_1596 = tpu.vector_load %arg10[%get3A_1594, %get3A_1595] {strides = array<i32>} : memref<640x64xf32, #tpu.memory_space<vmem>>, vector<16xf32>,
        %mul3A_1597 = arith.mulf %get3A_1596, %get3A_1280 : vector<16xf32>
        %get3A_1598 = arith.index_cast %add3A_1593 : i32 to index
        %get3A_1599 = arith.constant 16 : index
        %get3A_1600 = tpu.vector_load %arg10[%get3A_1598, %get3A_1599] {strides = array<i32>} : memref<640x64xf32, #tpu.memory_space<vmem>>, vector<16xf32>,
        %mul3A_1601 = arith.mulf %get3A_1600, %get3A_1283 : vector<16xf32>
        %add3A_1602 = arith.addf %mul3A_1597, %mul3A_1601 : vector<16xf32>
        %get3A_1603 = arith.index_cast %add3A_1593 : i32 to index
        %get3A_1604 = arith.constant 32 : index
        %get3A_1605 = tpu.vector_load %arg10[%get3A_1603, %get3A_1604] {strides = array<i32>} : memref<640x64xf32, #tpu.memory_space<vmem>>, vector<16xf32>,
        %mul3A_1606 = arith.mulf %get3A_1605, %get3A_1286 : vector<16xf32>
        %add3A_1607 = arith.addf %add3A_1602, %mul3A_1606 : vector<16xf32>
        %get3A_1608 = arith.index_cast %add3A_1593 : i32 to index
        %get3A_1609 = arith.constant 48 : index
        %get3A_1610 = tpu.vector_load %arg10[%get3A_1608, %get3A_1609] {strides = array<i32>} : memref<640x64xf32, #tpu.memory_space<vmem>>, vector<16xf32>,
        %mul3A_1611 = arith.mulf %get3A_1610, %get3A_1289 : vector<16xf32>
        %add3A_1612 = arith.addf %add3A_1607, %mul3A_1611 : vector<16xf32>
        %swap3A_1613 = arith.constant 832 : index
        %swap3A_1614 = tpu.vector_load %arg12[%swap3A_1613] {strides = array<i32>} : memref<1280xf32, #tpu.memory_space<vmem>>, vector<16xf32>,
        tpu.vector_store %arg12[%swap3A_1613], %add3A_1612 {strides = array<i32>} : memref<1280xf32, #tpu.memory_space<vmem>>, vector<16xf32>,
        %mul3A_1615 = arith.constant 80 : i32
        %mul3A_1616 = arith.muli %scan3A_234, %mul3A_1615 : i32
        %add3A_1617 = arith.constant 53 : i32
        %add3A_1618 = arith.addi %mul3A_1616, %add3A_1617 : i32
        %get3A_1619 = arith.index_cast %add3A_1618 : i32 to index
        %get3A_1620 = arith.constant 0 : index
        %get3A_1621 = tpu.vector_load %arg10[%get3A_1619, %get3A_1620] {strides = array<i32>} : memref<640x64xf32, #tpu.memory_space<vmem>>, vector<16xf32>,
        %mul3A_1622 = arith.mulf %get3A_1621, %get3A_1280 : vector<16xf32>
        %get3A_1623 = arith.index_cast %add3A_1618 : i32 to index
        %get3A_1624 = arith.constant 16 : index
        %get3A_1625 = tpu.vector_load %arg10[%get3A_1623, %get3A_1624] {strides = array<i32>} : memref<640x64xf32, #tpu.memory_space<vmem>>, vector<16xf32>,
        %mul3A_1626 = arith.mulf %get3A_1625, %get3A_1283 : vector<16xf32>
        %add3A_1627 = arith.addf %mul3A_1622, %mul3A_1626 : vector<16xf32>
        %get3A_1628 = arith.index_cast %add3A_1618 : i32 to index
        %get3A_1629 = arith.constant 32 : index
        %get3A_1630 = tpu.vector_load %arg10[%get3A_1628, %get3A_1629] {strides = array<i32>} : memref<640x64xf32, #tpu.memory_space<vmem>>, vector<16xf32>,
        %mul3A_1631 = arith.mulf %get3A_1630, %get3A_1286 : vector<16xf32>
        %add3A_1632 = arith.addf %add3A_1627, %mul3A_1631 : vector<16xf32>
        %get3A_1633 = arith.index_cast %add3A_1618 : i32 to index
        %get3A_1634 = arith.constant 48 : index
        %get3A_1635 = tpu.vector_load %arg10[%get3A_1633, %get3A_1634] {strides = array<i32>} : memref<640x64xf32, #tpu.memory_space<vmem>>, vector<16xf32>,
        %mul3A_1636 = arith.mulf %get3A_1635, %get3A_1289 : vector<16xf32>
        %add3A_1637 = arith.addf %add3A_1632, %mul3A_1636 : vector<16xf32>
        %swap3A_1638 = arith.constant 848 : index
        %swap3A_1639 = tpu.vector_load %arg12[%swap3A_1638] {strides = array<i32>} : memref<1280xf32, #tpu.memory_space<vmem>>, vector<16xf32>,
        tpu.vector_store %arg12[%swap3A_1638], %add3A_1637 {strides = array<i32>} : memref<1280xf32, #tpu.memory_space<vmem>>, vector<16xf32>,
        %mul3A_1640 = arith.constant 80 : i32
        %mul3A_1641 = arith.muli %scan3A_234, %mul3A_1640 : i32
        %add3A_1642 = arith.constant 54 : i32
        %add3A_1643 = arith.addi %mul3A_1641, %add3A_1642 : i32
        %get3A_1644 = arith.index_cast %add3A_1643 : i32 to index
        %get3A_1645 = arith.constant 0 : index
        %get3A_1646 = tpu.vector_load %arg10[%get3A_1644, %get3A_1645] {strides = array<i32>} : memref<640x64xf32, #tpu.memory_space<vmem>>, vector<16xf32>,
        %mul3A_1647 = arith.mulf %get3A_1646, %get3A_1280 : vector<16xf32>
        %get3A_1648 = arith.index_cast %add3A_1643 : i32 to index
        %get3A_1649 = arith.constant 16 : index
        %get3A_1650 = tpu.vector_load %arg10[%get3A_1648, %get3A_1649] {strides = array<i32>} : memref<640x64xf32, #tpu.memory_space<vmem>>, vector<16xf32>,
        %mul3A_1651 = arith.mulf %get3A_1650, %get3A_1283 : vector<16xf32>
        %add3A_1652 = arith.addf %mul3A_1647, %mul3A_1651 : vector<16xf32>
        %get3A_1653 = arith.index_cast %add3A_1643 : i32 to index
        %get3A_1654 = arith.constant 32 : index
        %get3A_1655 = tpu.vector_load %arg10[%get3A_1653, %get3A_1654] {strides = array<i32>} : memref<640x64xf32, #tpu.memory_space<vmem>>, vector<16xf32>,
        %mul3A_1656 = arith.mulf %get3A_1655, %get3A_1286 : vector<16xf32>
        %add3A_1657 = arith.addf %add3A_1652, %mul3A_1656 : vector<16xf32>
        %get3A_1658 = arith.index_cast %add3A_1643 : i32 to index
        %get3A_1659 = arith.constant 48 : index
        %get3A_1660 = tpu.vector_load %arg10[%get3A_1658, %get3A_1659] {strides = array<i32>} : memref<640x64xf32, #tpu.memory_space<vmem>>, vector<16xf32>,
        %mul3A_1661 = arith.mulf %get3A_1660, %get3A_1289 : vector<16xf32>
        %add3A_1662 = arith.addf %add3A_1657, %mul3A_1661 : vector<16xf32>
        %swap3A_1663 = arith.constant 864 : index
        %swap3A_1664 = tpu.vector_load %arg12[%swap3A_1663] {strides = array<i32>} : memref<1280xf32, #tpu.memory_space<vmem>>, vector<16xf32>,
        tpu.vector_store %arg12[%swap3A_1663], %add3A_1662 {strides = array<i32>} : memref<1280xf32, #tpu.memory_space<vmem>>, vector<16xf32>,
        %mul3A_1665 = arith.constant 80 : i32
        %mul3A_1666 = arith.muli %scan3A_234, %mul3A_1665 : i32
        %add3A_1667 = arith.constant 55 : i32
        %add3A_1668 = arith.addi %mul3A_1666, %add3A_1667 : i32
        %get3A_1669 = arith.index_cast %add3A_1668 : i32 to index
        %get3A_1670 = arith.constant 0 : index
        %get3A_1671 = tpu.vector_load %arg10[%get3A_1669, %get3A_1670] {strides = array<i32>} : memref<640x64xf32, #tpu.memory_space<vmem>>, vector<16xf32>,
        %mul3A_1672 = arith.mulf %get3A_1671, %get3A_1280 : vector<16xf32>
        %get3A_1673 = arith.index_cast %add3A_1668 : i32 to index
        %get3A_1674 = arith.constant 16 : index
        %get3A_1675 = tpu.vector_load %arg10[%get3A_1673, %get3A_1674] {strides = array<i32>} : memref<640x64xf32, #tpu.memory_space<vmem>>, vector<16xf32>,
        %mul3A_1676 = arith.mulf %get3A_1675, %get3A_1283 : vector<16xf32>
        %add3A_1677 = arith.addf %mul3A_1672, %mul3A_1676 : vector<16xf32>
        %get3A_1678 = arith.index_cast %add3A_1668 : i32 to index
        %get3A_1679 = arith.constant 32 : index
        %get3A_1680 = tpu.vector_load %arg10[%get3A_1678, %get3A_1679] {strides = array<i32>} : memref<640x64xf32, #tpu.memory_space<vmem>>, vector<16xf32>,
        %mul3A_1681 = arith.mulf %get3A_1680, %get3A_1286 : vector<16xf32>
        %add3A_1682 = arith.addf %add3A_1677, %mul3A_1681 : vector<16xf32>
        %get3A_1683 = arith.index_cast %add3A_1668 : i32 to index
        %get3A_1684 = arith.constant 48 : index
        %get3A_1685 = tpu.vector_load %arg10[%get3A_1683, %get3A_1684] {strides = array<i32>} : memref<640x64xf32, #tpu.memory_space<vmem>>, vector<16xf32>,
        %mul3A_1686 = arith.mulf %get3A_1685, %get3A_1289 : vector<16xf32>
        %add3A_1687 = arith.addf %add3A_1682, %mul3A_1686 : vector<16xf32>
        %swap3A_1688 = arith.constant 880 : index
        %swap3A_1689 = tpu.vector_load %arg12[%swap3A_1688] {strides = array<i32>} : memref<1280xf32, #tpu.memory_space<vmem>>, vector<16xf32>,
        tpu.vector_store %arg12[%swap3A_1688], %add3A_1687 {strides = array<i32>} : memref<1280xf32, #tpu.memory_space<vmem>>, vector<16xf32>,
        %mul3A_1690 = arith.constant 80 : i32
        %mul3A_1691 = arith.muli %scan3A_234, %mul3A_1690 : i32
        %add3A_1692 = arith.constant 56 : i32
        %add3A_1693 = arith.addi %mul3A_1691, %add3A_1692 : i32
        %get3A_1694 = arith.index_cast %add3A_1693 : i32 to index
        %get3A_1695 = arith.constant 0 : index
        %get3A_1696 = tpu.vector_load %arg10[%get3A_1694, %get3A_1695] {strides = array<i32>} : memref<640x64xf32, #tpu.memory_space<vmem>>, vector<16xf32>,
        %mul3A_1697 = arith.mulf %get3A_1696, %get3A_1280 : vector<16xf32>
        %get3A_1698 = arith.index_cast %add3A_1693 : i32 to index
        %get3A_1699 = arith.constant 16 : index
        %get3A_1700 = tpu.vector_load %arg10[%get3A_1698, %get3A_1699] {strides = array<i32>} : memref<640x64xf32, #tpu.memory_space<vmem>>, vector<16xf32>,
        %mul3A_1701 = arith.mulf %get3A_1700, %get3A_1283 : vector<16xf32>
        %add3A_1702 = arith.addf %mul3A_1697, %mul3A_1701 : vector<16xf32>
        %get3A_1703 = arith.index_cast %add3A_1693 : i32 to index
        %get3A_1704 = arith.constant 32 : index
        %get3A_1705 = tpu.vector_load %arg10[%get3A_1703, %get3A_1704] {strides = array<i32>} : memref<640x64xf32, #tpu.memory_space<vmem>>, vector<16xf32>,
        %mul3A_1706 = arith.mulf %get3A_1705, %get3A_1286 : vector<16xf32>
        %add3A_1707 = arith.addf %add3A_1702, %mul3A_1706 : vector<16xf32>
        %get3A_1708 = arith.index_cast %add3A_1693 : i32 to index
        %get3A_1709 = arith.constant 48 : index
        %get3A_1710 = tpu.vector_load %arg10[%get3A_1708, %get3A_1709] {strides = array<i32>} : memref<640x64xf32, #tpu.memory_space<vmem>>, vector<16xf32>,
        %mul3A_1711 = arith.mulf %get3A_1710, %get3A_1289 : vector<16xf32>
        %add3A_1712 = arith.addf %add3A_1707, %mul3A_1711 : vector<16xf32>
        %swap3A_1713 = arith.constant 896 : index
        %swap3A_1714 = tpu.vector_load %arg12[%swap3A_1713] {strides = array<i32>} : memref<1280xf32, #tpu.memory_space<vmem>>, vector<16xf32>,
        tpu.vector_store %arg12[%swap3A_1713], %add3A_1712 {strides = array<i32>} : memref<1280xf32, #tpu.memory_space<vmem>>, vector<16xf32>,
        %mul3A_1715 = arith.constant 80 : i32
        %mul3A_1716 = arith.muli %scan3A_234, %mul3A_1715 : i32
        %add3A_1717 = arith.constant 57 : i32
        %add3A_1718 = arith.addi %mul3A_1716, %add3A_1717 : i32
        %get3A_1719 = arith.index_cast %add3A_1718 : i32 to index
        %get3A_1720 = arith.constant 0 : index
        %get3A_1721 = tpu.vector_load %arg10[%get3A_1719, %get3A_1720] {strides = array<i32>} : memref<640x64xf32, #tpu.memory_space<vmem>>, vector<16xf32>,
        %mul3A_1722 = arith.mulf %get3A_1721, %get3A_1280 : vector<16xf32>
        %get3A_1723 = arith.index_cast %add3A_1718 : i32 to index
        %get3A_1724 = arith.constant 16 : index
        %get3A_1725 = tpu.vector_load %arg10[%get3A_1723, %get3A_1724] {strides = array<i32>} : memref<640x64xf32, #tpu.memory_space<vmem>>, vector<16xf32>,
        %mul3A_1726 = arith.mulf %get3A_1725, %get3A_1283 : vector<16xf32>
        %add3A_1727 = arith.addf %mul3A_1722, %mul3A_1726 : vector<16xf32>
        %get3A_1728 = arith.index_cast %add3A_1718 : i32 to index
        %get3A_1729 = arith.constant 32 : index
        %get3A_1730 = tpu.vector_load %arg10[%get3A_1728, %get3A_1729] {strides = array<i32>} : memref<640x64xf32, #tpu.memory_space<vmem>>, vector<16xf32>,
        %mul3A_1731 = arith.mulf %get3A_1730, %get3A_1286 : vector<16xf32>
        %add3A_1732 = arith.addf %add3A_1727, %mul3A_1731 : vector<16xf32>
        %get3A_1733 = arith.index_cast %add3A_1718 : i32 to index
        %get3A_1734 = arith.constant 48 : index
        %get3A_1735 = tpu.vector_load %arg10[%get3A_1733, %get3A_1734] {strides = array<i32>} : memref<640x64xf32, #tpu.memory_space<vmem>>, vector<16xf32>,
        %mul3A_1736 = arith.mulf %get3A_1735, %get3A_1289 : vector<16xf32>
        %add3A_1737 = arith.addf %add3A_1732, %mul3A_1736 : vector<16xf32>
        %swap3A_1738 = arith.constant 912 : index
        %swap3A_1739 = tpu.vector_load %arg12[%swap3A_1738] {strides = array<i32>} : memref<1280xf32, #tpu.memory_space<vmem>>, vector<16xf32>,
        tpu.vector_store %arg12[%swap3A_1738], %add3A_1737 {strides = array<i32>} : memref<1280xf32, #tpu.memory_space<vmem>>, vector<16xf32>,
        %mul3A_1740 = arith.constant 80 : i32
        %mul3A_1741 = arith.muli %scan3A_234, %mul3A_1740 : i32
        %add3A_1742 = arith.constant 58 : i32
        %add3A_1743 = arith.addi %mul3A_1741, %add3A_1742 : i32
        %get3A_1744 = arith.index_cast %add3A_1743 : i32 to index
        %get3A_1745 = arith.constant 0 : index
        %get3A_1746 = tpu.vector_load %arg10[%get3A_1744, %get3A_1745] {strides = array<i32>} : memref<640x64xf32, #tpu.memory_space<vmem>>, vector<16xf32>,
        %mul3A_1747 = arith.mulf %get3A_1746, %get3A_1280 : vector<16xf32>
        %get3A_1748 = arith.index_cast %add3A_1743 : i32 to index
        %get3A_1749 = arith.constant 16 : index
        %get3A_1750 = tpu.vector_load %arg10[%get3A_1748, %get3A_1749] {strides = array<i32>} : memref<640x64xf32, #tpu.memory_space<vmem>>, vector<16xf32>,
        %mul3A_1751 = arith.mulf %get3A_1750, %get3A_1283 : vector<16xf32>
        %add3A_1752 = arith.addf %mul3A_1747, %mul3A_1751 : vector<16xf32>
        %get3A_1753 = arith.index_cast %add3A_1743 : i32 to index
        %get3A_1754 = arith.constant 32 : index
        %get3A_1755 = tpu.vector_load %arg10[%get3A_1753, %get3A_1754] {strides = array<i32>} : memref<640x64xf32, #tpu.memory_space<vmem>>, vector<16xf32>,
        %mul3A_1756 = arith.mulf %get3A_1755, %get3A_1286 : vector<16xf32>
        %add3A_1757 = arith.addf %add3A_1752, %mul3A_1756 : vector<16xf32>
        %get3A_1758 = arith.index_cast %add3A_1743 : i32 to index
        %get3A_1759 = arith.constant 48 : index
        %get3A_1760 = tpu.vector_load %arg10[%get3A_1758, %get3A_1759] {strides = array<i32>} : memref<640x64xf32, #tpu.memory_space<vmem>>, vector<16xf32>,
        %mul3A_1761 = arith.mulf %get3A_1760, %get3A_1289 : vector<16xf32>
        %add3A_1762 = arith.addf %add3A_1757, %mul3A_1761 : vector<16xf32>
        %swap3A_1763 = arith.constant 928 : index
        %swap3A_1764 = tpu.vector_load %arg12[%swap3A_1763] {strides = array<i32>} : memref<1280xf32, #tpu.memory_space<vmem>>, vector<16xf32>,
        tpu.vector_store %arg12[%swap3A_1763], %add3A_1762 {strides = array<i32>} : memref<1280xf32, #tpu.memory_space<vmem>>, vector<16xf32>,
        %mul3A_1765 = arith.constant 80 : i32
        %mul3A_1766 = arith.muli %scan3A_234, %mul3A_1765 : i32
        %add3A_1767 = arith.constant 59 : i32
        %add3A_1768 = arith.addi %mul3A_1766, %add3A_1767 : i32
        %get3A_1769 = arith.index_cast %add3A_1768 : i32 to index
        %get3A_1770 = arith.constant 0 : index
        %get3A_1771 = tpu.vector_load %arg10[%get3A_1769, %get3A_1770] {strides = array<i32>} : memref<640x64xf32, #tpu.memory_space<vmem>>, vector<16xf32>,
        %mul3A_1772 = arith.mulf %get3A_1771, %get3A_1280 : vector<16xf32>
        %get3A_1773 = arith.index_cast %add3A_1768 : i32 to index
        %get3A_1774 = arith.constant 16 : index
        %get3A_1775 = tpu.vector_load %arg10[%get3A_1773, %get3A_1774] {strides = array<i32>} : memref<640x64xf32, #tpu.memory_space<vmem>>, vector<16xf32>,
        %mul3A_1776 = arith.mulf %get3A_1775, %get3A_1283 : vector<16xf32>
        %add3A_1777 = arith.addf %mul3A_1772, %mul3A_1776 : vector<16xf32>
        %get3A_1778 = arith.index_cast %add3A_1768 : i32 to index
        %get3A_1779 = arith.constant 32 : index
        %get3A_1780 = tpu.vector_load %arg10[%get3A_1778, %get3A_1779] {strides = array<i32>} : memref<640x64xf32, #tpu.memory_space<vmem>>, vector<16xf32>,
        %mul3A_1781 = arith.mulf %get3A_1780, %get3A_1286 : vector<16xf32>
        %add3A_1782 = arith.addf %add3A_1777, %mul3A_1781 : vector<16xf32>
        %get3A_1783 = arith.index_cast %add3A_1768 : i32 to index
        %get3A_1784 = arith.constant 48 : index
        %get3A_1785 = tpu.vector_load %arg10[%get3A_1783, %get3A_1784] {strides = array<i32>} : memref<640x64xf32, #tpu.memory_space<vmem>>, vector<16xf32>,
        %mul3A_1786 = arith.mulf %get3A_1785, %get3A_1289 : vector<16xf32>
        %add3A_1787 = arith.addf %add3A_1782, %mul3A_1786 : vector<16xf32>
        %swap3A_1788 = arith.constant 944 : index
        %swap3A_1789 = tpu.vector_load %arg12[%swap3A_1788] {strides = array<i32>} : memref<1280xf32, #tpu.memory_space<vmem>>, vector<16xf32>,
        tpu.vector_store %arg12[%swap3A_1788], %add3A_1787 {strides = array<i32>} : memref<1280xf32, #tpu.memory_space<vmem>>, vector<16xf32>,
        %mul3A_1790 = arith.constant 32 : i32
        %mul3A_1791 = arith.muli %scan3A_107, %mul3A_1790 : i32
        %mul3A_1792 = arith.constant 4 : i32
        %mul3A_1793 = arith.muli %scan3A_234, %mul3A_1792 : i32
        %add3A_1794 = arith.addi %mul3A_1791, %mul3A_1793 : i32
        %add3A_1795 = arith.constant 3 : i32
        %add3A_1796 = arith.addi %add3A_1794, %add3A_1795 : i32
        %get3A_1797 = arith.index_cast %add3A_1796 : i32 to index
        %get3A_1798 = arith.constant 0 : index
        %get3A_1799 = tpu.vector_load %arg9[%get3A_1797, %get3A_1798] {strides = array<i32>} : memref<512x64xf32, #tpu.memory_space<vmem>>, vector<16xf32>,
        %get3A_1800 = arith.index_cast %add3A_1796 : i32 to index
        %get3A_1801 = arith.constant 16 : index
        %get3A_1802 = tpu.vector_load %arg9[%get3A_1800, %get3A_1801] {strides = array<i32>} : memref<512x64xf32, #tpu.memory_space<vmem>>, vector<16xf32>,
        %get3A_1803 = arith.index_cast %add3A_1796 : i32 to index
        %get3A_1804 = arith.constant 32 : index
        %get3A_1805 = tpu.vector_load %arg9[%get3A_1803, %get3A_1804] {strides = array<i32>} : memref<512x64xf32, #tpu.memory_space<vmem>>, vector<16xf32>,
        %get3A_1806 = arith.index_cast %add3A_1796 : i32 to index
        %get3A_1807 = arith.constant 48 : index
        %get3A_1808 = tpu.vector_load %arg9[%get3A_1806, %get3A_1807] {strides = array<i32>} : memref<512x64xf32, #tpu.memory_space<vmem>>, vector<16xf32>,
        %mul3A_1809 = arith.constant 80 : i32
        %mul3A_1810 = arith.muli %scan3A_234, %mul3A_1809 : i32
        %add3A_1811 = arith.constant 60 : i32
        %add3A_1812 = arith.addi %mul3A_1810, %add3A_1811 : i32
        %get3A_1813 = arith.index_cast %add3A_1812 : i32 to index
        %get3A_1814 = arith.constant 0 : index
        %get3A_1815 = tpu.vector_load %arg10[%get3A_1813, %get3A_1814] {strides = array<i32>} : memref<640x64xf32, #tpu.memory_space<vmem>>, vector<16xf32>,
        %mul3A_1816 = arith.mulf %get3A_1815, %get3A_1799 : vector<16xf32>
        %get3A_1817 = arith.index_cast %add3A_1812 : i32 to index
        %get3A_1818 = arith.constant 16 : index
        %get3A_1819 = tpu.vector_load %arg10[%get3A_1817, %get3A_1818] {strides = array<i32>} : memref<640x64xf32, #tpu.memory_space<vmem>>, vector<16xf32>,
        %mul3A_1820 = arith.mulf %get3A_1819, %get3A_1802 : vector<16xf32>
        %add3A_1821 = arith.addf %mul3A_1816, %mul3A_1820 : vector<16xf32>
        %get3A_1822 = arith.index_cast %add3A_1812 : i32 to index
        %get3A_1823 = arith.constant 32 : index
        %get3A_1824 = tpu.vector_load %arg10[%get3A_1822, %get3A_1823] {strides = array<i32>} : memref<640x64xf32, #tpu.memory_space<vmem>>, vector<16xf32>,
        %mul3A_1825 = arith.mulf %get3A_1824, %get3A_1805 : vector<16xf32>
        %add3A_1826 = arith.addf %add3A_1821, %mul3A_1825 : vector<16xf32>
        %get3A_1827 = arith.index_cast %add3A_1812 : i32 to index
        %get3A_1828 = arith.constant 48 : index
        %get3A_1829 = tpu.vector_load %arg10[%get3A_1827, %get3A_1828] {strides = array<i32>} : memref<640x64xf32, #tpu.memory_space<vmem>>, vector<16xf32>,
        %mul3A_1830 = arith.mulf %get3A_1829, %get3A_1808 : vector<16xf32>
        %add3A_1831 = arith.addf %add3A_1826, %mul3A_1830 : vector<16xf32>
        %swap3A_1832 = arith.constant 960 : index
        %swap3A_1833 = tpu.vector_load %arg12[%swap3A_1832] {strides = array<i32>} : memref<1280xf32, #tpu.memory_space<vmem>>, vector<16xf32>,
        tpu.vector_store %arg12[%swap3A_1832], %add3A_1831 {strides = array<i32>} : memref<1280xf32, #tpu.memory_space<vmem>>, vector<16xf32>,
        %mul3A_1834 = arith.constant 80 : i32
        %mul3A_1835 = arith.muli %scan3A_234, %mul3A_1834 : i32
        %add3A_1836 = arith.constant 61 : i32
        %add3A_1837 = arith.addi %mul3A_1835, %add3A_1836 : i32
        %get3A_1838 = arith.index_cast %add3A_1837 : i32 to index
        %get3A_1839 = arith.constant 0 : index
        %get3A_1840 = tpu.vector_load %arg10[%get3A_1838, %get3A_1839] {strides = array<i32>} : memref<640x64xf32, #tpu.memory_space<vmem>>, vector<16xf32>,
        %mul3A_1841 = arith.mulf %get3A_1840, %get3A_1799 : vector<16xf32>
        %get3A_1842 = arith.index_cast %add3A_1837 : i32 to index
        %get3A_1843 = arith.constant 16 : index
        %get3A_1844 = tpu.vector_load %arg10[%get3A_1842, %get3A_1843] {strides = array<i32>} : memref<640x64xf32, #tpu.memory_space<vmem>>, vector<16xf32>,
        %mul3A_1845 = arith.mulf %get3A_1844, %get3A_1802 : vector<16xf32>
        %add3A_1846 = arith.addf %mul3A_1841, %mul3A_1845 : vector<16xf32>
        %get3A_1847 = arith.index_cast %add3A_1837 : i32 to index
        %get3A_1848 = arith.constant 32 : index
        %get3A_1849 = tpu.vector_load %arg10[%get3A_1847, %get3A_1848] {strides = array<i32>} : memref<640x64xf32, #tpu.memory_space<vmem>>, vector<16xf32>,
        %mul3A_1850 = arith.mulf %get3A_1849, %get3A_1805 : vector<16xf32>
        %add3A_1851 = arith.addf %add3A_1846, %mul3A_1850 : vector<16xf32>
        %get3A_1852 = arith.index_cast %add3A_1837 : i32 to index
        %get3A_1853 = arith.constant 48 : index
        %get3A_1854 = tpu.vector_load %arg10[%get3A_1852, %get3A_1853] {strides = array<i32>} : memref<640x64xf32, #tpu.memory_space<vmem>>, vector<16xf32>,
        %mul3A_1855 = arith.mulf %get3A_1854, %get3A_1808 : vector<16xf32>
        %add3A_1856 = arith.addf %add3A_1851, %mul3A_1855 : vector<16xf32>
        %swap3A_1857 = arith.constant 976 : index
        %swap3A_1858 = tpu.vector_load %arg12[%swap3A_1857] {strides = array<i32>} : memref<1280xf32, #tpu.memory_space<vmem>>, vector<16xf32>,
        tpu.vector_store %arg12[%swap3A_1857], %add3A_1856 {strides = array<i32>} : memref<1280xf32, #tpu.memory_space<vmem>>, vector<16xf32>,
        %mul3A_1859 = arith.constant 80 : i32
        %mul3A_1860 = arith.muli %scan3A_234, %mul3A_1859 : i32
        %add3A_1861 = arith.constant 62 : i32
        %add3A_1862 = arith.addi %mul3A_1860, %add3A_1861 : i32
        %get3A_1863 = arith.index_cast %add3A_1862 : i32 to index
        %get3A_1864 = arith.constant 0 : index
        %get3A_1865 = tpu.vector_load %arg10[%get3A_1863, %get3A_1864] {strides = array<i32>} : memref<640x64xf32, #tpu.memory_space<vmem>>, vector<16xf32>,
        %mul3A_1866 = arith.mulf %get3A_1865, %get3A_1799 : vector<16xf32>
        %get3A_1867 = arith.index_cast %add3A_1862 : i32 to index
        %get3A_1868 = arith.constant 16 : index
        %get3A_1869 = tpu.vector_load %arg10[%get3A_1867, %get3A_1868] {strides = array<i32>} : memref<640x64xf32, #tpu.memory_space<vmem>>, vector<16xf32>,
        %mul3A_1870 = arith.mulf %get3A_1869, %get3A_1802 : vector<16xf32>
        %add3A_1871 = arith.addf %mul3A_1866, %mul3A_1870 : vector<16xf32>
        %get3A_1872 = arith.index_cast %add3A_1862 : i32 to index
        %get3A_1873 = arith.constant 32 : index
        %get3A_1874 = tpu.vector_load %arg10[%get3A_1872, %get3A_1873] {strides = array<i32>} : memref<640x64xf32, #tpu.memory_space<vmem>>, vector<16xf32>,
        %mul3A_1875 = arith.mulf %get3A_1874, %get3A_1805 : vector<16xf32>
        %add3A_1876 = arith.addf %add3A_1871, %mul3A_1875 : vector<16xf32>
        %get3A_1877 = arith.index_cast %add3A_1862 : i32 to index
        %get3A_1878 = arith.constant 48 : index
        %get3A_1879 = tpu.vector_load %arg10[%get3A_1877, %get3A_1878] {strides = array<i32>} : memref<640x64xf32, #tpu.memory_space<vmem>>, vector<16xf32>,
        %mul3A_1880 = arith.mulf %get3A_1879, %get3A_1808 : vector<16xf32>
        %add3A_1881 = arith.addf %add3A_1876, %mul3A_1880 : vector<16xf32>
        %swap3A_1882 = arith.constant 992 : index
        %swap3A_1883 = tpu.vector_load %arg12[%swap3A_1882] {strides = array<i32>} : memref<1280xf32, #tpu.memory_space<vmem>>, vector<16xf32>,
        tpu.vector_store %arg12[%swap3A_1882], %add3A_1881 {strides = array<i32>} : memref<1280xf32, #tpu.memory_space<vmem>>, vector<16xf32>,
        %mul3A_1884 = arith.constant 80 : i32
        %mul3A_1885 = arith.muli %scan3A_234, %mul3A_1884 : i32
        %add3A_1886 = arith.constant 63 : i32
        %add3A_1887 = arith.addi %mul3A_1885, %add3A_1886 : i32
        %get3A_1888 = arith.index_cast %add3A_1887 : i32 to index
        %get3A_1889 = arith.constant 0 : index
        %get3A_1890 = tpu.vector_load %arg10[%get3A_1888, %get3A_1889] {strides = array<i32>} : memref<640x64xf32, #tpu.memory_space<vmem>>, vector<16xf32>,
        %mul3A_1891 = arith.mulf %get3A_1890, %get3A_1799 : vector<16xf32>
        %get3A_1892 = arith.index_cast %add3A_1887 : i32 to index
        %get3A_1893 = arith.constant 16 : index
        %get3A_1894 = tpu.vector_load %arg10[%get3A_1892, %get3A_1893] {strides = array<i32>} : memref<640x64xf32, #tpu.memory_space<vmem>>, vector<16xf32>,
        %mul3A_1895 = arith.mulf %get3A_1894, %get3A_1802 : vector<16xf32>
        %add3A_1896 = arith.addf %mul3A_1891, %mul3A_1895 : vector<16xf32>
        %get3A_1897 = arith.index_cast %add3A_1887 : i32 to index
        %get3A_1898 = arith.constant 32 : index
        %get3A_1899 = tpu.vector_load %arg10[%get3A_1897, %get3A_1898] {strides = array<i32>} : memref<640x64xf32, #tpu.memory_space<vmem>>, vector<16xf32>,
        %mul3A_1900 = arith.mulf %get3A_1899, %get3A_1805 : vector<16xf32>
        %add3A_1901 = arith.addf %add3A_1896, %mul3A_1900 : vector<16xf32>
        %get3A_1902 = arith.index_cast %add3A_1887 : i32 to index
        %get3A_1903 = arith.constant 48 : index
        %get3A_1904 = tpu.vector_load %arg10[%get3A_1902, %get3A_1903] {strides = array<i32>} : memref<640x64xf32, #tpu.memory_space<vmem>>, vector<16xf32>,
        %mul3A_1905 = arith.mulf %get3A_1904, %get3A_1808 : vector<16xf32>
        %add3A_1906 = arith.addf %add3A_1901, %mul3A_1905 : vector<16xf32>
        %swap3A_1907 = arith.constant 1008 : index
        %swap3A_1908 = tpu.vector_load %arg12[%swap3A_1907] {strides = array<i32>} : memref<1280xf32, #tpu.memory_space<vmem>>, vector<16xf32>,
        tpu.vector_store %arg12[%swap3A_1907], %add3A_1906 {strides = array<i32>} : memref<1280xf32, #tpu.memory_space<vmem>>, vector<16xf32>,
        %mul3A_1909 = arith.constant 80 : i32
        %mul3A_1910 = arith.muli %scan3A_234, %mul3A_1909 : i32
        %add3A_1911 = arith.constant 64 : i32
        %add3A_1912 = arith.addi %mul3A_1910, %add3A_1911 : i32
        %get3A_1913 = arith.index_cast %add3A_1912 : i32 to index
        %get3A_1914 = arith.constant 0 : index
        %get3A_1915 = tpu.vector_load %arg10[%get3A_1913, %get3A_1914] {strides = array<i32>} : memref<640x64xf32, #tpu.memory_space<vmem>>, vector<16xf32>,
        %mul3A_1916 = arith.mulf %get3A_1915, %get3A_1799 : vector<16xf32>
        %get3A_1917 = arith.index_cast %add3A_1912 : i32 to index
        %get3A_1918 = arith.constant 16 : index
        %get3A_1919 = tpu.vector_load %arg10[%get3A_1917, %get3A_1918] {strides = array<i32>} : memref<640x64xf32, #tpu.memory_space<vmem>>, vector<16xf32>,
        %mul3A_1920 = arith.mulf %get3A_1919, %get3A_1802 : vector<16xf32>
        %add3A_1921 = arith.addf %mul3A_1916, %mul3A_1920 : vector<16xf32>
        %get3A_1922 = arith.index_cast %add3A_1912 : i32 to index
        %get3A_1923 = arith.constant 32 : index
        %get3A_1924 = tpu.vector_load %arg10[%get3A_1922, %get3A_1923] {strides = array<i32>} : memref<640x64xf32, #tpu.memory_space<vmem>>, vector<16xf32>,
        %mul3A_1925 = arith.mulf %get3A_1924, %get3A_1805 : vector<16xf32>
        %add3A_1926 = arith.addf %add3A_1921, %mul3A_1925 : vector<16xf32>
        %get3A_1927 = arith.index_cast %add3A_1912 : i32 to index
        %get3A_1928 = arith.constant 48 : index
        %get3A_1929 = tpu.vector_load %arg10[%get3A_1927, %get3A_1928] {strides = array<i32>} : memref<640x64xf32, #tpu.memory_space<vmem>>, vector<16xf32>,
        %mul3A_1930 = arith.mulf %get3A_1929, %get3A_1808 : vector<16xf32>
        %add3A_1931 = arith.addf %add3A_1926, %mul3A_1930 : vector<16xf32>
        %swap3A_1932 = arith.constant 1024 : index
        %swap3A_1933 = tpu.vector_load %arg12[%swap3A_1932] {strides = array<i32>} : memref<1280xf32, #tpu.memory_space<vmem>>, vector<16xf32>,
        tpu.vector_store %arg12[%swap3A_1932], %add3A_1931 {strides = array<i32>} : memref<1280xf32, #tpu.memory_space<vmem>>, vector<16xf32>,
        %mul3A_1934 = arith.constant 80 : i32
        %mul3A_1935 = arith.muli %scan3A_234, %mul3A_1934 : i32
        %add3A_1936 = arith.constant 65 : i32
        %add3A_1937 = arith.addi %mul3A_1935, %add3A_1936 : i32
        %get3A_1938 = arith.index_cast %add3A_1937 : i32 to index
        %get3A_1939 = arith.constant 0 : index
        %get3A_1940 = tpu.vector_load %arg10[%get3A_1938, %get3A_1939] {strides = array<i32>} : memref<640x64xf32, #tpu.memory_space<vmem>>, vector<16xf32>,
        %mul3A_1941 = arith.mulf %get3A_1940, %get3A_1799 : vector<16xf32>
        %get3A_1942 = arith.index_cast %add3A_1937 : i32 to index
        %get3A_1943 = arith.constant 16 : index
        %get3A_1944 = tpu.vector_load %arg10[%get3A_1942, %get3A_1943] {strides = array<i32>} : memref<640x64xf32, #tpu.memory_space<vmem>>, vector<16xf32>,
        %mul3A_1945 = arith.mulf %get3A_1944, %get3A_1802 : vector<16xf32>
        %add3A_1946 = arith.addf %mul3A_1941, %mul3A_1945 : vector<16xf32>
        %get3A_1947 = arith.index_cast %add3A_1937 : i32 to index
        %get3A_1948 = arith.constant 32 : index
        %get3A_1949 = tpu.vector_load %arg10[%get3A_1947, %get3A_1948] {strides = array<i32>} : memref<640x64xf32, #tpu.memory_space<vmem>>, vector<16xf32>,
        %mul3A_1950 = arith.mulf %get3A_1949, %get3A_1805 : vector<16xf32>
        %add3A_1951 = arith.addf %add3A_1946, %mul3A_1950 : vector<16xf32>
        %get3A_1952 = arith.index_cast %add3A_1937 : i32 to index
        %get3A_1953 = arith.constant 48 : index
        %get3A_1954 = tpu.vector_load %arg10[%get3A_1952, %get3A_1953] {strides = array<i32>} : memref<640x64xf32, #tpu.memory_space<vmem>>, vector<16xf32>,
        %mul3A_1955 = arith.mulf %get3A_1954, %get3A_1808 : vector<16xf32>
        %add3A_1956 = arith.addf %add3A_1951, %mul3A_1955 : vector<16xf32>
        %swap3A_1957 = arith.constant 1040 : index
        %swap3A_1958 = tpu.vector_load %arg12[%swap3A_1957] {strides = array<i32>} : memref<1280xf32, #tpu.memory_space<vmem>>, vector<16xf32>,
        tpu.vector_store %arg12[%swap3A_1957], %add3A_1956 {strides = array<i32>} : memref<1280xf32, #tpu.memory_space<vmem>>, vector<16xf32>,
        %mul3A_1959 = arith.constant 80 : i32
        %mul3A_1960 = arith.muli %scan3A_234, %mul3A_1959 : i32
        %add3A_1961 = arith.constant 66 : i32
        %add3A_1962 = arith.addi %mul3A_1960, %add3A_1961 : i32
        %get3A_1963 = arith.index_cast %add3A_1962 : i32 to index
        %get3A_1964 = arith.constant 0 : index
        %get3A_1965 = tpu.vector_load %arg10[%get3A_1963, %get3A_1964] {strides = array<i32>} : memref<640x64xf32, #tpu.memory_space<vmem>>, vector<16xf32>,
        %mul3A_1966 = arith.mulf %get3A_1965, %get3A_1799 : vector<16xf32>
        %get3A_1967 = arith.index_cast %add3A_1962 : i32 to index
        %get3A_1968 = arith.constant 16 : index
        %get3A_1969 = tpu.vector_load %arg10[%get3A_1967, %get3A_1968] {strides = array<i32>} : memref<640x64xf32, #tpu.memory_space<vmem>>, vector<16xf32>,
        %mul3A_1970 = arith.mulf %get3A_1969, %get3A_1802 : vector<16xf32>
        %add3A_1971 = arith.addf %mul3A_1966, %mul3A_1970 : vector<16xf32>
        %get3A_1972 = arith.index_cast %add3A_1962 : i32 to index
        %get3A_1973 = arith.constant 32 : index
        %get3A_1974 = tpu.vector_load %arg10[%get3A_1972, %get3A_1973] {strides = array<i32>} : memref<640x64xf32, #tpu.memory_space<vmem>>, vector<16xf32>,
        %mul3A_1975 = arith.mulf %get3A_1974, %get3A_1805 : vector<16xf32>
        %add3A_1976 = arith.addf %add3A_1971, %mul3A_1975 : vector<16xf32>
        %get3A_1977 = arith.index_cast %add3A_1962 : i32 to index
        %get3A_1978 = arith.constant 48 : index
        %get3A_1979 = tpu.vector_load %arg10[%get3A_1977, %get3A_1978] {strides = array<i32>} : memref<640x64xf32, #tpu.memory_space<vmem>>, vector<16xf32>,
        %mul3A_1980 = arith.mulf %get3A_1979, %get3A_1808 : vector<16xf32>
        %add3A_1981 = arith.addf %add3A_1976, %mul3A_1980 : vector<16xf32>
        %swap3A_1982 = arith.constant 1056 : index
        %swap3A_1983 = tpu.vector_load %arg12[%swap3A_1982] {strides = array<i32>} : memref<1280xf32, #tpu.memory_space<vmem>>, vector<16xf32>,
        tpu.vector_store %arg12[%swap3A_1982], %add3A_1981 {strides = array<i32>} : memref<1280xf32, #tpu.memory_space<vmem>>, vector<16xf32>,
        %mul3A_1984 = arith.constant 80 : i32
        %mul3A_1985 = arith.muli %scan3A_234, %mul3A_1984 : i32
        %add3A_1986 = arith.constant 67 : i32
        %add3A_1987 = arith.addi %mul3A_1985, %add3A_1986 : i32
        %get3A_1988 = arith.index_cast %add3A_1987 : i32 to index
        %get3A_1989 = arith.constant 0 : index
        %get3A_1990 = tpu.vector_load %arg10[%get3A_1988, %get3A_1989] {strides = array<i32>} : memref<640x64xf32, #tpu.memory_space<vmem>>, vector<16xf32>,
        %mul3A_1991 = arith.mulf %get3A_1990, %get3A_1799 : vector<16xf32>
        %get3A_1992 = arith.index_cast %add3A_1987 : i32 to index
        %get3A_1993 = arith.constant 16 : index
        %get3A_1994 = tpu.vector_load %arg10[%get3A_1992, %get3A_1993] {strides = array<i32>} : memref<640x64xf32, #tpu.memory_space<vmem>>, vector<16xf32>,
        %mul3A_1995 = arith.mulf %get3A_1994, %get3A_1802 : vector<16xf32>
        %add3A_1996 = arith.addf %mul3A_1991, %mul3A_1995 : vector<16xf32>
        %get3A_1997 = arith.index_cast %add3A_1987 : i32 to index
        %get3A_1998 = arith.constant 32 : index
        %get3A_1999 = tpu.vector_load %arg10[%get3A_1997, %get3A_1998] {strides = array<i32>} : memref<640x64xf32, #tpu.memory_space<vmem>>, vector<16xf32>,
        %mul3A_2000 = arith.mulf %get3A_1999, %get3A_1805 : vector<16xf32>
        %add3A_2001 = arith.addf %add3A_1996, %mul3A_2000 : vector<16xf32>
        %get3A_2002 = arith.index_cast %add3A_1987 : i32 to index
        %get3A_2003 = arith.constant 48 : index
        %get3A_2004 = tpu.vector_load %arg10[%get3A_2002, %get3A_2003] {strides = array<i32>} : memref<640x64xf32, #tpu.memory_space<vmem>>, vector<16xf32>,
        %mul3A_2005 = arith.mulf %get3A_2004, %get3A_1808 : vector<16xf32>
        %add3A_2006 = arith.addf %add3A_2001, %mul3A_2005 : vector<16xf32>
        %swap3A_2007 = arith.constant 1072 : index
        %swap3A_2008 = tpu.vector_load %arg12[%swap3A_2007] {strides = array<i32>} : memref<1280xf32, #tpu.memory_space<vmem>>, vector<16xf32>,
        tpu.vector_store %arg12[%swap3A_2007], %add3A_2006 {strides = array<i32>} : memref<1280xf32, #tpu.memory_space<vmem>>, vector<16xf32>,
        %mul3A_2009 = arith.constant 80 : i32
        %mul3A_2010 = arith.muli %scan3A_234, %mul3A_2009 : i32
        %add3A_2011 = arith.constant 68 : i32
        %add3A_2012 = arith.addi %mul3A_2010, %add3A_2011 : i32
        %get3A_2013 = arith.index_cast %add3A_2012 : i32 to index
        %get3A_2014 = arith.constant 0 : index
        %get3A_2015 = tpu.vector_load %arg10[%get3A_2013, %get3A_2014] {strides = array<i32>} : memref<640x64xf32, #tpu.memory_space<vmem>>, vector<16xf32>,
        %mul3A_2016 = arith.mulf %get3A_2015, %get3A_1799 : vector<16xf32>
        %get3A_2017 = arith.index_cast %add3A_2012 : i32 to index
        %get3A_2018 = arith.constant 16 : index
        %get3A_2019 = tpu.vector_load %arg10[%get3A_2017, %get3A_2018] {strides = array<i32>} : memref<640x64xf32, #tpu.memory_space<vmem>>, vector<16xf32>,
        %mul3A_2020 = arith.mulf %get3A_2019, %get3A_1802 : vector<16xf32>
        %add3A_2021 = arith.addf %mul3A_2016, %mul3A_2020 : vector<16xf32>
        %get3A_2022 = arith.index_cast %add3A_2012 : i32 to index
        %get3A_2023 = arith.constant 32 : index
        %get3A_2024 = tpu.vector_load %arg10[%get3A_2022, %get3A_2023] {strides = array<i32>} : memref<640x64xf32, #tpu.memory_space<vmem>>, vector<16xf32>,
        %mul3A_2025 = arith.mulf %get3A_2024, %get3A_1805 : vector<16xf32>
        %add3A_2026 = arith.addf %add3A_2021, %mul3A_2025 : vector<16xf32>
        %get3A_2027 = arith.index_cast %add3A_2012 : i32 to index
        %get3A_2028 = arith.constant 48 : index
        %get3A_2029 = tpu.vector_load %arg10[%get3A_2027, %get3A_2028] {strides = array<i32>} : memref<640x64xf32, #tpu.memory_space<vmem>>, vector<16xf32>,
        %mul3A_2030 = arith.mulf %get3A_2029, %get3A_1808 : vector<16xf32>
        %add3A_2031 = arith.addf %add3A_2026, %mul3A_2030 : vector<16xf32>
        %swap3A_2032 = arith.constant 1088 : index
        %swap3A_2033 = tpu.vector_load %arg12[%swap3A_2032] {strides = array<i32>} : memref<1280xf32, #tpu.memory_space<vmem>>, vector<16xf32>,
        tpu.vector_store %arg12[%swap3A_2032], %add3A_2031 {strides = array<i32>} : memref<1280xf32, #tpu.memory_space<vmem>>, vector<16xf32>,
        %mul3A_2034 = arith.constant 80 : i32
        %mul3A_2035 = arith.muli %scan3A_234, %mul3A_2034 : i32
        %add3A_2036 = arith.constant 69 : i32
        %add3A_2037 = arith.addi %mul3A_2035, %add3A_2036 : i32
        %get3A_2038 = arith.index_cast %add3A_2037 : i32 to index
        %get3A_2039 = arith.constant 0 : index
        %get3A_2040 = tpu.vector_load %arg10[%get3A_2038, %get3A_2039] {strides = array<i32>} : memref<640x64xf32, #tpu.memory_space<vmem>>, vector<16xf32>,
        %mul3A_2041 = arith.mulf %get3A_2040, %get3A_1799 : vector<16xf32>
        %get3A_2042 = arith.index_cast %add3A_2037 : i32 to index
        %get3A_2043 = arith.constant 16 : index
        %get3A_2044 = tpu.vector_load %arg10[%get3A_2042, %get3A_2043] {strides = array<i32>} : memref<640x64xf32, #tpu.memory_space<vmem>>, vector<16xf32>,
        %mul3A_2045 = arith.mulf %get3A_2044, %get3A_1802 : vector<16xf32>
        %add3A_2046 = arith.addf %mul3A_2041, %mul3A_2045 : vector<16xf32>
        %get3A_2047 = arith.index_cast %add3A_2037 : i32 to index
        %get3A_2048 = arith.constant 32 : index
        %get3A_2049 = tpu.vector_load %arg10[%get3A_2047, %get3A_2048] {strides = array<i32>} : memref<640x64xf32, #tpu.memory_space<vmem>>, vector<16xf32>,
        %mul3A_2050 = arith.mulf %get3A_2049, %get3A_1805 : vector<16xf32>
        %add3A_2051 = arith.addf %add3A_2046, %mul3A_2050 : vector<16xf32>
        %get3A_2052 = arith.index_cast %add3A_2037 : i32 to index
        %get3A_2053 = arith.constant 48 : index
        %get3A_2054 = tpu.vector_load %arg10[%get3A_2052, %get3A_2053] {strides = array<i32>} : memref<640x64xf32, #tpu.memory_space<vmem>>, vector<16xf32>,
        %mul3A_2055 = arith.mulf %get3A_2054, %get3A_1808 : vector<16xf32>
        %add3A_2056 = arith.addf %add3A_2051, %mul3A_2055 : vector<16xf32>
        %swap3A_2057 = arith.constant 1104 : index
        %swap3A_2058 = tpu.vector_load %arg12[%swap3A_2057] {strides = array<i32>} : memref<1280xf32, #tpu.memory_space<vmem>>, vector<16xf32>,
        tpu.vector_store %arg12[%swap3A_2057], %add3A_2056 {strides = array<i32>} : memref<1280xf32, #tpu.memory_space<vmem>>, vector<16xf32>,
        %mul3A_2059 = arith.constant 80 : i32
        %mul3A_2060 = arith.muli %scan3A_234, %mul3A_2059 : i32
        %add3A_2061 = arith.constant 70 : i32
        %add3A_2062 = arith.addi %mul3A_2060, %add3A_2061 : i32
        %get3A_2063 = arith.index_cast %add3A_2062 : i32 to index
        %get3A_2064 = arith.constant 0 : index
        %get3A_2065 = tpu.vector_load %arg10[%get3A_2063, %get3A_2064] {strides = array<i32>} : memref<640x64xf32, #tpu.memory_space<vmem>>, vector<16xf32>,
        %mul3A_2066 = arith.mulf %get3A_2065, %get3A_1799 : vector<16xf32>
        %get3A_2067 = arith.index_cast %add3A_2062 : i32 to index
        %get3A_2068 = arith.constant 16 : index
        %get3A_2069 = tpu.vector_load %arg10[%get3A_2067, %get3A_2068] {strides = array<i32>} : memref<640x64xf32, #tpu.memory_space<vmem>>, vector<16xf32>,
        %mul3A_2070 = arith.mulf %get3A_2069, %get3A_1802 : vector<16xf32>
        %add3A_2071 = arith.addf %mul3A_2066, %mul3A_2070 : vector<16xf32>
        %get3A_2072 = arith.index_cast %add3A_2062 : i32 to index
        %get3A_2073 = arith.constant 32 : index
        %get3A_2074 = tpu.vector_load %arg10[%get3A_2072, %get3A_2073] {strides = array<i32>} : memref<640x64xf32, #tpu.memory_space<vmem>>, vector<16xf32>,
        %mul3A_2075 = arith.mulf %get3A_2074, %get3A_1805 : vector<16xf32>
        %add3A_2076 = arith.addf %add3A_2071, %mul3A_2075 : vector<16xf32>
        %get3A_2077 = arith.index_cast %add3A_2062 : i32 to index
        %get3A_2078 = arith.constant 48 : index
        %get3A_2079 = tpu.vector_load %arg10[%get3A_2077, %get3A_2078] {strides = array<i32>} : memref<640x64xf32, #tpu.memory_space<vmem>>, vector<16xf32>,
        %mul3A_2080 = arith.mulf %get3A_2079, %get3A_1808 : vector<16xf32>
        %add3A_2081 = arith.addf %add3A_2076, %mul3A_2080 : vector<16xf32>
        %swap3A_2082 = arith.constant 1120 : index
        %swap3A_2083 = tpu.vector_load %arg12[%swap3A_2082] {strides = array<i32>} : memref<1280xf32, #tpu.memory_space<vmem>>, vector<16xf32>,
        tpu.vector_store %arg12[%swap3A_2082], %add3A_2081 {strides = array<i32>} : memref<1280xf32, #tpu.memory_space<vmem>>, vector<16xf32>,
        %mul3A_2084 = arith.constant 80 : i32
        %mul3A_2085 = arith.muli %scan3A_234, %mul3A_2084 : i32
        %add3A_2086 = arith.constant 71 : i32
        %add3A_2087 = arith.addi %mul3A_2085, %add3A_2086 : i32
        %get3A_2088 = arith.index_cast %add3A_2087 : i32 to index
        %get3A_2089 = arith.constant 0 : index
        %get3A_2090 = tpu.vector_load %arg10[%get3A_2088, %get3A_2089] {strides = array<i32>} : memref<640x64xf32, #tpu.memory_space<vmem>>, vector<16xf32>,
        %mul3A_2091 = arith.mulf %get3A_2090, %get3A_1799 : vector<16xf32>
        %get3A_2092 = arith.index_cast %add3A_2087 : i32 to index
        %get3A_2093 = arith.constant 16 : index
        %get3A_2094 = tpu.vector_load %arg10[%get3A_2092, %get3A_2093] {strides = array<i32>} : memref<640x64xf32, #tpu.memory_space<vmem>>, vector<16xf32>,
        %mul3A_2095 = arith.mulf %get3A_2094, %get3A_1802 : vector<16xf32>
        %add3A_2096 = arith.addf %mul3A_2091, %mul3A_2095 : vector<16xf32>
        %get3A_2097 = arith.index_cast %add3A_2087 : i32 to index
        %get3A_2098 = arith.constant 32 : index
        %get3A_2099 = tpu.vector_load %arg10[%get3A_2097, %get3A_2098] {strides = array<i32>} : memref<640x64xf32, #tpu.memory_space<vmem>>, vector<16xf32>,
        %mul3A_2100 = arith.mulf %get3A_2099, %get3A_1805 : vector<16xf32>
        %add3A_2101 = arith.addf %add3A_2096, %mul3A_2100 : vector<16xf32>
        %get3A_2102 = arith.index_cast %add3A_2087 : i32 to index
        %get3A_2103 = arith.constant 48 : index
        %get3A_2104 = tpu.vector_load %arg10[%get3A_2102, %get3A_2103] {strides = array<i32>} : memref<640x64xf32, #tpu.memory_space<vmem>>, vector<16xf32>,
        %mul3A_2105 = arith.mulf %get3A_2104, %get3A_1808 : vector<16xf32>
        %add3A_2106 = arith.addf %add3A_2101, %mul3A_2105 : vector<16xf32>
        %swap3A_2107 = arith.constant 1136 : index
        %swap3A_2108 = tpu.vector_load %arg12[%swap3A_2107] {strides = array<i32>} : memref<1280xf32, #tpu.memory_space<vmem>>, vector<16xf32>,
        tpu.vector_store %arg12[%swap3A_2107], %add3A_2106 {strides = array<i32>} : memref<1280xf32, #tpu.memory_space<vmem>>, vector<16xf32>,
        %mul3A_2109 = arith.constant 80 : i32
        %mul3A_2110 = arith.muli %scan3A_234, %mul3A_2109 : i32
        %add3A_2111 = arith.constant 72 : i32
        %add3A_2112 = arith.addi %mul3A_2110, %add3A_2111 : i32
        %get3A_2113 = arith.index_cast %add3A_2112 : i32 to index
        %get3A_2114 = arith.constant 0 : index
        %get3A_2115 = tpu.vector_load %arg10[%get3A_2113, %get3A_2114] {strides = array<i32>} : memref<640x64xf32, #tpu.memory_space<vmem>>, vector<16xf32>,
        %mul3A_2116 = arith.mulf %get3A_2115, %get3A_1799 : vector<16xf32>
        %get3A_2117 = arith.index_cast %add3A_2112 : i32 to index
        %get3A_2118 = arith.constant 16 : index
        %get3A_2119 = tpu.vector_load %arg10[%get3A_2117, %get3A_2118] {strides = array<i32>} : memref<640x64xf32, #tpu.memory_space<vmem>>, vector<16xf32>,
        %mul3A_2120 = arith.mulf %get3A_2119, %get3A_1802 : vector<16xf32>
        %add3A_2121 = arith.addf %mul3A_2116, %mul3A_2120 : vector<16xf32>
        %get3A_2122 = arith.index_cast %add3A_2112 : i32 to index
        %get3A_2123 = arith.constant 32 : index
        %get3A_2124 = tpu.vector_load %arg10[%get3A_2122, %get3A_2123] {strides = array<i32>} : memref<640x64xf32, #tpu.memory_space<vmem>>, vector<16xf32>,
        %mul3A_2125 = arith.mulf %get3A_2124, %get3A_1805 : vector<16xf32>
        %add3A_2126 = arith.addf %add3A_2121, %mul3A_2125 : vector<16xf32>
        %get3A_2127 = arith.index_cast %add3A_2112 : i32 to index
        %get3A_2128 = arith.constant 48 : index
        %get3A_2129 = tpu.vector_load %arg10[%get3A_2127, %get3A_2128] {strides = array<i32>} : memref<640x64xf32, #tpu.memory_space<vmem>>, vector<16xf32>,
        %mul3A_2130 = arith.mulf %get3A_2129, %get3A_1808 : vector<16xf32>
        %add3A_2131 = arith.addf %add3A_2126, %mul3A_2130 : vector<16xf32>
        %swap3A_2132 = arith.constant 1152 : index
        %swap3A_2133 = tpu.vector_load %arg12[%swap3A_2132] {strides = array<i32>} : memref<1280xf32, #tpu.memory_space<vmem>>, vector<16xf32>,
        tpu.vector_store %arg12[%swap3A_2132], %add3A_2131 {strides = array<i32>} : memref<1280xf32, #tpu.memory_space<vmem>>, vector<16xf32>,
        %mul3A_2134 = arith.constant 80 : i32
        %mul3A_2135 = arith.muli %scan3A_234, %mul3A_2134 : i32
        %add3A_2136 = arith.constant 73 : i32
        %add3A_2137 = arith.addi %mul3A_2135, %add3A_2136 : i32
        %get3A_2138 = arith.index_cast %add3A_2137 : i32 to index
        %get3A_2139 = arith.constant 0 : index
        %get3A_2140 = tpu.vector_load %arg10[%get3A_2138, %get3A_2139] {strides = array<i32>} : memref<640x64xf32, #tpu.memory_space<vmem>>, vector<16xf32>,
        %mul3A_2141 = arith.mulf %get3A_2140, %get3A_1799 : vector<16xf32>
        %get3A_2142 = arith.index_cast %add3A_2137 : i32 to index
        %get3A_2143 = arith.constant 16 : index
        %get3A_2144 = tpu.vector_load %arg10[%get3A_2142, %get3A_2143] {strides = array<i32>} : memref<640x64xf32, #tpu.memory_space<vmem>>, vector<16xf32>,
        %mul3A_2145 = arith.mulf %get3A_2144, %get3A_1802 : vector<16xf32>
        %add3A_2146 = arith.addf %mul3A_2141, %mul3A_2145 : vector<16xf32>
        %get3A_2147 = arith.index_cast %add3A_2137 : i32 to index
        %get3A_2148 = arith.constant 32 : index
        %get3A_2149 = tpu.vector_load %arg10[%get3A_2147, %get3A_2148] {strides = array<i32>} : memref<640x64xf32, #tpu.memory_space<vmem>>, vector<16xf32>,
        %mul3A_2150 = arith.mulf %get3A_2149, %get3A_1805 : vector<16xf32>
        %add3A_2151 = arith.addf %add3A_2146, %mul3A_2150 : vector<16xf32>
        %get3A_2152 = arith.index_cast %add3A_2137 : i32 to index
        %get3A_2153 = arith.constant 48 : index
        %get3A_2154 = tpu.vector_load %arg10[%get3A_2152, %get3A_2153] {strides = array<i32>} : memref<640x64xf32, #tpu.memory_space<vmem>>, vector<16xf32>,
        %mul3A_2155 = arith.mulf %get3A_2154, %get3A_1808 : vector<16xf32>
        %add3A_2156 = arith.addf %add3A_2151, %mul3A_2155 : vector<16xf32>
        %swap3A_2157 = arith.constant 1168 : index
        %swap3A_2158 = tpu.vector_load %arg12[%swap3A_2157] {strides = array<i32>} : memref<1280xf32, #tpu.memory_space<vmem>>, vector<16xf32>,
        tpu.vector_store %arg12[%swap3A_2157], %add3A_2156 {strides = array<i32>} : memref<1280xf32, #tpu.memory_space<vmem>>, vector<16xf32>,
        %mul3A_2159 = arith.constant 80 : i32
        %mul3A_2160 = arith.muli %scan3A_234, %mul3A_2159 : i32
        %add3A_2161 = arith.constant 74 : i32
        %add3A_2162 = arith.addi %mul3A_2160, %add3A_2161 : i32
        %get3A_2163 = arith.index_cast %add3A_2162 : i32 to index
        %get3A_2164 = arith.constant 0 : index
        %get3A_2165 = tpu.vector_load %arg10[%get3A_2163, %get3A_2164] {strides = array<i32>} : memref<640x64xf32, #tpu.memory_space<vmem>>, vector<16xf32>,
        %mul3A_2166 = arith.mulf %get3A_2165, %get3A_1799 : vector<16xf32>
        %get3A_2167 = arith.index_cast %add3A_2162 : i32 to index
        %get3A_2168 = arith.constant 16 : index
        %get3A_2169 = tpu.vector_load %arg10[%get3A_2167, %get3A_2168] {strides = array<i32>} : memref<640x64xf32, #tpu.memory_space<vmem>>, vector<16xf32>,
        %mul3A_2170 = arith.mulf %get3A_2169, %get3A_1802 : vector<16xf32>
        %add3A_2171 = arith.addf %mul3A_2166, %mul3A_2170 : vector<16xf32>
        %get3A_2172 = arith.index_cast %add3A_2162 : i32 to index
        %get3A_2173 = arith.constant 32 : index
        %get3A_2174 = tpu.vector_load %arg10[%get3A_2172, %get3A_2173] {strides = array<i32>} : memref<640x64xf32, #tpu.memory_space<vmem>>, vector<16xf32>,
        %mul3A_2175 = arith.mulf %get3A_2174, %get3A_1805 : vector<16xf32>
        %add3A_2176 = arith.addf %add3A_2171, %mul3A_2175 : vector<16xf32>
        %get3A_2177 = arith.index_cast %add3A_2162 : i32 to index
        %get3A_2178 = arith.constant 48 : index
        %get3A_2179 = tpu.vector_load %arg10[%get3A_2177, %get3A_2178] {strides = array<i32>} : memref<640x64xf32, #tpu.memory_space<vmem>>, vector<16xf32>,
        %mul3A_2180 = arith.mulf %get3A_2179, %get3A_1808 : vector<16xf32>
        %add3A_2181 = arith.addf %add3A_2176, %mul3A_2180 : vector<16xf32>
        %swap3A_2182 = arith.constant 1184 : index
        %swap3A_2183 = tpu.vector_load %arg12[%swap3A_2182] {strides = array<i32>} : memref<1280xf32, #tpu.memory_space<vmem>>, vector<16xf32>,
        tpu.vector_store %arg12[%swap3A_2182], %add3A_2181 {strides = array<i32>} : memref<1280xf32, #tpu.memory_space<vmem>>, vector<16xf32>,
        %mul3A_2184 = arith.constant 80 : i32
        %mul3A_2185 = arith.muli %scan3A_234, %mul3A_2184 : i32
        %add3A_2186 = arith.constant 75 : i32
        %add3A_2187 = arith.addi %mul3A_2185, %add3A_2186 : i32
        %get3A_2188 = arith.index_cast %add3A_2187 : i32 to index
        %get3A_2189 = arith.constant 0 : index
        %get3A_2190 = tpu.vector_load %arg10[%get3A_2188, %get3A_2189] {strides = array<i32>} : memref<640x64xf32, #tpu.memory_space<vmem>>, vector<16xf32>,
        %mul3A_2191 = arith.mulf %get3A_2190, %get3A_1799 : vector<16xf32>
        %get3A_2192 = arith.index_cast %add3A_2187 : i32 to index
        %get3A_2193 = arith.constant 16 : index
        %get3A_2194 = tpu.vector_load %arg10[%get3A_2192, %get3A_2193] {strides = array<i32>} : memref<640x64xf32, #tpu.memory_space<vmem>>, vector<16xf32>,
        %mul3A_2195 = arith.mulf %get3A_2194, %get3A_1802 : vector<16xf32>
        %add3A_2196 = arith.addf %mul3A_2191, %mul3A_2195 : vector<16xf32>
        %get3A_2197 = arith.index_cast %add3A_2187 : i32 to index
        %get3A_2198 = arith.constant 32 : index
        %get3A_2199 = tpu.vector_load %arg10[%get3A_2197, %get3A_2198] {strides = array<i32>} : memref<640x64xf32, #tpu.memory_space<vmem>>, vector<16xf32>,
        %mul3A_2200 = arith.mulf %get3A_2199, %get3A_1805 : vector<16xf32>
        %add3A_2201 = arith.addf %add3A_2196, %mul3A_2200 : vector<16xf32>
        %get3A_2202 = arith.index_cast %add3A_2187 : i32 to index
        %get3A_2203 = arith.constant 48 : index
        %get3A_2204 = tpu.vector_load %arg10[%get3A_2202, %get3A_2203] {strides = array<i32>} : memref<640x64xf32, #tpu.memory_space<vmem>>, vector<16xf32>,
        %mul3A_2205 = arith.mulf %get3A_2204, %get3A_1808 : vector<16xf32>
        %add3A_2206 = arith.addf %add3A_2201, %mul3A_2205 : vector<16xf32>
        %swap3A_2207 = arith.constant 1200 : index
        %swap3A_2208 = tpu.vector_load %arg12[%swap3A_2207] {strides = array<i32>} : memref<1280xf32, #tpu.memory_space<vmem>>, vector<16xf32>,
        tpu.vector_store %arg12[%swap3A_2207], %add3A_2206 {strides = array<i32>} : memref<1280xf32, #tpu.memory_space<vmem>>, vector<16xf32>,
        %mul3A_2209 = arith.constant 80 : i32
        %mul3A_2210 = arith.muli %scan3A_234, %mul3A_2209 : i32
        %add3A_2211 = arith.constant 76 : i32
        %add3A_2212 = arith.addi %mul3A_2210, %add3A_2211 : i32
        %get3A_2213 = arith.index_cast %add3A_2212 : i32 to index
        %get3A_2214 = arith.constant 0 : index
        %get3A_2215 = tpu.vector_load %arg10[%get3A_2213, %get3A_2214] {strides = array<i32>} : memref<640x64xf32, #tpu.memory_space<vmem>>, vector<16xf32>,
        %mul3A_2216 = arith.mulf %get3A_2215, %get3A_1799 : vector<16xf32>
        %get3A_2217 = arith.index_cast %add3A_2212 : i32 to index
        %get3A_2218 = arith.constant 16 : index
        %get3A_2219 = tpu.vector_load %arg10[%get3A_2217, %get3A_2218] {strides = array<i32>} : memref<640x64xf32, #tpu.memory_space<vmem>>, vector<16xf32>,
        %mul3A_2220 = arith.mulf %get3A_2219, %get3A_1802 : vector<16xf32>
        %add3A_2221 = arith.addf %mul3A_2216, %mul3A_2220 : vector<16xf32>
        %get3A_2222 = arith.index_cast %add3A_2212 : i32 to index
        %get3A_2223 = arith.constant 32 : index
        %get3A_2224 = tpu.vector_load %arg10[%get3A_2222, %get3A_2223] {strides = array<i32>} : memref<640x64xf32, #tpu.memory_space<vmem>>, vector<16xf32>,
        %mul3A_2225 = arith.mulf %get3A_2224, %get3A_1805 : vector<16xf32>
        %add3A_2226 = arith.addf %add3A_2221, %mul3A_2225 : vector<16xf32>
        %get3A_2227 = arith.index_cast %add3A_2212 : i32 to index
        %get3A_2228 = arith.constant 48 : index
        %get3A_2229 = tpu.vector_load %arg10[%get3A_2227, %get3A_2228] {strides = array<i32>} : memref<640x64xf32, #tpu.memory_space<vmem>>, vector<16xf32>,
        %mul3A_2230 = arith.mulf %get3A_2229, %get3A_1808 : vector<16xf32>
        %add3A_2231 = arith.addf %add3A_2226, %mul3A_2230 : vector<16xf32>
        %swap3A_2232 = arith.constant 1216 : index
        %swap3A_2233 = tpu.vector_load %arg12[%swap3A_2232] {strides = array<i32>} : memref<1280xf32, #tpu.memory_space<vmem>>, vector<16xf32>,
        tpu.vector_store %arg12[%swap3A_2232], %add3A_2231 {strides = array<i32>} : memref<1280xf32, #tpu.memory_space<vmem>>, vector<16xf32>,
        %mul3A_2234 = arith.constant 80 : i32
        %mul3A_2235 = arith.muli %scan3A_234, %mul3A_2234 : i32
        %add3A_2236 = arith.constant 77 : i32
        %add3A_2237 = arith.addi %mul3A_2235, %add3A_2236 : i32
        %get3A_2238 = arith.index_cast %add3A_2237 : i32 to index
        %get3A_2239 = arith.constant 0 : index
        %get3A_2240 = tpu.vector_load %arg10[%get3A_2238, %get3A_2239] {strides = array<i32>} : memref<640x64xf32, #tpu.memory_space<vmem>>, vector<16xf32>,
        %mul3A_2241 = arith.mulf %get3A_2240, %get3A_1799 : vector<16xf32>
        %get3A_2242 = arith.index_cast %add3A_2237 : i32 to index
        %get3A_2243 = arith.constant 16 : index
        %get3A_2244 = tpu.vector_load %arg10[%get3A_2242, %get3A_2243] {strides = array<i32>} : memref<640x64xf32, #tpu.memory_space<vmem>>, vector<16xf32>,
        %mul3A_2245 = arith.mulf %get3A_2244, %get3A_1802 : vector<16xf32>
        %add3A_2246 = arith.addf %mul3A_2241, %mul3A_2245 : vector<16xf32>
        %get3A_2247 = arith.index_cast %add3A_2237 : i32 to index
        %get3A_2248 = arith.constant 32 : index
        %get3A_2249 = tpu.vector_load %arg10[%get3A_2247, %get3A_2248] {strides = array<i32>} : memref<640x64xf32, #tpu.memory_space<vmem>>, vector<16xf32>,
        %mul3A_2250 = arith.mulf %get3A_2249, %get3A_1805 : vector<16xf32>
        %add3A_2251 = arith.addf %add3A_2246, %mul3A_2250 : vector<16xf32>
        %get3A_2252 = arith.index_cast %add3A_2237 : i32 to index
        %get3A_2253 = arith.constant 48 : index
        %get3A_2254 = tpu.vector_load %arg10[%get3A_2252, %get3A_2253] {strides = array<i32>} : memref<640x64xf32, #tpu.memory_space<vmem>>, vector<16xf32>,
        %mul3A_2255 = arith.mulf %get3A_2254, %get3A_1808 : vector<16xf32>
        %add3A_2256 = arith.addf %add3A_2251, %mul3A_2255 : vector<16xf32>
        %swap3A_2257 = arith.constant 1232 : index
        %swap3A_2258 = tpu.vector_load %arg12[%swap3A_2257] {strides = array<i32>} : memref<1280xf32, #tpu.memory_space<vmem>>, vector<16xf32>,
        tpu.vector_store %arg12[%swap3A_2257], %add3A_2256 {strides = array<i32>} : memref<1280xf32, #tpu.memory_space<vmem>>, vector<16xf32>,
        %mul3A_2259 = arith.constant 80 : i32
        %mul3A_2260 = arith.muli %scan3A_234, %mul3A_2259 : i32
        %add3A_2261 = arith.constant 78 : i32
        %add3A_2262 = arith.addi %mul3A_2260, %add3A_2261 : i32
        %get3A_2263 = arith.index_cast %add3A_2262 : i32 to index
        %get3A_2264 = arith.constant 0 : index
        %get3A_2265 = tpu.vector_load %arg10[%get3A_2263, %get3A_2264] {strides = array<i32>} : memref<640x64xf32, #tpu.memory_space<vmem>>, vector<16xf32>,
        %mul3A_2266 = arith.mulf %get3A_2265, %get3A_1799 : vector<16xf32>
        %get3A_2267 = arith.index_cast %add3A_2262 : i32 to index
        %get3A_2268 = arith.constant 16 : index
        %get3A_2269 = tpu.vector_load %arg10[%get3A_2267, %get3A_2268] {strides = array<i32>} : memref<640x64xf32, #tpu.memory_space<vmem>>, vector<16xf32>,
        %mul3A_2270 = arith.mulf %get3A_2269, %get3A_1802 : vector<16xf32>
        %add3A_2271 = arith.addf %mul3A_2266, %mul3A_2270 : vector<16xf32>
        %get3A_2272 = arith.index_cast %add3A_2262 : i32 to index
        %get3A_2273 = arith.constant 32 : index
        %get3A_2274 = tpu.vector_load %arg10[%get3A_2272, %get3A_2273] {strides = array<i32>} : memref<640x64xf32, #tpu.memory_space<vmem>>, vector<16xf32>,
        %mul3A_2275 = arith.mulf %get3A_2274, %get3A_1805 : vector<16xf32>
        %add3A_2276 = arith.addf %add3A_2271, %mul3A_2275 : vector<16xf32>
        %get3A_2277 = arith.index_cast %add3A_2262 : i32 to index
        %get3A_2278 = arith.constant 48 : index
        %get3A_2279 = tpu.vector_load %arg10[%get3A_2277, %get3A_2278] {strides = array<i32>} : memref<640x64xf32, #tpu.memory_space<vmem>>, vector<16xf32>,
        %mul3A_2280 = arith.mulf %get3A_2279, %get3A_1808 : vector<16xf32>
        %add3A_2281 = arith.addf %add3A_2276, %mul3A_2280 : vector<16xf32>
        %swap3A_2282 = arith.constant 1248 : index
        %swap3A_2283 = tpu.vector_load %arg12[%swap3A_2282] {strides = array<i32>} : memref<1280xf32, #tpu.memory_space<vmem>>, vector<16xf32>,
        tpu.vector_store %arg12[%swap3A_2282], %add3A_2281 {strides = array<i32>} : memref<1280xf32, #tpu.memory_space<vmem>>, vector<16xf32>,
        %mul3A_2284 = arith.constant 80 : i32
        %mul3A_2285 = arith.muli %scan3A_234, %mul3A_2284 : i32
        %add3A_2286 = arith.constant 79 : i32
        %add3A_2287 = arith.addi %mul3A_2285, %add3A_2286 : i32
        %get3A_2288 = arith.index_cast %add3A_2287 : i32 to index
        %get3A_2289 = arith.constant 0 : index
        %get3A_2290 = tpu.vector_load %arg10[%get3A_2288, %get3A_2289] {strides = array<i32>} : memref<640x64xf32, #tpu.memory_space<vmem>>, vector<16xf32>,
        %mul3A_2291 = arith.mulf %get3A_2290, %get3A_1799 : vector<16xf32>
        %get3A_2292 = arith.index_cast %add3A_2287 : i32 to index
        %get3A_2293 = arith.constant 16 : index
        %get3A_2294 = tpu.vector_load %arg10[%get3A_2292, %get3A_2293] {strides = array<i32>} : memref<640x64xf32, #tpu.memory_space<vmem>>, vector<16xf32>,
        %mul3A_2295 = arith.mulf %get3A_2294, %get3A_1802 : vector<16xf32>
        %add3A_2296 = arith.addf %mul3A_2291, %mul3A_2295 : vector<16xf32>
        %get3A_2297 = arith.index_cast %add3A_2287 : i32 to index
        %get3A_2298 = arith.constant 32 : index
        %get3A_2299 = tpu.vector_load %arg10[%get3A_2297, %get3A_2298] {strides = array<i32>} : memref<640x64xf32, #tpu.memory_space<vmem>>, vector<16xf32>,
        %mul3A_2300 = arith.mulf %get3A_2299, %get3A_1805 : vector<16xf32>
        %add3A_2301 = arith.addf %add3A_2296, %mul3A_2300 : vector<16xf32>
        %get3A_2302 = arith.index_cast %add3A_2287 : i32 to index
        %get3A_2303 = arith.constant 48 : index
        %get3A_2304 = tpu.vector_load %arg10[%get3A_2302, %get3A_2303] {strides = array<i32>} : memref<640x64xf32, #tpu.memory_space<vmem>>, vector<16xf32>,
        %mul3A_2305 = arith.mulf %get3A_2304, %get3A_1808 : vector<16xf32>
        %add3A_2306 = arith.addf %add3A_2301, %mul3A_2305 : vector<16xf32>
        %swap3A_2307 = arith.constant 1264 : index
        %swap3A_2308 = tpu.vector_load %arg12[%swap3A_2307] {strides = array<i32>} : memref<1280xf32, #tpu.memory_space<vmem>>, vector<16xf32>,
        tpu.vector_store %arg12[%swap3A_2307], %add3A_2306 {strides = array<i32>} : memref<1280xf32, #tpu.memory_space<vmem>>, vector<16xf32>,
        %mul3A_2309 = arith.constant 640 : i32
        %mul3A_2310 = arith.muli %scan3A_107, %mul3A_2309 : i32
        %mul3A_2311 = arith.constant 80 : i32
        %mul3A_2312 = arith.muli %scan3A_234, %mul3A_2311 : i32
        %add3A_2313 = arith.addi %mul3A_2310, %mul3A_2312 : i32
        %add3A_2314 = arith.constant 0 : i32
        %add3A_2315 = vector.broadcast %add3A_2314 : i32 to vector<16xi32>
        %add3A_2316 = arith.addi %iota3A, %add3A_2315 : vector<16xi32>
        %mul3A_2317 = arith.constant 16 : i32
        %mul3A_2318 = vector.broadcast %mul3A_2317 : i32 to vector<16xi32>
        %mul3A_2319 = arith.muli %add3A_2316, %mul3A_2318 : vector<16xi32>
        %gather3A = tpu.vector_load_idx %arg12[%mul3A_2319] : memref<1280xf32, #tpu.memory_space<vmem>>[vector<16xi32>], vector<16xf32>,
        %add3A_2320 = arith.constant 1 : i32
        %add3A_2321 = vector.broadcast %add3A_2320 : i32 to vector<16xi32>
        %add3A_2322 = arith.addi %mul3A_2319, %add3A_2321 : vector<16xi32>
        %gather3A_2323 = tpu.vector_load_idx %arg12[%add3A_2322] : memref<1280xf32, #tpu.memory_space<vmem>>[vector<16xi32>], vector<16xf32>,
        %add3A_2324 = arith.addf %gather3A, %gather3A_2323 : vector<16xf32>
        %add3A_2325 = arith.constant 2 : i32
        %add3A_2326 = vector.broadcast %add3A_2325 : i32 to vector<16xi32>
        %add3A_2327 = arith.addi %mul3A_2319, %add3A_2326 : vector<16xi32>
        %gather3A_2328 = tpu.vector_load_idx %arg12[%add3A_2327] : memref<1280xf32, #tpu.memory_space<vmem>>[vector<16xi32>], vector<16xf32>,
        %add3A_2329 = arith.addf %add3A_2324, %gather3A_2328 : vector<16xf32>
        %add3A_2330 = arith.constant 3 : i32
        %add3A_2331 = vector.broadcast %add3A_2330 : i32 to vector<16xi32>
        %add3A_2332 = arith.addi %mul3A_2319, %add3A_2331 : vector<16xi32>
        %gather3A_2333 = tpu.vector_load_idx %arg12[%add3A_2332] : memref<1280xf32, #tpu.memory_space<vmem>>[vector<16xi32>], vector<16xf32>,
        %add3A_2334 = arith.addf %add3A_2329, %gather3A_2333 : vector<16xf32>
        %add3A_2335 = arith.constant 4 : i32
        %add3A_2336 = vector.broadcast %add3A_2335 : i32 to vector<16xi32>
        %add3A_2337 = arith.addi %mul3A_2319, %add3A_2336 : vector<16xi32>
        %gather3A_2338 = tpu.vector_load_idx %arg12[%add3A_2337] : memref<1280xf32, #tpu.memory_space<vmem>>[vector<16xi32>], vector<16xf32>,
        %add3A_2339 = arith.addf %add3A_2334, %gather3A_2338 : vector<16xf32>
        %add3A_2340 = arith.constant 5 : i32
        %add3A_2341 = vector.broadcast %add3A_2340 : i32 to vector<16xi32>
        %add3A_2342 = arith.addi %mul3A_2319, %add3A_2341 : vector<16xi32>
        %gather3A_2343 = tpu.vector_load_idx %arg12[%add3A_2342] : memref<1280xf32, #tpu.memory_space<vmem>>[vector<16xi32>], vector<16xf32>,
        %add3A_2344 = arith.addf %add3A_2339, %gather3A_2343 : vector<16xf32>
        %add3A_2345 = arith.constant 6 : i32
        %add3A_2346 = vector.broadcast %add3A_2345 : i32 to vector<16xi32>
        %add3A_2347 = arith.addi %mul3A_2319, %add3A_2346 : vector<16xi32>
        %gather3A_2348 = tpu.vector_load_idx %arg12[%add3A_2347] : memref<1280xf32, #tpu.memory_space<vmem>>[vector<16xi32>], vector<16xf32>,
        %add3A_2349 = arith.addf %add3A_2344, %gather3A_2348 : vector<16xf32>
        %add3A_2350 = arith.constant 7 : i32
        %add3A_2351 = vector.broadcast %add3A_2350 : i32 to vector<16xi32>
        %add3A_2352 = arith.addi %mul3A_2319, %add3A_2351 : vector<16xi32>
        %gather3A_2353 = tpu.vector_load_idx %arg12[%add3A_2352] : memref<1280xf32, #tpu.memory_space<vmem>>[vector<16xi32>], vector<16xf32>,
        %add3A_2354 = arith.addf %add3A_2349, %gather3A_2353 : vector<16xf32>
        %add3A_2355 = arith.constant 8 : i32
        %add3A_2356 = vector.broadcast %add3A_2355 : i32 to vector<16xi32>
        %add3A_2357 = arith.addi %mul3A_2319, %add3A_2356 : vector<16xi32>
        %gather3A_2358 = tpu.vector_load_idx %arg12[%add3A_2357] : memref<1280xf32, #tpu.memory_space<vmem>>[vector<16xi32>], vector<16xf32>,
        %add3A_2359 = arith.addf %add3A_2354, %gather3A_2358 : vector<16xf32>
        %add3A_2360 = arith.constant 9 : i32
        %add3A_2361 = vector.broadcast %add3A_2360 : i32 to vector<16xi32>
        %add3A_2362 = arith.addi %mul3A_2319, %add3A_2361 : vector<16xi32>
        %gather3A_2363 = tpu.vector_load_idx %arg12[%add3A_2362] : memref<1280xf32, #tpu.memory_space<vmem>>[vector<16xi32>], vector<16xf32>,
        %add3A_2364 = arith.addf %add3A_2359, %gather3A_2363 : vector<16xf32>
        %add3A_2365 = arith.constant 10 : i32
        %add3A_2366 = vector.broadcast %add3A_2365 : i32 to vector<16xi32>
        %add3A_2367 = arith.addi %mul3A_2319, %add3A_2366 : vector<16xi32>
        %gather3A_2368 = tpu.vector_load_idx %arg12[%add3A_2367] : memref<1280xf32, #tpu.memory_space<vmem>>[vector<16xi32>], vector<16xf32>,
        %add3A_2369 = arith.addf %add3A_2364, %gather3A_2368 : vector<16xf32>
        %add3A_2370 = arith.constant 11 : i32
        %add3A_2371 = vector.broadcast %add3A_2370 : i32 to vector<16xi32>
        %add3A_2372 = arith.addi %mul3A_2319, %add3A_2371 : vector<16xi32>
        %gather3A_2373 = tpu.vector_load_idx %arg12[%add3A_2372] : memref<1280xf32, #tpu.memory_space<vmem>>[vector<16xi32>], vector<16xf32>,
        %add3A_2374 = arith.addf %add3A_2369, %gather3A_2373 : vector<16xf32>
        %add3A_2375 = arith.constant 12 : i32
        %add3A_2376 = vector.broadcast %add3A_2375 : i32 to vector<16xi32>
        %add3A_2377 = arith.addi %mul3A_2319, %add3A_2376 : vector<16xi32>
        %gather3A_2378 = tpu.vector_load_idx %arg12[%add3A_2377] : memref<1280xf32, #tpu.memory_space<vmem>>[vector<16xi32>], vector<16xf32>,
        %add3A_2379 = arith.addf %add3A_2374, %gather3A_2378 : vector<16xf32>
        %add3A_2380 = arith.constant 13 : i32
        %add3A_2381 = vector.broadcast %add3A_2380 : i32 to vector<16xi32>
        %add3A_2382 = arith.addi %mul3A_2319, %add3A_2381 : vector<16xi32>
        %gather3A_2383 = tpu.vector_load_idx %arg12[%add3A_2382] : memref<1280xf32, #tpu.memory_space<vmem>>[vector<16xi32>], vector<16xf32>,
        %add3A_2384 = arith.addf %add3A_2379, %gather3A_2383 : vector<16xf32>
        %add3A_2385 = arith.constant 14 : i32
        %add3A_2386 = vector.broadcast %add3A_2385 : i32 to vector<16xi32>
        %add3A_2387 = arith.addi %mul3A_2319, %add3A_2386 : vector<16xi32>
        %gather3A_2388 = tpu.vector_load_idx %arg12[%add3A_2387] : memref<1280xf32, #tpu.memory_space<vmem>>[vector<16xi32>], vector<16xf32>,
        %add3A_2389 = arith.addf %add3A_2384, %gather3A_2388 : vector<16xf32>
        %add3A_2390 = arith.constant 15 : i32
        %add3A_2391 = vector.broadcast %add3A_2390 : i32 to vector<16xi32>
        %add3A_2392 = arith.addi %mul3A_2319, %add3A_2391 : vector<16xi32>
        %gather3A_2393 = tpu.vector_load_idx %arg12[%add3A_2392] : memref<1280xf32, #tpu.memory_space<vmem>>[vector<16xi32>], vector<16xf32>,
        %add3A_2394 = arith.addf %add3A_2389, %gather3A_2393 : vector<16xf32>
        %add3A_2395 = arith.constant 0 : i32
        %add3A_2396 = arith.addi %add3A_2313, %add3A_2395 : i32
        %swap3A_2397 = arith.index_cast %add3A_2396 : i32 to index
        %swap3A_2398 = tpu.vector_load %arg11[%swap3A_2397] {strides = array<i32>} : memref<10240xf32, #tpu.memory_space<vmem>>, vector<16xf32>,
        tpu.vector_store %arg11[%swap3A_2397], %add3A_2394 {strides = array<i32>} : memref<10240xf32, #tpu.memory_space<vmem>>, vector<16xf32>,
        %add3A_2399 = arith.constant 16 : i32
        %add3A_2400 = vector.broadcast %add3A_2399 : i32 to vector<16xi32>
        %add3A_2401 = arith.addi %iota3A, %add3A_2400 : vector<16xi32>
        %mul3A_2402 = arith.constant 16 : i32
        %mul3A_2403 = vector.broadcast %mul3A_2402 : i32 to vector<16xi32>
        %mul3A_2404 = arith.muli %add3A_2401, %mul3A_2403 : vector<16xi32>
        %gather3A_2405 = tpu.vector_load_idx %arg12[%mul3A_2404] : memref<1280xf32, #tpu.memory_space<vmem>>[vector<16xi32>], vector<16xf32>,
        %add3A_2406 = arith.constant 1 : i32
        %add3A_2407 = vector.broadcast %add3A_2406 : i32 to vector<16xi32>
        %add3A_2408 = arith.addi %mul3A_2404, %add3A_2407 : vector<16xi32>
        %gather3A_2409 = tpu.vector_load_idx %arg12[%add3A_2408] : memref<1280xf32, #tpu.memory_space<vmem>>[vector<16xi32>], vector<16xf32>,
        %add3A_2410 = arith.addf %gather3A_2405, %gather3A_2409 : vector<16xf32>
        %add3A_2411 = arith.constant 2 : i32
        %add3A_2412 = vector.broadcast %add3A_2411 : i32 to vector<16xi32>
        %add3A_2413 = arith.addi %mul3A_2404, %add3A_2412 : vector<16xi32>
        %gather3A_2414 = tpu.vector_load_idx %arg12[%add3A_2413] : memref<1280xf32, #tpu.memory_space<vmem>>[vector<16xi32>], vector<16xf32>,
        %add3A_2415 = arith.addf %add3A_2410, %gather3A_2414 : vector<16xf32>
        %add3A_2416 = arith.constant 3 : i32
        %add3A_2417 = vector.broadcast %add3A_2416 : i32 to vector<16xi32>
        %add3A_2418 = arith.addi %mul3A_2404, %add3A_2417 : vector<16xi32>
        %gather3A_2419 = tpu.vector_load_idx %arg12[%add3A_2418] : memref<1280xf32, #tpu.memory_space<vmem>>[vector<16xi32>], vector<16xf32>,
        %add3A_2420 = arith.addf %add3A_2415, %gather3A_2419 : vector<16xf32>
        %add3A_2421 = arith.constant 4 : i32
        %add3A_2422 = vector.broadcast %add3A_2421 : i32 to vector<16xi32>
        %add3A_2423 = arith.addi %mul3A_2404, %add3A_2422 : vector<16xi32>
        %gather3A_2424 = tpu.vector_load_idx %arg12[%add3A_2423] : memref<1280xf32, #tpu.memory_space<vmem>>[vector<16xi32>], vector<16xf32>,
        %add3A_2425 = arith.addf %add3A_2420, %gather3A_2424 : vector<16xf32>
        %add3A_2426 = arith.constant 5 : i32
        %add3A_2427 = vector.broadcast %add3A_2426 : i32 to vector<16xi32>
        %add3A_2428 = arith.addi %mul3A_2404, %add3A_2427 : vector<16xi32>
        %gather3A_2429 = tpu.vector_load_idx %arg12[%add3A_2428] : memref<1280xf32, #tpu.memory_space<vmem>>[vector<16xi32>], vector<16xf32>,
        %add3A_2430 = arith.addf %add3A_2425, %gather3A_2429 : vector<16xf32>
        %add3A_2431 = arith.constant 6 : i32
        %add3A_2432 = vector.broadcast %add3A_2431 : i32 to vector<16xi32>
        %add3A_2433 = arith.addi %mul3A_2404, %add3A_2432 : vector<16xi32>
        %gather3A_2434 = tpu.vector_load_idx %arg12[%add3A_2433] : memref<1280xf32, #tpu.memory_space<vmem>>[vector<16xi32>], vector<16xf32>,
        %add3A_2435 = arith.addf %add3A_2430, %gather3A_2434 : vector<16xf32>
        %add3A_2436 = arith.constant 7 : i32
        %add3A_2437 = vector.broadcast %add3A_2436 : i32 to vector<16xi32>
        %add3A_2438 = arith.addi %mul3A_2404, %add3A_2437 : vector<16xi32>
        %gather3A_2439 = tpu.vector_load_idx %arg12[%add3A_2438] : memref<1280xf32, #tpu.memory_space<vmem>>[vector<16xi32>], vector<16xf32>,
        %add3A_2440 = arith.addf %add3A_2435, %gather3A_2439 : vector<16xf32>
        %add3A_2441 = arith.constant 8 : i32
        %add3A_2442 = vector.broadcast %add3A_2441 : i32 to vector<16xi32>
        %add3A_2443 = arith.addi %mul3A_2404, %add3A_2442 : vector<16xi32>
        %gather3A_2444 = tpu.vector_load_idx %arg12[%add3A_2443] : memref<1280xf32, #tpu.memory_space<vmem>>[vector<16xi32>], vector<16xf32>,
        %add3A_2445 = arith.addf %add3A_2440, %gather3A_2444 : vector<16xf32>
        %add3A_2446 = arith.constant 9 : i32
        %add3A_2447 = vector.broadcast %add3A_2446 : i32 to vector<16xi32>
        %add3A_2448 = arith.addi %mul3A_2404, %add3A_2447 : vector<16xi32>
        %gather3A_2449 = tpu.vector_load_idx %arg12[%add3A_2448] : memref<1280xf32, #tpu.memory_space<vmem>>[vector<16xi32>], vector<16xf32>,
        %add3A_2450 = arith.addf %add3A_2445, %gather3A_2449 : vector<16xf32>
        %add3A_2451 = arith.constant 10 : i32
        %add3A_2452 = vector.broadcast %add3A_2451 : i32 to vector<16xi32>
        %add3A_2453 = arith.addi %mul3A_2404, %add3A_2452 : vector<16xi32>
        %gather3A_2454 = tpu.vector_load_idx %arg12[%add3A_2453] : memref<1280xf32, #tpu.memory_space<vmem>>[vector<16xi32>], vector<16xf32>,
        %add3A_2455 = arith.addf %add3A_2450, %gather3A_2454 : vector<16xf32>
        %add3A_2456 = arith.constant 11 : i32
        %add3A_2457 = vector.broadcast %add3A_2456 : i32 to vector<16xi32>
        %add3A_2458 = arith.addi %mul3A_2404, %add3A_2457 : vector<16xi32>
        %gather3A_2459 = tpu.vector_load_idx %arg12[%add3A_2458] : memref<1280xf32, #tpu.memory_space<vmem>>[vector<16xi32>], vector<16xf32>,
        %add3A_2460 = arith.addf %add3A_2455, %gather3A_2459 : vector<16xf32>
        %add3A_2461 = arith.constant 12 : i32
        %add3A_2462 = vector.broadcast %add3A_2461 : i32 to vector<16xi32>
        %add3A_2463 = arith.addi %mul3A_2404, %add3A_2462 : vector<16xi32>
        %gather3A_2464 = tpu.vector_load_idx %arg12[%add3A_2463] : memref<1280xf32, #tpu.memory_space<vmem>>[vector<16xi32>], vector<16xf32>,
        %add3A_2465 = arith.addf %add3A_2460, %gather3A_2464 : vector<16xf32>
        %add3A_2466 = arith.constant 13 : i32
        %add3A_2467 = vector.broadcast %add3A_2466 : i32 to vector<16xi32>
        %add3A_2468 = arith.addi %mul3A_2404, %add3A_2467 : vector<16xi32>
        %gather3A_2469 = tpu.vector_load_idx %arg12[%add3A_2468] : memref<1280xf32, #tpu.memory_space<vmem>>[vector<16xi32>], vector<16xf32>,
        %add3A_2470 = arith.addf %add3A_2465, %gather3A_2469 : vector<16xf32>
        %add3A_2471 = arith.constant 14 : i32
        %add3A_2472 = vector.broadcast %add3A_2471 : i32 to vector<16xi32>
        %add3A_2473 = arith.addi %mul3A_2404, %add3A_2472 : vector<16xi32>
        %gather3A_2474 = tpu.vector_load_idx %arg12[%add3A_2473] : memref<1280xf32, #tpu.memory_space<vmem>>[vector<16xi32>], vector<16xf32>,
        %add3A_2475 = arith.addf %add3A_2470, %gather3A_2474 : vector<16xf32>
        %add3A_2476 = arith.constant 15 : i32
        %add3A_2477 = vector.broadcast %add3A_2476 : i32 to vector<16xi32>
        %add3A_2478 = arith.addi %mul3A_2404, %add3A_2477 : vector<16xi32>
        %gather3A_2479 = tpu.vector_load_idx %arg12[%add3A_2478] : memref<1280xf32, #tpu.memory_space<vmem>>[vector<16xi32>], vector<16xf32>,
        %add3A_2480 = arith.addf %add3A_2475, %gather3A_2479 : vector<16xf32>
        %add3A_2481 = arith.constant 16 : i32
        %add3A_2482 = arith.addi %add3A_2313, %add3A_2481 : i32
        %swap3A_2483 = arith.index_cast %add3A_2482 : i32 to index
        %swap3A_2484 = tpu.vector_load %arg11[%swap3A_2483] {strides = array<i32>} : memref<10240xf32, #tpu.memory_space<vmem>>, vector<16xf32>,
        tpu.vector_store %arg11[%swap3A_2483], %add3A_2480 {strides = array<i32>} : memref<10240xf32, #tpu.memory_space<vmem>>, vector<16xf32>,
        %add3A_2485 = arith.constant 32 : i32
        %add3A_2486 = vector.broadcast %add3A_2485 : i32 to vector<16xi32>
        %add3A_2487 = arith.addi %iota3A, %add3A_2486 : vector<16xi32>
        %mul3A_2488 = arith.constant 16 : i32
        %mul3A_2489 = vector.broadcast %mul3A_2488 : i32 to vector<16xi32>
        %mul3A_2490 = arith.muli %add3A_2487, %mul3A_2489 : vector<16xi32>
        %gather3A_2491 = tpu.vector_load_idx %arg12[%mul3A_2490] : memref<1280xf32, #tpu.memory_space<vmem>>[vector<16xi32>], vector<16xf32>,
        %add3A_2492 = arith.constant 1 : i32
        %add3A_2493 = vector.broadcast %add3A_2492 : i32 to vector<16xi32>
        %add3A_2494 = arith.addi %mul3A_2490, %add3A_2493 : vector<16xi32>
        %gather3A_2495 = tpu.vector_load_idx %arg12[%add3A_2494] : memref<1280xf32, #tpu.memory_space<vmem>>[vector<16xi32>], vector<16xf32>,
        %add3A_2496 = arith.addf %gather3A_2491, %gather3A_2495 : vector<16xf32>
        %add3A_2497 = arith.constant 2 : i32
        %add3A_2498 = vector.broadcast %add3A_2497 : i32 to vector<16xi32>
        %add3A_2499 = arith.addi %mul3A_2490, %add3A_2498 : vector<16xi32>
        %gather3A_2500 = tpu.vector_load_idx %arg12[%add3A_2499] : memref<1280xf32, #tpu.memory_space<vmem>>[vector<16xi32>], vector<16xf32>,
        %add3A_2501 = arith.addf %add3A_2496, %gather3A_2500 : vector<16xf32>
        %add3A_2502 = arith.constant 3 : i32
        %add3A_2503 = vector.broadcast %add3A_2502 : i32 to vector<16xi32>
        %add3A_2504 = arith.addi %mul3A_2490, %add3A_2503 : vector<16xi32>
        %gather3A_2505 = tpu.vector_load_idx %arg12[%add3A_2504] : memref<1280xf32, #tpu.memory_space<vmem>>[vector<16xi32>], vector<16xf32>,
        %add3A_2506 = arith.addf %add3A_2501, %gather3A_2505 : vector<16xf32>
        %add3A_2507 = arith.constant 4 : i32
        %add3A_2508 = vector.broadcast %add3A_2507 : i32 to vector<16xi32>
        %add3A_2509 = arith.addi %mul3A_2490, %add3A_2508 : vector<16xi32>
        %gather3A_2510 = tpu.vector_load_idx %arg12[%add3A_2509] : memref<1280xf32, #tpu.memory_space<vmem>>[vector<16xi32>], vector<16xf32>,
        %add3A_2511 = arith.addf %add3A_2506, %gather3A_2510 : vector<16xf32>
        %add3A_2512 = arith.constant 5 : i32
        %add3A_2513 = vector.broadcast %add3A_2512 : i32 to vector<16xi32>
        %add3A_2514 = arith.addi %mul3A_2490, %add3A_2513 : vector<16xi32>
        %gather3A_2515 = tpu.vector_load_idx %arg12[%add3A_2514] : memref<1280xf32, #tpu.memory_space<vmem>>[vector<16xi32>], vector<16xf32>,
        %add3A_2516 = arith.addf %add3A_2511, %gather3A_2515 : vector<16xf32>
        %add3A_2517 = arith.constant 6 : i32
        %add3A_2518 = vector.broadcast %add3A_2517 : i32 to vector<16xi32>
        %add3A_2519 = arith.addi %mul3A_2490, %add3A_2518 : vector<16xi32>
        %gather3A_2520 = tpu.vector_load_idx %arg12[%add3A_2519] : memref<1280xf32, #tpu.memory_space<vmem>>[vector<16xi32>], vector<16xf32>,
        %add3A_2521 = arith.addf %add3A_2516, %gather3A_2520 : vector<16xf32>
        %add3A_2522 = arith.constant 7 : i32
        %add3A_2523 = vector.broadcast %add3A_2522 : i32 to vector<16xi32>
        %add3A_2524 = arith.addi %mul3A_2490, %add3A_2523 : vector<16xi32>
        %gather3A_2525 = tpu.vector_load_idx %arg12[%add3A_2524] : memref<1280xf32, #tpu.memory_space<vmem>>[vector<16xi32>], vector<16xf32>,
        %add3A_2526 = arith.addf %add3A_2521, %gather3A_2525 : vector<16xf32>
        %add3A_2527 = arith.constant 8 : i32
        %add3A_2528 = vector.broadcast %add3A_2527 : i32 to vector<16xi32>
        %add3A_2529 = arith.addi %mul3A_2490, %add3A_2528 : vector<16xi32>
        %gather3A_2530 = tpu.vector_load_idx %arg12[%add3A_2529] : memref<1280xf32, #tpu.memory_space<vmem>>[vector<16xi32>], vector<16xf32>,
        %add3A_2531 = arith.addf %add3A_2526, %gather3A_2530 : vector<16xf32>
        %add3A_2532 = arith.constant 9 : i32
        %add3A_2533 = vector.broadcast %add3A_2532 : i32 to vector<16xi32>
        %add3A_2534 = arith.addi %mul3A_2490, %add3A_2533 : vector<16xi32>
        %gather3A_2535 = tpu.vector_load_idx %arg12[%add3A_2534] : memref<1280xf32, #tpu.memory_space<vmem>>[vector<16xi32>], vector<16xf32>,
        %add3A_2536 = arith.addf %add3A_2531, %gather3A_2535 : vector<16xf32>
        %add3A_2537 = arith.constant 10 : i32
        %add3A_2538 = vector.broadcast %add3A_2537 : i32 to vector<16xi32>
        %add3A_2539 = arith.addi %mul3A_2490, %add3A_2538 : vector<16xi32>
        %gather3A_2540 = tpu.vector_load_idx %arg12[%add3A_2539] : memref<1280xf32, #tpu.memory_space<vmem>>[vector<16xi32>], vector<16xf32>,
        %add3A_2541 = arith.addf %add3A_2536, %gather3A_2540 : vector<16xf32>
        %add3A_2542 = arith.constant 11 : i32
        %add3A_2543 = vector.broadcast %add3A_2542 : i32 to vector<16xi32>
        %add3A_2544 = arith.addi %mul3A_2490, %add3A_2543 : vector<16xi32>
        %gather3A_2545 = tpu.vector_load_idx %arg12[%add3A_2544] : memref<1280xf32, #tpu.memory_space<vmem>>[vector<16xi32>], vector<16xf32>,
        %add3A_2546 = arith.addf %add3A_2541, %gather3A_2545 : vector<16xf32>
        %add3A_2547 = arith.constant 12 : i32
        %add3A_2548 = vector.broadcast %add3A_2547 : i32 to vector<16xi32>
        %add3A_2549 = arith.addi %mul3A_2490, %add3A_2548 : vector<16xi32>
        %gather3A_2550 = tpu.vector_load_idx %arg12[%add3A_2549] : memref<1280xf32, #tpu.memory_space<vmem>>[vector<16xi32>], vector<16xf32>,
        %add3A_2551 = arith.addf %add3A_2546, %gather3A_2550 : vector<16xf32>
        %add3A_2552 = arith.constant 13 : i32
        %add3A_2553 = vector.broadcast %add3A_2552 : i32 to vector<16xi32>
        %add3A_2554 = arith.addi %mul3A_2490, %add3A_2553 : vector<16xi32>
        %gather3A_2555 = tpu.vector_load_idx %arg12[%add3A_2554] : memref<1280xf32, #tpu.memory_space<vmem>>[vector<16xi32>], vector<16xf32>,
        %add3A_2556 = arith.addf %add3A_2551, %gather3A_2555 : vector<16xf32>
        %add3A_2557 = arith.constant 14 : i32
        %add3A_2558 = vector.broadcast %add3A_2557 : i32 to vector<16xi32>
        %add3A_2559 = arith.addi %mul3A_2490, %add3A_2558 : vector<16xi32>
        %gather3A_2560 = tpu.vector_load_idx %arg12[%add3A_2559] : memref<1280xf32, #tpu.memory_space<vmem>>[vector<16xi32>], vector<16xf32>,
        %add3A_2561 = arith.addf %add3A_2556, %gather3A_2560 : vector<16xf32>
        %add3A_2562 = arith.constant 15 : i32
        %add3A_2563 = vector.broadcast %add3A_2562 : i32 to vector<16xi32>
        %add3A_2564 = arith.addi %mul3A_2490, %add3A_2563 : vector<16xi32>
        %gather3A_2565 = tpu.vector_load_idx %arg12[%add3A_2564] : memref<1280xf32, #tpu.memory_space<vmem>>[vector<16xi32>], vector<16xf32>,
        %add3A_2566 = arith.addf %add3A_2561, %gather3A_2565 : vector<16xf32>
        %add3A_2567 = arith.constant 32 : i32
        %add3A_2568 = arith.addi %add3A_2313, %add3A_2567 : i32
        %swap3A_2569 = arith.index_cast %add3A_2568 : i32 to index
        %swap3A_2570 = tpu.vector_load %arg11[%swap3A_2569] {strides = array<i32>} : memref<10240xf32, #tpu.memory_space<vmem>>, vector<16xf32>,
        tpu.vector_store %arg11[%swap3A_2569], %add3A_2566 {strides = array<i32>} : memref<10240xf32, #tpu.memory_space<vmem>>, vector<16xf32>,
        %add3A_2571 = arith.constant 48 : i32
        %add3A_2572 = vector.broadcast %add3A_2571 : i32 to vector<16xi32>
        %add3A_2573 = arith.addi %iota3A, %add3A_2572 : vector<16xi32>
        %mul3A_2574 = arith.constant 16 : i32
        %mul3A_2575 = vector.broadcast %mul3A_2574 : i32 to vector<16xi32>
        %mul3A_2576 = arith.muli %add3A_2573, %mul3A_2575 : vector<16xi32>
        %gather3A_2577 = tpu.vector_load_idx %arg12[%mul3A_2576] : memref<1280xf32, #tpu.memory_space<vmem>>[vector<16xi32>], vector<16xf32>,
        %add3A_2578 = arith.constant 1 : i32
        %add3A_2579 = vector.broadcast %add3A_2578 : i32 to vector<16xi32>
        %add3A_2580 = arith.addi %mul3A_2576, %add3A_2579 : vector<16xi32>
        %gather3A_2581 = tpu.vector_load_idx %arg12[%add3A_2580] : memref<1280xf32, #tpu.memory_space<vmem>>[vector<16xi32>], vector<16xf32>,
        %add3A_2582 = arith.addf %gather3A_2577, %gather3A_2581 : vector<16xf32>
        %add3A_2583 = arith.constant 2 : i32
        %add3A_2584 = vector.broadcast %add3A_2583 : i32 to vector<16xi32>
        %add3A_2585 = arith.addi %mul3A_2576, %add3A_2584 : vector<16xi32>
        %gather3A_2586 = tpu.vector_load_idx %arg12[%add3A_2585] : memref<1280xf32, #tpu.memory_space<vmem>>[vector<16xi32>], vector<16xf32>,
        %add3A_2587 = arith.addf %add3A_2582, %gather3A_2586 : vector<16xf32>
        %add3A_2588 = arith.constant 3 : i32
        %add3A_2589 = vector.broadcast %add3A_2588 : i32 to vector<16xi32>
        %add3A_2590 = arith.addi %mul3A_2576, %add3A_2589 : vector<16xi32>
        %gather3A_2591 = tpu.vector_load_idx %arg12[%add3A_2590] : memref<1280xf32, #tpu.memory_space<vmem>>[vector<16xi32>], vector<16xf32>,
        %add3A_2592 = arith.addf %add3A_2587, %gather3A_2591 : vector<16xf32>
        %add3A_2593 = arith.constant 4 : i32
        %add3A_2594 = vector.broadcast %add3A_2593 : i32 to vector<16xi32>
        %add3A_2595 = arith.addi %mul3A_2576, %add3A_2594 : vector<16xi32>
        %gather3A_2596 = tpu.vector_load_idx %arg12[%add3A_2595] : memref<1280xf32, #tpu.memory_space<vmem>>[vector<16xi32>], vector<16xf32>,
        %add3A_2597 = arith.addf %add3A_2592, %gather3A_2596 : vector<16xf32>
        %add3A_2598 = arith.constant 5 : i32
        %add3A_2599 = vector.broadcast %add3A_2598 : i32 to vector<16xi32>
        %add3A_2600 = arith.addi %mul3A_2576, %add3A_2599 : vector<16xi32>
        %gather3A_2601 = tpu.vector_load_idx %arg12[%add3A_2600] : memref<1280xf32, #tpu.memory_space<vmem>>[vector<16xi32>], vector<16xf32>,
        %add3A_2602 = arith.addf %add3A_2597, %gather3A_2601 : vector<16xf32>
        %add3A_2603 = arith.constant 6 : i32
        %add3A_2604 = vector.broadcast %add3A_2603 : i32 to vector<16xi32>
        %add3A_2605 = arith.addi %mul3A_2576, %add3A_2604 : vector<16xi32>
        %gather3A_2606 = tpu.vector_load_idx %arg12[%add3A_2605] : memref<1280xf32, #tpu.memory_space<vmem>>[vector<16xi32>], vector<16xf32>,
        %add3A_2607 = arith.addf %add3A_2602, %gather3A_2606 : vector<16xf32>
        %add3A_2608 = arith.constant 7 : i32
        %add3A_2609 = vector.broadcast %add3A_2608 : i32 to vector<16xi32>
        %add3A_2610 = arith.addi %mul3A_2576, %add3A_2609 : vector<16xi32>
        %gather3A_2611 = tpu.vector_load_idx %arg12[%add3A_2610] : memref<1280xf32, #tpu.memory_space<vmem>>[vector<16xi32>], vector<16xf32>,
        %add3A_2612 = arith.addf %add3A_2607, %gather3A_2611 : vector<16xf32>
        %add3A_2613 = arith.constant 8 : i32
        %add3A_2614 = vector.broadcast %add3A_2613 : i32 to vector<16xi32>
        %add3A_2615 = arith.addi %mul3A_2576, %add3A_2614 : vector<16xi32>
        %gather3A_2616 = tpu.vector_load_idx %arg12[%add3A_2615] : memref<1280xf32, #tpu.memory_space<vmem>>[vector<16xi32>], vector<16xf32>,
        %add3A_2617 = arith.addf %add3A_2612, %gather3A_2616 : vector<16xf32>
        %add3A_2618 = arith.constant 9 : i32
        %add3A_2619 = vector.broadcast %add3A_2618 : i32 to vector<16xi32>
        %add3A_2620 = arith.addi %mul3A_2576, %add3A_2619 : vector<16xi32>
        %gather3A_2621 = tpu.vector_load_idx %arg12[%add3A_2620] : memref<1280xf32, #tpu.memory_space<vmem>>[vector<16xi32>], vector<16xf32>,
        %add3A_2622 = arith.addf %add3A_2617, %gather3A_2621 : vector<16xf32>
        %add3A_2623 = arith.constant 10 : i32
        %add3A_2624 = vector.broadcast %add3A_2623 : i32 to vector<16xi32>
        %add3A_2625 = arith.addi %mul3A_2576, %add3A_2624 : vector<16xi32>
        %gather3A_2626 = tpu.vector_load_idx %arg12[%add3A_2625] : memref<1280xf32, #tpu.memory_space<vmem>>[vector<16xi32>], vector<16xf32>,
        %add3A_2627 = arith.addf %add3A_2622, %gather3A_2626 : vector<16xf32>
        %add3A_2628 = arith.constant 11 : i32
        %add3A_2629 = vector.broadcast %add3A_2628 : i32 to vector<16xi32>
        %add3A_2630 = arith.addi %mul3A_2576, %add3A_2629 : vector<16xi32>
        %gather3A_2631 = tpu.vector_load_idx %arg12[%add3A_2630] : memref<1280xf32, #tpu.memory_space<vmem>>[vector<16xi32>], vector<16xf32>,
        %add3A_2632 = arith.addf %add3A_2627, %gather3A_2631 : vector<16xf32>
        %add3A_2633 = arith.constant 12 : i32
        %add3A_2634 = vector.broadcast %add3A_2633 : i32 to vector<16xi32>
        %add3A_2635 = arith.addi %mul3A_2576, %add3A_2634 : vector<16xi32>
        %gather3A_2636 = tpu.vector_load_idx %arg12[%add3A_2635] : memref<1280xf32, #tpu.memory_space<vmem>>[vector<16xi32>], vector<16xf32>,
        %add3A_2637 = arith.addf %add3A_2632, %gather3A_2636 : vector<16xf32>
        %add3A_2638 = arith.constant 13 : i32
        %add3A_2639 = vector.broadcast %add3A_2638 : i32 to vector<16xi32>
        %add3A_2640 = arith.addi %mul3A_2576, %add3A_2639 : vector<16xi32>
        %gather3A_2641 = tpu.vector_load_idx %arg12[%add3A_2640] : memref<1280xf32, #tpu.memory_space<vmem>>[vector<16xi32>], vector<16xf32>,
        %add3A_2642 = arith.addf %add3A_2637, %gather3A_2641 : vector<16xf32>
        %add3A_2643 = arith.constant 14 : i32
        %add3A_2644 = vector.broadcast %add3A_2643 : i32 to vector<16xi32>
        %add3A_2645 = arith.addi %mul3A_2576, %add3A_2644 : vector<16xi32>
        %gather3A_2646 = tpu.vector_load_idx %arg12[%add3A_2645] : memref<1280xf32, #tpu.memory_space<vmem>>[vector<16xi32>], vector<16xf32>,
        %add3A_2647 = arith.addf %add3A_2642, %gather3A_2646 : vector<16xf32>
        %add3A_2648 = arith.constant 15 : i32
        %add3A_2649 = vector.broadcast %add3A_2648 : i32 to vector<16xi32>
        %add3A_2650 = arith.addi %mul3A_2576, %add3A_2649 : vector<16xi32>
        %gather3A_2651 = tpu.vector_load_idx %arg12[%add3A_2650] : memref<1280xf32, #tpu.memory_space<vmem>>[vector<16xi32>], vector<16xf32>,
        %add3A_2652 = arith.addf %add3A_2647, %gather3A_2651 : vector<16xf32>
        %add3A_2653 = arith.constant 48 : i32
        %add3A_2654 = arith.addi %add3A_2313, %add3A_2653 : i32
        %swap3A_2655 = arith.index_cast %add3A_2654 : i32 to index
        %swap3A_2656 = tpu.vector_load %arg11[%swap3A_2655] {strides = array<i32>} : memref<10240xf32, #tpu.memory_space<vmem>>, vector<16xf32>,
        tpu.vector_store %arg11[%swap3A_2655], %add3A_2652 {strides = array<i32>} : memref<10240xf32, #tpu.memory_space<vmem>>, vector<16xf32>,
        %add3A_2657 = arith.constant 64 : i32
        %add3A_2658 = vector.broadcast %add3A_2657 : i32 to vector<16xi32>
        %add3A_2659 = arith.addi %iota3A, %add3A_2658 : vector<16xi32>
        %mul3A_2660 = arith.constant 16 : i32
        %mul3A_2661 = vector.broadcast %mul3A_2660 : i32 to vector<16xi32>
        %mul3A_2662 = arith.muli %add3A_2659, %mul3A_2661 : vector<16xi32>
        %gather3A_2663 = tpu.vector_load_idx %arg12[%mul3A_2662] : memref<1280xf32, #tpu.memory_space<vmem>>[vector<16xi32>], vector<16xf32>,
        %add3A_2664 = arith.constant 1 : i32
        %add3A_2665 = vector.broadcast %add3A_2664 : i32 to vector<16xi32>
        %add3A_2666 = arith.addi %mul3A_2662, %add3A_2665 : vector<16xi32>
        %gather3A_2667 = tpu.vector_load_idx %arg12[%add3A_2666] : memref<1280xf32, #tpu.memory_space<vmem>>[vector<16xi32>], vector<16xf32>,
        %add3A_2668 = arith.addf %gather3A_2663, %gather3A_2667 : vector<16xf32>
        %add3A_2669 = arith.constant 2 : i32
        %add3A_2670 = vector.broadcast %add3A_2669 : i32 to vector<16xi32>
        %add3A_2671 = arith.addi %mul3A_2662, %add3A_2670 : vector<16xi32>
        %gather3A_2672 = tpu.vector_load_idx %arg12[%add3A_2671] : memref<1280xf32, #tpu.memory_space<vmem>>[vector<16xi32>], vector<16xf32>,
        %add3A_2673 = arith.addf %add3A_2668, %gather3A_2672 : vector<16xf32>
        %add3A_2674 = arith.constant 3 : i32
        %add3A_2675 = vector.broadcast %add3A_2674 : i32 to vector<16xi32>
        %add3A_2676 = arith.addi %mul3A_2662, %add3A_2675 : vector<16xi32>
        %gather3A_2677 = tpu.vector_load_idx %arg12[%add3A_2676] : memref<1280xf32, #tpu.memory_space<vmem>>[vector<16xi32>], vector<16xf32>,
        %add3A_2678 = arith.addf %add3A_2673, %gather3A_2677 : vector<16xf32>
        %add3A_2679 = arith.constant 4 : i32
        %add3A_2680 = vector.broadcast %add3A_2679 : i32 to vector<16xi32>
        %add3A_2681 = arith.addi %mul3A_2662, %add3A_2680 : vector<16xi32>
        %gather3A_2682 = tpu.vector_load_idx %arg12[%add3A_2681] : memref<1280xf32, #tpu.memory_space<vmem>>[vector<16xi32>], vector<16xf32>,
        %add3A_2683 = arith.addf %add3A_2678, %gather3A_2682 : vector<16xf32>
        %add3A_2684 = arith.constant 5 : i32
        %add3A_2685 = vector.broadcast %add3A_2684 : i32 to vector<16xi32>
        %add3A_2686 = arith.addi %mul3A_2662, %add3A_2685 : vector<16xi32>
        %gather3A_2687 = tpu.vector_load_idx %arg12[%add3A_2686] : memref<1280xf32, #tpu.memory_space<vmem>>[vector<16xi32>], vector<16xf32>,
        %add3A_2688 = arith.addf %add3A_2683, %gather3A_2687 : vector<16xf32>
        %add3A_2689 = arith.constant 6 : i32
        %add3A_2690 = vector.broadcast %add3A_2689 : i32 to vector<16xi32>
        %add3A_2691 = arith.addi %mul3A_2662, %add3A_2690 : vector<16xi32>
        %gather3A_2692 = tpu.vector_load_idx %arg12[%add3A_2691] : memref<1280xf32, #tpu.memory_space<vmem>>[vector<16xi32>], vector<16xf32>,
        %add3A_2693 = arith.addf %add3A_2688, %gather3A_2692 : vector<16xf32>
        %add3A_2694 = arith.constant 7 : i32
        %add3A_2695 = vector.broadcast %add3A_2694 : i32 to vector<16xi32>
        %add3A_2696 = arith.addi %mul3A_2662, %add3A_2695 : vector<16xi32>
        %gather3A_2697 = tpu.vector_load_idx %arg12[%add3A_2696] : memref<1280xf32, #tpu.memory_space<vmem>>[vector<16xi32>], vector<16xf32>,
        %add3A_2698 = arith.addf %add3A_2693, %gather3A_2697 : vector<16xf32>
        %add3A_2699 = arith.constant 8 : i32
        %add3A_2700 = vector.broadcast %add3A_2699 : i32 to vector<16xi32>
        %add3A_2701 = arith.addi %mul3A_2662, %add3A_2700 : vector<16xi32>
        %gather3A_2702 = tpu.vector_load_idx %arg12[%add3A_2701] : memref<1280xf32, #tpu.memory_space<vmem>>[vector<16xi32>], vector<16xf32>,
        %add3A_2703 = arith.addf %add3A_2698, %gather3A_2702 : vector<16xf32>
        %add3A_2704 = arith.constant 9 : i32
        %add3A_2705 = vector.broadcast %add3A_2704 : i32 to vector<16xi32>
        %add3A_2706 = arith.addi %mul3A_2662, %add3A_2705 : vector<16xi32>
        %gather3A_2707 = tpu.vector_load_idx %arg12[%add3A_2706] : memref<1280xf32, #tpu.memory_space<vmem>>[vector<16xi32>], vector<16xf32>,
        %add3A_2708 = arith.addf %add3A_2703, %gather3A_2707 : vector<16xf32>
        %add3A_2709 = arith.constant 10 : i32
        %add3A_2710 = vector.broadcast %add3A_2709 : i32 to vector<16xi32>
        %add3A_2711 = arith.addi %mul3A_2662, %add3A_2710 : vector<16xi32>
        %gather3A_2712 = tpu.vector_load_idx %arg12[%add3A_2711] : memref<1280xf32, #tpu.memory_space<vmem>>[vector<16xi32>], vector<16xf32>,
        %add3A_2713 = arith.addf %add3A_2708, %gather3A_2712 : vector<16xf32>
        %add3A_2714 = arith.constant 11 : i32
        %add3A_2715 = vector.broadcast %add3A_2714 : i32 to vector<16xi32>
        %add3A_2716 = arith.addi %mul3A_2662, %add3A_2715 : vector<16xi32>
        %gather3A_2717 = tpu.vector_load_idx %arg12[%add3A_2716] : memref<1280xf32, #tpu.memory_space<vmem>>[vector<16xi32>], vector<16xf32>,
        %add3A_2718 = arith.addf %add3A_2713, %gather3A_2717 : vector<16xf32>
        %add3A_2719 = arith.constant 12 : i32
        %add3A_2720 = vector.broadcast %add3A_2719 : i32 to vector<16xi32>
        %add3A_2721 = arith.addi %mul3A_2662, %add3A_2720 : vector<16xi32>
        %gather3A_2722 = tpu.vector_load_idx %arg12[%add3A_2721] : memref<1280xf32, #tpu.memory_space<vmem>>[vector<16xi32>], vector<16xf32>,
        %add3A_2723 = arith.addf %add3A_2718, %gather3A_2722 : vector<16xf32>
        %add3A_2724 = arith.constant 13 : i32
        %add3A_2725 = vector.broadcast %add3A_2724 : i32 to vector<16xi32>
        %add3A_2726 = arith.addi %mul3A_2662, %add3A_2725 : vector<16xi32>
        %gather3A_2727 = tpu.vector_load_idx %arg12[%add3A_2726] : memref<1280xf32, #tpu.memory_space<vmem>>[vector<16xi32>], vector<16xf32>,
        %add3A_2728 = arith.addf %add3A_2723, %gather3A_2727 : vector<16xf32>
        %add3A_2729 = arith.constant 14 : i32
        %add3A_2730 = vector.broadcast %add3A_2729 : i32 to vector<16xi32>
        %add3A_2731 = arith.addi %mul3A_2662, %add3A_2730 : vector<16xi32>
        %gather3A_2732 = tpu.vector_load_idx %arg12[%add3A_2731] : memref<1280xf32, #tpu.memory_space<vmem>>[vector<16xi32>], vector<16xf32>,
        %add3A_2733 = arith.addf %add3A_2728, %gather3A_2732 : vector<16xf32>
        %add3A_2734 = arith.constant 15 : i32
        %add3A_2735 = vector.broadcast %add3A_2734 : i32 to vector<16xi32>
        %add3A_2736 = arith.addi %mul3A_2662, %add3A_2735 : vector<16xi32>
        %gather3A_2737 = tpu.vector_load_idx %arg12[%add3A_2736] : memref<1280xf32, #tpu.memory_space<vmem>>[vector<16xi32>], vector<16xf32>,
        %add3A_2738 = arith.addf %add3A_2733, %gather3A_2737 : vector<16xf32>
        %add3A_2739 = arith.constant 64 : i32
        %add3A_2740 = arith.addi %add3A_2313, %add3A_2739 : i32
        %swap3A_2741 = arith.index_cast %add3A_2740 : i32 to index
        %swap3A_2742 = tpu.vector_load %arg11[%swap3A_2741] {strides = array<i32>} : memref<10240xf32, #tpu.memory_space<vmem>>, vector<16xf32>,
        tpu.vector_store %arg11[%swap3A_2741], %add3A_2738 {strides = array<i32>} : memref<10240xf32, #tpu.memory_space<vmem>>, vector<16xf32>,
      }
      %scan3A_233 = arith.constant 8 : i32
    }
    %scan3A_102 = arith.constant 16 : i32
    %mul3A_103 = arith.constant 512 : i32
    %mul3A_104 = arith.muli %add3A, %mul3A_103 : i32
    %mul3A_105 = arith.constant 20 : i32
    %mul3A_106 = arith.muli %mul3A_104, %mul3A_105 : i32
    "tpu.region"() ({
      %run_scoped3A_107 = tpu.sem_alloc : memref<!tpu.dma_semaphore, #tpu.memory_space<semaphore_mem>>
      %dma_start3A_108 = tpu.memref_slice %arg6[%mul3A_106] : memref<327680xf32, #tpu.memory_space<hbm>> -> memref<10240xf32, #tpu.memory_space<hbm>>
      %dma_start3A_109 = tpu.memref_slice %arg6[%mul3A_106] : memref<327680xf32, #tpu.memory_space<hbm>> -> memref<10240xf32, #tpu.memory_space<hbm>>
      tpu.enqueue_dma source(%arg11 : memref<10240xf32, #tpu.memory_space<vmem>>) target(%dma_start3A_109 : memref<10240xf32, #tpu.memory_space<hbm>>) target_semaphore(%run_scoped3A_107 : memref<!tpu.dma_semaphore, #tpu.memory_space<semaphore_mem>>)
      %dma_wait3A_110 = tpu.memref_slice %arg6[%mul3A_106] : memref<327680xf32, #tpu.memory_space<hbm>> -> memref<10240xf32, #tpu.memory_space<hbm>>
      %dma_wait3A_111 = tpu.memref_slice %arg6[%mul3A_106] : memref<327680xf32, #tpu.memory_space<hbm>> -> memref<10240xf32, #tpu.memory_space<hbm>>
      tpu.wait_dma2 semaphore(%run_scoped3A_107 : memref<!tpu.dma_semaphore, #tpu.memory_space<semaphore_mem>>) src(%arg11 : memref<10240xf32, #tpu.memory_space<vmem>>) dst(%dma_wait3A_111 : memref<10240xf32, #tpu.memory_space<hbm>>)
      tpu.yield
    }) : () -> ()
    return
  }
}

</mosaic_0001>

<sc_bundles>
// kernel: kernel.3.cloned.1.call-start
scs
__scs_entry_jumppad:
0x0: {  	(pc) =	sbr.rel $0x88, $3  }
0x1: {  	(tag) =	ssettag $0x0;
	lr =	simm.s32 $0x1  }
0x2: {  	[smem:$0x3F9D] =	sst lr;
	_ =	strace $0xD0000000  }
0x3: {  	_ = 	snop  }
0x4: {  	_ = 	snop  }
0x5: {  	_ = 	snop  }
0x6: {  	_ = 	snop  }
0x7: {  	_ = 	snop  }
__scs_overlays_trampoline_lowered:
0x8: {  	[smem:$0x3FAC] =	sst s0  }
0x9: {  	[smem:$0x3FAD] =	sst s1  }
0xa: {  	[smem:$0x3FAE] =	sst s2  }
0xb: {  	[smem:$0x3FAF] =	sst s3  }
0xc: {  	[smem:$0x3FB0] =	sst s4  }
0xd: {  	[smem:$0x3FB1] =	sst s5  }
0xe: {  	[smem:$0x3FB2] =	sst s6  }
0xf: {  	[smem:$0x3FB3] =	sst s7  }
0x10: {  	[smem:$0x3FB4] =	sst s8  }
0x11: {  	[smem:$0x3FB5] =	sst s9;
	s0 =	simm.s32 @!p0 $0x0  }
0x12: {  	s1 =	sld [smem:$0x3F9B];
	s0 =	simm.s32 @p0 $0x1  }
0x13: {  	[smem:$0x3FB6] =	sst s0;
	s0 =	simm.s32 @!p1 $0x0  }
0x14: {  	s2 =	sld [smem:$0x3F9A];
	s0 =	simm.s32 @p1 $0x1  }
0x15: {  	[smem:$0x3FB7] =	sst s0;
	s0 =	simm.s32 @!p2 $0x0  }
0x16: {  	s3 =	sld [smem:$0x3FDB];
	s0 =	simm.s32 @p2 $0x1  }
0x17: {  	s4 =	simm.s32 $0x1BF5;
	[smem:$0x3FB9] =	sst s0  }
0x18: {  	s0 =	sld [smem:$0x3F9C];
	_ =	swait.ge [sflag:s4], $0x0  }
0x19: {  	s7 =	sld [smem:$0x3F9D]  }
0x1a: {  	s8 =	sadd.s32 $0xFFFFE003, lr  }
0x1b: {  	s9 =	sadd.s32 $0xFFFFFEF7, lr;
	s5 =	simm.s32 $0xFFFFFFFF;
	p2 =	slt.u32 s8, $0xFFFFF086  }
0x1c: {  	p1 =	slt.u32 s9, $0xF7A;
	s5 =	simm.s32 @!p2 $0x0  }
0x1d: {  	s5 =	simm.s32 @p1 $0x1;
	p0 =	seq.s32 s7, s2  }
0x1e: {  	s7 =	smul.u32 @!p0 $0xF7A, s2;
	p2 =	seq.s32 @!p0 s5, $0x0  }
0x1f: {  	s9 =	smul.u32 $0xF7A, s1;
	s8 =	simm.s32 @!p0 $0x1BF5;
	p2 =	por !p2, p0  }
0x20: {  	[sflag:s8] =	ssyncset.s32 @!p0 $0xFFFFF086;
	s6 =	sadd.s32 @!p0 s3, s7;
	s7 =	simm.s32 @!p0 $0x108  }
0x21: {  	s3 =	sadd.s32 s3, s9;
	s6 =	sadd.s32 @!p0 $0x88, s6;
	s7 =	simm.s32 @p2 $0x1082  }
0x22: {  	[simem:s7], [sflag:s8] =	dma.local @!p0 [hbm:s6], $0xF7A  }
0x23: {  	s9 =	sor.u32 $0xD0000000, s2;
	s6 =	simm.s32 $0x108;
	_ =	swait.ge @!p0 [sflag:s8], $0x0  }
0x24: {  	s3 =	sadd.s32 $0x88, s3;
	s6 =	simm.s32 @!p1 $0x1082;
	[sflag:s4] =	ssyncset.s32 $0xFFFFF086  }
0x25: {  	[simem:s6], [sflag:s4] =	dma.local [hbm:s3], $0xF7A  }
0x26: {  	[smem:$0x3F9D] =	sst s1;
	(tag) =	ssettag s2;
	_ =	strace s9  }
0x27: {  	s1 =	sld [smem:$0x3FAD]  }
0x28: {  	s2 =	sld [smem:$0x3FAE]  }
0x29: {  	s4 =	sld [smem:$0x3FB0]  }
0x2a: {  	p0 =	seq.s32 s5, $0x0;
	s5 =	sld [smem:$0x3FB1]  }
0x2b: {  	s6 =	sld [smem:$0x3FB2]  }
0x2c: {  	s7 =	sld [smem:$0x3FB3]  }
0x2d: {  	s3 =	simm.s32 $0x108;
	s8 =	sld [smem:$0x3FB4]  }
0x2e: {  	s3 =	simm.s32 @!p0 $0x1082;
	s9 =	sld [smem:$0x3FB5]  }
0x2f: {  	lr =	sadd.s32 s0, s3;
	s0 =	sld [smem:$0x3FAC]  }
0x30: {  	s3 =	sld [smem:$0x3FAF]  }
0x31: {  	[smem:$0x3FB8] =	sst s10  }
0x32: {  	s10 =	sld [smem:$0x3FB6];
	_ =	sdelay $0x3  }
0x33: {  	p0 =	seq.s32 s10, $0x1;
	s10 =	sld [smem:$0x3FB8];
	_ =	sdelay $0x3  }
0x34: {  	[smem:$0x3FB8] =	sst s10  }
0x35: {  	s10 =	sld [smem:$0x3FB7];
	_ =	sdelay $0x3  }
0x36: {  	p1 =	seq.s32 s10, $0x1;
	s10 =	sld [smem:$0x3FB8];
	_ =	sdelay $0x3  }
0x37: {  	[smem:$0x3FB8] =	sst s10  }
0x38: {  	s10 =	sld [smem:$0x3FB9]  }
0x39: {  	_ = 	snop;
	(pc) =	sbr.ind lr, $3  }
0x3a: {  	_ = 	snop  }
0x3b: {  	_ = 	snop  }
0x3c: {  	p2 =	seq.s32 s10, $0x1;
	s10 =	sld [smem:$0x3FB8]  }
0x3d: {  	_ =	shalt  }
0x3e: {  	_ =	shalt  }
0x3f: {  	_ =	shalt  }
0x40: {  	_ =	shalt  }
0x41: {  	_ =	shalt  }
0x42: {  	_ =	shalt  }
0x43: {  	_ =	shalt  }
0x44: {  	_ =	shalt  }
0x45: {  	_ =	shalt  }
0x46: {  	_ =	shalt  }
0x47: {  	_ =	shalt  }
0x48: {  	_ =	shalt  }
0x49: {  	_ =	shalt  }
0x4a: {  	_ =	shalt  }
0x4b: {  	_ =	shalt  }
0x4c: {  	_ =	shalt  }
0x4d: {  	_ =	shalt  }
0x4e: {  	_ =	shalt  }
0x4f: {  	_ =	shalt  }
0x50: {  	_ =	shalt  }
0x51: {  	_ =	shalt  }
0x52: {  	_ =	shalt  }
0x53: {  	_ =	shalt  }
0x54: {  	_ =	shalt  }
0x55: {  	_ =	shalt  }
0x56: {  	_ =	shalt  }
0x57: {  	_ =	shalt  }
0x58: {  	_ =	shalt  }
0x59: {  	_ =	shalt  }
0x5a: {  	_ =	shalt  }
0x5b: {  	_ =	shalt  }
0x5c: {  	_ =	shalt  }
0x5d: {  	_ =	shalt  }
0x5e: {  	_ =	shalt  }
0x5f: {  	_ =	shalt  }
0x60: {  	_ =	shalt  }
0x61: {  	_ =	shalt  }
0x62: {  	_ =	shalt  }
0x63: {  	_ =	shalt  }
0x64: {  	_ =	shalt  }
0x65: {  	_ =	shalt  }
0x66: {  	_ =	shalt  }
0x67: {  	_ =	shalt  }
0x68: {  	_ =	shalt  }
0x69: {  	_ =	shalt  }
0x6a: {  	_ =	shalt  }
0x6b: {  	_ =	shalt  }
0x6c: {  	_ =	shalt  }
0x6d: {  	_ =	shalt  }
0x6e: {  	_ =	shalt  }
0x6f: {  	_ =	shalt  }
0x70: {  	_ =	shalt  }
0x71: {  	_ =	shalt  }
0x72: {  	_ =	shalt  }
0x73: {  	_ =	shalt  }
0x74: {  	_ =	shalt  }
0x75: {  	_ =	shalt  }
0x76: {  	_ =	shalt  }
0x77: {  	_ =	shalt  }
0x78: {  	_ =	shalt  }
0x79: {  	_ =	shalt  }
0x7a: {  	_ =	shalt  }
0x7b: {  	_ =	shalt  }
0x7c: {  	_ =	shalt  }
0x7d: {  	_ =	shalt  }
0x7e: {  	_ =	shalt  }
0x7f: {  	_ =	shalt  }
0x80: {  	_ =	shalt  }
0x81: {  	_ =	shalt  }
0x82: {  	_ =	shalt  }
0x83: {  	_ =	shalt  }
0x84: {  	_ =	shalt  }
0x85: {  	_ =	shalt  }
0x86: {  	_ =	shalt  }
0x87: {  	_ =	shalt  }
.Lfunc_end0:
.L_simem_size_0:
called_computation_lowered:
.L_overlay_start_0:
0x88: {  	s2 =	sld [smem:$0x3FD9]  }
0x89: {  	s3 =	sld [smem:$0x3FFE];
	_ =	sdelay $0x1  }
0x8a: {  	s1 =	srdreg.scid  }
0x8b: {  	s0 =	sand.u32 $0x1, s1  }
0x8c: {  	s17 =	sshll.u32 s0, $0xA;
	s2 =	sadd.s32 s3, s2  }
0x8d: {  	s2 =	sadd.s32 s2, s17  }
0x8e: {  	[smem:$0x3FC4] =	sst s2  }
0x8f: {  	_ = 	snop  }
0x90: {  	s2 =	sld [smem:$0x3FC9]  }
0x91: {  	s18 =	sld [smem:$0x3FD0];
	(tm) =	ssettm $0x1  }
0x92: {  	s4 =	sld [smem:$0x3FFB];
	_ =	sdelay $0x3  }
0x93: {  	_ =	strace s4  }
0x94: {  	s4 =	sld [smem:$0x3FFC];
	_ =	sdelay $0x3  }
0x95: {  	_ =	strace s4  }
0x96: {  	s4 =	sld [smem:$0x3FFD];
	_ =	sdelay $0x3  }
0x97: {  	_ =	strace s4  }
0x98: {  	_ =	strace $0x8FFFFFFF  }
0x99: {  	s19 =	sld [smem:$0x3FDB];
	_ =	sdelay $0x1  }
0x9a: {  	s5 =	simm.s32 $_scs_section_size  }
0x9b: {  	s6 =	simm.s32 $_size__tile_overlayer_lowered;
	s7 =	simm.s32 $_tile_overlayer_lowered  }
0x9c: {  	s22 =	simm.s32 $0x1BFF;
	s21 =	sshll.u32 s7, $0x1;
	s4 =	sadd.s32 s5, s19  }
0x9d: {  	s8 =	simm.s32 $0x0;
	s20 =	sshll.u32 s6, $0x1;
	s6 =	sadd.s32 s21, s4  }
0x9e: {  	[timem:s8], [sflag:s22] =	dma.local [hbm:s6], s20  }
0x9f: {  	_ =	swait.ge [sflag:s22], s20  }
0xa0: {  	s5 =	ssub.s32 $0x0, s20;
	[sflag:s22] =	ssyncset.done $0x0  }
0xa1: {  	[sflag:s22] =	ssyncadd.s32 s5;
	_ =	sdelay $0x1  }
0xa2: {  	s23 =	simm.s32 $0x1B8B  }
0xa3: {  	_ =	swait.ge [sflag:s23], $0x1  }
0xa4: {  	[sflag:s23] =	ssyncset.done $0x0  }
0xa5: {  	s25 =	simm.s32 $0x1B8E;
	s24 =	sld [smem:$0x3FFE];
	[sflag:s23] =	ssyncadd.s32 $0xFFFFFFFF  }
0xa6: {  	s26 =	simm.s32 $execute0_lowered;
	[smem:$0x3FD2] =	sst s25  }
0xa7: {  	s6 =	sshll.u32 s26, $0x1;
	_ =	strace $0x80000046;
	[dreg:$0x1] =	wrdreg $0xFFFFFFFF  }
0xa8: {  	s28 =	simm.s32 $_size_execute0_lowered;
	s4 =	sadd.s32 s4, s6;
	[dreg:$0x0] =	wrdreg $0x0  }
0xa9: {  	s6 =	sshll.u32 s28, $0x1;
	[dreg:$0x2] =	wrdreg s4  }
0xaa: {  	[dreg:$0x3] =	wrdreg s6  }
0xab: {  	[dreg:$0x4] =	wrdreg $0xC0  }
0xac: {  	_ =	task [dreg:s8], $0x5FFFF  }
0xad: {  	[dreg:$0x1] =	wrdreg $0xFFFFFFFF  }
0xae: {  	[dreg:$0x0] =	wrdreg $0x60  }
0xaf: {  	[dreg:$0x2] =	wrdreg s2  }
0xb0: {  	[dreg:$0x3] =	wrdreg s18  }
0xb1: {  	[dreg:$0x4] =	wrdreg s24  }
0xb2: {  	[dreg:$0x5] =	wrdreg $0x9  }
0xb3: {  	_ =	task.clear_ibuf [dreg:s8], $0x6FFFF;
	_ =	strace $0x90000046  }
0xb4: {  	s29 =	simm.s32 $0x9;
	_ =	strace $0x80000048  }
0xb5: {  	_ =	swait.ge [sflag:s29], $0x1  }
0xb6: {  	[sflag:s29] =	ssyncadd.s32 $0xFFFFFFFF  }
0xb7: {  	_ =	strace $0x90000048  }
0xb8: {  	_ =	sfence  }
0xb9: {  	s30 =	sld [smem:$0x0];
	_ =	sdelay $0x2  }
0xba: {  	s31 =	sshll.u32 s1, $0xD;
	s1 =	sshrl.u32 s1, $0x2  }
0xbb: {  	s3 =	sand.u32 $0x4000, s31;
	s1 =	sadd.s32 s1, s30  }
0xbc: {  	s0 =	sor.u32 s3, s0;
	s1 =	sshll.u32 s1, $0x11  }
0xbd: {  	s0 =	sor.u32 s1, s0  }
0xbe: {  	s0 =	sadd.s32 $0x8F2B, s0  }
0xbf: {  	[sflag:s0] =	ssyncadd.remote.s32 $0x1  }
0xc0: {  	_ =	sfence.sel $0xFFFF  }
0xc1: {  	[dreg:$0x0] =	wrdreg $0xFFFFFFFF;
	(pc) =	sbr.abs _section_cstart, $3  }
0xc2: {  	[dreg:$0x1] =	wrdreg $0xFFFFFFFF  }
0xc3: {  	_ =	task.clear_ibuf [dreg:s8], $0x2FFFF;
	_ =	strace $0x9FFFFFFF  }
0xc4: {  	(tm) =	ssettm $0x7FFFFFFF  }
0xc5: {  	_ =	shalt  }
tec
execute0_lowered:
.L_overlay_start_1:
0x0: {  	(tag) =	ssettag $0x1  }
0x1: {  	v0 =	vlaneseq.u32  }
0x2: {  	v0 =	vmul.u32 $0x10, v0;
	_ =	sdelay $0x1  }
0x3: {  	v9 =	vor.u32 $0x1, v0;
	v12 =	vor.u32 $0x2, v0;
	v13 =	vor.u32 $0x3, v0  }
0x4: {  	v14 =	vor.u32 $0x4, v0;
	v15 =	vor.u32 $0x5, v0;
	v16 =	vor.u32 $0x6, v0  }
0x5: {  	v17 =	vor.u32 $0x7, v0;
	v19 =	vor.u32 $0x9, v0;
	v20 =	vor.u32 $0xA, v0  }
0x6: {  	v21 =	vor.u32 $0xB, v0;
	v22 =	vor.u32 $0xC, v0;
	v23 =	vor.u32 $0xD, v0  }
0x7: {  	v24 =	vor.u32 $0xE, v0;
	v25 =	vor.u32 $0xF, v0;
	v26 =	vor.u32 $0x100, v0  }
0x8: {  	s1 =	rddreg [dreg:$0x0];
	v27 =	vor.u32 $0x101, v0;
	v28 =	vor.u32 $0x102, v0;
	v29 =	vor.u32 $0x103, v0  }
0x9: {  	s0 =	rddreg [dreg:$0x1];
	v30 =	vor.u32 $0x104, v0;
	v31 =	vor.u32 $0x105, v0;
	v32 =	vor.u32 $0x106, v0  }
0xa: {  	s3 =	rddreg [dreg:$0x2];
	v33 =	vor.u32 $0x107, v0;
	v34 =	vor.u32 $0x108, v0;
	v35 =	vor.u32 $0x109, v0  }
0xb: {  	s2 =	simm.s32 $0x0;
	s4 =	srdreg.scid;
	s6 =	stileid.u32;
	v36 =	vor.u32 $0x10A, v0;
	v37 =	vor.u32 $0x10B, v0;
	v38 =	vor.u32 $0x10C, v0  }
0xc: {  	s16 =	simm.s32 $0x180;
	s22 =	simm.s32 $0x200;
	s23 =	simm.s32 $0x280;
	v39 =	vor.u32 $0x10D, v0;
	v40 =	vor.u32 $0x10E, v0;
	v41 =	vor.u32 $0x10F, v0  }
0xd: {  	s24 =	simm.s32 $0x300;
	s28 =	simm.s32 $0x8480;
	[smem:$0x7FF] =	sst s2;
	v42 =	vor.u32 $0x200, v0;
	v43 =	vor.u32 $0x201, v0;
	v1 =	vor.u32 $0x308, v0  }
0xe: {  	s13 =	simm.s32 $0x2;
	s14 =	simm.s32 $0x80;
	_ =	strace $0x80000047;
	v44 =	vor.u32 $0x202, v0;
	v45 =	vor.u32 $0x203, v0;
	v46 =	vor.u32 $0x204, v0;
	[tilespmem:$0x1FF60] =	vst v1  }
0xf: {  	s21 =	simm.s32 $0x1;
	s29 =	simm.s32 $0xA480;
	s30 =	simm.s32 $0xC480;
	v47 =	vor.u32 $0x205, v0;
	v48 =	vor.u32 $0x206, v0;
	v10 =	vor.u32 $0x307, v0;
	[tilespmem:$0x1FFE0] =	vst v9  }
0x10: {  	s5 =	sand.u32 $0x1, s4;
	s6 =	sshll.u32 s6, $0x1;
	s4 =	sadd.s32 $0x16E3C00, s3;
	v49 =	vor.u32 $0x207, v0;
	v50 =	vor.u32 $0x208, v0;
	v1 =	vor.u32 $0x309, v0;
	[tilespmem:$0x1FFF0] =	vst v10  }
0x11: {  	s10 =	sor.u32 s5, s6;
	s8 =	ssub.s32 $0x2, s5;
	s5 =	sadd.s32 $0xF42A00, s3;
	v51 =	vor.u32 $0x209, v0;
	v52 =	vor.u32 $0x20A, v0;
	[tilespmem:$0x1FF70] =	vst v1;
	v1 =	vor.u32 $0x30A, v0  }
0x12: {  	s31 =	simm.s32 $0xE480;
	s18 =	simm.s32 $0x0;
	s7 =	smul.u32 $0x500, s10;
	v53 =	vor.u32 $0x20B, v0;
	v54 =	vor.u32 $0x20C, v0;
	[tilespmem:$0x1FF80] =	vst v1;
	v1 =	vor.u32 $0x30B, v0  }
0x13: {  	s6 =	sshll.u32 s10, $0x6;
	s9 =	sshrl.u32 s8, $0x1;
	s10 =	sshll.u32 s10, $0x4;
	v55 =	vor.u32 $0x20D, v0;
	v56 =	vor.u32 $0x20E, v0;
	[tilespmem:$0x1FF90] =	vst v1;
	v1 =	vor.u32 $0x30C, v0  }
0x14: {  	v57 =	vor.u32 $0x20F, v0;
	v58 =	vor.u32 $0x300, v0;
	s6 =	sadd.s32 s1, s6;
	s26 =	ssub.s32 s8, s9;
	s1 =	simm.s32 $0x10480;
	[tilespmem:$0x1FFA0] =	vst v1;
	v1 =	vor.u32 $0x30D, v0  }
0x15: {  	v59 =	vor.u32 $0x301, v0;
	v60 =	vor.u32 $0x302, v0;
	s25 =	sadd.s32 s7, s3;
	s7 =	sadd.s32 $0x10, s6;
	s8 =	sadd.s32 $0x20, s6;
	[tilespmem:$0x1FFB0] =	vst v1;
	v1 =	vor.u32 $0x30E, v0  }
0x16: {  	v61 =	vor.u32 $0x303, v0;
	v62 =	vor.u32 $0x304, v0;
	s9 =	sadd.s32 $0x30, s6;
	s12 =	smax.u32 s26, $0x1;
	s26 =	simm.s32 $0x400;
	[tilespmem:$0x1FFC0] =	vst v1;
	v1 =	vor.u32 $0x30F, v0  }
0x17: {  	v18 =	vor.u32 $0x8, v0;
	v63 =	vor.u32 $0x305, v0;
	v11 =	vor.u32 $0x306, v0;
	s3 =	simm.s32 $0x14C80;
	s11 =	sadd.s32 $0x600, s25;
	s25 =	simm.s32 $0x380;
	[tilespmem:$0x1FFD0] =	vst v1  }
.LBB2_1:
0x18: {  	[tilespmem:s2], [sflag:$0x2] =	stream.linear.gather [hbm4b:s6+s2], $0x80, $0x38;
	[tilespmem:$0x15180] =	vst v63  }
0x19: {  	_ =	swait.ge [sflag:s13], $0x80  }
0x1a: {  	[sflag:s13] =	ssyncset.done $0x0  }
0x1b: {  	[sflag:s13] =	ssyncadd.s32 $0xFFFFFF80  }
0x1c: {  	[tilespmem:s14], [sflag:$0x2] =	stream.linear.gather [hbm4b:s7+s2], $0x80, $0x38;
	[tilespmem:$0x15180] =	vst v63  }
0x1d: {  	_ =	swait.ge [sflag:s13], $0x80  }
0x1e: {  	[sflag:s13] =	ssyncset.done $0x0  }
0x1f: {  	s15 =	simm.s32 $0x100;
	[sflag:s13] =	ssyncadd.s32 $0xFFFFFF80  }
0x20: {  	[tilespmem:s15], [sflag:$0x2] =	stream.linear.gather [hbm4b:s8+s2], $0x80, $0x38;
	[tilespmem:$0x15180] =	vst v63  }
0x21: {  	_ =	swait.ge [sflag:s13], $0x80  }
0x22: {  	[sflag:s13] =	ssyncset.done $0x0  }
0x23: {  	[sflag:s13] =	ssyncadd.s32 $0xFFFFFF80  }
0x24: {  	[tilespmem:s16], [sflag:$0x2] =	stream.linear.gather [hbm4b:s9+s2], $0x80, $0x38;
	[tilespmem:$0x15180] =	vst v63  }
0x25: {  	_ =	swait.ge [sflag:s13], $0x80  }
0x26: {  	[sflag:s13] =	ssyncset.done $0x0  }
0x27: {  	s17 =	simm.s32 $0x480;
	[sflag:s13] =	ssyncadd.s32 $0xFFFFFF80  }
0x28: {  	[tilespmem:s17], [sflag:$0x1] =	stream.indirect.gather [hbm4b:s4+s14], $0x40, s2, s14, $0xb8;
	[tilespmem:$0x15180] =	vst v63  }
0x29: {  	s20 =	simm.s32 $0x2480  }
0x2a: {  	[tilespmem:s20], [sflag:$0x1] =	stream.indirect.gather [hbm4b:s4+s14], $0x40, s14, s14, $0xb8;
	[tilespmem:$0x15180] =	vst v63  }
0x2b: {  	s19 =	simm.s32 $0x4480  }
0x2c: {  	[tilespmem:s19], [sflag:$0x1] =	stream.indirect.gather [hbm4b:s4+s14], $0x40, s15, s14, $0xb8;
	[tilespmem:$0x15180] =	vst v63  }
0x2d: {  	s20 =	simm.s32 $0x6480  }
0x2e: {  	[tilespmem:s20], [sflag:$0x1] =	stream.indirect.gather [hbm4b:s4+s14], $0x40, s16, s14, $0xb8;
	[tilespmem:$0x15180] =	vst v63  }
0x2f: {  	_ =	swait.ge [sflag:s21], $0x2000  }
0x30: {  	[sflag:s21] =	ssyncset.done $0x0  }
0x31: {  	[sflag:s21] =	ssyncadd.s32 $0xFFFFE000  }
0x32: {  	_ =	swait.ge [sflag:s21], $0x2000  }
0x33: {  	[sflag:s21] =	ssyncset.done $0x0  }
0x34: {  	[sflag:s21] =	ssyncadd.s32 $0xFFFFE000  }
0x35: {  	_ =	swait.ge [sflag:s21], $0x2000  }
0x36: {  	[sflag:s21] =	ssyncset.done $0x0  }
0x37: {  	[sflag:s21] =	ssyncadd.s32 $0xFFFFE000  }
0x38: {  	_ =	swait.ge [sflag:s21], $0x2000  }
0x39: {  	[sflag:s21] =	ssyncset.done $0x0  }
0x3a: {  	s19 =	simm.s32 $0x0;
	[sflag:s21] =	ssyncadd.s32 $0xFFFFE000  }
.LBB2_2:
0x3b: {  	s15 =	sadd.s32 s10, s19  }
0x3c: {  	s15 =	smul.u32 $0x280, s15;
	_ =	sdelay $0x1  }
0x3d: {  	s15 =	sshrl.u32 s15, $0x3  }
0x3e: {  	s20 =	simm.s32 $0x0;
	s15 =	sadd.s32 s0, s15  }
0x3f: {  	[tilespmem:s22], [sflag:$0x2] =	stream.linear.gather [hbm4b:s15+s20], $0x80, $0x38;
	[tilespmem:$0x15180] =	vst v63  }
0x40: {  	_ =	swait.ge [sflag:s13], $0x80  }
0x41: {  	[sflag:s13] =	ssyncset.done $0x0  }
0x42: {  	s17 =	sadd.s32 $0x10, s15;
	[sflag:s13] =	ssyncadd.s32 $0xFFFFFF80  }
0x43: {  	[tilespmem:s23], [sflag:$0x2] =	stream.linear.gather [hbm4b:s17+s20], $0x80, $0x38;
	[tilespmem:$0x15180] =	vst v63  }
0x44: {  	_ =	swait.ge [sflag:s13], $0x80  }
0x45: {  	[sflag:s13] =	ssyncset.done $0x0  }
0x46: {  	s17 =	sadd.s32 $0x20, s15;
	[sflag:s13] =	ssyncadd.s32 $0xFFFFFF80  }
0x47: {  	[tilespmem:s24], [sflag:$0x2] =	stream.linear.gather [hbm4b:s17+s20], $0x80, $0x38;
	[tilespmem:$0x15180] =	vst v63  }
0x48: {  	_ =	swait.ge [sflag:s13], $0x80  }
0x49: {  	[sflag:s13] =	ssyncset.done $0x0  }
0x4a: {  	s17 =	sadd.s32 $0x30, s15;
	[sflag:s13] =	ssyncadd.s32 $0xFFFFFF80  }
0x4b: {  	[tilespmem:s25], [sflag:$0x2] =	stream.linear.gather [hbm4b:s17+s20], $0x80, $0x38;
	[tilespmem:$0x15180] =	vst v63  }
0x4c: {  	_ =	swait.ge [sflag:s13], $0x80  }
0x4d: {  	[sflag:s13] =	ssyncset.done $0x0  }
0x4e: {  	s15 =	sadd.s32 $0x40, s15;
	[sflag:s13] =	ssyncadd.s32 $0xFFFFFF80  }
0x4f: {  	[tilespmem:s26], [sflag:$0x2] =	stream.linear.gather [hbm4b:s15+s20], $0x80, $0x38;
	[tilespmem:$0x15180] =	vst v63  }
0x50: {  	_ =	swait.ge [sflag:s13], $0x80  }
0x51: {  	[sflag:s13] =	ssyncset.done $0x0  }
0x52: {  	[sflag:s13] =	ssyncadd.s32 $0xFFFFFF80  }
0x53: {  	[tilespmem:s28], [sflag:$0x1] =	stream.indirect.gather [hbm4b:s5+s14], $0x40, s22, s14, $0xb8;
	[tilespmem:$0x15180] =	vst v63  }
0x54: {  	_ = 	snop  }
0x55: {  	[tilespmem:s29], [sflag:$0x1] =	stream.indirect.gather [hbm4b:s5+s14], $0x40, s23, s14, $0xb8;
	[tilespmem:$0x15180] =	vst v63  }
0x56: {  	_ = 	snop  }
0x57: {  	[tilespmem:s30], [sflag:$0x1] =	stream.indirect.gather [hbm4b:s5+s14], $0x40, s24, s14, $0xb8;
	[tilespmem:$0x15180] =	vst v63  }
0x58: {  	_ = 	snop  }
0x59: {  	[tilespmem:s31], [sflag:$0x1] =	stream.indirect.gather [hbm4b:s5+s14], $0x40, s25, s14, $0xb8;
	[tilespmem:$0x15180] =	vst v63  }
0x5a: {  	_ = 	snop  }
0x5b: {  	[tilespmem:s1], [sflag:$0x1] =	stream.indirect.gather [hbm4b:s5+s14], $0x40, s26, s14, $0xb8;
	[tilespmem:$0x15180] =	vst v63  }
0x5c: {  	_ =	swait.ge [sflag:s21], $0x2000  }
0x5d: {  	[sflag:s21] =	ssyncset.done $0x0  }
0x5e: {  	[sflag:s21] =	ssyncadd.s32 $0xFFFFE000  }
0x5f: {  	_ =	swait.ge [sflag:s21], $0x2000  }
0x60: {  	[sflag:s21] =	ssyncset.done $0x0  }
0x61: {  	[sflag:s21] =	ssyncadd.s32 $0xFFFFE000  }
0x62: {  	_ =	swait.ge [sflag:s21], $0x2000  }
0x63: {  	[sflag:s21] =	ssyncset.done $0x0  }
0x64: {  	[sflag:s21] =	ssyncadd.s32 $0xFFFFE000  }
0x65: {  	s17 =	sshll.u32 s19, $0xB;
	_ =	swait.ge [sflag:s21], $0x2000  }
0x66: {  	s17 =	sand.u32 $0x3FFFF800, s17;
	s15 =	smul.u32 $0xA00, s19;
	[sflag:s21] =	ssyncset.done $0x0  }
0x67: {  	s17 =	sor.u32 $0x480, s17;
	[sflag:s21] =	ssyncadd.s32 $0xFFFFE000  }
0x68: {  	v1 =	vmov s17;
	s15 =	sshra.s32 s15, $0x2;
	_ =	swait.ge [sflag:s21], $0x2000  }
0x69: {  	s15 =	sadd.s32 $0x12480, s15;
	[sflag:s21] =	ssyncset.done $0x0  }
0x6a: {  	v2 =	vmov s15;
	[sflag:s21] =	ssyncadd.s32 $0xFFFFE000  }
.LBB2_3:
0x6b: {  	s15 =	sshll.u32 s20, $0x8  }
0x6c: {  	s17 =	smul.u32 $0x5000, s20;
	s15 =	sand.u32 $0x3FFFFF00, s15  }
0x6d: {  	v3 =	vld.idx.msk [tilespmem:v1+s15+$0x0 ss:$0x1], $0xffff  }
0x6e: {  	v4 =	vld.idx.msk [tilespmem:v1+s15+$0x10 ss:$0x1], $0xffff;
	s17 =	sshra.s32 s17, $0x2  }
0x6f: {  	v7 =	vld [tilespmem:s17+$0x8480]  }
0x70: {  	v8 =	vld [tilespmem:s17+$0x8490]  }
0x71: {  	v5 =	vld.idx.msk [tilespmem:v1+s15+$0x20 ss:$0x1], $0xffff  }
0x72: {  	v9 =	vld [tilespmem:s17+$0x84A0]  }
0x73: {  	v6 =	vld.idx.msk [tilespmem:v1+s15+$0x30 ss:$0x1], $0xffff  }
0x74: {  	v10 =	vld [tilespmem:s17+$0x84B0]  }
0x75: {  	v7 =	vmul.f32 v7, v3;
	v8 =	vmul.f32 v8, v4;
	_ =	sdelay $0x1  }
0x76: {  	v7 =	vadd.f32 v8, v7;
	v8 =	vmul.f32 v9, v5;
	_ =	sdelay $0x1  }
0x77: {  	v7 =	vadd.f32 v8, v7;
	v8 =	vmul.f32 v10, v6;
	_ =	sdelay $0x1  }
0x78: {  	v7 =	vadd.f32 v8, v7;
	_ =	sdelay $0x1  }
0x79: {  	[tilespmem:$0x14C80] =	vst v7  }
0x7a: {  	v7 =	vld [tilespmem:s17+$0x84C0]  }
0x7b: {  	v8 =	vld [tilespmem:s17+$0x84D0];
	_ =	sdelay $0x1  }
0x7c: {  	v9 =	vld [tilespmem:s17+$0x84E0];
	_ =	sdelay $0x1  }
0x7d: {  	v10 =	vld [tilespmem:s17+$0x84F0]  }
0x7e: {  	v7 =	vmul.f32 v7, v3;
	v8 =	vmul.f32 v8, v4;
	_ =	sdelay $0x1  }
0x7f: {  	v7 =	vadd.f32 v8, v7;
	v8 =	vmul.f32 v9, v5;
	_ =	sdelay $0x1  }
0x80: {  	v7 =	vadd.f32 v8, v7;
	v8 =	vmul.f32 v10, v6;
	_ =	sdelay $0x1  }
0x81: {  	v7 =	vadd.f32 v8, v7;
	_ =	sdelay $0x1  }
0x82: {  	[tilespmem:$0x14C90] =	vst v7  }
0x83: {  	v7 =	vld [tilespmem:s17+$0x8500]  }
0x84: {  	v8 =	vld [tilespmem:s17+$0x8510];
	_ =	sdelay $0x1  }
0x85: {  	v9 =	vld [tilespmem:s17+$0x8520];
	_ =	sdelay $0x1  }
0x86: {  	v10 =	vld [tilespmem:s17+$0x8530]  }
0x87: {  	v7 =	vmul.f32 v7, v3;
	v8 =	vmul.f32 v8, v4;
	_ =	sdelay $0x1  }
0x88: {  	v7 =	vadd.f32 v8, v7;
	v8 =	vmul.f32 v9, v5;
	_ =	sdelay $0x1  }
0x89: {  	v7 =	vadd.f32 v8, v7;
	v8 =	vmul.f32 v10, v6;
	_ =	sdelay $0x1  }
0x8a: {  	v7 =	vadd.f32 v8, v7;
	_ =	sdelay $0x1  }
0x8b: {  	[tilespmem:$0x14CA0] =	vst v7  }
0x8c: {  	v7 =	vld [tilespmem:s17+$0x8540]  }
0x8d: {  	v8 =	vld [tilespmem:s17+$0x8550];
	_ =	sdelay $0x1  }
0x8e: {  	v9 =	vld [tilespmem:s17+$0x8560];
	_ =	sdelay $0x1  }
0x8f: {  	v10 =	vld [tilespmem:s17+$0x8570]  }
0x90: {  	v7 =	vmul.f32 v7, v3;
	v8 =	vmul.f32 v8, v4;
	_ =	sdelay $0x1  }
0x91: {  	v7 =	vadd.f32 v8, v7;
	v8 =	vmul.f32 v9, v5;
	_ =	sdelay $0x1  }
0x92: {  	v7 =	vadd.f32 v8, v7;
	v8 =	vmul.f32 v10, v6;
	_ =	sdelay $0x1  }
0x93: {  	v7 =	vadd.f32 v8, v7;
	_ =	sdelay $0x1  }
0x94: {  	[tilespmem:$0x14CB0] =	vst v7  }
0x95: {  	v7 =	vld [tilespmem:s17+$0x8580]  }
0x96: {  	v8 =	vld [tilespmem:s17+$0x8590];
	_ =	sdelay $0x1  }
0x97: {  	v9 =	vld [tilespmem:s17+$0x85A0];
	_ =	sdelay $0x1  }
0x98: {  	v10 =	vld [tilespmem:s17+$0x85B0]  }
0x99: {  	v7 =	vmul.f32 v7, v3;
	v8 =	vmul.f32 v8, v4;
	_ =	sdelay $0x1  }
0x9a: {  	v7 =	vadd.f32 v8, v7;
	v8 =	vmul.f32 v9, v5;
	_ =	sdelay $0x1  }
0x9b: {  	v7 =	vadd.f32 v8, v7;
	v8 =	vmul.f32 v10, v6;
	_ =	sdelay $0x1  }
0x9c: {  	v7 =	vadd.f32 v8, v7;
	_ =	sdelay $0x1  }
0x9d: {  	[tilespmem:$0x14CC0] =	vst v7  }
0x9e: {  	v7 =	vld [tilespmem:s17+$0x85C0]  }
0x9f: {  	v8 =	vld [tilespmem:s17+$0x85D0];
	_ =	sdelay $0x1  }
0xa0: {  	v9 =	vld [tilespmem:s17+$0x85E0];
	_ =	sdelay $0x1  }
0xa1: {  	v10 =	vld [tilespmem:s17+$0x85F0]  }
0xa2: {  	v7 =	vmul.f32 v7, v3;
	v8 =	vmul.f32 v8, v4;
	_ =	sdelay $0x1  }
0xa3: {  	v7 =	vadd.f32 v8, v7;
	v8 =	vmul.f32 v9, v5;
	_ =	sdelay $0x1  }
0xa4: {  	v7 =	vadd.f32 v8, v7;
	v8 =	vmul.f32 v10, v6;
	_ =	sdelay $0x1  }
0xa5: {  	v7 =	vadd.f32 v8, v7;
	_ =	sdelay $0x1  }
0xa6: {  	[tilespmem:$0x14CD0] =	vst v7  }
0xa7: {  	v7 =	vld [tilespmem:s17+$0x8600]  }
0xa8: {  	v8 =	vld [tilespmem:s17+$0x8610];
	_ =	sdelay $0x1  }
0xa9: {  	v9 =	vld [tilespmem:s17+$0x8620];
	_ =	sdelay $0x1  }
0xaa: {  	v10 =	vld [tilespmem:s17+$0x8630]  }
0xab: {  	v7 =	vmul.f32 v7, v3;
	v8 =	vmul.f32 v8, v4;
	_ =	sdelay $0x1  }
0xac: {  	v7 =	vadd.f32 v8, v7;
	v8 =	vmul.f32 v9, v5;
	_ =	sdelay $0x1  }
0xad: {  	v7 =	vadd.f32 v8, v7;
	v8 =	vmul.f32 v10, v6;
	_ =	sdelay $0x1  }
0xae: {  	v7 =	vadd.f32 v8, v7;
	_ =	sdelay $0x1  }
0xaf: {  	[tilespmem:$0x14CE0] =	vst v7  }
0xb0: {  	v7 =	vld [tilespmem:s17+$0x8640]  }
0xb1: {  	v8 =	vld [tilespmem:s17+$0x8650];
	_ =	sdelay $0x1  }
0xb2: {  	v9 =	vld [tilespmem:s17+$0x8660];
	_ =	sdelay $0x1  }
0xb3: {  	v10 =	vld [tilespmem:s17+$0x8670]  }
0xb4: {  	v7 =	vmul.f32 v7, v3;
	v8 =	vmul.f32 v8, v4;
	_ =	sdelay $0x1  }
0xb5: {  	v7 =	vadd.f32 v8, v7;
	v8 =	vmul.f32 v9, v5;
	_ =	sdelay $0x1  }
0xb6: {  	v7 =	vadd.f32 v8, v7;
	v8 =	vmul.f32 v10, v6;
	_ =	sdelay $0x1  }
0xb7: {  	v7 =	vadd.f32 v8, v7;
	_ =	sdelay $0x1  }
0xb8: {  	[tilespmem:$0x14CF0] =	vst v7  }
0xb9: {  	v7 =	vld [tilespmem:s17+$0x8680]  }
0xba: {  	v8 =	vld [tilespmem:s17+$0x8690];
	_ =	sdelay $0x1  }
0xbb: {  	v9 =	vld [tilespmem:s17+$0x86A0];
	_ =	sdelay $0x1  }
0xbc: {  	v10 =	vld [tilespmem:s17+$0x86B0]  }
0xbd: {  	v7 =	vmul.f32 v7, v3;
	v8 =	vmul.f32 v8, v4;
	_ =	sdelay $0x1  }
0xbe: {  	v7 =	vadd.f32 v8, v7;
	v8 =	vmul.f32 v9, v5;
	_ =	sdelay $0x1  }
0xbf: {  	v7 =	vadd.f32 v8, v7;
	v8 =	vmul.f32 v10, v6;
	_ =	sdelay $0x1  }
0xc0: {  	v7 =	vadd.f32 v8, v7;
	_ =	sdelay $0x1  }
0xc1: {  	[tilespmem:$0x14D00] =	vst v7  }
0xc2: {  	v7 =	vld [tilespmem:s17+$0x86C0]  }
0xc3: {  	v8 =	vld [tilespmem:s17+$0x86D0];
	_ =	sdelay $0x1  }
0xc4: {  	v9 =	vld [tilespmem:s17+$0x86E0];
	_ =	sdelay $0x1  }
0xc5: {  	v10 =	vld [tilespmem:s17+$0x86F0]  }
0xc6: {  	v7 =	vmul.f32 v7, v3;
	v8 =	vmul.f32 v8, v4;
	_ =	sdelay $0x1  }
0xc7: {  	v7 =	vadd.f32 v8, v7;
	v8 =	vmul.f32 v9, v5;
	_ =	sdelay $0x1  }
0xc8: {  	v7 =	vadd.f32 v8, v7;
	v8 =	vmul.f32 v10, v6;
	_ =	sdelay $0x1  }
0xc9: {  	v7 =	vadd.f32 v8, v7;
	_ =	sdelay $0x1  }
0xca: {  	[tilespmem:$0x14D10] =	vst v7  }
0xcb: {  	v7 =	vld [tilespmem:s17+$0x8700]  }
0xcc: {  	v8 =	vld [tilespmem:s17+$0x8710];
	_ =	sdelay $0x1  }
0xcd: {  	v9 =	vld [tilespmem:s17+$0x8720];
	_ =	sdelay $0x1  }
0xce: {  	v10 =	vld [tilespmem:s17+$0x8730]  }
0xcf: {  	v7 =	vmul.f32 v7, v3;
	v8 =	vmul.f32 v8, v4;
	_ =	sdelay $0x1  }
0xd0: {  	v7 =	vadd.f32 v8, v7;
	v8 =	vmul.f32 v9, v5;
	_ =	sdelay $0x1  }
0xd1: {  	v7 =	vadd.f32 v8, v7;
	v8 =	vmul.f32 v10, v6;
	_ =	sdelay $0x1  }
0xd2: {  	v7 =	vadd.f32 v8, v7;
	_ =	sdelay $0x1  }
0xd3: {  	[tilespmem:$0x14D20] =	vst v7  }
0xd4: {  	v7 =	vld [tilespmem:s17+$0x8740]  }
0xd5: {  	v8 =	vld [tilespmem:s17+$0x8750];
	_ =	sdelay $0x1  }
0xd6: {  	v9 =	vld [tilespmem:s17+$0x8760];
	_ =	sdelay $0x1  }
0xd7: {  	v10 =	vld [tilespmem:s17+$0x8770]  }
0xd8: {  	v7 =	vmul.f32 v7, v3;
	v8 =	vmul.f32 v8, v4;
	_ =	sdelay $0x1  }
0xd9: {  	v7 =	vadd.f32 v8, v7;
	v8 =	vmul.f32 v9, v5;
	_ =	sdelay $0x1  }
0xda: {  	v7 =	vadd.f32 v8, v7;
	v8 =	vmul.f32 v10, v6;
	_ =	sdelay $0x1  }
0xdb: {  	v7 =	vadd.f32 v8, v7;
	_ =	sdelay $0x1  }
0xdc: {  	[tilespmem:$0x14D30] =	vst v7  }
0xdd: {  	v7 =	vld [tilespmem:s17+$0x8780]  }
0xde: {  	v8 =	vld [tilespmem:s17+$0x8790];
	_ =	sdelay $0x1  }
0xdf: {  	v9 =	vld [tilespmem:s17+$0x87A0];
	_ =	sdelay $0x1  }
0xe0: {  	v10 =	vld [tilespmem:s17+$0x87B0]  }
0xe1: {  	v7 =	vmul.f32 v7, v3;
	v8 =	vmul.f32 v8, v4;
	_ =	sdelay $0x1  }
0xe2: {  	v7 =	vadd.f32 v8, v7;
	v8 =	vmul.f32 v9, v5;
	_ =	sdelay $0x1  }
0xe3: {  	v7 =	vadd.f32 v8, v7;
	v8 =	vmul.f32 v10, v6;
	_ =	sdelay $0x1  }
0xe4: {  	v7 =	vadd.f32 v8, v7;
	_ =	sdelay $0x1  }
0xe5: {  	[tilespmem:$0x14D40] =	vst v7  }
0xe6: {  	v7 =	vld [tilespmem:s17+$0x87C0]  }
0xe7: {  	v8 =	vld [tilespmem:s17+$0x87D0];
	_ =	sdelay $0x1  }
0xe8: {  	v9 =	vld [tilespmem:s17+$0x87E0];
	_ =	sdelay $0x1  }
0xe9: {  	v10 =	vld [tilespmem:s17+$0x87F0]  }
0xea: {  	v7 =	vmul.f32 v7, v3;
	v8 =	vmul.f32 v8, v4;
	_ =	sdelay $0x1  }
0xeb: {  	v7 =	vadd.f32 v8, v7;
	v8 =	vmul.f32 v9, v5;
	_ =	sdelay $0x1  }
0xec: {  	v7 =	vadd.f32 v8, v7;
	v8 =	vmul.f32 v10, v6;
	_ =	sdelay $0x1  }
0xed: {  	v7 =	vadd.f32 v8, v7;
	_ =	sdelay $0x1  }
0xee: {  	[tilespmem:$0x14D50] =	vst v7  }
0xef: {  	v7 =	vld [tilespmem:s17+$0x8800]  }
0xf0: {  	v8 =	vld [tilespmem:s17+$0x8810];
	_ =	sdelay $0x1  }
0xf1: {  	v9 =	vld [tilespmem:s17+$0x8820];
	_ =	sdelay $0x1  }
0xf2: {  	v10 =	vld [tilespmem:s17+$0x8830]  }
0xf3: {  	v7 =	vmul.f32 v7, v3;
	v8 =	vmul.f32 v8, v4;
	_ =	sdelay $0x1  }
0xf4: {  	v7 =	vadd.f32 v8, v7;
	v8 =	vmul.f32 v9, v5;
	_ =	sdelay $0x1  }
0xf5: {  	v7 =	vadd.f32 v8, v7;
	v8 =	vmul.f32 v10, v6;
	_ =	sdelay $0x1  }
0xf6: {  	v7 =	vadd.f32 v8, v7;
	_ =	sdelay $0x1  }
0xf7: {  	[tilespmem:$0x14D60] =	vst v7  }
0xf8: {  	v7 =	vld [tilespmem:s17+$0x8840]  }
0xf9: {  	v8 =	vld [tilespmem:s17+$0x8850];
	_ =	sdelay $0x1  }
0xfa: {  	v9 =	vld [tilespmem:s17+$0x8860];
	_ =	sdelay $0x1  }
0xfb: {  	v10 =	vld [tilespmem:s17+$0x8870]  }
0xfc: {  	v7 =	vmul.f32 v7, v3;
	v8 =	vmul.f32 v8, v4;
	_ =	sdelay $0x1  }
0xfd: {  	v7 =	vadd.f32 v8, v7;
	v8 =	vmul.f32 v9, v5;
	_ =	sdelay $0x1  }
0xfe: {  	v7 =	vadd.f32 v8, v7;
	v8 =	vmul.f32 v10, v6;
	_ =	sdelay $0x1  }
0xff: {  	v7 =	vadd.f32 v8, v7;
	_ =	sdelay $0x1  }
0x100: {  	[tilespmem:$0x14D70] =	vst v7  }
0x101: {  	v7 =	vld [tilespmem:s17+$0x8880]  }
0x102: {  	v8 =	vld [tilespmem:s17+$0x8890];
	_ =	sdelay $0x1  }
0x103: {  	v9 =	vld [tilespmem:s17+$0x88A0];
	_ =	sdelay $0x1  }
0x104: {  	v10 =	vld [tilespmem:s17+$0x88B0]  }
0x105: {  	v7 =	vmul.f32 v7, v3;
	v8 =	vmul.f32 v8, v4;
	_ =	sdelay $0x1  }
0x106: {  	v7 =	vadd.f32 v8, v7;
	v8 =	vmul.f32 v9, v5;
	_ =	sdelay $0x1  }
0x107: {  	v7 =	vadd.f32 v8, v7;
	v8 =	vmul.f32 v10, v6;
	_ =	sdelay $0x1  }
0x108: {  	v7 =	vadd.f32 v8, v7;
	_ =	sdelay $0x1  }
0x109: {  	[tilespmem:$0x14D80] =	vst v7  }
0x10a: {  	v7 =	vld [tilespmem:s17+$0x88C0]  }
0x10b: {  	v8 =	vld [tilespmem:s17+$0x88D0];
	_ =	sdelay $0x1  }
0x10c: {  	v9 =	vld [tilespmem:s17+$0x88E0];
	_ =	sdelay $0x1  }
0x10d: {  	v10 =	vld [tilespmem:s17+$0x88F0]  }
0x10e: {  	v7 =	vmul.f32 v7, v3;
	v8 =	vmul.f32 v8, v4;
	_ =	sdelay $0x1  }
0x10f: {  	v7 =	vadd.f32 v8, v7;
	v8 =	vmul.f32 v9, v5;
	_ =	sdelay $0x1  }
0x110: {  	v7 =	vadd.f32 v8, v7;
	v8 =	vmul.f32 v10, v6;
	_ =	sdelay $0x1  }
0x111: {  	v7 =	vadd.f32 v8, v7;
	_ =	sdelay $0x1  }
0x112: {  	[tilespmem:$0x14D90] =	vst v7  }
0x113: {  	v7 =	vld [tilespmem:s17+$0x8900]  }
0x114: {  	v8 =	vld [tilespmem:s17+$0x8910];
	_ =	sdelay $0x1  }
0x115: {  	v9 =	vld [tilespmem:s17+$0x8920];
	_ =	sdelay $0x1  }
0x116: {  	v10 =	vld [tilespmem:s17+$0x8930]  }
0x117: {  	v7 =	vmul.f32 v7, v3;
	v8 =	vmul.f32 v8, v4;
	_ =	sdelay $0x1  }
0x118: {  	v7 =	vadd.f32 v8, v7;
	v8 =	vmul.f32 v9, v5;
	_ =	sdelay $0x1  }
0x119: {  	v7 =	vadd.f32 v8, v7;
	v8 =	vmul.f32 v10, v6;
	_ =	sdelay $0x1  }
0x11a: {  	v7 =	vadd.f32 v8, v7;
	_ =	sdelay $0x1  }
0x11b: {  	[tilespmem:$0x14DA0] =	vst v7  }
0x11c: {  	v7 =	vld [tilespmem:s17+$0x8940]  }
0x11d: {  	v8 =	vld [tilespmem:s17+$0x8950];
	_ =	sdelay $0x1  }
0x11e: {  	v9 =	vld [tilespmem:s17+$0x8960];
	_ =	sdelay $0x1  }
0x11f: {  	v10 =	vld [tilespmem:s17+$0x8970]  }
0x120: {  	v3 =	vmul.f32 v7, v3;
	v4 =	vmul.f32 v8, v4;
	_ =	sdelay $0x1  }
0x121: {  	v3 =	vadd.f32 v4, v3;
	v4 =	vmul.f32 v9, v5;
	_ =	sdelay $0x1  }
0x122: {  	v3 =	vadd.f32 v4, v3;
	v4 =	vmul.f32 v10, v6;
	_ =	sdelay $0x1  }
0x123: {  	v3 =	vadd.f32 v4, v3;
	_ =	sdelay $0x1  }
0x124: {  	[tilespmem:$0x14DB0] =	vst v3  }
0x125: {  	v3 =	vld.idx.msk [tilespmem:v1+s15+$0x40 ss:$0x1], $0xffff  }
0x126: {  	v4 =	vld.idx.msk [tilespmem:v1+s15+$0x50 ss:$0x1], $0xffff  }
0x127: {  	v7 =	vld [tilespmem:s17+$0x8980]  }
0x128: {  	v8 =	vld [tilespmem:s17+$0x8990]  }
0x129: {  	v5 =	vld.idx.msk [tilespmem:v1+s15+$0x60 ss:$0x1], $0xffff  }
0x12a: {  	v9 =	vld [tilespmem:s17+$0x89A0]  }
0x12b: {  	v6 =	vld.idx.msk [tilespmem:v1+s15+$0x70 ss:$0x1], $0xffff  }
0x12c: {  	v10 =	vld [tilespmem:s17+$0x89B0]  }
0x12d: {  	v7 =	vmul.f32 v7, v3;
	v8 =	vmul.f32 v8, v4;
	_ =	sdelay $0x1  }
0x12e: {  	v7 =	vadd.f32 v8, v7;
	v8 =	vmul.f32 v9, v5;
	_ =	sdelay $0x1  }
0x12f: {  	v7 =	vadd.f32 v8, v7;
	v8 =	vmul.f32 v10, v6;
	_ =	sdelay $0x1  }
0x130: {  	v7 =	vadd.f32 v8, v7;
	_ =	sdelay $0x1  }
0x131: {  	[tilespmem:$0x14DC0] =	vst v7  }
0x132: {  	v7 =	vld [tilespmem:s17+$0x89C0]  }
0x133: {  	v8 =	vld [tilespmem:s17+$0x89D0];
	_ =	sdelay $0x1  }
0x134: {  	v9 =	vld [tilespmem:s17+$0x89E0];
	_ =	sdelay $0x1  }
0x135: {  	v10 =	vld [tilespmem:s17+$0x89F0]  }
0x136: {  	v7 =	vmul.f32 v7, v3;
	v8 =	vmul.f32 v8, v4;
	_ =	sdelay $0x1  }
0x137: {  	v7 =	vadd.f32 v8, v7;
	v8 =	vmul.f32 v9, v5;
	_ =	sdelay $0x1  }
0x138: {  	v7 =	vadd.f32 v8, v7;
	v8 =	vmul.f32 v10, v6;
	_ =	sdelay $0x1  }
0x139: {  	v7 =	vadd.f32 v8, v7;
	_ =	sdelay $0x1  }
0x13a: {  	[tilespmem:$0x14DD0] =	vst v7  }
0x13b: {  	v7 =	vld [tilespmem:s17+$0x8A00]  }
0x13c: {  	v8 =	vld [tilespmem:s17+$0x8A10];
	_ =	sdelay $0x1  }
0x13d: {  	v9 =	vld [tilespmem:s17+$0x8A20];
	_ =	sdelay $0x1  }
0x13e: {  	v10 =	vld [tilespmem:s17+$0x8A30]  }
0x13f: {  	v7 =	vmul.f32 v7, v3;
	v8 =	vmul.f32 v8, v4;
	_ =	sdelay $0x1  }
0x140: {  	v7 =	vadd.f32 v8, v7;
	v8 =	vmul.f32 v9, v5;
	_ =	sdelay $0x1  }
0x141: {  	v7 =	vadd.f32 v8, v7;
	v8 =	vmul.f32 v10, v6;
	_ =	sdelay $0x1  }
0x142: {  	v7 =	vadd.f32 v8, v7;
	_ =	sdelay $0x1  }
0x143: {  	[tilespmem:$0x14DE0] =	vst v7  }
0x144: {  	v7 =	vld [tilespmem:s17+$0x8A40]  }
0x145: {  	v8 =	vld [tilespmem:s17+$0x8A50];
	_ =	sdelay $0x1  }
0x146: {  	v9 =	vld [tilespmem:s17+$0x8A60];
	_ =	sdelay $0x1  }
0x147: {  	v10 =	vld [tilespmem:s17+$0x8A70]  }
0x148: {  	v7 =	vmul.f32 v7, v3;
	v8 =	vmul.f32 v8, v4;
	_ =	sdelay $0x1  }
0x149: {  	v7 =	vadd.f32 v8, v7;
	v8 =	vmul.f32 v9, v5;
	_ =	sdelay $0x1  }
0x14a: {  	v7 =	vadd.f32 v8, v7;
	v8 =	vmul.f32 v10, v6;
	_ =	sdelay $0x1  }
0x14b: {  	v7 =	vadd.f32 v8, v7;
	_ =	sdelay $0x1  }
0x14c: {  	[tilespmem:$0x14DF0] =	vst v7  }
0x14d: {  	v7 =	vld [tilespmem:s17+$0x8A80]  }
0x14e: {  	v8 =	vld [tilespmem:s17+$0x8A90];
	_ =	sdelay $0x1  }
0x14f: {  	v9 =	vld [tilespmem:s17+$0x8AA0];
	_ =	sdelay $0x1  }
0x150: {  	v10 =	vld [tilespmem:s17+$0x8AB0]  }
0x151: {  	v7 =	vmul.f32 v7, v3;
	v8 =	vmul.f32 v8, v4;
	_ =	sdelay $0x1  }
0x152: {  	v7 =	vadd.f32 v8, v7;
	v8 =	vmul.f32 v9, v5;
	_ =	sdelay $0x1  }
0x153: {  	v7 =	vadd.f32 v8, v7;
	v8 =	vmul.f32 v10, v6;
	_ =	sdelay $0x1  }
0x154: {  	v7 =	vadd.f32 v8, v7;
	_ =	sdelay $0x1  }
0x155: {  	[tilespmem:$0x14E00] =	vst v7  }
0x156: {  	v7 =	vld [tilespmem:s17+$0x8AC0]  }
0x157: {  	v8 =	vld [tilespmem:s17+$0x8AD0];
	_ =	sdelay $0x1  }
0x158: {  	v9 =	vld [tilespmem:s17+$0x8AE0];
	_ =	sdelay $0x1  }
0x159: {  	v10 =	vld [tilespmem:s17+$0x8AF0]  }
0x15a: {  	v7 =	vmul.f32 v7, v3;
	v8 =	vmul.f32 v8, v4;
	_ =	sdelay $0x1  }
0x15b: {  	v7 =	vadd.f32 v8, v7;
	v8 =	vmul.f32 v9, v5;
	_ =	sdelay $0x1  }
0x15c: {  	v7 =	vadd.f32 v8, v7;
	v8 =	vmul.f32 v10, v6;
	_ =	sdelay $0x1  }
0x15d: {  	v7 =	vadd.f32 v8, v7;
	_ =	sdelay $0x1  }
0x15e: {  	[tilespmem:$0x14E10] =	vst v7  }
0x15f: {  	v7 =	vld [tilespmem:s17+$0x8B00]  }
0x160: {  	v8 =	vld [tilespmem:s17+$0x8B10];
	_ =	sdelay $0x1  }
0x161: {  	v9 =	vld [tilespmem:s17+$0x8B20];
	_ =	sdelay $0x1  }
0x162: {  	v10 =	vld [tilespmem:s17+$0x8B30]  }
0x163: {  	v7 =	vmul.f32 v7, v3;
	v8 =	vmul.f32 v8, v4;
	_ =	sdelay $0x1  }
0x164: {  	v7 =	vadd.f32 v8, v7;
	v8 =	vmul.f32 v9, v5;
	_ =	sdelay $0x1  }
0x165: {  	v7 =	vadd.f32 v8, v7;
	v8 =	vmul.f32 v10, v6;
	_ =	sdelay $0x1  }
0x166: {  	v7 =	vadd.f32 v8, v7;
	_ =	sdelay $0x1  }
0x167: {  	[tilespmem:$0x14E20] =	vst v7  }
0x168: {  	v7 =	vld [tilespmem:s17+$0x8B40]  }
0x169: {  	v8 =	vld [tilespmem:s17+$0x8B50];
	_ =	sdelay $0x1  }
0x16a: {  	v9 =	vld [tilespmem:s17+$0x8B60];
	_ =	sdelay $0x1  }
0x16b: {  	v10 =	vld [tilespmem:s17+$0x8B70]  }
0x16c: {  	v7 =	vmul.f32 v7, v3;
	v8 =	vmul.f32 v8, v4;
	_ =	sdelay $0x1  }
0x16d: {  	v7 =	vadd.f32 v8, v7;
	v8 =	vmul.f32 v9, v5;
	_ =	sdelay $0x1  }
0x16e: {  	v7 =	vadd.f32 v8, v7;
	v8 =	vmul.f32 v10, v6;
	_ =	sdelay $0x1  }
0x16f: {  	v7 =	vadd.f32 v8, v7;
	_ =	sdelay $0x1  }
0x170: {  	[tilespmem:$0x14E30] =	vst v7  }
0x171: {  	v7 =	vld [tilespmem:s17+$0x8B80]  }
0x172: {  	v8 =	vld [tilespmem:s17+$0x8B90];
	_ =	sdelay $0x1  }
0x173: {  	v9 =	vld [tilespmem:s17+$0x8BA0];
	_ =	sdelay $0x1  }
0x174: {  	v10 =	vld [tilespmem:s17+$0x8BB0]  }
0x175: {  	v7 =	vmul.f32 v7, v3;
	v8 =	vmul.f32 v8, v4;
	_ =	sdelay $0x1  }
0x176: {  	v7 =	vadd.f32 v8, v7;
	v8 =	vmul.f32 v9, v5;
	_ =	sdelay $0x1  }
0x177: {  	v7 =	vadd.f32 v8, v7;
	v8 =	vmul.f32 v10, v6;
	_ =	sdelay $0x1  }
0x178: {  	v7 =	vadd.f32 v8, v7;
	_ =	sdelay $0x1  }
0x179: {  	[tilespmem:$0x14E40] =	vst v7  }
0x17a: {  	v7 =	vld [tilespmem:s17+$0x8BC0]  }
0x17b: {  	v8 =	vld [tilespmem:s17+$0x8BD0];
	_ =	sdelay $0x1  }
0x17c: {  	v9 =	vld [tilespmem:s17+$0x8BE0];
	_ =	sdelay $0x1  }
0x17d: {  	v10 =	vld [tilespmem:s17+$0x8BF0]  }
0x17e: {  	v7 =	vmul.f32 v7, v3;
	v8 =	vmul.f32 v8, v4;
	_ =	sdelay $0x1  }
0x17f: {  	v7 =	vadd.f32 v8, v7;
	v8 =	vmul.f32 v9, v5;
	_ =	sdelay $0x1  }
0x180: {  	v7 =	vadd.f32 v8, v7;
	v8 =	vmul.f32 v10, v6;
	_ =	sdelay $0x1  }
0x181: {  	v7 =	vadd.f32 v8, v7;
	_ =	sdelay $0x1  }
0x182: {  	[tilespmem:$0x14E50] =	vst v7  }
0x183: {  	v7 =	vld [tilespmem:s17+$0x8C00]  }
0x184: {  	v8 =	vld [tilespmem:s17+$0x8C10];
	_ =	sdelay $0x1  }
0x185: {  	v9 =	vld [tilespmem:s17+$0x8C20];
	_ =	sdelay $0x1  }
0x186: {  	v10 =	vld [tilespmem:s17+$0x8C30]  }
0x187: {  	v7 =	vmul.f32 v7, v3;
	v8 =	vmul.f32 v8, v4;
	_ =	sdelay $0x1  }
0x188: {  	v7 =	vadd.f32 v8, v7;
	v8 =	vmul.f32 v9, v5;
	_ =	sdelay $0x1  }
0x189: {  	v7 =	vadd.f32 v8, v7;
	v8 =	vmul.f32 v10, v6;
	_ =	sdelay $0x1  }
0x18a: {  	v7 =	vadd.f32 v8, v7;
	_ =	sdelay $0x1  }
0x18b: {  	[tilespmem:$0x14E60] =	vst v7  }
0x18c: {  	v7 =	vld [tilespmem:s17+$0x8C40]  }
0x18d: {  	v8 =	vld [tilespmem:s17+$0x8C50];
	_ =	sdelay $0x1  }
0x18e: {  	v9 =	vld [tilespmem:s17+$0x8C60];
	_ =	sdelay $0x1  }
0x18f: {  	v10 =	vld [tilespmem:s17+$0x8C70]  }
0x190: {  	v7 =	vmul.f32 v7, v3;
	v8 =	vmul.f32 v8, v4;
	_ =	sdelay $0x1  }
0x191: {  	v7 =	vadd.f32 v8, v7;
	v8 =	vmul.f32 v9, v5;
	_ =	sdelay $0x1  }
0x192: {  	v7 =	vadd.f32 v8, v7;
	v8 =	vmul.f32 v10, v6;
	_ =	sdelay $0x1  }
0x193: {  	v7 =	vadd.f32 v8, v7;
	_ =	sdelay $0x1  }
0x194: {  	[tilespmem:$0x14E70] =	vst v7  }
0x195: {  	v7 =	vld [tilespmem:s17+$0x8C80]  }
0x196: {  	v8 =	vld [tilespmem:s17+$0x8C90];
	_ =	sdelay $0x1  }
0x197: {  	v9 =	vld [tilespmem:s17+$0x8CA0];
	_ =	sdelay $0x1  }
0x198: {  	v10 =	vld [tilespmem:s17+$0x8CB0]  }
0x199: {  	v7 =	vmul.f32 v7, v3;
	v8 =	vmul.f32 v8, v4;
	_ =	sdelay $0x1  }
0x19a: {  	v7 =	vadd.f32 v8, v7;
	v8 =	vmul.f32 v9, v5;
	_ =	sdelay $0x1  }
0x19b: {  	v7 =	vadd.f32 v8, v7;
	v8 =	vmul.f32 v10, v6;
	_ =	sdelay $0x1  }
0x19c: {  	v7 =	vadd.f32 v8, v7;
	_ =	sdelay $0x1  }
0x19d: {  	[tilespmem:$0x14E80] =	vst v7  }
0x19e: {  	v7 =	vld [tilespmem:s17+$0x8CC0]  }
0x19f: {  	v8 =	vld [tilespmem:s17+$0x8CD0];
	_ =	sdelay $0x1  }
0x1a0: {  	v9 =	vld [tilespmem:s17+$0x8CE0];
	_ =	sdelay $0x1  }
0x1a1: {  	v10 =	vld [tilespmem:s17+$0x8CF0]  }
0x1a2: {  	v7 =	vmul.f32 v7, v3;
	v8 =	vmul.f32 v8, v4;
	_ =	sdelay $0x1  }
0x1a3: {  	v7 =	vadd.f32 v8, v7;
	v8 =	vmul.f32 v9, v5;
	_ =	sdelay $0x1  }
0x1a4: {  	v7 =	vadd.f32 v8, v7;
	v8 =	vmul.f32 v10, v6;
	_ =	sdelay $0x1  }
0x1a5: {  	v7 =	vadd.f32 v8, v7;
	_ =	sdelay $0x1  }
0x1a6: {  	[tilespmem:$0x14E90] =	vst v7  }
0x1a7: {  	v7 =	vld [tilespmem:s17+$0x8D00]  }
0x1a8: {  	v8 =	vld [tilespmem:s17+$0x8D10];
	_ =	sdelay $0x1  }
0x1a9: {  	v9 =	vld [tilespmem:s17+$0x8D20];
	_ =	sdelay $0x1  }
0x1aa: {  	v10 =	vld [tilespmem:s17+$0x8D30]  }
0x1ab: {  	v7 =	vmul.f32 v7, v3;
	v8 =	vmul.f32 v8, v4;
	_ =	sdelay $0x1  }
0x1ac: {  	v7 =	vadd.f32 v8, v7;
	v8 =	vmul.f32 v9, v5;
	_ =	sdelay $0x1  }
0x1ad: {  	v7 =	vadd.f32 v8, v7;
	v8 =	vmul.f32 v10, v6;
	_ =	sdelay $0x1  }
0x1ae: {  	v7 =	vadd.f32 v8, v7;
	_ =	sdelay $0x1  }
0x1af: {  	[tilespmem:$0x14EA0] =	vst v7  }
0x1b0: {  	v7 =	vld [tilespmem:s17+$0x8D40]  }
0x1b1: {  	v8 =	vld [tilespmem:s17+$0x8D50];
	_ =	sdelay $0x1  }
0x1b2: {  	v9 =	vld [tilespmem:s17+$0x8D60];
	_ =	sdelay $0x1  }
0x1b3: {  	v10 =	vld [tilespmem:s17+$0x8D70]  }
0x1b4: {  	v7 =	vmul.f32 v7, v3;
	v8 =	vmul.f32 v8, v4;
	_ =	sdelay $0x1  }
0x1b5: {  	v7 =	vadd.f32 v8, v7;
	v8 =	vmul.f32 v9, v5;
	_ =	sdelay $0x1  }
0x1b6: {  	v7 =	vadd.f32 v8, v7;
	v8 =	vmul.f32 v10, v6;
	_ =	sdelay $0x1  }
0x1b7: {  	v7 =	vadd.f32 v8, v7;
	_ =	sdelay $0x1  }
0x1b8: {  	[tilespmem:$0x14EB0] =	vst v7  }
0x1b9: {  	v7 =	vld [tilespmem:s17+$0x8D80]  }
0x1ba: {  	v8 =	vld [tilespmem:s17+$0x8D90];
	_ =	sdelay $0x1  }
0x1bb: {  	v9 =	vld [tilespmem:s17+$0x8DA0];
	_ =	sdelay $0x1  }
0x1bc: {  	v10 =	vld [tilespmem:s17+$0x8DB0]  }
0x1bd: {  	v7 =	vmul.f32 v7, v3;
	v8 =	vmul.f32 v8, v4;
	_ =	sdelay $0x1  }
0x1be: {  	v7 =	vadd.f32 v8, v7;
	v8 =	vmul.f32 v9, v5;
	_ =	sdelay $0x1  }
0x1bf: {  	v7 =	vadd.f32 v8, v7;
	v8 =	vmul.f32 v10, v6;
	_ =	sdelay $0x1  }
0x1c0: {  	v7 =	vadd.f32 v8, v7;
	_ =	sdelay $0x1  }
0x1c1: {  	[tilespmem:$0x14EC0] =	vst v7  }
0x1c2: {  	v7 =	vld [tilespmem:s17+$0x8DC0]  }
0x1c3: {  	v8 =	vld [tilespmem:s17+$0x8DD0];
	_ =	sdelay $0x1  }
0x1c4: {  	v9 =	vld [tilespmem:s17+$0x8DE0];
	_ =	sdelay $0x1  }
0x1c5: {  	v10 =	vld [tilespmem:s17+$0x8DF0]  }
0x1c6: {  	v7 =	vmul.f32 v7, v3;
	v8 =	vmul.f32 v8, v4;
	_ =	sdelay $0x1  }
0x1c7: {  	v7 =	vadd.f32 v8, v7;
	v8 =	vmul.f32 v9, v5;
	_ =	sdelay $0x1  }
0x1c8: {  	v7 =	vadd.f32 v8, v7;
	v8 =	vmul.f32 v10, v6;
	_ =	sdelay $0x1  }
0x1c9: {  	v7 =	vadd.f32 v8, v7;
	_ =	sdelay $0x1  }
0x1ca: {  	[tilespmem:$0x14ED0] =	vst v7  }
0x1cb: {  	v7 =	vld [tilespmem:s17+$0x8E00]  }
0x1cc: {  	v8 =	vld [tilespmem:s17+$0x8E10];
	_ =	sdelay $0x1  }
0x1cd: {  	v9 =	vld [tilespmem:s17+$0x8E20];
	_ =	sdelay $0x1  }
0x1ce: {  	v10 =	vld [tilespmem:s17+$0x8E30]  }
0x1cf: {  	v7 =	vmul.f32 v7, v3;
	v8 =	vmul.f32 v8, v4;
	_ =	sdelay $0x1  }
0x1d0: {  	v7 =	vadd.f32 v8, v7;
	v8 =	vmul.f32 v9, v5;
	_ =	sdelay $0x1  }
0x1d1: {  	v7 =	vadd.f32 v8, v7;
	v8 =	vmul.f32 v10, v6;
	_ =	sdelay $0x1  }
0x1d2: {  	v7 =	vadd.f32 v8, v7;
	_ =	sdelay $0x1  }
0x1d3: {  	[tilespmem:$0x14EE0] =	vst v7  }
0x1d4: {  	v7 =	vld [tilespmem:s17+$0x8E40]  }
0x1d5: {  	v8 =	vld [tilespmem:s17+$0x8E50];
	_ =	sdelay $0x1  }
0x1d6: {  	v9 =	vld [tilespmem:s17+$0x8E60];
	_ =	sdelay $0x1  }
0x1d7: {  	v10 =	vld [tilespmem:s17+$0x8E70]  }
0x1d8: {  	v3 =	vmul.f32 v7, v3;
	v4 =	vmul.f32 v8, v4;
	_ =	sdelay $0x1  }
0x1d9: {  	v3 =	vadd.f32 v4, v3;
	v4 =	vmul.f32 v9, v5;
	_ =	sdelay $0x1  }
0x1da: {  	v3 =	vadd.f32 v4, v3;
	v4 =	vmul.f32 v10, v6;
	_ =	sdelay $0x1  }
0x1db: {  	v3 =	vadd.f32 v4, v3;
	_ =	sdelay $0x1  }
0x1dc: {  	[tilespmem:$0x14EF0] =	vst v3  }
0x1dd: {  	v3 =	vld.idx.msk [tilespmem:v1+s15+$0x80 ss:$0x1], $0xffff  }
0x1de: {  	v4 =	vld.idx.msk [tilespmem:v1+s15+$0x90 ss:$0x1], $0xffff  }
0x1df: {  	v7 =	vld [tilespmem:s17+$0x8E80]  }
0x1e0: {  	v8 =	vld [tilespmem:s17+$0x8E90]  }
0x1e1: {  	v5 =	vld.idx.msk [tilespmem:v1+s15+$0xA0 ss:$0x1], $0xffff  }
0x1e2: {  	v9 =	vld [tilespmem:s17+$0x8EA0]  }
0x1e3: {  	v6 =	vld.idx.msk [tilespmem:v1+s15+$0xB0 ss:$0x1], $0xffff  }
0x1e4: {  	v10 =	vld [tilespmem:s17+$0x8EB0]  }
0x1e5: {  	v7 =	vmul.f32 v7, v3;
	v8 =	vmul.f32 v8, v4;
	_ =	sdelay $0x1  }
0x1e6: {  	v7 =	vadd.f32 v8, v7;
	v8 =	vmul.f32 v9, v5;
	_ =	sdelay $0x1  }
0x1e7: {  	v7 =	vadd.f32 v8, v7;
	v8 =	vmul.f32 v10, v6;
	_ =	sdelay $0x1  }
0x1e8: {  	v7 =	vadd.f32 v8, v7;
	_ =	sdelay $0x1  }
0x1e9: {  	[tilespmem:$0x14F00] =	vst v7  }
0x1ea: {  	v7 =	vld [tilespmem:s17+$0x8EC0]  }
0x1eb: {  	v8 =	vld [tilespmem:s17+$0x8ED0];
	_ =	sdelay $0x1  }
0x1ec: {  	v9 =	vld [tilespmem:s17+$0x8EE0];
	_ =	sdelay $0x1  }
0x1ed: {  	v10 =	vld [tilespmem:s17+$0x8EF0]  }
0x1ee: {  	v7 =	vmul.f32 v7, v3;
	v8 =	vmul.f32 v8, v4;
	_ =	sdelay $0x1  }
0x1ef: {  	v7 =	vadd.f32 v8, v7;
	v8 =	vmul.f32 v9, v5;
	_ =	sdelay $0x1  }
0x1f0: {  	v7 =	vadd.f32 v8, v7;
	v8 =	vmul.f32 v10, v6;
	_ =	sdelay $0x1  }
0x1f1: {  	v7 =	vadd.f32 v8, v7;
	_ =	sdelay $0x1  }
0x1f2: {  	[tilespmem:$0x14F10] =	vst v7  }
0x1f3: {  	v7 =	vld [tilespmem:s17+$0x8F00]  }
0x1f4: {  	v8 =	vld [tilespmem:s17+$0x8F10];
	_ =	sdelay $0x1  }
0x1f5: {  	v9 =	vld [tilespmem:s17+$0x8F20];
	_ =	sdelay $0x1  }
0x1f6: {  	v10 =	vld [tilespmem:s17+$0x8F30]  }
0x1f7: {  	v7 =	vmul.f32 v7, v3;
	v8 =	vmul.f32 v8, v4;
	_ =	sdelay $0x1  }
0x1f8: {  	v7 =	vadd.f32 v8, v7;
	v8 =	vmul.f32 v9, v5;
	_ =	sdelay $0x1  }
0x1f9: {  	v7 =	vadd.f32 v8, v7;
	v8 =	vmul.f32 v10, v6;
	_ =	sdelay $0x1  }
0x1fa: {  	v7 =	vadd.f32 v8, v7;
	_ =	sdelay $0x1  }
0x1fb: {  	[tilespmem:$0x14F20] =	vst v7  }
0x1fc: {  	v7 =	vld [tilespmem:s17+$0x8F40]  }
0x1fd: {  	v8 =	vld [tilespmem:s17+$0x8F50];
	_ =	sdelay $0x1  }
0x1fe: {  	v9 =	vld [tilespmem:s17+$0x8F60];
	_ =	sdelay $0x1  }
0x1ff: {  	v10 =	vld [tilespmem:s17+$0x8F70]  }
0x200: {  	v7 =	vmul.f32 v7, v3;
	v8 =	vmul.f32 v8, v4;
	_ =	sdelay $0x1  }
0x201: {  	v7 =	vadd.f32 v8, v7;
	v8 =	vmul.f32 v9, v5;
	_ =	sdelay $0x1  }
0x202: {  	v7 =	vadd.f32 v8, v7;
	v8 =	vmul.f32 v10, v6;
	_ =	sdelay $0x1  }
0x203: {  	v7 =	vadd.f32 v8, v7;
	_ =	sdelay $0x1  }
0x204: {  	[tilespmem:$0x14F30] =	vst v7  }
0x205: {  	v7 =	vld [tilespmem:s17+$0x8F80]  }
0x206: {  	v8 =	vld [tilespmem:s17+$0x8F90];
	_ =	sdelay $0x1  }
0x207: {  	v9 =	vld [tilespmem:s17+$0x8FA0];
	_ =	sdelay $0x1  }
0x208: {  	v10 =	vld [tilespmem:s17+$0x8FB0]  }
0x209: {  	v7 =	vmul.f32 v7, v3;
	v8 =	vmul.f32 v8, v4;
	_ =	sdelay $0x1  }
0x20a: {  	v7 =	vadd.f32 v8, v7;
	v8 =	vmul.f32 v9, v5;
	_ =	sdelay $0x1  }
0x20b: {  	v7 =	vadd.f32 v8, v7;
	v8 =	vmul.f32 v10, v6;
	_ =	sdelay $0x1  }
0x20c: {  	v7 =	vadd.f32 v8, v7;
	_ =	sdelay $0x1  }
0x20d: {  	[tilespmem:$0x14F40] =	vst v7  }
0x20e: {  	v7 =	vld [tilespmem:s17+$0x8FC0]  }
0x20f: {  	v8 =	vld [tilespmem:s17+$0x8FD0];
	_ =	sdelay $0x1  }
0x210: {  	v9 =	vld [tilespmem:s17+$0x8FE0];
	_ =	sdelay $0x1  }
0x211: {  	v10 =	vld [tilespmem:s17+$0x8FF0]  }
0x212: {  	v7 =	vmul.f32 v7, v3;
	v8 =	vmul.f32 v8, v4;
	_ =	sdelay $0x1  }
0x213: {  	v7 =	vadd.f32 v8, v7;
	v8 =	vmul.f32 v9, v5;
	_ =	sdelay $0x1  }
0x214: {  	v7 =	vadd.f32 v8, v7;
	v8 =	vmul.f32 v10, v6;
	_ =	sdelay $0x1  }
0x215: {  	v7 =	vadd.f32 v8, v7;
	_ =	sdelay $0x1  }
0x216: {  	[tilespmem:$0x14F50] =	vst v7  }
0x217: {  	v7 =	vld [tilespmem:s17+$0x9000]  }
0x218: {  	v8 =	vld [tilespmem:s17+$0x9010];
	_ =	sdelay $0x1  }
0x219: {  	v9 =	vld [tilespmem:s17+$0x9020];
	_ =	sdelay $0x1  }
0x21a: {  	v10 =	vld [tilespmem:s17+$0x9030]  }
0x21b: {  	v7 =	vmul.f32 v7, v3;
	v8 =	vmul.f32 v8, v4;
	_ =	sdelay $0x1  }
0x21c: {  	v7 =	vadd.f32 v8, v7;
	v8 =	vmul.f32 v9, v5;
	_ =	sdelay $0x1  }
0x21d: {  	v7 =	vadd.f32 v8, v7;
	v8 =	vmul.f32 v10, v6;
	_ =	sdelay $0x1  }
0x21e: {  	v7 =	vadd.f32 v8, v7;
	_ =	sdelay $0x1  }
0x21f: {  	[tilespmem:$0x14F60] =	vst v7  }
0x220: {  	v7 =	vld [tilespmem:s17+$0x9040]  }
0x221: {  	v8 =	vld [tilespmem:s17+$0x9050];
	_ =	sdelay $0x1  }
0x222: {  	v9 =	vld [tilespmem:s17+$0x9060];
	_ =	sdelay $0x1  }
0x223: {  	v10 =	vld [tilespmem:s17+$0x9070]  }
0x224: {  	v7 =	vmul.f32 v7, v3;
	v8 =	vmul.f32 v8, v4;
	_ =	sdelay $0x1  }
0x225: {  	v7 =	vadd.f32 v8, v7;
	v8 =	vmul.f32 v9, v5;
	_ =	sdelay $0x1  }
0x226: {  	v7 =	vadd.f32 v8, v7;
	v8 =	vmul.f32 v10, v6;
	_ =	sdelay $0x1  }
0x227: {  	v7 =	vadd.f32 v8, v7;
	_ =	sdelay $0x1  }
0x228: {  	[tilespmem:$0x14F70] =	vst v7  }
0x229: {  	v7 =	vld [tilespmem:s17+$0x9080]  }
0x22a: {  	v8 =	vld [tilespmem:s17+$0x9090];
	_ =	sdelay $0x1  }
0x22b: {  	v9 =	vld [tilespmem:s17+$0x90A0];
	_ =	sdelay $0x1  }
0x22c: {  	v10 =	vld [tilespmem:s17+$0x90B0]  }
0x22d: {  	v7 =	vmul.f32 v7, v3;
	v8 =	vmul.f32 v8, v4;
	_ =	sdelay $0x1  }
0x22e: {  	v7 =	vadd.f32 v8, v7;
	v8 =	vmul.f32 v9, v5;
	_ =	sdelay $0x1  }
0x22f: {  	v7 =	vadd.f32 v8, v7;
	v8 =	vmul.f32 v10, v6;
	_ =	sdelay $0x1  }
0x230: {  	v7 =	vadd.f32 v8, v7;
	_ =	sdelay $0x1  }
0x231: {  	[tilespmem:$0x14F80] =	vst v7  }
0x232: {  	v7 =	vld [tilespmem:s17+$0x90C0]  }
0x233: {  	v8 =	vld [tilespmem:s17+$0x90D0];
	_ =	sdelay $0x1  }
0x234: {  	v9 =	vld [tilespmem:s17+$0x90E0];
	_ =	sdelay $0x1  }
0x235: {  	v10 =	vld [tilespmem:s17+$0x90F0]  }
0x236: {  	v7 =	vmul.f32 v7, v3;
	v8 =	vmul.f32 v8, v4;
	_ =	sdelay $0x1  }
0x237: {  	v7 =	vadd.f32 v8, v7;
	v8 =	vmul.f32 v9, v5;
	_ =	sdelay $0x1  }
0x238: {  	v7 =	vadd.f32 v8, v7;
	v8 =	vmul.f32 v10, v6;
	_ =	sdelay $0x1  }
0x239: {  	v7 =	vadd.f32 v8, v7;
	_ =	sdelay $0x1  }
0x23a: {  	[tilespmem:$0x14F90] =	vst v7  }
0x23b: {  	v7 =	vld [tilespmem:s17+$0x9100]  }
0x23c: {  	v8 =	vld [tilespmem:s17+$0x9110];
	_ =	sdelay $0x1  }
0x23d: {  	v9 =	vld [tilespmem:s17+$0x9120];
	_ =	sdelay $0x1  }
0x23e: {  	v10 =	vld [tilespmem:s17+$0x9130]  }
0x23f: {  	v7 =	vmul.f32 v7, v3;
	v8 =	vmul.f32 v8, v4;
	_ =	sdelay $0x1  }
0x240: {  	v7 =	vadd.f32 v8, v7;
	v8 =	vmul.f32 v9, v5;
	_ =	sdelay $0x1  }
0x241: {  	v7 =	vadd.f32 v8, v7;
	v8 =	vmul.f32 v10, v6;
	_ =	sdelay $0x1  }
0x242: {  	v7 =	vadd.f32 v8, v7;
	_ =	sdelay $0x1  }
0x243: {  	[tilespmem:$0x14FA0] =	vst v7  }
0x244: {  	v7 =	vld [tilespmem:s17+$0x9140]  }
0x245: {  	v8 =	vld [tilespmem:s17+$0x9150];
	_ =	sdelay $0x1  }
0x246: {  	v9 =	vld [tilespmem:s17+$0x9160];
	_ =	sdelay $0x1  }
0x247: {  	v10 =	vld [tilespmem:s17+$0x9170]  }
0x248: {  	v7 =	vmul.f32 v7, v3;
	v8 =	vmul.f32 v8, v4;
	_ =	sdelay $0x1  }
0x249: {  	v7 =	vadd.f32 v8, v7;
	v8 =	vmul.f32 v9, v5;
	_ =	sdelay $0x1  }
0x24a: {  	v7 =	vadd.f32 v8, v7;
	v8 =	vmul.f32 v10, v6;
	_ =	sdelay $0x1  }
0x24b: {  	v7 =	vadd.f32 v8, v7;
	_ =	sdelay $0x1  }
0x24c: {  	[tilespmem:$0x14FB0] =	vst v7  }
0x24d: {  	v7 =	vld [tilespmem:s17+$0x9180]  }
0x24e: {  	v8 =	vld [tilespmem:s17+$0x9190];
	_ =	sdelay $0x1  }
0x24f: {  	v9 =	vld [tilespmem:s17+$0x91A0];
	_ =	sdelay $0x1  }
0x250: {  	v10 =	vld [tilespmem:s17+$0x91B0]  }
0x251: {  	v7 =	vmul.f32 v7, v3;
	v8 =	vmul.f32 v8, v4;
	_ =	sdelay $0x1  }
0x252: {  	v7 =	vadd.f32 v8, v7;
	v8 =	vmul.f32 v9, v5;
	_ =	sdelay $0x1  }
0x253: {  	v7 =	vadd.f32 v8, v7;
	v8 =	vmul.f32 v10, v6;
	_ =	sdelay $0x1  }
0x254: {  	v7 =	vadd.f32 v8, v7;
	_ =	sdelay $0x1  }
0x255: {  	[tilespmem:$0x14FC0] =	vst v7  }
0x256: {  	v7 =	vld [tilespmem:s17+$0x91C0]  }
0x257: {  	v8 =	vld [tilespmem:s17+$0x91D0];
	_ =	sdelay $0x1  }
0x258: {  	v9 =	vld [tilespmem:s17+$0x91E0];
	_ =	sdelay $0x1  }
0x259: {  	v10 =	vld [tilespmem:s17+$0x91F0]  }
0x25a: {  	v7 =	vmul.f32 v7, v3;
	v8 =	vmul.f32 v8, v4;
	_ =	sdelay $0x1  }
0x25b: {  	v7 =	vadd.f32 v8, v7;
	v8 =	vmul.f32 v9, v5;
	_ =	sdelay $0x1  }
0x25c: {  	v7 =	vadd.f32 v8, v7;
	v8 =	vmul.f32 v10, v6;
	_ =	sdelay $0x1  }
0x25d: {  	v7 =	vadd.f32 v8, v7;
	_ =	sdelay $0x1  }
0x25e: {  	[tilespmem:$0x14FD0] =	vst v7  }
0x25f: {  	v7 =	vld [tilespmem:s17+$0x9200]  }
0x260: {  	v8 =	vld [tilespmem:s17+$0x9210];
	_ =	sdelay $0x1  }
0x261: {  	v9 =	vld [tilespmem:s17+$0x9220];
	_ =	sdelay $0x1  }
0x262: {  	v10 =	vld [tilespmem:s17+$0x9230]  }
0x263: {  	v7 =	vmul.f32 v7, v3;
	v8 =	vmul.f32 v8, v4;
	_ =	sdelay $0x1  }
0x264: {  	v7 =	vadd.f32 v8, v7;
	v8 =	vmul.f32 v9, v5;
	_ =	sdelay $0x1  }
0x265: {  	v7 =	vadd.f32 v8, v7;
	v8 =	vmul.f32 v10, v6;
	_ =	sdelay $0x1  }
0x266: {  	v7 =	vadd.f32 v8, v7;
	_ =	sdelay $0x1  }
0x267: {  	[tilespmem:$0x14FE0] =	vst v7  }
0x268: {  	v7 =	vld [tilespmem:s17+$0x9240]  }
0x269: {  	v8 =	vld [tilespmem:s17+$0x9250];
	_ =	sdelay $0x1  }
0x26a: {  	v9 =	vld [tilespmem:s17+$0x9260];
	_ =	sdelay $0x1  }
0x26b: {  	v10 =	vld [tilespmem:s17+$0x9270]  }
0x26c: {  	v7 =	vmul.f32 v7, v3;
	v8 =	vmul.f32 v8, v4;
	_ =	sdelay $0x1  }
0x26d: {  	v7 =	vadd.f32 v8, v7;
	v8 =	vmul.f32 v9, v5;
	_ =	sdelay $0x1  }
0x26e: {  	v7 =	vadd.f32 v8, v7;
	v8 =	vmul.f32 v10, v6;
	_ =	sdelay $0x1  }
0x26f: {  	v7 =	vadd.f32 v8, v7;
	_ =	sdelay $0x1  }
0x270: {  	[tilespmem:$0x14FF0] =	vst v7  }
0x271: {  	v7 =	vld [tilespmem:s17+$0x9280]  }
0x272: {  	v8 =	vld [tilespmem:s17+$0x9290];
	_ =	sdelay $0x1  }
0x273: {  	v9 =	vld [tilespmem:s17+$0x92A0];
	_ =	sdelay $0x1  }
0x274: {  	v10 =	vld [tilespmem:s17+$0x92B0]  }
0x275: {  	v7 =	vmul.f32 v7, v3;
	v8 =	vmul.f32 v8, v4;
	_ =	sdelay $0x1  }
0x276: {  	v7 =	vadd.f32 v8, v7;
	v8 =	vmul.f32 v9, v5;
	_ =	sdelay $0x1  }
0x277: {  	v7 =	vadd.f32 v8, v7;
	v8 =	vmul.f32 v10, v6;
	_ =	sdelay $0x1  }
0x278: {  	v7 =	vadd.f32 v8, v7;
	_ =	sdelay $0x1  }
0x279: {  	[tilespmem:$0x15000] =	vst v7  }
0x27a: {  	v7 =	vld [tilespmem:s17+$0x92C0]  }
0x27b: {  	v8 =	vld [tilespmem:s17+$0x92D0];
	_ =	sdelay $0x1  }
0x27c: {  	v9 =	vld [tilespmem:s17+$0x92E0];
	_ =	sdelay $0x1  }
0x27d: {  	v10 =	vld [tilespmem:s17+$0x92F0]  }
0x27e: {  	v7 =	vmul.f32 v7, v3;
	v8 =	vmul.f32 v8, v4;
	_ =	sdelay $0x1  }
0x27f: {  	v7 =	vadd.f32 v8, v7;
	v8 =	vmul.f32 v9, v5;
	_ =	sdelay $0x1  }
0x280: {  	v7 =	vadd.f32 v8, v7;
	v8 =	vmul.f32 v10, v6;
	_ =	sdelay $0x1  }
0x281: {  	v7 =	vadd.f32 v8, v7;
	_ =	sdelay $0x1  }
0x282: {  	[tilespmem:$0x15010] =	vst v7  }
0x283: {  	v7 =	vld [tilespmem:s17+$0x9300]  }
0x284: {  	v8 =	vld [tilespmem:s17+$0x9310];
	_ =	sdelay $0x1  }
0x285: {  	v9 =	vld [tilespmem:s17+$0x9320];
	_ =	sdelay $0x1  }
0x286: {  	v10 =	vld [tilespmem:s17+$0x9330]  }
0x287: {  	v7 =	vmul.f32 v7, v3;
	v8 =	vmul.f32 v8, v4;
	_ =	sdelay $0x1  }
0x288: {  	v7 =	vadd.f32 v8, v7;
	v8 =	vmul.f32 v9, v5;
	_ =	sdelay $0x1  }
0x289: {  	v7 =	vadd.f32 v8, v7;
	v8 =	vmul.f32 v10, v6;
	_ =	sdelay $0x1  }
0x28a: {  	v7 =	vadd.f32 v8, v7;
	_ =	sdelay $0x1  }
0x28b: {  	[tilespmem:$0x15020] =	vst v7  }
0x28c: {  	v7 =	vld [tilespmem:s17+$0x9340]  }
0x28d: {  	v8 =	vld [tilespmem:s17+$0x9350];
	_ =	sdelay $0x1  }
0x28e: {  	v9 =	vld [tilespmem:s17+$0x9360];
	_ =	sdelay $0x1  }
0x28f: {  	v10 =	vld [tilespmem:s17+$0x9370]  }
0x290: {  	v3 =	vmul.f32 v7, v3;
	v4 =	vmul.f32 v8, v4;
	_ =	sdelay $0x1  }
0x291: {  	v3 =	vadd.f32 v4, v3;
	v4 =	vmul.f32 v9, v5;
	_ =	sdelay $0x1  }
0x292: {  	v3 =	vadd.f32 v4, v3;
	v4 =	vmul.f32 v10, v6;
	_ =	sdelay $0x1  }
0x293: {  	v3 =	vadd.f32 v4, v3;
	_ =	sdelay $0x1  }
0x294: {  	[tilespmem:$0x15030] =	vst v3  }
0x295: {  	v3 =	vld.idx.msk [tilespmem:v1+s15+$0xC0 ss:$0x1], $0xffff  }
0x296: {  	v4 =	vld.idx.msk [tilespmem:v1+s15+$0xD0 ss:$0x1], $0xffff  }
0x297: {  	v7 =	vld [tilespmem:s17+$0x9380]  }
0x298: {  	v8 =	vld [tilespmem:s17+$0x9390]  }
0x299: {  	v5 =	vld.idx.msk [tilespmem:v1+s15+$0xE0 ss:$0x1], $0xffff  }
0x29a: {  	v9 =	vld [tilespmem:s17+$0x93A0]  }
0x29b: {  	v6 =	vld.idx.msk [tilespmem:v1+s15+$0xF0 ss:$0x1], $0xffff  }
0x29c: {  	v10 =	vld [tilespmem:s17+$0x93B0]  }
0x29d: {  	v7 =	vmul.f32 v7, v3;
	v8 =	vmul.f32 v8, v4;
	_ =	sdelay $0x1  }
0x29e: {  	v7 =	vadd.f32 v8, v7;
	v8 =	vmul.f32 v9, v5;
	_ =	sdelay $0x1  }
0x29f: {  	v7 =	vadd.f32 v8, v7;
	v8 =	vmul.f32 v10, v6;
	_ =	sdelay $0x1  }
0x2a0: {  	v7 =	vadd.f32 v8, v7;
	_ =	sdelay $0x1  }
0x2a1: {  	[tilespmem:$0x15040] =	vst v7  }
0x2a2: {  	v7 =	vld [tilespmem:s17+$0x93C0]  }
0x2a3: {  	v8 =	vld [tilespmem:s17+$0x93D0];
	_ =	sdelay $0x1  }
0x2a4: {  	v9 =	vld [tilespmem:s17+$0x93E0];
	_ =	sdelay $0x1  }
0x2a5: {  	v10 =	vld [tilespmem:s17+$0x93F0]  }
0x2a6: {  	v7 =	vmul.f32 v7, v3;
	v8 =	vmul.f32 v8, v4;
	_ =	sdelay $0x1  }
0x2a7: {  	v7 =	vadd.f32 v8, v7;
	v8 =	vmul.f32 v9, v5;
	_ =	sdelay $0x1  }
0x2a8: {  	v7 =	vadd.f32 v8, v7;
	v8 =	vmul.f32 v10, v6;
	_ =	sdelay $0x1  }
0x2a9: {  	v7 =	vadd.f32 v8, v7;
	_ =	sdelay $0x1  }
0x2aa: {  	[tilespmem:$0x15050] =	vst v7  }
0x2ab: {  	v7 =	vld [tilespmem:s17+$0x9400]  }
0x2ac: {  	v8 =	vld [tilespmem:s17+$0x9410];
	_ =	sdelay $0x1  }
0x2ad: {  	v9 =	vld [tilespmem:s17+$0x9420];
	_ =	sdelay $0x1  }
0x2ae: {  	v10 =	vld [tilespmem:s17+$0x9430]  }
0x2af: {  	v7 =	vmul.f32 v7, v3;
	v8 =	vmul.f32 v8, v4;
	_ =	sdelay $0x1  }
0x2b0: {  	v7 =	vadd.f32 v8, v7;
	v8 =	vmul.f32 v9, v5;
	_ =	sdelay $0x1  }
0x2b1: {  	v7 =	vadd.f32 v8, v7;
	v8 =	vmul.f32 v10, v6;
	_ =	sdelay $0x1  }
0x2b2: {  	v7 =	vadd.f32 v8, v7;
	_ =	sdelay $0x1  }
0x2b3: {  	[tilespmem:$0x15060] =	vst v7  }
0x2b4: {  	v7 =	vld [tilespmem:s17+$0x9440]  }
0x2b5: {  	v8 =	vld [tilespmem:s17+$0x9450];
	_ =	sdelay $0x1  }
0x2b6: {  	v9 =	vld [tilespmem:s17+$0x9460];
	_ =	sdelay $0x1  }
0x2b7: {  	v10 =	vld [tilespmem:s17+$0x9470]  }
0x2b8: {  	v7 =	vmul.f32 v7, v3;
	v8 =	vmul.f32 v8, v4;
	_ =	sdelay $0x1  }
0x2b9: {  	v7 =	vadd.f32 v8, v7;
	v8 =	vmul.f32 v9, v5;
	_ =	sdelay $0x1  }
0x2ba: {  	v7 =	vadd.f32 v8, v7;
	v8 =	vmul.f32 v10, v6;
	_ =	sdelay $0x1  }
0x2bb: {  	v7 =	vadd.f32 v8, v7;
	_ =	sdelay $0x1  }
0x2bc: {  	[tilespmem:$0x15070] =	vst v7  }
0x2bd: {  	v7 =	vld [tilespmem:s17+$0x9480]  }
0x2be: {  	v8 =	vld [tilespmem:s17+$0x9490];
	_ =	sdelay $0x1  }
0x2bf: {  	v9 =	vld [tilespmem:s17+$0x94A0];
	_ =	sdelay $0x1  }
0x2c0: {  	v10 =	vld [tilespmem:s17+$0x94B0]  }
0x2c1: {  	v7 =	vmul.f32 v7, v3;
	v8 =	vmul.f32 v8, v4;
	_ =	sdelay $0x1  }
0x2c2: {  	v7 =	vadd.f32 v8, v7;
	v8 =	vmul.f32 v9, v5;
	_ =	sdelay $0x1  }
0x2c3: {  	v7 =	vadd.f32 v8, v7;
	v8 =	vmul.f32 v10, v6;
	_ =	sdelay $0x1  }
0x2c4: {  	v7 =	vadd.f32 v8, v7;
	_ =	sdelay $0x1  }
0x2c5: {  	[tilespmem:$0x15080] =	vst v7  }
0x2c6: {  	v7 =	vld [tilespmem:s17+$0x94C0]  }
0x2c7: {  	v8 =	vld [tilespmem:s17+$0x94D0];
	_ =	sdelay $0x1  }
0x2c8: {  	v9 =	vld [tilespmem:s17+$0x94E0];
	_ =	sdelay $0x1  }
0x2c9: {  	v10 =	vld [tilespmem:s17+$0x94F0]  }
0x2ca: {  	v7 =	vmul.f32 v7, v3;
	v8 =	vmul.f32 v8, v4;
	_ =	sdelay $0x1  }
0x2cb: {  	v7 =	vadd.f32 v8, v7;
	v8 =	vmul.f32 v9, v5;
	_ =	sdelay $0x1  }
0x2cc: {  	v7 =	vadd.f32 v8, v7;
	v8 =	vmul.f32 v10, v6;
	_ =	sdelay $0x1  }
0x2cd: {  	v7 =	vadd.f32 v8, v7;
	_ =	sdelay $0x1  }
0x2ce: {  	[tilespmem:$0x15090] =	vst v7  }
0x2cf: {  	v7 =	vld [tilespmem:s17+$0x9500]  }
0x2d0: {  	v8 =	vld [tilespmem:s17+$0x9510];
	_ =	sdelay $0x1  }
0x2d1: {  	v9 =	vld [tilespmem:s17+$0x9520];
	_ =	sdelay $0x1  }
0x2d2: {  	v10 =	vld [tilespmem:s17+$0x9530]  }
0x2d3: {  	v7 =	vmul.f32 v7, v3;
	v8 =	vmul.f32 v8, v4;
	_ =	sdelay $0x1  }
0x2d4: {  	v7 =	vadd.f32 v8, v7;
	v8 =	vmul.f32 v9, v5;
	_ =	sdelay $0x1  }
0x2d5: {  	v7 =	vadd.f32 v8, v7;
	v8 =	vmul.f32 v10, v6;
	_ =	sdelay $0x1  }
0x2d6: {  	v7 =	vadd.f32 v8, v7;
	_ =	sdelay $0x1  }
0x2d7: {  	[tilespmem:$0x150A0] =	vst v7  }
0x2d8: {  	v7 =	vld [tilespmem:s17+$0x9540]  }
0x2d9: {  	v8 =	vld [tilespmem:s17+$0x9550];
	_ =	sdelay $0x1  }
0x2da: {  	v9 =	vld [tilespmem:s17+$0x9560];
	_ =	sdelay $0x1  }
0x2db: {  	v10 =	vld [tilespmem:s17+$0x9570]  }
0x2dc: {  	v7 =	vmul.f32 v7, v3;
	v8 =	vmul.f32 v8, v4;
	_ =	sdelay $0x1  }
0x2dd: {  	v7 =	vadd.f32 v8, v7;
	v8 =	vmul.f32 v9, v5;
	_ =	sdelay $0x1  }
0x2de: {  	v7 =	vadd.f32 v8, v7;
	v8 =	vmul.f32 v10, v6;
	_ =	sdelay $0x1  }
0x2df: {  	v7 =	vadd.f32 v8, v7;
	_ =	sdelay $0x1  }
0x2e0: {  	[tilespmem:$0x150B0] =	vst v7  }
0x2e1: {  	v7 =	vld [tilespmem:s17+$0x9580]  }
0x2e2: {  	v8 =	vld [tilespmem:s17+$0x9590];
	_ =	sdelay $0x1  }
0x2e3: {  	v9 =	vld [tilespmem:s17+$0x95A0];
	_ =	sdelay $0x1  }
0x2e4: {  	v10 =	vld [tilespmem:s17+$0x95B0]  }
0x2e5: {  	v7 =	vmul.f32 v7, v3;
	v8 =	vmul.f32 v8, v4;
	_ =	sdelay $0x1  }
0x2e6: {  	v7 =	vadd.f32 v8, v7;
	v8 =	vmul.f32 v9, v5;
	_ =	sdelay $0x1  }
0x2e7: {  	v7 =	vadd.f32 v8, v7;
	v8 =	vmul.f32 v10, v6;
	_ =	sdelay $0x1  }
0x2e8: {  	v7 =	vadd.f32 v8, v7;
	_ =	sdelay $0x1  }
0x2e9: {  	[tilespmem:$0x150C0] =	vst v7  }
0x2ea: {  	v7 =	vld [tilespmem:s17+$0x95C0]  }
0x2eb: {  	v8 =	vld [tilespmem:s17+$0x95D0];
	_ =	sdelay $0x1  }
0x2ec: {  	v9 =	vld [tilespmem:s17+$0x95E0];
	_ =	sdelay $0x1  }
0x2ed: {  	v10 =	vld [tilespmem:s17+$0x95F0]  }
0x2ee: {  	v7 =	vmul.f32 v7, v3;
	v8 =	vmul.f32 v8, v4;
	_ =	sdelay $0x1  }
0x2ef: {  	v7 =	vadd.f32 v8, v7;
	v8 =	vmul.f32 v9, v5;
	_ =	sdelay $0x1  }
0x2f0: {  	v7 =	vadd.f32 v8, v7;
	v8 =	vmul.f32 v10, v6;
	_ =	sdelay $0x1  }
0x2f1: {  	v7 =	vadd.f32 v8, v7;
	_ =	sdelay $0x1  }
0x2f2: {  	[tilespmem:$0x150D0] =	vst v7  }
0x2f3: {  	v7 =	vld [tilespmem:s17+$0x9600]  }
0x2f4: {  	v8 =	vld [tilespmem:s17+$0x9610];
	_ =	sdelay $0x1  }
0x2f5: {  	v9 =	vld [tilespmem:s17+$0x9620];
	_ =	sdelay $0x1  }
0x2f6: {  	v10 =	vld [tilespmem:s17+$0x9630]  }
0x2f7: {  	v7 =	vmul.f32 v7, v3;
	v8 =	vmul.f32 v8, v4;
	_ =	sdelay $0x1  }
0x2f8: {  	v7 =	vadd.f32 v8, v7;
	v8 =	vmul.f32 v9, v5;
	_ =	sdelay $0x1  }
0x2f9: {  	v7 =	vadd.f32 v8, v7;
	v8 =	vmul.f32 v10, v6;
	_ =	sdelay $0x1  }
0x2fa: {  	v7 =	vadd.f32 v8, v7;
	_ =	sdelay $0x1  }
0x2fb: {  	[tilespmem:$0x150E0] =	vst v7  }
0x2fc: {  	v7 =	vld [tilespmem:s17+$0x9640]  }
0x2fd: {  	v8 =	vld [tilespmem:s17+$0x9650];
	_ =	sdelay $0x1  }
0x2fe: {  	v9 =	vld [tilespmem:s17+$0x9660];
	_ =	sdelay $0x1  }
0x2ff: {  	v10 =	vld [tilespmem:s17+$0x9670]  }
0x300: {  	v7 =	vmul.f32 v7, v3;
	v8 =	vmul.f32 v8, v4;
	_ =	sdelay $0x1  }
0x301: {  	v7 =	vadd.f32 v8, v7;
	v8 =	vmul.f32 v9, v5;
	_ =	sdelay $0x1  }
0x302: {  	v7 =	vadd.f32 v8, v7;
	v8 =	vmul.f32 v10, v6;
	_ =	sdelay $0x1  }
0x303: {  	v7 =	vadd.f32 v8, v7;
	_ =	sdelay $0x1  }
0x304: {  	[tilespmem:$0x150F0] =	vst v7  }
0x305: {  	v7 =	vld [tilespmem:s17+$0x9680]  }
0x306: {  	v8 =	vld [tilespmem:s17+$0x9690];
	_ =	sdelay $0x1  }
0x307: {  	v9 =	vld [tilespmem:s17+$0x96A0];
	_ =	sdelay $0x1  }
0x308: {  	v10 =	vld [tilespmem:s17+$0x96B0]  }
0x309: {  	v7 =	vmul.f32 v7, v3;
	v8 =	vmul.f32 v8, v4;
	_ =	sdelay $0x1  }
0x30a: {  	v7 =	vadd.f32 v8, v7;
	v8 =	vmul.f32 v9, v5;
	_ =	sdelay $0x1  }
0x30b: {  	v7 =	vadd.f32 v8, v7;
	v8 =	vmul.f32 v10, v6;
	_ =	sdelay $0x1  }
0x30c: {  	v7 =	vadd.f32 v8, v7;
	_ =	sdelay $0x1  }
0x30d: {  	[tilespmem:$0x15100] =	vst v7  }
0x30e: {  	v7 =	vld [tilespmem:s17+$0x96C0]  }
0x30f: {  	v8 =	vld [tilespmem:s17+$0x96D0];
	_ =	sdelay $0x1  }
0x310: {  	v9 =	vld [tilespmem:s17+$0x96E0];
	_ =	sdelay $0x1  }
0x311: {  	v10 =	vld [tilespmem:s17+$0x96F0]  }
0x312: {  	v7 =	vmul.f32 v7, v3;
	v8 =	vmul.f32 v8, v4;
	_ =	sdelay $0x1  }
0x313: {  	v7 =	vadd.f32 v8, v7;
	v8 =	vmul.f32 v9, v5;
	_ =	sdelay $0x1  }
0x314: {  	v7 =	vadd.f32 v8, v7;
	v8 =	vmul.f32 v10, v6;
	_ =	sdelay $0x1  }
0x315: {  	v7 =	vadd.f32 v8, v7;
	_ =	sdelay $0x1  }
0x316: {  	[tilespmem:$0x15110] =	vst v7  }
0x317: {  	v7 =	vld [tilespmem:s17+$0x9700]  }
0x318: {  	v8 =	vld [tilespmem:s17+$0x9710];
	_ =	sdelay $0x1  }
0x319: {  	v9 =	vld [tilespmem:s17+$0x9720];
	_ =	sdelay $0x1  }
0x31a: {  	v10 =	vld [tilespmem:s17+$0x9730]  }
0x31b: {  	v7 =	vmul.f32 v7, v3;
	v8 =	vmul.f32 v8, v4;
	_ =	sdelay $0x1  }
0x31c: {  	v7 =	vadd.f32 v8, v7;
	v8 =	vmul.f32 v9, v5;
	_ =	sdelay $0x1  }
0x31d: {  	v7 =	vadd.f32 v8, v7;
	v8 =	vmul.f32 v10, v6;
	_ =	sdelay $0x1  }
0x31e: {  	v7 =	vadd.f32 v8, v7;
	_ =	sdelay $0x1  }
0x31f: {  	[tilespmem:$0x15120] =	vst v7  }
0x320: {  	v7 =	vld [tilespmem:s17+$0x9740]  }
0x321: {  	v8 =	vld [tilespmem:s17+$0x9750];
	_ =	sdelay $0x1  }
0x322: {  	v9 =	vld [tilespmem:s17+$0x9760];
	_ =	sdelay $0x1  }
0x323: {  	v10 =	vld [tilespmem:s17+$0x9770]  }
0x324: {  	v7 =	vmul.f32 v7, v3;
	v8 =	vmul.f32 v8, v4;
	_ =	sdelay $0x1  }
0x325: {  	v7 =	vadd.f32 v8, v7;
	v8 =	vmul.f32 v9, v5;
	_ =	sdelay $0x1  }
0x326: {  	v7 =	vadd.f32 v8, v7;
	v8 =	vmul.f32 v10, v6;
	_ =	sdelay $0x1  }
0x327: {  	v7 =	vadd.f32 v8, v7;
	_ =	sdelay $0x1  }
0x328: {  	[tilespmem:$0x15130] =	vst v7  }
0x329: {  	v7 =	vld [tilespmem:s17+$0x9780]  }
0x32a: {  	v8 =	vld [tilespmem:s17+$0x9790];
	_ =	sdelay $0x1  }
0x32b: {  	v9 =	vld [tilespmem:s17+$0x97A0];
	_ =	sdelay $0x1  }
0x32c: {  	v10 =	vld [tilespmem:s17+$0x97B0]  }
0x32d: {  	v7 =	vmul.f32 v7, v3;
	v8 =	vmul.f32 v8, v4;
	_ =	sdelay $0x1  }
0x32e: {  	v7 =	vadd.f32 v8, v7;
	v8 =	vmul.f32 v9, v5;
	_ =	sdelay $0x1  }
0x32f: {  	v7 =	vadd.f32 v8, v7;
	v8 =	vmul.f32 v10, v6;
	_ =	sdelay $0x1  }
0x330: {  	v7 =	vadd.f32 v8, v7;
	_ =	sdelay $0x1  }
0x331: {  	[tilespmem:$0x15140] =	vst v7  }
0x332: {  	v7 =	vld [tilespmem:s17+$0x97C0]  }
0x333: {  	v8 =	vld [tilespmem:s17+$0x97D0];
	_ =	sdelay $0x1  }
0x334: {  	v9 =	vld [tilespmem:s17+$0x97E0];
	_ =	sdelay $0x1  }
0x335: {  	v10 =	vld [tilespmem:s17+$0x97F0]  }
0x336: {  	v7 =	vmul.f32 v7, v3;
	v8 =	vmul.f32 v8, v4;
	_ =	sdelay $0x1  }
0x337: {  	v7 =	vadd.f32 v8, v7;
	v8 =	vmul.f32 v9, v5;
	_ =	sdelay $0x1  }
0x338: {  	v7 =	vadd.f32 v8, v7;
	v8 =	vmul.f32 v10, v6;
	_ =	sdelay $0x1  }
0x339: {  	v7 =	vadd.f32 v8, v7;
	_ =	sdelay $0x1  }
0x33a: {  	[tilespmem:$0x15150] =	vst v7  }
0x33b: {  	v7 =	vld [tilespmem:s17+$0x9800]  }
0x33c: {  	v8 =	vld [tilespmem:s17+$0x9810];
	_ =	sdelay $0x1  }
0x33d: {  	v9 =	vld [tilespmem:s17+$0x9820];
	_ =	sdelay $0x1  }
0x33e: {  	v10 =	vld [tilespmem:s17+$0x9830]  }
0x33f: {  	v7 =	vmul.f32 v7, v3;
	v8 =	vmul.f32 v8, v4;
	_ =	sdelay $0x1  }
0x340: {  	v7 =	vadd.f32 v8, v7;
	v8 =	vmul.f32 v9, v5;
	_ =	sdelay $0x1  }
0x341: {  	v7 =	vadd.f32 v8, v7;
	v8 =	vmul.f32 v10, v6;
	_ =	sdelay $0x1  }
0x342: {  	v7 =	vadd.f32 v8, v7;
	_ =	sdelay $0x1  }
0x343: {  	[tilespmem:$0x15160] =	vst v7  }
0x344: {  	v7 =	vld [tilespmem:s17+$0x9840]  }
0x345: {  	v8 =	vld [tilespmem:s17+$0x9850];
	_ =	sdelay $0x1  }
0x346: {  	v9 =	vld [tilespmem:s17+$0x9860];
	_ =	sdelay $0x1  }
0x347: {  	v10 =	vld [tilespmem:s17+$0x9870]  }
0x348: {  	v3 =	vmul.f32 v7, v3;
	v4 =	vmul.f32 v8, v4;
	_ =	sdelay $0x1  }
0x349: {  	v3 =	vadd.f32 v4, v3;
	v4 =	vmul.f32 v9, v5;
	v9 =	vld [tilespmem:$0x1FFE0];
	_ =	sdelay $0x1  }
0x34a: {  	v3 =	vadd.f32 v4, v3;
	v4 =	vmul.f32 v10, v6;
	_ =	sdelay $0x1  }
0x34b: {  	v3 =	vadd.f32 v4, v3;
	_ =	sdelay $0x1  }
0x34c: {  	[tilespmem:$0x15170] =	vst v3  }
0x34d: {  	v3 =	vld.idx.msk [tilespmem:v0+s3+$0x0], $0xffff  }
0x34e: {  	v4 =	vld.idx.msk [tilespmem:v9+s3+$0x0], $0xffff;
	_ =	sdelay $0x1  }
0x34f: {  	v5 =	vld.idx.msk [tilespmem:v12+s3+$0x0], $0xffff;
	_ =	sdelay $0x1  }
0x350: {  	v6 =	vld.idx.msk [tilespmem:v13+s3+$0x0], $0xffff  }
0x351: {  	v3 =	vadd.f32 v4, v3  }
0x352: {  	v4 =	vld.idx.msk [tilespmem:v14+s3+$0x0], $0xffff  }
0x353: {  	v3 =	vadd.f32 v5, v3  }
0x354: {  	v5 =	vld.idx.msk [tilespmem:v15+s3+$0x0], $0xffff  }
0x355: {  	v3 =	vadd.f32 v6, v3  }
0x356: {  	v6 =	vld.idx.msk [tilespmem:v16+s3+$0x0], $0xffff  }
0x357: {  	v3 =	vadd.f32 v4, v3  }
0x358: {  	v4 =	vld.idx.msk [tilespmem:v17+s3+$0x0], $0xffff  }
0x359: {  	v3 =	vadd.f32 v5, v3  }
0x35a: {  	v5 =	vld.idx.msk [tilespmem:v18+s3+$0x0], $0xffff  }
0x35b: {  	v3 =	vadd.f32 v6, v3  }
0x35c: {  	v6 =	vld.idx.msk [tilespmem:v19+s3+$0x0], $0xffff  }
0x35d: {  	v3 =	vadd.f32 v4, v3  }
0x35e: {  	v4 =	vld.idx.msk [tilespmem:v20+s3+$0x0], $0xffff  }
0x35f: {  	v3 =	vadd.f32 v5, v3  }
0x360: {  	v5 =	vld.idx.msk [tilespmem:v21+s3+$0x0], $0xffff  }
0x361: {  	v3 =	vadd.f32 v6, v3  }
0x362: {  	v6 =	vld.idx.msk [tilespmem:v22+s3+$0x0], $0xffff  }
0x363: {  	v3 =	vadd.f32 v4, v3  }
0x364: {  	v4 =	vld.idx.msk [tilespmem:v23+s3+$0x0], $0xffff  }
0x365: {  	v3 =	vadd.f32 v5, v3  }
0x366: {  	v5 =	vld.idx.msk [tilespmem:v24+s3+$0x0], $0xffff  }
0x367: {  	v3 =	vadd.f32 v6, v3  }
0x368: {  	v6 =	vld.idx.msk [tilespmem:v25+s3+$0x0], $0xffff  }
0x369: {  	v3 =	vadd.f32 v4, v3;
	_ =	sdelay $0x1  }
0x36a: {  	v3 =	vadd.f32 v5, v3  }
0x36b: {  	s17 =	smul.u32 $0x140, s20  }
0x36c: {  	v3 =	vadd.f32 v6, v3  }
0x36d: {  	s15 =	sshra.s32 s17, $0x2  }
0x36e: {  	[tilespmem:v2+s15+$0x0 ss:$0x1] =	vst.idx.msk $0xffff, v3  }
0x36f: {  	v3 =	vld.idx.msk [tilespmem:v26+s3+$0x0], $0xffff  }
0x370: {  	v4 =	vld.idx.msk [tilespmem:v27+s3+$0x0], $0xffff;
	_ =	sdelay $0x1  }
0x371: {  	v5 =	vld.idx.msk [tilespmem:v28+s3+$0x0], $0xffff;
	_ =	sdelay $0x1  }
0x372: {  	v6 =	vld.idx.msk [tilespmem:v29+s3+$0x0], $0xffff  }
0x373: {  	v3 =	vadd.f32 v4, v3  }
0x374: {  	v4 =	vld.idx.msk [tilespmem:v30+s3+$0x0], $0xffff  }
0x375: {  	v3 =	vadd.f32 v5, v3  }
0x376: {  	v5 =	vld.idx.msk [tilespmem:v31+s3+$0x0], $0xffff  }
0x377: {  	v3 =	vadd.f32 v6, v3  }
0x378: {  	v6 =	vld.idx.msk [tilespmem:v32+s3+$0x0], $0xffff  }
0x379: {  	v3 =	vadd.f32 v4, v3  }
0x37a: {  	v4 =	vld.idx.msk [tilespmem:v33+s3+$0x0], $0xffff  }
0x37b: {  	v3 =	vadd.f32 v5, v3  }
0x37c: {  	v5 =	vld.idx.msk [tilespmem:v34+s3+$0x0], $0xffff  }
0x37d: {  	v3 =	vadd.f32 v6, v3  }
0x37e: {  	v6 =	vld.idx.msk [tilespmem:v35+s3+$0x0], $0xffff  }
0x37f: {  	v3 =	vadd.f32 v4, v3  }
0x380: {  	v4 =	vld.idx.msk [tilespmem:v36+s3+$0x0], $0xffff  }
0x381: {  	v3 =	vadd.f32 v5, v3  }
0x382: {  	v5 =	vld.idx.msk [tilespmem:v37+s3+$0x0], $0xffff  }
0x383: {  	v3 =	vadd.f32 v6, v3  }
0x384: {  	v6 =	vld.idx.msk [tilespmem:v38+s3+$0x0], $0xffff  }
0x385: {  	v3 =	vadd.f32 v4, v3  }
0x386: {  	v4 =	vld.idx.msk [tilespmem:v39+s3+$0x0], $0xffff  }
0x387: {  	v3 =	vadd.f32 v5, v3  }
0x388: {  	v5 =	vld.idx.msk [tilespmem:v40+s3+$0x0], $0xffff  }
0x389: {  	v3 =	vadd.f32 v6, v3  }
0x38a: {  	v6 =	vld.idx.msk [tilespmem:v41+s3+$0x0], $0xffff  }
0x38b: {  	v3 =	vadd.f32 v4, v3;
	_ =	sdelay $0x1  }
0x38c: {  	v3 =	vadd.f32 v5, v3;
	_ =	sdelay $0x1  }
0x38d: {  	v3 =	vadd.f32 v6, v3;
	_ =	sdelay $0x1  }
0x38e: {  	[tilespmem:v2+s15+$0x10 ss:$0x1] =	vst.idx.msk $0xffff, v3  }
0x38f: {  	v3 =	vld.idx.msk [tilespmem:v42+s3+$0x0], $0xffff  }
0x390: {  	v4 =	vld.idx.msk [tilespmem:v43+s3+$0x0], $0xffff;
	_ =	sdelay $0x1  }
0x391: {  	v5 =	vld.idx.msk [tilespmem:v44+s3+$0x0], $0xffff;
	_ =	sdelay $0x1  }
0x392: {  	v6 =	vld.idx.msk [tilespmem:v45+s3+$0x0], $0xffff  }
0x393: {  	v3 =	vadd.f32 v4, v3  }
0x394: {  	v4 =	vld.idx.msk [tilespmem:v46+s3+$0x0], $0xffff  }
0x395: {  	v3 =	vadd.f32 v5, v3  }
0x396: {  	v5 =	vld.idx.msk [tilespmem:v47+s3+$0x0], $0xffff  }
0x397: {  	v3 =	vadd.f32 v6, v3  }
0x398: {  	v6 =	vld.idx.msk [tilespmem:v48+s3+$0x0], $0xffff  }
0x399: {  	v3 =	vadd.f32 v4, v3  }
0x39a: {  	v4 =	vld.idx.msk [tilespmem:v49+s3+$0x0], $0xffff  }
0x39b: {  	v3 =	vadd.f32 v5, v3  }
0x39c: {  	v5 =	vld.idx.msk [tilespmem:v50+s3+$0x0], $0xffff  }
0x39d: {  	v3 =	vadd.f32 v6, v3  }
0x39e: {  	v6 =	vld.idx.msk [tilespmem:v51+s3+$0x0], $0xffff  }
0x39f: {  	v3 =	vadd.f32 v4, v3  }
0x3a0: {  	v4 =	vld.idx.msk [tilespmem:v52+s3+$0x0], $0xffff  }
0x3a1: {  	v3 =	vadd.f32 v5, v3  }
0x3a2: {  	v5 =	vld.idx.msk [tilespmem:v53+s3+$0x0], $0xffff  }
0x3a3: {  	v3 =	vadd.f32 v6, v3  }
0x3a4: {  	v6 =	vld.idx.msk [tilespmem:v54+s3+$0x0], $0xffff  }
0x3a5: {  	v3 =	vadd.f32 v4, v3  }
0x3a6: {  	v4 =	vld.idx.msk [tilespmem:v55+s3+$0x0], $0xffff  }
0x3a7: {  	v3 =	vadd.f32 v5, v3  }
0x3a8: {  	v5 =	vld.idx.msk [tilespmem:v56+s3+$0x0], $0xffff  }
0x3a9: {  	v3 =	vadd.f32 v6, v3  }
0x3aa: {  	v6 =	vld.idx.msk [tilespmem:v57+s3+$0x0], $0xffff  }
0x3ab: {  	v3 =	vadd.f32 v4, v3;
	_ =	sdelay $0x1  }
0x3ac: {  	v3 =	vadd.f32 v5, v3;
	_ =	sdelay $0x1  }
0x3ad: {  	v3 =	vadd.f32 v6, v3;
	_ =	sdelay $0x1  }
0x3ae: {  	[tilespmem:v2+s15+$0x20 ss:$0x1] =	vst.idx.msk $0xffff, v3  }
0x3af: {  	v3 =	vld.idx.msk [tilespmem:v58+s3+$0x0], $0xffff  }
0x3b0: {  	v4 =	vld.idx.msk [tilespmem:v59+s3+$0x0], $0xffff;
	_ =	sdelay $0x1  }
0x3b1: {  	v5 =	vld.idx.msk [tilespmem:v60+s3+$0x0], $0xffff;
	_ =	sdelay $0x1  }
0x3b2: {  	v6 =	vld.idx.msk [tilespmem:v61+s3+$0x0], $0xffff  }
0x3b3: {  	v3 =	vadd.f32 v4, v3  }
0x3b4: {  	v4 =	vld.idx.msk [tilespmem:v62+s3+$0x0], $0xffff  }
0x3b5: {  	v3 =	vadd.f32 v5, v3  }
0x3b6: {  	v5 =	vld.idx.msk [tilespmem:v63+s3+$0x0], $0xffff  }
0x3b7: {  	v3 =	vadd.f32 v6, v3  }
0x3b8: {  	v6 =	vld.idx.msk [tilespmem:v11+s3+$0x0], $0xffff  }
0x3b9: {  	v10 =	vld [tilespmem:$0x1FFF0];
	v3 =	vadd.f32 v4, v3;
	_ =	sdelay $0x1  }
0x3ba: {  	v3 =	vadd.f32 v5, v3;
	v5 =	vld [tilespmem:$0x1FF60];
	_ =	sdelay $0x1  }
0x3bb: {  	v3 =	vadd.f32 v6, v3;
	v6 =	vld [tilespmem:$0x1FF70];
	_ =	sdelay $0x3  }
0x3bc: {  	v4 =	vld.idx.msk [tilespmem:v10+s3+$0x0], $0xffff;
	_ =	sdelay $0x1  }
0x3bd: {  	v5 =	vld.idx.msk [tilespmem:v5+s3+$0x0], $0xffff;
	_ =	sdelay $0x1  }
0x3be: {  	v6 =	vld.idx.msk [tilespmem:v6+s3+$0x0], $0xffff  }
0x3bf: {  	v3 =	vadd.f32 v4, v3;
	v4 =	vld [tilespmem:$0x1FF80];
	_ =	sdelay $0x1  }
0x3c0: {  	v3 =	vadd.f32 v5, v3;
	v5 =	vld [tilespmem:$0x1FF90];
	_ =	sdelay $0x1  }
0x3c1: {  	v3 =	vadd.f32 v6, v3;
	v6 =	vld [tilespmem:$0x1FFA0];
	_ =	sdelay $0x3  }
0x3c2: {  	v4 =	vld.idx.msk [tilespmem:v4+s3+$0x0], $0xffff;
	_ =	sdelay $0x1  }
0x3c3: {  	v5 =	vld.idx.msk [tilespmem:v5+s3+$0x0], $0xffff;
	_ =	sdelay $0x1  }
0x3c4: {  	v6 =	vld.idx.msk [tilespmem:v6+s3+$0x0], $0xffff  }
0x3c5: {  	v3 =	vadd.f32 v4, v3;
	v4 =	vld [tilespmem:$0x1FFB0];
	_ =	sdelay $0x1  }
0x3c6: {  	v3 =	vadd.f32 v5, v3;
	v5 =	vld [tilespmem:$0x1FFC0];
	_ =	sdelay $0x1  }
0x3c7: {  	v3 =	vadd.f32 v6, v3;
	v6 =	vld [tilespmem:$0x1FFD0];
	_ =	sdelay $0x3  }
0x3c8: {  	v4 =	vld.idx.msk [tilespmem:v4+s3+$0x0], $0xffff;
	_ =	sdelay $0x1  }
0x3c9: {  	v5 =	vld.idx.msk [tilespmem:v5+s3+$0x0], $0xffff;
	_ =	sdelay $0x1  }
0x3ca: {  	v6 =	vld.idx.msk [tilespmem:v6+s3+$0x0], $0xffff  }
0x3cb: {  	v3 =	vadd.f32 v4, v3;
	_ =	sdelay $0x1  }
0x3cc: {  	v4 =	vor.u32 $0x400, v0;
	v3 =	vadd.f32 v5, v3  }
0x3cd: {  	v5 =	vor.u32 $0x401, v0  }
0x3ce: {  	v3 =	vadd.f32 v6, v3  }
0x3cf: {  	v6 =	vor.u32 $0x402, v0  }
0x3d0: {  	[tilespmem:v2+s15+$0x30 ss:$0x1] =	vst.idx.msk $0xffff, v3  }
0x3d1: {  	v3 =	vld.idx.msk [tilespmem:v4+s3+$0x0], $0xffff;
	v4 =	vor.u32 $0x403, v0  }
0x3d2: {  	v5 =	vld.idx.msk [tilespmem:v5+s3+$0x0], $0xffff  }
0x3d3: {  	v7 =	vor.u32 $0x404, v0  }
0x3d4: {  	v6 =	vld.idx.msk [tilespmem:v6+s3+$0x0], $0xffff  }
0x3d5: {  	v8 =	vor.u32 $0x405, v0  }
0x3d6: {  	v4 =	vld.idx.msk [tilespmem:v4+s3+$0x0], $0xffff  }
0x3d7: {  	v3 =	vadd.f32 v5, v3;
	v5 =	vor.u32 $0x406, v0  }
0x3d8: {  	v7 =	vld.idx.msk [tilespmem:v7+s3+$0x0], $0xffff  }
0x3d9: {  	v3 =	vadd.f32 v6, v3;
	v6 =	vor.u32 $0x407, v0  }
0x3da: {  	v8 =	vld.idx.msk [tilespmem:v8+s3+$0x0], $0xffff  }
0x3db: {  	v3 =	vadd.f32 v4, v3;
	v4 =	vor.u32 $0x408, v0  }
0x3dc: {  	v5 =	vld.idx.msk [tilespmem:v5+s3+$0x0], $0xffff  }
0x3dd: {  	v3 =	vadd.f32 v7, v3;
	v7 =	vor.u32 $0x409, v0  }
0x3de: {  	v6 =	vld.idx.msk [tilespmem:v6+s3+$0x0], $0xffff  }
0x3df: {  	v3 =	vadd.f32 v8, v3;
	v8 =	vor.u32 $0x40A, v0  }
0x3e0: {  	v4 =	vld.idx.msk [tilespmem:v4+s3+$0x0], $0xffff  }
0x3e1: {  	v3 =	vadd.f32 v5, v3;
	v5 =	vor.u32 $0x40B, v0  }
0x3e2: {  	v7 =	vld.idx.msk [tilespmem:v7+s3+$0x0], $0xffff  }
0x3e3: {  	v3 =	vadd.f32 v6, v3;
	v6 =	vor.u32 $0x40C, v0  }
0x3e4: {  	v8 =	vld.idx.msk [tilespmem:v8+s3+$0x0], $0xffff  }
0x3e5: {  	v3 =	vadd.f32 v4, v3;
	v4 =	vor.u32 $0x40D, v0  }
0x3e6: {  	v5 =	vld.idx.msk [tilespmem:v5+s3+$0x0], $0xffff  }
0x3e7: {  	v3 =	vadd.f32 v7, v3;
	v7 =	vor.u32 $0x40E, v0  }
0x3e8: {  	v6 =	vld.idx.msk [tilespmem:v6+s3+$0x0], $0xffff  }
0x3e9: {  	v3 =	vadd.f32 v8, v3;
	v8 =	vor.u32 $0x40F, v0  }
0x3ea: {  	v4 =	vld.idx.msk [tilespmem:v4+s3+$0x0], $0xffff  }
0x3eb: {  	v3 =	vadd.f32 v5, v3  }
0x3ec: {  	v5 =	vld.idx.msk [tilespmem:v7+s3+$0x0], $0xffff  }
0x3ed: {  	v3 =	vadd.f32 v6, v3  }
0x3ee: {  	v6 =	vld.idx.msk [tilespmem:v8+s3+$0x0], $0xffff  }
0x3ef: {  	v3 =	vadd.f32 v4, v3  }
0x3f0: {  	p0 =	sne.s32 s20, $0x7  }
.Ltmp0:
0x3f1: {  	v3 =	vadd.f32 v5, v3;
	(pc) =	sbr.rel @p0 .LBB2_3-.Ltmp0, $3  }
0x3f2: {  	_ = 	snop  }
0x3f3: {  	v3 =	vadd.f32 v6, v3;
	_ =	sdelay $0x1  }
0x3f4: {  	s20 =	sadd.s32 $0x1, s20;
	[tilespmem:v2+s15+$0x40 ss:$0x1] =	vst.idx.msk $0xffff, v3  }
0x3f5: {  	s19 =	sadd.s32 $0x1, s19  }
0x3f6: {  	p0 =	sne.s32 s19, $0x10  }
.Ltmp1:
0x3f7: {  	_ = 	snop;
	(pc) =	sbr.rel @p0 .LBB2_2-.Ltmp1, $1  }
0x3f8: {  	_ =	sdelay $0x3  }
0x3f9: {  	s18 =	sadd.s32 $0x1, s18  }
0x3fa: {  	p0 =	sne.s32 s18, s12  }
.Ltmp2:
0x3fb: {  	s15 =	simm.s32 $0x12480;
	(pc) =	sbr.rel @p0 .LBB2_1-.Ltmp2, $4  }
0x3fc: {  	[hbm4b:s11+s2] =	stream.linear.scatter [tilespmem:s15], [sflag:$0x2], $0x2800, $0x38;
	[tilespmem:$0x15180] =	vst v63  }
0x3fd: {  	_ =	swait.ge [sflag:s13], $0x2800  }
0x3fe: {  	[sflag:s13] =	ssyncset.done $0x0  }
0x3ff: {  	[sflag:s13] =	ssyncadd.s32 $0xFFFFD800  }
0x400: {  	_ =	sfence.sel $0x180000  }
0x401: {  	[bflag:$0x0] =	sbarrier.arrive $0xFFFF  }
0x402: {  	_ =	strace $0x90000047  }
0x403: {  	s0 =	stileid.u32;
	[bflag:$0x2] =	sbarrier.arrive $0xFFFF  }
0x404: {  	p0 =	sne.s32 s0, $0x0;
	s0 =	rddreg [dreg:$0x3]  }
0x405: {  	s0 =	sadd.s32 @!p0 $0x100000, s0  }
0x406: {  	[sflag:s0] =	ssyncadd.tile.s32 @!p0 $0x1;
	_ =	shalt  }
.Lfunc_end2:
_tile_overlayer_lowered:
.L_overlay_start_2:
0x407: {  	(tag) =	ssettag $0x2  }
0x408: {  	s0 =	rddreg [dreg:$0x0];
	s2 =	stileid.u32  }
0x409: {  	s1 =	rddreg [dreg:$0x1];
	p0 =	sne.s32 s2, $0x0  }
0x40a: {  	s3 =	rddreg [dreg:$0x2];
	[bflag:$0x3] =	sbarrier.arrive $0xFFFF;
	s2 =	simm.s32 @!p0 $0x1C02  }
0x40b: {  	[timem:s3], [sflag:s2] =	dma.local @!p0 [hbm:s0], s1  }
0x40c: {  	s0 =	simm.s32 @!p0 $0x2  }
0x40d: {  	_ =	swait.ge @!p0 [sflag:s0], s1  }
0x40e: {  	s1 =	ssub.s32 @!p0 $0x0, s1;
	[sflag:s0] =	ssyncset.done @!p0 $0x0  }
0x40f: {  	[sflag:s0] =	ssyncadd.s32 @!p0 s1  }
0x410: {  	[bflag:$0x3] =	sbarrier.arrive $0xFFFF  }
0x411: {  	_ =	shalt  }

</sc_bundles>
